<compile_context>
chip_gen: v7x
topology: tpu7x:2x2x1
jax: 0.10.2.dev20260603
libtpu: 0.0.44.dev20260713+nightly
codegen_flags: <defaults>
</compile_context>

<pallas_src>
import functools

import jax
import jax.numpy as jnp
from jax import lax
from jax.experimental import pallas as pl
from jax.experimental.pallas import tpu as pltpu
from jax.experimental.pallas import tpu_sc as plsc

VOCAB = 100000
EMB = 300
B = 1024
L = 200
HID = 256
TGT = 20

NCHUNK = 5
CHUNK = L // NCHUNK
NW = 32
ROWS_PER_W = B // NW
IDX_ROWS = ROWS_PER_W * NCHUNK
W2COLS = EMB - 256

_FULL_CHUNKS = tuple((16 * k, k) for k in range(8))
_TAIL_CHUNKS = ((0, 0), (16, 1), (28, 2))


def _make_pool(chunks, nacc, ncols):

    def accumulate(buf, accs):
        def abody(r, accs):
            sums, maxs = accs
            sums, maxs = list(sums), list(maxs)
            for off, ai in chunks:
                v = buf[r, pl.ds(off, 16)]
                sums[ai] = sums[ai] + v
                maxs[ai] = jnp.maximum(maxs[ai], v)
            return (tuple(sums), tuple(maxs))

        return lax.fori_loop(0, CHUNK, abody, accs, unroll=2)

    def body(x2_hbm, t_hbm, out_hbm, idx_v, b0, b1, b2, b3, b4, stage,
             s0, s1, s2, s3, s4):
        bufs = (b0, b1, b2, b3, b4)
        sems = (s0, s1, s2, s3, s4)
        cid = lax.axis_index("c")
        sid = lax.axis_index("s")
        w = sid * 2 + cid

        def src(row):
            return t_hbm.at[idx_v.at[row]]

        pltpu.sync_copy(x2_hbm.at[pl.ds(w * IDX_ROWS, IDX_ROWS)], idx_v)
        for j in range(NCHUNK):
            pltpu.async_copy(src(j), bufs[j], sems[j])

        inv_l = jnp.float32(1.0 / L)

        def row_body(b, carry):
            accs = (
                tuple(jnp.zeros((16,), jnp.float32) for _ in range(nacc)),
                tuple(jnp.full((16,), -jnp.inf, jnp.float32)
                      for _ in range(nacc)),
            )
            for j in range(NCHUNK):
                pltpu.make_async_copy(src(b * NCHUNK + j), bufs[j],
                                      sems[j]).wait()
                accs = accumulate(bufs[j], accs)
                nxt = jnp.minimum(b + 1, ROWS_PER_W - 1) * NCHUNK + j
                pltpu.async_copy(src(nxt), bufs[j], sems[j])

            sums, maxs = accs
            if ncols == 128:
                for i in range(8):
                    stage[pl.ds(16 * i, 16)] = sums[i] * inv_l
                    stage[pl.ds(128 + 16 * i, 16)] = maxs[i]
            else:
                stage[pl.ds(W2COLS - 16, 16)] = sums[2] * inv_l
                stage[pl.ds(2 * W2COLS - 16, 16)] = maxs[2]
                for i in range(2):
                    stage[pl.ds(16 * i, 16)] = sums[i] * inv_l
                    stage[pl.ds(W2COLS + 16 * i, 16)] = maxs[i]
            pltpu.sync_copy(stage, out_hbm.at[w * ROWS_PER_W + b])
            return carry

        lax.fori_loop(0, ROWS_PER_W, row_body, None)

        for j in range(NCHUNK):
            pltpu.make_async_copy(src((ROWS_PER_W - 1) * NCHUNK + j),
                                  bufs[j], sems[j]).wait()

    return functools.partial(
        pl.kernel,
        out_type=jax.ShapeDtypeStruct((B, 2 * ncols), jnp.float32),
        mesh=plsc.VectorSubcoreMesh(core_axis_name="c", subcore_axis_name="s"),
        compiler_params=pltpu.CompilerParams(use_tc_tiling_on_sc=False),
        scratch_types=(
            [pltpu.VMEM((IDX_ROWS, CHUNK), jnp.int32)]
            + [pltpu.VMEM((CHUNK, 128), jnp.float32) for _ in range(NCHUNK)]
            + [pltpu.VMEM((2 * ncols,), jnp.float32)]
            + [pltpu.SemaphoreType.DMA for _ in range(NCHUNK)]
        ),
    )(body)


_pool_full = _make_pool(_FULL_CHUNKS, 8, 128)
_pool_tail = _make_pool(_TAIL_CHUNKS, 3, W2COLS)


def _mlp_body(h0_ref, h1_ref, h2_ref, g1_ref, b1_ref, w1t_ref, bias1_ref,
              g2_ref, b2_ref, w2t_ref, bias2_ref, out_ref, hid_ref):
    h0 = h0_ref[...]
    h1v = h1_ref[...]
    h2v = h2_ref[...]
    h = jnp.concatenate(
        [h0[:, :128], h1v[:, :128], h2v[:, :W2COLS],
         h0[:, 128:], h1v[:, 128:], h2v[:, W2COLS:]], axis=1)
    mu = jnp.mean(h, axis=0, keepdims=True)
    d = h - mu
    var = jnp.mean(d * d, axis=0, keepdims=True)
    hn = d * lax.rsqrt(var + 1e-5) * g1_ref[...] + b1_ref[...]
    h1 = jnp.dot(hn, w1t_ref[...], preferred_element_type=jnp.float32,
                 precision=lax.Precision.HIGHEST) + bias1_ref[...]
    hid_ref[...] = h1
    mu2 = jnp.mean(h1, axis=0, keepdims=True)
    d2 = h1 - mu2
    var2 = jnp.mean(d2 * d2, axis=0, keepdims=True)
    h2 = d2 * lax.rsqrt(var2 + 1e-5) * g2_ref[...] + b2_ref[...]
    out_ref[...] = jnp.dot(h2, w2t_ref[...], preferred_element_type=jnp.float32,
                           precision=lax.Precision.HIGHEST) + bias2_ref[...]


_mlp = pl.pallas_call(
    _mlp_body,
    out_shape=(
        jax.ShapeDtypeStruct((B, TGT), jnp.float32),
        jax.ShapeDtypeStruct((B, HID), jnp.float32),
    ),
)


def kernel(x, emb, g1, b1, W1, bias1, g2, b2, W2, bias2):
    x2 = x.reshape(B * NCHUNK, CHUNK)
    t0 = emb[:, 0:128]
    t1 = emb[:, 128:256]
    t2 = jnp.pad(emb[:, 256:EMB], ((0, 0), (0, 128 - W2COLS)))
    h0 = _pool_full(x2, t0)
    h1 = _pool_full(x2, t1)
    h2 = _pool_tail(x2, t2)
    out, hid = _mlp(h0, h1, h2, g1.reshape(1, -1), b1.reshape(1, -1), W1.T,
                    bias1.reshape(1, -1), g2.reshape(1, -1),
                    b2.reshape(1, -1), W2.T, bias2.reshape(1, -1))
    return (out, hid)

# --- scband reference (transcript-rebuilt; emitter-appended) ---
"""Pipeline reference for scband-dan-model-17712445128873 (READ-ONLY COPY).

The authoritative reference and input builder live on the scoring server;
editing this copy changes nothing except your own understanding.
"""

import jax, jax.numpy as jnp
import numpy as np

VOCAB = 100000
EMB = 300
B = 1024
L = 200
HID = 256
TGT = 20

def setup_inputs(seed: int = 0) -> dict:
    key = jax.random.key(seed)
    ks = jax.random.split(key, 10)
    x = jax.random.randint(ks[0], (B, L), 0, VOCAB, dtype=jnp.int64 if jax.config.jax_enable_x64 else jnp.int32).astype(jnp.int32)
    emb = jax.random.normal(ks[1], (VOCAB, EMB), dtype=jnp.float32)
    g1 = jnp.ones((600,), dtype=jnp.float32)
    b1 = jnp.zeros((600,), dtype=jnp.float32)
    W1 = jax.random.normal(ks[2], (HID, 600), dtype=jnp.float32) * (1.0 / np.sqrt(600))
    bias1 = jnp.zeros((HID,), dtype=jnp.float32)
    g2 = jnp.ones((HID,), dtype=jnp.float32)
    b2 = jnp.zeros((HID,), dtype=jnp.float32)
    W2 = jax.random.normal(ks[3], (TGT, HID), dtype=jnp.float32) * (1.0 / np.sqrt(HID))
    bias2 = jnp.zeros((TGT,), dtype=jnp.float32)
    return {"x": x, "emb": emb, "g1": g1, "b1": b1, "W1": W1, "bias1": bias1, "g2": g2, "b2": b2, "W2": W2, "bias2": bias2}

def _batchnorm(h, gamma, beta, eps=1e-5):
    mu = h.mean(axis=0)
    var = h.var(axis=0)
    return (h - mu) / jnp.sqrt(var + eps) * gamma + beta

def reference(x, emb, g1, b1, W1, bias1, g2, b2, W2, bias2):
    e = jnp.take(emb, x, axis=0)            # [B, L, EMB] embedding gather
    x_max = e.max(axis=1)                    # [B, EMB]
    x_mean = e.mean(axis=1)                  # [B, EMB]
    h = jnp.concatenate((x_mean, x_max), axis=1)  # [B, 600]
    # dropout1 omitted (eval / deterministic); bn1 uses batch statistics
    h = _batchnorm(h, g1, b1)
    h = h @ W1.T + bias1                     # [B, 256]
    hidden_state = h
    # dropout2 omitted; bn2 batch statistics
    h2 = _batchnorm(h, g2, b2)
    out = h2 @ W2.T + bias2                  # [B, TGT]
    return (out, hidden_state)

if __name__ == "__main__":
    import jax
    _d = setup_inputs()
    print(jax.jit(kernel)(*tuple(_d.values())))

</pallas_src>

<mosaic_0001>
#map = affine_map<(d0, d1) -> (0, 0)>
module attributes {stable_mosaic.version = 14 : i64} {
  func.func @body(%arg0: i32, %arg1: i32, %arg2: memref<5120x40xi32, #tpu.memory_space<hbm>>, %arg3: memref<100000x128xf32, #tpu.memory_space<hbm>>, %arg4: memref<1024x256xf32, #tpu.memory_space<hbm>>, %arg5: memref<160x40xi32, #tpu.memory_space<vmem>>, %arg6: memref<40x128xf32, #tpu.memory_space<vmem>>, %arg7: memref<40x128xf32, #tpu.memory_space<vmem>>, %arg8: memref<40x128xf32, #tpu.memory_space<vmem>>, %arg9: memref<40x128xf32, #tpu.memory_space<vmem>>, %arg10: memref<40x128xf32, #tpu.memory_space<vmem>>, %arg11: memref<256xf32, #tpu.memory_space<vmem>>, %arg12: memref<!tpu.dma_semaphore, #tpu.memory_space<semaphore_mem>>, %arg13: memref<!tpu.dma_semaphore, #tpu.memory_space<semaphore_mem>>, %arg14: memref<!tpu.dma_semaphore, #tpu.memory_space<semaphore_mem>>, %arg15: memref<!tpu.dma_semaphore, #tpu.memory_space<semaphore_mem>>, %arg16: memref<!tpu.dma_semaphore, #tpu.memory_space<semaphore_mem>>) attributes {dimension_semantics = [#tpu.dimension_semantics<core_parallel>, #tpu.dimension_semantics<subcore_parallel>], iteration_bounds = array<i64: 2, 16>, scalar_prefetch = 0 : i64, scratch_operands = 12 : i64, tpu.core_type = #tpu.core_type<sc_vector_subcore>, window_params = [{transform_indices = #map}, {transform_indices = #map}, {transform_indices = #map}]} {
    %mul3A = arith.constant 2 : i32
    %mul3A_0 = arith.muli %arg1, %mul3A : i32
    %add3A = arith.addi %mul3A_0, %arg0 : i32
    %mul3A_1 = arith.constant 160 : i32
    %mul3A_2 = arith.muli %add3A, %mul3A_1 : i32
    "tpu.region"() ({
      %run_scoped3A = tpu.sem_alloc : memref<!tpu.dma_semaphore, #tpu.memory_space<semaphore_mem>>
      %dma_start3A_76 = arith.constant 0 : i32
      %dma_start3A_77 = tpu.memref_slice %arg2[%mul3A_2, %dma_start3A_76] : memref<5120x40xi32, #tpu.memory_space<hbm>> -> memref<160x40xi32, #tpu.memory_space<hbm>>
      %dma_start3A_78 = arith.constant 0 : i32
      %dma_start3A_79 = tpu.memref_slice %arg2[%mul3A_2, %dma_start3A_78] : memref<5120x40xi32, #tpu.memory_space<hbm>> -> memref<160x40xi32, #tpu.memory_space<hbm>>
      tpu.enqueue_dma source(%dma_start3A_79 : memref<160x40xi32, #tpu.memory_space<hbm>>) target(%arg5 : memref<160x40xi32, #tpu.memory_space<vmem>>) target_semaphore(%run_scoped3A : memref<!tpu.dma_semaphore, #tpu.memory_space<semaphore_mem>>)
      %dma_wait3A_80 = arith.constant 0 : i32
      %dma_wait3A_81 = tpu.memref_slice %arg2[%mul3A_2, %dma_wait3A_80] : memref<5120x40xi32, #tpu.memory_space<hbm>> -> memref<160x40xi32, #tpu.memory_space<hbm>>
      %dma_wait3A_82 = arith.constant 0 : i32
      %dma_wait3A_83 = tpu.memref_slice %arg2[%mul3A_2, %dma_wait3A_82] : memref<5120x40xi32, #tpu.memory_space<hbm>> -> memref<160x40xi32, #tpu.memory_space<hbm>>
      tpu.wait_dma2 semaphore(%run_scoped3A : memref<!tpu.dma_semaphore, #tpu.memory_space<semaphore_mem>>) src(%dma_wait3A_83 : memref<160x40xi32, #tpu.memory_space<hbm>>) dst(%arg5 : memref<160x40xi32, #tpu.memory_space<vmem>>)
      tpu.yield
    }) : () -> ()
    %dma_start3A = arith.constant 0 : i32
    %dma_start3A_3 = arith.constant 0 : i32
    %dma_start3A_4 = tpu.memref_slice %arg5[%dma_start3A, %dma_start3A_3] : memref<160x40xi32, #tpu.memory_space<vmem>> -> memref<1x40xi32, #tpu.memory_space<vmem>>
    %dma_start3A_5 = tpu.memref_squeeze %dma_start3A_4 : memref<1x40xi32, #tpu.memory_space<vmem>> -> memref<40xi32, #tpu.memory_space<vmem>>
    %dma_start3A_6 = arith.constant 0 : i32
    %dma_start3A_7 = arith.constant 0 : i32
    %dma_start3A_8 = tpu.memref_slice %arg3[%dma_start3A_6, %dma_start3A_7] : memref<100000x128xf32, #tpu.memory_space<hbm>> -> memref<100000x128xf32, #tpu.memory_space<hbm>>
    tpu.enqueue_indirect_dma source(%dma_start3A_8 : memref<100000x128xf32, #tpu.memory_space<hbm>>) target(%arg6 : memref<40x128xf32, #tpu.memory_space<vmem>>) offsets(%dma_start3A_5 : memref<40xi32, #tpu.memory_space<vmem>>) semaphore(%arg12 : memref<!tpu.dma_semaphore, #tpu.memory_space<semaphore_mem>>)
    %dma_start3A_9 = arith.constant 1 : i32
    %dma_start3A_10 = arith.constant 0 : i32
    %dma_start3A_11 = tpu.memref_slice %arg5[%dma_start3A_9, %dma_start3A_10] : memref<160x40xi32, #tpu.memory_space<vmem>> -> memref<1x40xi32, #tpu.memory_space<vmem>>
    %dma_start3A_12 = tpu.memref_squeeze %dma_start3A_11 : memref<1x40xi32, #tpu.memory_space<vmem>> -> memref<40xi32, #tpu.memory_space<vmem>>
    %dma_start3A_13 = arith.constant 0 : i32
    %dma_start3A_14 = arith.constant 0 : i32
    %dma_start3A_15 = tpu.memref_slice %arg3[%dma_start3A_13, %dma_start3A_14] : memref<100000x128xf32, #tpu.memory_space<hbm>> -> memref<100000x128xf32, #tpu.memory_space<hbm>>
    tpu.enqueue_indirect_dma source(%dma_start3A_15 : memref<100000x128xf32, #tpu.memory_space<hbm>>) target(%arg7 : memref<40x128xf32, #tpu.memory_space<vmem>>) offsets(%dma_start3A_12 : memref<40xi32, #tpu.memory_space<vmem>>) semaphore(%arg13 : memref<!tpu.dma_semaphore, #tpu.memory_space<semaphore_mem>>)
    %dma_start3A_16 = arith.constant 2 : i32
    %dma_start3A_17 = arith.constant 0 : i32
    %dma_start3A_18 = tpu.memref_slice %arg5[%dma_start3A_16, %dma_start3A_17] : memref<160x40xi32, #tpu.memory_space<vmem>> -> memref<1x40xi32, #tpu.memory_space<vmem>>
    %dma_start3A_19 = tpu.memref_squeeze %dma_start3A_18 : memref<1x40xi32, #tpu.memory_space<vmem>> -> memref<40xi32, #tpu.memory_space<vmem>>
    %dma_start3A_20 = arith.constant 0 : i32
    %dma_start3A_21 = arith.constant 0 : i32
    %dma_start3A_22 = tpu.memref_slice %arg3[%dma_start3A_20, %dma_start3A_21] : memref<100000x128xf32, #tpu.memory_space<hbm>> -> memref<100000x128xf32, #tpu.memory_space<hbm>>
    tpu.enqueue_indirect_dma source(%dma_start3A_22 : memref<100000x128xf32, #tpu.memory_space<hbm>>) target(%arg8 : memref<40x128xf32, #tpu.memory_space<vmem>>) offsets(%dma_start3A_19 : memref<40xi32, #tpu.memory_space<vmem>>) semaphore(%arg14 : memref<!tpu.dma_semaphore, #tpu.memory_space<semaphore_mem>>)
    %dma_start3A_23 = arith.constant 3 : i32
    %dma_start3A_24 = arith.constant 0 : i32
    %dma_start3A_25 = tpu.memref_slice %arg5[%dma_start3A_23, %dma_start3A_24] : memref<160x40xi32, #tpu.memory_space<vmem>> -> memref<1x40xi32, #tpu.memory_space<vmem>>
    %dma_start3A_26 = tpu.memref_squeeze %dma_start3A_25 : memref<1x40xi32, #tpu.memory_space<vmem>> -> memref<40xi32, #tpu.memory_space<vmem>>
    %dma_start3A_27 = arith.constant 0 : i32
    %dma_start3A_28 = arith.constant 0 : i32
    %dma_start3A_29 = tpu.memref_slice %arg3[%dma_start3A_27, %dma_start3A_28] : memref<100000x128xf32, #tpu.memory_space<hbm>> -> memref<100000x128xf32, #tpu.memory_space<hbm>>
    tpu.enqueue_indirect_dma source(%dma_start3A_29 : memref<100000x128xf32, #tpu.memory_space<hbm>>) target(%arg9 : memref<40x128xf32, #tpu.memory_space<vmem>>) offsets(%dma_start3A_26 : memref<40xi32, #tpu.memory_space<vmem>>) semaphore(%arg15 : memref<!tpu.dma_semaphore, #tpu.memory_space<semaphore_mem>>)
    %dma_start3A_30 = arith.constant 4 : i32
    %dma_start3A_31 = arith.constant 0 : i32
    %dma_start3A_32 = tpu.memref_slice %arg5[%dma_start3A_30, %dma_start3A_31] : memref<160x40xi32, #tpu.memory_space<vmem>> -> memref<1x40xi32, #tpu.memory_space<vmem>>
    %dma_start3A_33 = tpu.memref_squeeze %dma_start3A_32 : memref<1x40xi32, #tpu.memory_space<vmem>> -> memref<40xi32, #tpu.memory_space<vmem>>
    %dma_start3A_34 = arith.constant 0 : i32
    %dma_start3A_35 = arith.constant 0 : i32
    %dma_start3A_36 = tpu.memref_slice %arg3[%dma_start3A_34, %dma_start3A_35] : memref<100000x128xf32, #tpu.memory_space<hbm>> -> memref<100000x128xf32, #tpu.memory_space<hbm>>
    tpu.enqueue_indirect_dma source(%dma_start3A_36 : memref<100000x128xf32, #tpu.memory_space<hbm>>) target(%arg10 : memref<40x128xf32, #tpu.memory_space<vmem>>) offsets(%dma_start3A_33 : memref<40xi32, #tpu.memory_space<vmem>>) semaphore(%arg16 : memref<!tpu.dma_semaphore, #tpu.memory_space<semaphore_mem>>)
    %scan3A = arith.constant 5.000000e-03 : f32
    %scan3A_37 = arith.constant 0 : i32
    %scan3A_38 = arith.constant 32 : i32
    %scan3A_39 = arith.addi %scan3A_37, %scan3A_38 : i32
    %scan3A_40 = arith.constant 1 : i32
    scf.for %scan3A_76 = %scan3A_37 to %scan3A_39 step %scan3A_40  : i32 {
      %broadcast_in_dim3A = arith.constant 0.000000e+00 : f32
      %broadcast_in_dim3A_77 = vector.broadcast %broadcast_in_dim3A : f32 to vector<16xf32>
      %broadcast_in_dim3A_78 = arith.constant 0.000000e+00 : f32
      %broadcast_in_dim3A_79 = vector.broadcast %broadcast_in_dim3A_78 : f32 to vector<16xf32>
      %broadcast_in_dim3A_80 = arith.constant 0.000000e+00 : f32
      %broadcast_in_dim3A_81 = vector.broadcast %broadcast_in_dim3A_80 : f32 to vector<16xf32>
      %broadcast_in_dim3A_82 = arith.constant 0.000000e+00 : f32
      %broadcast_in_dim3A_83 = vector.broadcast %broadcast_in_dim3A_82 : f32 to vector<16xf32>
      %broadcast_in_dim3A_84 = arith.constant 0.000000e+00 : f32
      %broadcast_in_dim3A_85 = vector.broadcast %broadcast_in_dim3A_84 : f32 to vector<16xf32>
      %broadcast_in_dim3A_86 = arith.constant 0.000000e+00 : f32
      %broadcast_in_dim3A_87 = vector.broadcast %broadcast_in_dim3A_86 : f32 to vector<16xf32>
      %broadcast_in_dim3A_88 = arith.constant 0.000000e+00 : f32
      %broadcast_in_dim3A_89 = vector.broadcast %broadcast_in_dim3A_88 : f32 to vector<16xf32>
      %broadcast_in_dim3A_90 = arith.constant 0.000000e+00 : f32
      %broadcast_in_dim3A_91 = vector.broadcast %broadcast_in_dim3A_90 : f32 to vector<16xf32>
      %broadcast_in_dim3A_92 = arith.constant 0xFF800000 : f32
      %broadcast_in_dim3A_93 = vector.broadcast %broadcast_in_dim3A_92 : f32 to vector<16xf32>
      %broadcast_in_dim3A_94 = arith.constant 0xFF800000 : f32
      %broadcast_in_dim3A_95 = vector.broadcast %broadcast_in_dim3A_94 : f32 to vector<16xf32>
      %broadcast_in_dim3A_96 = arith.constant 0xFF800000 : f32
      %broadcast_in_dim3A_97 = vector.broadcast %broadcast_in_dim3A_96 : f32 to vector<16xf32>
      %broadcast_in_dim3A_98 = arith.constant 0xFF800000 : f32
      %broadcast_in_dim3A_99 = vector.broadcast %broadcast_in_dim3A_98 : f32 to vector<16xf32>
      %broadcast_in_dim3A_100 = arith.constant 0xFF800000 : f32
      %broadcast_in_dim3A_101 = vector.broadcast %broadcast_in_dim3A_100 : f32 to vector<16xf32>
      %broadcast_in_dim3A_102 = arith.constant 0xFF800000 : f32
      %broadcast_in_dim3A_103 = vector.broadcast %broadcast_in_dim3A_102 : f32 to vector<16xf32>
      %broadcast_in_dim3A_104 = arith.constant 0xFF800000 : f32
      %broadcast_in_dim3A_105 = vector.broadcast %broadcast_in_dim3A_104 : f32 to vector<16xf32>
      %broadcast_in_dim3A_106 = arith.constant 0xFF800000 : f32
      %broadcast_in_dim3A_107 = vector.broadcast %broadcast_in_dim3A_106 : f32 to vector<16xf32>
      %mul3A_108 = arith.constant 5 : i32
      %mul3A_109 = arith.muli %scan3A_76, %mul3A_108 : i32
      %add3A_110 = arith.constant 0 : i32
      %add3A_111 = arith.addi %mul3A_109, %add3A_110 : i32
      %dma_wait3A_112 = arith.constant 0 : i32
      %dma_wait3A_113 = tpu.memref_slice %arg5[%add3A_111, %dma_wait3A_112] : memref<160x40xi32, #tpu.memory_space<vmem>> -> memref<1x40xi32, #tpu.memory_space<vmem>>
      %dma_wait3A_114 = tpu.memref_squeeze %dma_wait3A_113 : memref<1x40xi32, #tpu.memory_space<vmem>> -> memref<40xi32, #tpu.memory_space<vmem>>
      %dma_wait3A_115 = arith.constant 0 : i32
      %dma_wait3A_116 = arith.constant 0 : i32
      %dma_wait3A_117 = tpu.memref_slice %arg3[%dma_wait3A_115, %dma_wait3A_116] : memref<100000x128xf32, #tpu.memory_space<hbm>> -> memref<100000x128xf32, #tpu.memory_space<hbm>>
      tpu.wait_indirect_dma semaphore(%arg12 : memref<!tpu.dma_semaphore, #tpu.memory_space<semaphore_mem>>) src(%dma_wait3A_117 : memref<100000x128xf32, #tpu.memory_space<hbm>>) dst(%arg6 : memref<40x128xf32, #tpu.memory_space<vmem>>)
      %scan3A_118 = arith.constant 0 : i32
      %scan3A_119 = arith.constant 40 : i32
      %scan3A_120 = arith.addi %scan3A_118, %scan3A_119 : i32
      %scan3A_121 = arith.constant 2 : i32
      %scan3A_122:16 = scf.for %scan3A_339 = %scan3A_118 to %scan3A_120 step %scan3A_121 iter_args(%scan3A_340 = %broadcast_in_dim3A_77, %scan3A_341 = %broadcast_in_dim3A_79, %scan3A_342 = %broadcast_in_dim3A_81, %scan3A_343 = %broadcast_in_dim3A_83, %scan3A_344 = %broadcast_in_dim3A_85, %scan3A_345 = %broadcast_in_dim3A_87, %scan3A_346 = %broadcast_in_dim3A_89, %scan3A_347 = %broadcast_in_dim3A_91, %scan3A_348 = %broadcast_in_dim3A_93, %scan3A_349 = %broadcast_in_dim3A_95, %scan3A_350 = %broadcast_in_dim3A_97, %scan3A_351 = %broadcast_in_dim3A_99, %scan3A_352 = %broadcast_in_dim3A_101, %scan3A_353 = %broadcast_in_dim3A_103, %scan3A_354 = %broadcast_in_dim3A_105, %scan3A_355 = %broadcast_in_dim3A_107) -> (vector<16xf32>, vector<16xf32>, vector<16xf32>, vector<16xf32>, vector<16xf32>, vector<16xf32>, vector<16xf32>, vector<16xf32>, vector<16xf32>, vector<16xf32>, vector<16xf32>, vector<16xf32>, vector<16xf32>, vector<16xf32>, vector<16xf32>, vector<16xf32>)  : i32 {
        %get3A = arith.index_cast %scan3A_339 : i32 to index
        %get3A_356 = arith.constant 0 : index
        %get3A_357 = tpu.vector_load %arg6[%get3A, %get3A_356] {strides = array<i32>} : memref<40x128xf32, #tpu.memory_space<vmem>>, vector<1x16xf32>,
        %get3A_358 = vector.shape_cast %get3A_357 : vector<1x16xf32> to vector<16xf32>
        %add3A_359 = arith.addf %scan3A_340, %get3A_358 : vector<16xf32>
        %max3A = arith.maximumf %scan3A_348, %get3A_358 : vector<16xf32>
        %get3A_360 = arith.index_cast %scan3A_339 : i32 to index
        %get3A_361 = arith.constant 16 : index
        %get3A_362 = tpu.vector_load %arg6[%get3A_360, %get3A_361] {strides = array<i32>} : memref<40x128xf32, #tpu.memory_space<vmem>>, vector<1x16xf32>,
        %get3A_363 = vector.shape_cast %get3A_362 : vector<1x16xf32> to vector<16xf32>
        %add3A_364 = arith.addf %scan3A_341, %get3A_363 : vector<16xf32>
        %max3A_365 = arith.maximumf %scan3A_349, %get3A_363 : vector<16xf32>
        %get3A_366 = arith.index_cast %scan3A_339 : i32 to index
        %get3A_367 = arith.constant 32 : index
        %get3A_368 = tpu.vector_load %arg6[%get3A_366, %get3A_367] {strides = array<i32>} : memref<40x128xf32, #tpu.memory_space<vmem>>, vector<1x16xf32>,
        %get3A_369 = vector.shape_cast %get3A_368 : vector<1x16xf32> to vector<16xf32>
        %add3A_370 = arith.addf %scan3A_342, %get3A_369 : vector<16xf32>
        %max3A_371 = arith.maximumf %scan3A_350, %get3A_369 : vector<16xf32>
        %get3A_372 = arith.index_cast %scan3A_339 : i32 to index
        %get3A_373 = arith.constant 48 : index
        %get3A_374 = tpu.vector_load %arg6[%get3A_372, %get3A_373] {strides = array<i32>} : memref<40x128xf32, #tpu.memory_space<vmem>>, vector<1x16xf32>,
        %get3A_375 = vector.shape_cast %get3A_374 : vector<1x16xf32> to vector<16xf32>
        %add3A_376 = arith.addf %scan3A_343, %get3A_375 : vector<16xf32>
        %max3A_377 = arith.maximumf %scan3A_351, %get3A_375 : vector<16xf32>
        %get3A_378 = arith.index_cast %scan3A_339 : i32 to index
        %get3A_379 = arith.constant 64 : index
        %get3A_380 = tpu.vector_load %arg6[%get3A_378, %get3A_379] {strides = array<i32>} : memref<40x128xf32, #tpu.memory_space<vmem>>, vector<1x16xf32>,
        %get3A_381 = vector.shape_cast %get3A_380 : vector<1x16xf32> to vector<16xf32>
        %add3A_382 = arith.addf %scan3A_344, %get3A_381 : vector<16xf32>
        %max3A_383 = arith.maximumf %scan3A_352, %get3A_381 : vector<16xf32>
        %get3A_384 = arith.index_cast %scan3A_339 : i32 to index
        %get3A_385 = arith.constant 80 : index
        %get3A_386 = tpu.vector_load %arg6[%get3A_384, %get3A_385] {strides = array<i32>} : memref<40x128xf32, #tpu.memory_space<vmem>>, vector<1x16xf32>,
        %get3A_387 = vector.shape_cast %get3A_386 : vector<1x16xf32> to vector<16xf32>
        %add3A_388 = arith.addf %scan3A_345, %get3A_387 : vector<16xf32>
        %max3A_389 = arith.maximumf %scan3A_353, %get3A_387 : vector<16xf32>
        %get3A_390 = arith.index_cast %scan3A_339 : i32 to index
        %get3A_391 = arith.constant 96 : index
        %get3A_392 = tpu.vector_load %arg6[%get3A_390, %get3A_391] {strides = array<i32>} : memref<40x128xf32, #tpu.memory_space<vmem>>, vector<1x16xf32>,
        %get3A_393 = vector.shape_cast %get3A_392 : vector<1x16xf32> to vector<16xf32>
        %add3A_394 = arith.addf %scan3A_346, %get3A_393 : vector<16xf32>
        %max3A_395 = arith.maximumf %scan3A_354, %get3A_393 : vector<16xf32>
        %get3A_396 = arith.index_cast %scan3A_339 : i32 to index
        %get3A_397 = arith.constant 112 : index
        %get3A_398 = tpu.vector_load %arg6[%get3A_396, %get3A_397] {strides = array<i32>} : memref<40x128xf32, #tpu.memory_space<vmem>>, vector<1x16xf32>,
        %get3A_399 = vector.shape_cast %get3A_398 : vector<1x16xf32> to vector<16xf32>
        %add3A_400 = arith.addf %scan3A_347, %get3A_399 : vector<16xf32>
        %max3A_401 = arith.maximumf %scan3A_355, %get3A_399 : vector<16xf32>
        %scan3A_402 = arith.constant 1 : i32
        %scan3A_403 = arith.addi %scan3A_339, %scan3A_402 : i32
        %get3A_404 = arith.index_cast %scan3A_403 : i32 to index
        %get3A_405 = arith.constant 0 : index
        %get3A_406 = tpu.vector_load %arg6[%get3A_404, %get3A_405] {strides = array<i32>} : memref<40x128xf32, #tpu.memory_space<vmem>>, vector<1x16xf32>,
        %get3A_407 = vector.shape_cast %get3A_406 : vector<1x16xf32> to vector<16xf32>
        %add3A_408 = arith.addf %add3A_359, %get3A_407 : vector<16xf32>
        %max3A_409 = arith.maximumf %max3A, %get3A_407 : vector<16xf32>
        %get3A_410 = arith.index_cast %scan3A_403 : i32 to index
        %get3A_411 = arith.constant 16 : index
        %get3A_412 = tpu.vector_load %arg6[%get3A_410, %get3A_411] {strides = array<i32>} : memref<40x128xf32, #tpu.memory_space<vmem>>, vector<1x16xf32>,
        %get3A_413 = vector.shape_cast %get3A_412 : vector<1x16xf32> to vector<16xf32>
        %add3A_414 = arith.addf %add3A_364, %get3A_413 : vector<16xf32>
        %max3A_415 = arith.maximumf %max3A_365, %get3A_413 : vector<16xf32>
        %get3A_416 = arith.index_cast %scan3A_403 : i32 to index
        %get3A_417 = arith.constant 32 : index
        %get3A_418 = tpu.vector_load %arg6[%get3A_416, %get3A_417] {strides = array<i32>} : memref<40x128xf32, #tpu.memory_space<vmem>>, vector<1x16xf32>,
        %get3A_419 = vector.shape_cast %get3A_418 : vector<1x16xf32> to vector<16xf32>
        %add3A_420 = arith.addf %add3A_370, %get3A_419 : vector<16xf32>
        %max3A_421 = arith.maximumf %max3A_371, %get3A_419 : vector<16xf32>
        %get3A_422 = arith.index_cast %scan3A_403 : i32 to index
        %get3A_423 = arith.constant 48 : index
        %get3A_424 = tpu.vector_load %arg6[%get3A_422, %get3A_423] {strides = array<i32>} : memref<40x128xf32, #tpu.memory_space<vmem>>, vector<1x16xf32>,
        %get3A_425 = vector.shape_cast %get3A_424 : vector<1x16xf32> to vector<16xf32>
        %add3A_426 = arith.addf %add3A_376, %get3A_425 : vector<16xf32>
        %max3A_427 = arith.maximumf %max3A_377, %get3A_425 : vector<16xf32>
        %get3A_428 = arith.index_cast %scan3A_403 : i32 to index
        %get3A_429 = arith.constant 64 : index
        %get3A_430 = tpu.vector_load %arg6[%get3A_428, %get3A_429] {strides = array<i32>} : memref<40x128xf32, #tpu.memory_space<vmem>>, vector<1x16xf32>,
        %get3A_431 = vector.shape_cast %get3A_430 : vector<1x16xf32> to vector<16xf32>
        %add3A_432 = arith.addf %add3A_382, %get3A_431 : vector<16xf32>
        %max3A_433 = arith.maximumf %max3A_383, %get3A_431 : vector<16xf32>
        %get3A_434 = arith.index_cast %scan3A_403 : i32 to index
        %get3A_435 = arith.constant 80 : index
        %get3A_436 = tpu.vector_load %arg6[%get3A_434, %get3A_435] {strides = array<i32>} : memref<40x128xf32, #tpu.memory_space<vmem>>, vector<1x16xf32>,
        %get3A_437 = vector.shape_cast %get3A_436 : vector<1x16xf32> to vector<16xf32>
        %add3A_438 = arith.addf %add3A_388, %get3A_437 : vector<16xf32>
        %max3A_439 = arith.maximumf %max3A_389, %get3A_437 : vector<16xf32>
        %get3A_440 = arith.index_cast %scan3A_403 : i32 to index
        %get3A_441 = arith.constant 96 : index
        %get3A_442 = tpu.vector_load %arg6[%get3A_440, %get3A_441] {strides = array<i32>} : memref<40x128xf32, #tpu.memory_space<vmem>>, vector<1x16xf32>,
        %get3A_443 = vector.shape_cast %get3A_442 : vector<1x16xf32> to vector<16xf32>
        %add3A_444 = arith.addf %add3A_394, %get3A_443 : vector<16xf32>
        %max3A_445 = arith.maximumf %max3A_395, %get3A_443 : vector<16xf32>
        %get3A_446 = arith.index_cast %scan3A_403 : i32 to index
        %get3A_447 = arith.constant 112 : index
        %get3A_448 = tpu.vector_load %arg6[%get3A_446, %get3A_447] {strides = array<i32>} : memref<40x128xf32, #tpu.memory_space<vmem>>, vector<1x16xf32>,
        %get3A_449 = vector.shape_cast %get3A_448 : vector<1x16xf32> to vector<16xf32>
        %add3A_450 = arith.addf %add3A_400, %get3A_449 : vector<16xf32>
        %max3A_451 = arith.maximumf %max3A_401, %get3A_449 : vector<16xf32>
        scf.yield %add3A_408, %add3A_414, %add3A_420, %add3A_426, %add3A_432, %add3A_438, %add3A_444, %add3A_450, %max3A_409, %max3A_415, %max3A_421, %max3A_427, %max3A_433, %max3A_439, %max3A_445, %max3A_451 : vector<16xf32>, vector<16xf32>, vector<16xf32>, vector<16xf32>, vector<16xf32>, vector<16xf32>, vector<16xf32>, vector<16xf32>, vector<16xf32>, vector<16xf32>, vector<16xf32>, vector<16xf32>, vector<16xf32>, vector<16xf32>, vector<16xf32>, vector<16xf32>
      }
      %scan3A_123 = arith.constant 40 : i32
      %add3A_124 = arith.constant 1 : i32
      %add3A_125 = arith.addi %scan3A_76, %add3A_124 : i32
      %min3A = arith.constant 31 : i32
      %min3A_126 = arith.minsi %add3A_125, %min3A : i32
      %mul3A_127 = arith.constant 5 : i32
      %mul3A_128 = arith.muli %min3A_126, %mul3A_127 : i32
      %add3A_129 = arith.constant 0 : i32
      %add3A_130 = arith.addi %mul3A_128, %add3A_129 : i32
      %dma_start3A_131 = arith.constant 0 : i32
      %dma_start3A_132 = tpu.memref_slice %arg5[%add3A_130, %dma_start3A_131] : memref<160x40xi32, #tpu.memory_space<vmem>> -> memref<1x40xi32, #tpu.memory_space<vmem>>
      %dma_start3A_133 = tpu.memref_squeeze %dma_start3A_132 : memref<1x40xi32, #tpu.memory_space<vmem>> -> memref<40xi32, #tpu.memory_space<vmem>>
      %dma_start3A_134 = arith.constant 0 : i32
      %dma_start3A_135 = arith.constant 0 : i32
      %dma_start3A_136 = tpu.memref_slice %arg3[%dma_start3A_134, %dma_start3A_135] : memref<100000x128xf32, #tpu.memory_space<hbm>> -> memref<100000x128xf32, #tpu.memory_space<hbm>>
      tpu.enqueue_indirect_dma source(%dma_start3A_136 : memref<100000x128xf32, #tpu.memory_space<hbm>>) target(%arg6 : memref<40x128xf32, #tpu.memory_space<vmem>>) offsets(%dma_start3A_133 : memref<40xi32, #tpu.memory_space<vmem>>) semaphore(%arg12 : memref<!tpu.dma_semaphore, #tpu.memory_space<semaphore_mem>>)
      %mul3A_137 = arith.constant 5 : i32
      %mul3A_138 = arith.muli %scan3A_76, %mul3A_137 : i32
      %add3A_139 = arith.constant 1 : i32
      %add3A_140 = arith.addi %mul3A_138, %add3A_139 : i32
      %dma_wait3A_141 = arith.constant 0 : i32
      %dma_wait3A_142 = tpu.memref_slice %arg5[%add3A_140, %dma_wait3A_141] : memref<160x40xi32, #tpu.memory_space<vmem>> -> memref<1x40xi32, #tpu.memory_space<vmem>>
      %dma_wait3A_143 = tpu.memref_squeeze %dma_wait3A_142 : memref<1x40xi32, #tpu.memory_space<vmem>> -> memref<40xi32, #tpu.memory_space<vmem>>
      %dma_wait3A_144 = arith.constant 0 : i32
      %dma_wait3A_145 = arith.constant 0 : i32
      %dma_wait3A_146 = tpu.memref_slice %arg3[%dma_wait3A_144, %dma_wait3A_145] : memref<100000x128xf32, #tpu.memory_space<hbm>> -> memref<100000x128xf32, #tpu.memory_space<hbm>>
      tpu.wait_indirect_dma semaphore(%arg13 : memref<!tpu.dma_semaphore, #tpu.memory_space<semaphore_mem>>) src(%dma_wait3A_146 : memref<100000x128xf32, #tpu.memory_space<hbm>>) dst(%arg7 : memref<40x128xf32, #tpu.memory_space<vmem>>)
      %scan3A_147 = arith.constant 0 : i32
      %scan3A_148 = arith.constant 40 : i32
      %scan3A_149 = arith.addi %scan3A_147, %scan3A_148 : i32
      %scan3A_150 = arith.constant 2 : i32
      %scan3A_151:16 = scf.for %scan3A_339 = %scan3A_147 to %scan3A_149 step %scan3A_150 iter_args(%scan3A_340 = %scan3A_122#0, %scan3A_341 = %scan3A_122#1, %scan3A_342 = %scan3A_122#2, %scan3A_343 = %scan3A_122#3, %scan3A_344 = %scan3A_122#4, %scan3A_345 = %scan3A_122#5, %scan3A_346 = %scan3A_122#6, %scan3A_347 = %scan3A_122#7, %scan3A_348 = %scan3A_122#8, %scan3A_349 = %scan3A_122#9, %scan3A_350 = %scan3A_122#10, %scan3A_351 = %scan3A_122#11, %scan3A_352 = %scan3A_122#12, %scan3A_353 = %scan3A_122#13, %scan3A_354 = %scan3A_122#14, %scan3A_355 = %scan3A_122#15) -> (vector<16xf32>, vector<16xf32>, vector<16xf32>, vector<16xf32>, vector<16xf32>, vector<16xf32>, vector<16xf32>, vector<16xf32>, vector<16xf32>, vector<16xf32>, vector<16xf32>, vector<16xf32>, vector<16xf32>, vector<16xf32>, vector<16xf32>, vector<16xf32>)  : i32 {
        %get3A = arith.index_cast %scan3A_339 : i32 to index
        %get3A_356 = arith.constant 0 : index
        %get3A_357 = tpu.vector_load %arg7[%get3A, %get3A_356] {strides = array<i32>} : memref<40x128xf32, #tpu.memory_space<vmem>>, vector<1x16xf32>,
        %get3A_358 = vector.shape_cast %get3A_357 : vector<1x16xf32> to vector<16xf32>
        %add3A_359 = arith.addf %scan3A_340, %get3A_358 : vector<16xf32>
        %max3A = arith.maximumf %scan3A_348, %get3A_358 : vector<16xf32>
        %get3A_360 = arith.index_cast %scan3A_339 : i32 to index
        %get3A_361 = arith.constant 16 : index
        %get3A_362 = tpu.vector_load %arg7[%get3A_360, %get3A_361] {strides = array<i32>} : memref<40x128xf32, #tpu.memory_space<vmem>>, vector<1x16xf32>,
        %get3A_363 = vector.shape_cast %get3A_362 : vector<1x16xf32> to vector<16xf32>
        %add3A_364 = arith.addf %scan3A_341, %get3A_363 : vector<16xf32>
        %max3A_365 = arith.maximumf %scan3A_349, %get3A_363 : vector<16xf32>
        %get3A_366 = arith.index_cast %scan3A_339 : i32 to index
        %get3A_367 = arith.constant 32 : index
        %get3A_368 = tpu.vector_load %arg7[%get3A_366, %get3A_367] {strides = array<i32>} : memref<40x128xf32, #tpu.memory_space<vmem>>, vector<1x16xf32>,
        %get3A_369 = vector.shape_cast %get3A_368 : vector<1x16xf32> to vector<16xf32>
        %add3A_370 = arith.addf %scan3A_342, %get3A_369 : vector<16xf32>
        %max3A_371 = arith.maximumf %scan3A_350, %get3A_369 : vector<16xf32>
        %get3A_372 = arith.index_cast %scan3A_339 : i32 to index
        %get3A_373 = arith.constant 48 : index
        %get3A_374 = tpu.vector_load %arg7[%get3A_372, %get3A_373] {strides = array<i32>} : memref<40x128xf32, #tpu.memory_space<vmem>>, vector<1x16xf32>,
        %get3A_375 = vector.shape_cast %get3A_374 : vector<1x16xf32> to vector<16xf32>
        %add3A_376 = arith.addf %scan3A_343, %get3A_375 : vector<16xf32>
        %max3A_377 = arith.maximumf %scan3A_351, %get3A_375 : vector<16xf32>
        %get3A_378 = arith.index_cast %scan3A_339 : i32 to index
        %get3A_379 = arith.constant 64 : index
        %get3A_380 = tpu.vector_load %arg7[%get3A_378, %get3A_379] {strides = array<i32>} : memref<40x128xf32, #tpu.memory_space<vmem>>, vector<1x16xf32>,
        %get3A_381 = vector.shape_cast %get3A_380 : vector<1x16xf32> to vector<16xf32>
        %add3A_382 = arith.addf %scan3A_344, %get3A_381 : vector<16xf32>
        %max3A_383 = arith.maximumf %scan3A_352, %get3A_381 : vector<16xf32>
        %get3A_384 = arith.index_cast %scan3A_339 : i32 to index
        %get3A_385 = arith.constant 80 : index
        %get3A_386 = tpu.vector_load %arg7[%get3A_384, %get3A_385] {strides = array<i32>} : memref<40x128xf32, #tpu.memory_space<vmem>>, vector<1x16xf32>,
        %get3A_387 = vector.shape_cast %get3A_386 : vector<1x16xf32> to vector<16xf32>
        %add3A_388 = arith.addf %scan3A_345, %get3A_387 : vector<16xf32>
        %max3A_389 = arith.maximumf %scan3A_353, %get3A_387 : vector<16xf32>
        %get3A_390 = arith.index_cast %scan3A_339 : i32 to index
        %get3A_391 = arith.constant 96 : index
        %get3A_392 = tpu.vector_load %arg7[%get3A_390, %get3A_391] {strides = array<i32>} : memref<40x128xf32, #tpu.memory_space<vmem>>, vector<1x16xf32>,
        %get3A_393 = vector.shape_cast %get3A_392 : vector<1x16xf32> to vector<16xf32>
        %add3A_394 = arith.addf %scan3A_346, %get3A_393 : vector<16xf32>
        %max3A_395 = arith.maximumf %scan3A_354, %get3A_393 : vector<16xf32>
        %get3A_396 = arith.index_cast %scan3A_339 : i32 to index
        %get3A_397 = arith.constant 112 : index
        %get3A_398 = tpu.vector_load %arg7[%get3A_396, %get3A_397] {strides = array<i32>} : memref<40x128xf32, #tpu.memory_space<vmem>>, vector<1x16xf32>,
        %get3A_399 = vector.shape_cast %get3A_398 : vector<1x16xf32> to vector<16xf32>
        %add3A_400 = arith.addf %scan3A_347, %get3A_399 : vector<16xf32>
        %max3A_401 = arith.maximumf %scan3A_355, %get3A_399 : vector<16xf32>
        %scan3A_402 = arith.constant 1 : i32
        %scan3A_403 = arith.addi %scan3A_339, %scan3A_402 : i32
        %get3A_404 = arith.index_cast %scan3A_403 : i32 to index
        %get3A_405 = arith.constant 0 : index
        %get3A_406 = tpu.vector_load %arg7[%get3A_404, %get3A_405] {strides = array<i32>} : memref<40x128xf32, #tpu.memory_space<vmem>>, vector<1x16xf32>,
        %get3A_407 = vector.shape_cast %get3A_406 : vector<1x16xf32> to vector<16xf32>
        %add3A_408 = arith.addf %add3A_359, %get3A_407 : vector<16xf32>
        %max3A_409 = arith.maximumf %max3A, %get3A_407 : vector<16xf32>
        %get3A_410 = arith.index_cast %scan3A_403 : i32 to index
        %get3A_411 = arith.constant 16 : index
        %get3A_412 = tpu.vector_load %arg7[%get3A_410, %get3A_411] {strides = array<i32>} : memref<40x128xf32, #tpu.memory_space<vmem>>, vector<1x16xf32>,
        %get3A_413 = vector.shape_cast %get3A_412 : vector<1x16xf32> to vector<16xf32>
        %add3A_414 = arith.addf %add3A_364, %get3A_413 : vector<16xf32>
        %max3A_415 = arith.maximumf %max3A_365, %get3A_413 : vector<16xf32>
        %get3A_416 = arith.index_cast %scan3A_403 : i32 to index
        %get3A_417 = arith.constant 32 : index
        %get3A_418 = tpu.vector_load %arg7[%get3A_416, %get3A_417] {strides = array<i32>} : memref<40x128xf32, #tpu.memory_space<vmem>>, vector<1x16xf32>,
        %get3A_419 = vector.shape_cast %get3A_418 : vector<1x16xf32> to vector<16xf32>
        %add3A_420 = arith.addf %add3A_370, %get3A_419 : vector<16xf32>
        %max3A_421 = arith.maximumf %max3A_371, %get3A_419 : vector<16xf32>
        %get3A_422 = arith.index_cast %scan3A_403 : i32 to index
        %get3A_423 = arith.constant 48 : index
        %get3A_424 = tpu.vector_load %arg7[%get3A_422, %get3A_423] {strides = array<i32>} : memref<40x128xf32, #tpu.memory_space<vmem>>, vector<1x16xf32>,
        %get3A_425 = vector.shape_cast %get3A_424 : vector<1x16xf32> to vector<16xf32>
        %add3A_426 = arith.addf %add3A_376, %get3A_425 : vector<16xf32>
        %max3A_427 = arith.maximumf %max3A_377, %get3A_425 : vector<16xf32>
        %get3A_428 = arith.index_cast %scan3A_403 : i32 to index
        %get3A_429 = arith.constant 64 : index
        %get3A_430 = tpu.vector_load %arg7[%get3A_428, %get3A_429] {strides = array<i32>} : memref<40x128xf32, #tpu.memory_space<vmem>>, vector<1x16xf32>,
        %get3A_431 = vector.shape_cast %get3A_430 : vector<1x16xf32> to vector<16xf32>
        %add3A_432 = arith.addf %add3A_382, %get3A_431 : vector<16xf32>
        %max3A_433 = arith.maximumf %max3A_383, %get3A_431 : vector<16xf32>
        %get3A_434 = arith.index_cast %scan3A_403 : i32 to index
        %get3A_435 = arith.constant 80 : index
        %get3A_436 = tpu.vector_load %arg7[%get3A_434, %get3A_435] {strides = array<i32>} : memref<40x128xf32, #tpu.memory_space<vmem>>, vector<1x16xf32>,
        %get3A_437 = vector.shape_cast %get3A_436 : vector<1x16xf32> to vector<16xf32>
        %add3A_438 = arith.addf %add3A_388, %get3A_437 : vector<16xf32>
        %max3A_439 = arith.maximumf %max3A_389, %get3A_437 : vector<16xf32>
        %get3A_440 = arith.index_cast %scan3A_403 : i32 to index
        %get3A_441 = arith.constant 96 : index
        %get3A_442 = tpu.vector_load %arg7[%get3A_440, %get3A_441] {strides = array<i32>} : memref<40x128xf32, #tpu.memory_space<vmem>>, vector<1x16xf32>,
        %get3A_443 = vector.shape_cast %get3A_442 : vector<1x16xf32> to vector<16xf32>
        %add3A_444 = arith.addf %add3A_394, %get3A_443 : vector<16xf32>
        %max3A_445 = arith.maximumf %max3A_395, %get3A_443 : vector<16xf32>
        %get3A_446 = arith.index_cast %scan3A_403 : i32 to index
        %get3A_447 = arith.constant 112 : index
        %get3A_448 = tpu.vector_load %arg7[%get3A_446, %get3A_447] {strides = array<i32>} : memref<40x128xf32, #tpu.memory_space<vmem>>, vector<1x16xf32>,
        %get3A_449 = vector.shape_cast %get3A_448 : vector<1x16xf32> to vector<16xf32>
        %add3A_450 = arith.addf %add3A_400, %get3A_449 : vector<16xf32>
        %max3A_451 = arith.maximumf %max3A_401, %get3A_449 : vector<16xf32>
        scf.yield %add3A_408, %add3A_414, %add3A_420, %add3A_426, %add3A_432, %add3A_438, %add3A_444, %add3A_450, %max3A_409, %max3A_415, %max3A_421, %max3A_427, %max3A_433, %max3A_439, %max3A_445, %max3A_451 : vector<16xf32>, vector<16xf32>, vector<16xf32>, vector<16xf32>, vector<16xf32>, vector<16xf32>, vector<16xf32>, vector<16xf32>, vector<16xf32>, vector<16xf32>, vector<16xf32>, vector<16xf32>, vector<16xf32>, vector<16xf32>, vector<16xf32>, vector<16xf32>
      }
      %scan3A_152 = arith.constant 40 : i32
      %add3A_153 = arith.constant 1 : i32
      %add3A_154 = arith.addi %scan3A_76, %add3A_153 : i32
      %min3A_155 = arith.constant 31 : i32
      %min3A_156 = arith.minsi %add3A_154, %min3A_155 : i32
      %mul3A_157 = arith.constant 5 : i32
      %mul3A_158 = arith.muli %min3A_156, %mul3A_157 : i32
      %add3A_159 = arith.constant 1 : i32
      %add3A_160 = arith.addi %mul3A_158, %add3A_159 : i32
      %dma_start3A_161 = arith.constant 0 : i32
      %dma_start3A_162 = tpu.memref_slice %arg5[%add3A_160, %dma_start3A_161] : memref<160x40xi32, #tpu.memory_space<vmem>> -> memref<1x40xi32, #tpu.memory_space<vmem>>
      %dma_start3A_163 = tpu.memref_squeeze %dma_start3A_162 : memref<1x40xi32, #tpu.memory_space<vmem>> -> memref<40xi32, #tpu.memory_space<vmem>>
      %dma_start3A_164 = arith.constant 0 : i32
      %dma_start3A_165 = arith.constant 0 : i32
      %dma_start3A_166 = tpu.memref_slice %arg3[%dma_start3A_164, %dma_start3A_165] : memref<100000x128xf32, #tpu.memory_space<hbm>> -> memref<100000x128xf32, #tpu.memory_space<hbm>>
      tpu.enqueue_indirect_dma source(%dma_start3A_166 : memref<100000x128xf32, #tpu.memory_space<hbm>>) target(%arg7 : memref<40x128xf32, #tpu.memory_space<vmem>>) offsets(%dma_start3A_163 : memref<40xi32, #tpu.memory_space<vmem>>) semaphore(%arg13 : memref<!tpu.dma_semaphore, #tpu.memory_space<semaphore_mem>>)
      %mul3A_167 = arith.constant 5 : i32
      %mul3A_168 = arith.muli %scan3A_76, %mul3A_167 : i32
      %add3A_169 = arith.constant 2 : i32
      %add3A_170 = arith.addi %mul3A_168, %add3A_169 : i32
      %dma_wait3A_171 = arith.constant 0 : i32
      %dma_wait3A_172 = tpu.memref_slice %arg5[%add3A_170, %dma_wait3A_171] : memref<160x40xi32, #tpu.memory_space<vmem>> -> memref<1x40xi32, #tpu.memory_space<vmem>>
      %dma_wait3A_173 = tpu.memref_squeeze %dma_wait3A_172 : memref<1x40xi32, #tpu.memory_space<vmem>> -> memref<40xi32, #tpu.memory_space<vmem>>
      %dma_wait3A_174 = arith.constant 0 : i32
      %dma_wait3A_175 = arith.constant 0 : i32
      %dma_wait3A_176 = tpu.memref_slice %arg3[%dma_wait3A_174, %dma_wait3A_175] : memref<100000x128xf32, #tpu.memory_space<hbm>> -> memref<100000x128xf32, #tpu.memory_space<hbm>>
      tpu.wait_indirect_dma semaphore(%arg14 : memref<!tpu.dma_semaphore, #tpu.memory_space<semaphore_mem>>) src(%dma_wait3A_176 : memref<100000x128xf32, #tpu.memory_space<hbm>>) dst(%arg8 : memref<40x128xf32, #tpu.memory_space<vmem>>)
      %scan3A_177 = arith.constant 0 : i32
      %scan3A_178 = arith.constant 40 : i32
      %scan3A_179 = arith.addi %scan3A_177, %scan3A_178 : i32
      %scan3A_180 = arith.constant 2 : i32
      %scan3A_181:16 = scf.for %scan3A_339 = %scan3A_177 to %scan3A_179 step %scan3A_180 iter_args(%scan3A_340 = %scan3A_151#0, %scan3A_341 = %scan3A_151#1, %scan3A_342 = %scan3A_151#2, %scan3A_343 = %scan3A_151#3, %scan3A_344 = %scan3A_151#4, %scan3A_345 = %scan3A_151#5, %scan3A_346 = %scan3A_151#6, %scan3A_347 = %scan3A_151#7, %scan3A_348 = %scan3A_151#8, %scan3A_349 = %scan3A_151#9, %scan3A_350 = %scan3A_151#10, %scan3A_351 = %scan3A_151#11, %scan3A_352 = %scan3A_151#12, %scan3A_353 = %scan3A_151#13, %scan3A_354 = %scan3A_151#14, %scan3A_355 = %scan3A_151#15) -> (vector<16xf32>, vector<16xf32>, vector<16xf32>, vector<16xf32>, vector<16xf32>, vector<16xf32>, vector<16xf32>, vector<16xf32>, vector<16xf32>, vector<16xf32>, vector<16xf32>, vector<16xf32>, vector<16xf32>, vector<16xf32>, vector<16xf32>, vector<16xf32>)  : i32 {
        %get3A = arith.index_cast %scan3A_339 : i32 to index
        %get3A_356 = arith.constant 0 : index
        %get3A_357 = tpu.vector_load %arg8[%get3A, %get3A_356] {strides = array<i32>} : memref<40x128xf32, #tpu.memory_space<vmem>>, vector<1x16xf32>,
        %get3A_358 = vector.shape_cast %get3A_357 : vector<1x16xf32> to vector<16xf32>
        %add3A_359 = arith.addf %scan3A_340, %get3A_358 : vector<16xf32>
        %max3A = arith.maximumf %scan3A_348, %get3A_358 : vector<16xf32>
        %get3A_360 = arith.index_cast %scan3A_339 : i32 to index
        %get3A_361 = arith.constant 16 : index
        %get3A_362 = tpu.vector_load %arg8[%get3A_360, %get3A_361] {strides = array<i32>} : memref<40x128xf32, #tpu.memory_space<vmem>>, vector<1x16xf32>,
        %get3A_363 = vector.shape_cast %get3A_362 : vector<1x16xf32> to vector<16xf32>
        %add3A_364 = arith.addf %scan3A_341, %get3A_363 : vector<16xf32>
        %max3A_365 = arith.maximumf %scan3A_349, %get3A_363 : vector<16xf32>
        %get3A_366 = arith.index_cast %scan3A_339 : i32 to index
        %get3A_367 = arith.constant 32 : index
        %get3A_368 = tpu.vector_load %arg8[%get3A_366, %get3A_367] {strides = array<i32>} : memref<40x128xf32, #tpu.memory_space<vmem>>, vector<1x16xf32>,
        %get3A_369 = vector.shape_cast %get3A_368 : vector<1x16xf32> to vector<16xf32>
        %add3A_370 = arith.addf %scan3A_342, %get3A_369 : vector<16xf32>
        %max3A_371 = arith.maximumf %scan3A_350, %get3A_369 : vector<16xf32>
        %get3A_372 = arith.index_cast %scan3A_339 : i32 to index
        %get3A_373 = arith.constant 48 : index
        %get3A_374 = tpu.vector_load %arg8[%get3A_372, %get3A_373] {strides = array<i32>} : memref<40x128xf32, #tpu.memory_space<vmem>>, vector<1x16xf32>,
        %get3A_375 = vector.shape_cast %get3A_374 : vector<1x16xf32> to vector<16xf32>
        %add3A_376 = arith.addf %scan3A_343, %get3A_375 : vector<16xf32>
        %max3A_377 = arith.maximumf %scan3A_351, %get3A_375 : vector<16xf32>
        %get3A_378 = arith.index_cast %scan3A_339 : i32 to index
        %get3A_379 = arith.constant 64 : index
        %get3A_380 = tpu.vector_load %arg8[%get3A_378, %get3A_379] {strides = array<i32>} : memref<40x128xf32, #tpu.memory_space<vmem>>, vector<1x16xf32>,
        %get3A_381 = vector.shape_cast %get3A_380 : vector<1x16xf32> to vector<16xf32>
        %add3A_382 = arith.addf %scan3A_344, %get3A_381 : vector<16xf32>
        %max3A_383 = arith.maximumf %scan3A_352, %get3A_381 : vector<16xf32>
        %get3A_384 = arith.index_cast %scan3A_339 : i32 to index
        %get3A_385 = arith.constant 80 : index
        %get3A_386 = tpu.vector_load %arg8[%get3A_384, %get3A_385] {strides = array<i32>} : memref<40x128xf32, #tpu.memory_space<vmem>>, vector<1x16xf32>,
        %get3A_387 = vector.shape_cast %get3A_386 : vector<1x16xf32> to vector<16xf32>
        %add3A_388 = arith.addf %scan3A_345, %get3A_387 : vector<16xf32>
        %max3A_389 = arith.maximumf %scan3A_353, %get3A_387 : vector<16xf32>
        %get3A_390 = arith.index_cast %scan3A_339 : i32 to index
        %get3A_391 = arith.constant 96 : index
        %get3A_392 = tpu.vector_load %arg8[%get3A_390, %get3A_391] {strides = array<i32>} : memref<40x128xf32, #tpu.memory_space<vmem>>, vector<1x16xf32>,
        %get3A_393 = vector.shape_cast %get3A_392 : vector<1x16xf32> to vector<16xf32>
        %add3A_394 = arith.addf %scan3A_346, %get3A_393 : vector<16xf32>
        %max3A_395 = arith.maximumf %scan3A_354, %get3A_393 : vector<16xf32>
        %get3A_396 = arith.index_cast %scan3A_339 : i32 to index
        %get3A_397 = arith.constant 112 : index
        %get3A_398 = tpu.vector_load %arg8[%get3A_396, %get3A_397] {strides = array<i32>} : memref<40x128xf32, #tpu.memory_space<vmem>>, vector<1x16xf32>,
        %get3A_399 = vector.shape_cast %get3A_398 : vector<1x16xf32> to vector<16xf32>
        %add3A_400 = arith.addf %scan3A_347, %get3A_399 : vector<16xf32>
        %max3A_401 = arith.maximumf %scan3A_355, %get3A_399 : vector<16xf32>
        %scan3A_402 = arith.constant 1 : i32
        %scan3A_403 = arith.addi %scan3A_339, %scan3A_402 : i32
        %get3A_404 = arith.index_cast %scan3A_403 : i32 to index
        %get3A_405 = arith.constant 0 : index
        %get3A_406 = tpu.vector_load %arg8[%get3A_404, %get3A_405] {strides = array<i32>} : memref<40x128xf32, #tpu.memory_space<vmem>>, vector<1x16xf32>,
        %get3A_407 = vector.shape_cast %get3A_406 : vector<1x16xf32> to vector<16xf32>
        %add3A_408 = arith.addf %add3A_359, %get3A_407 : vector<16xf32>
        %max3A_409 = arith.maximumf %max3A, %get3A_407 : vector<16xf32>
        %get3A_410 = arith.index_cast %scan3A_403 : i32 to index
        %get3A_411 = arith.constant 16 : index
        %get3A_412 = tpu.vector_load %arg8[%get3A_410, %get3A_411] {strides = array<i32>} : memref<40x128xf32, #tpu.memory_space<vmem>>, vector<1x16xf32>,
        %get3A_413 = vector.shape_cast %get3A_412 : vector<1x16xf32> to vector<16xf32>
        %add3A_414 = arith.addf %add3A_364, %get3A_413 : vector<16xf32>
        %max3A_415 = arith.maximumf %max3A_365, %get3A_413 : vector<16xf32>
        %get3A_416 = arith.index_cast %scan3A_403 : i32 to index
        %get3A_417 = arith.constant 32 : index
        %get3A_418 = tpu.vector_load %arg8[%get3A_416, %get3A_417] {strides = array<i32>} : memref<40x128xf32, #tpu.memory_space<vmem>>, vector<1x16xf32>,
        %get3A_419 = vector.shape_cast %get3A_418 : vector<1x16xf32> to vector<16xf32>
        %add3A_420 = arith.addf %add3A_370, %get3A_419 : vector<16xf32>
        %max3A_421 = arith.maximumf %max3A_371, %get3A_419 : vector<16xf32>
        %get3A_422 = arith.index_cast %scan3A_403 : i32 to index
        %get3A_423 = arith.constant 48 : index
        %get3A_424 = tpu.vector_load %arg8[%get3A_422, %get3A_423] {strides = array<i32>} : memref<40x128xf32, #tpu.memory_space<vmem>>, vector<1x16xf32>,
        %get3A_425 = vector.shape_cast %get3A_424 : vector<1x16xf32> to vector<16xf32>
        %add3A_426 = arith.addf %add3A_376, %get3A_425 : vector<16xf32>
        %max3A_427 = arith.maximumf %max3A_377, %get3A_425 : vector<16xf32>
        %get3A_428 = arith.index_cast %scan3A_403 : i32 to index
        %get3A_429 = arith.constant 64 : index
        %get3A_430 = tpu.vector_load %arg8[%get3A_428, %get3A_429] {strides = array<i32>} : memref<40x128xf32, #tpu.memory_space<vmem>>, vector<1x16xf32>,
        %get3A_431 = vector.shape_cast %get3A_430 : vector<1x16xf32> to vector<16xf32>
        %add3A_432 = arith.addf %add3A_382, %get3A_431 : vector<16xf32>
        %max3A_433 = arith.maximumf %max3A_383, %get3A_431 : vector<16xf32>
        %get3A_434 = arith.index_cast %scan3A_403 : i32 to index
        %get3A_435 = arith.constant 80 : index
        %get3A_436 = tpu.vector_load %arg8[%get3A_434, %get3A_435] {strides = array<i32>} : memref<40x128xf32, #tpu.memory_space<vmem>>, vector<1x16xf32>,
        %get3A_437 = vector.shape_cast %get3A_436 : vector<1x16xf32> to vector<16xf32>
        %add3A_438 = arith.addf %add3A_388, %get3A_437 : vector<16xf32>
        %max3A_439 = arith.maximumf %max3A_389, %get3A_437 : vector<16xf32>
        %get3A_440 = arith.index_cast %scan3A_403 : i32 to index
        %get3A_441 = arith.constant 96 : index
        %get3A_442 = tpu.vector_load %arg8[%get3A_440, %get3A_441] {strides = array<i32>} : memref<40x128xf32, #tpu.memory_space<vmem>>, vector<1x16xf32>,
        %get3A_443 = vector.shape_cast %get3A_442 : vector<1x16xf32> to vector<16xf32>
        %add3A_444 = arith.addf %add3A_394, %get3A_443 : vector<16xf32>
        %max3A_445 = arith.maximumf %max3A_395, %get3A_443 : vector<16xf32>
        %get3A_446 = arith.index_cast %scan3A_403 : i32 to index
        %get3A_447 = arith.constant 112 : index
        %get3A_448 = tpu.vector_load %arg8[%get3A_446, %get3A_447] {strides = array<i32>} : memref<40x128xf32, #tpu.memory_space<vmem>>, vector<1x16xf32>,
        %get3A_449 = vector.shape_cast %get3A_448 : vector<1x16xf32> to vector<16xf32>
        %add3A_450 = arith.addf %add3A_400, %get3A_449 : vector<16xf32>
        %max3A_451 = arith.maximumf %max3A_401, %get3A_449 : vector<16xf32>
        scf.yield %add3A_408, %add3A_414, %add3A_420, %add3A_426, %add3A_432, %add3A_438, %add3A_444, %add3A_450, %max3A_409, %max3A_415, %max3A_421, %max3A_427, %max3A_433, %max3A_439, %max3A_445, %max3A_451 : vector<16xf32>, vector<16xf32>, vector<16xf32>, vector<16xf32>, vector<16xf32>, vector<16xf32>, vector<16xf32>, vector<16xf32>, vector<16xf32>, vector<16xf32>, vector<16xf32>, vector<16xf32>, vector<16xf32>, vector<16xf32>, vector<16xf32>, vector<16xf32>
      }
      %scan3A_182 = arith.constant 40 : i32
      %add3A_183 = arith.constant 1 : i32
      %add3A_184 = arith.addi %scan3A_76, %add3A_183 : i32
      %min3A_185 = arith.constant 31 : i32
      %min3A_186 = arith.minsi %add3A_184, %min3A_185 : i32
      %mul3A_187 = arith.constant 5 : i32
      %mul3A_188 = arith.muli %min3A_186, %mul3A_187 : i32
      %add3A_189 = arith.constant 2 : i32
      %add3A_190 = arith.addi %mul3A_188, %add3A_189 : i32
      %dma_start3A_191 = arith.constant 0 : i32
      %dma_start3A_192 = tpu.memref_slice %arg5[%add3A_190, %dma_start3A_191] : memref<160x40xi32, #tpu.memory_space<vmem>> -> memref<1x40xi32, #tpu.memory_space<vmem>>
      %dma_start3A_193 = tpu.memref_squeeze %dma_start3A_192 : memref<1x40xi32, #tpu.memory_space<vmem>> -> memref<40xi32, #tpu.memory_space<vmem>>
      %dma_start3A_194 = arith.constant 0 : i32
      %dma_start3A_195 = arith.constant 0 : i32
      %dma_start3A_196 = tpu.memref_slice %arg3[%dma_start3A_194, %dma_start3A_195] : memref<100000x128xf32, #tpu.memory_space<hbm>> -> memref<100000x128xf32, #tpu.memory_space<hbm>>
      tpu.enqueue_indirect_dma source(%dma_start3A_196 : memref<100000x128xf32, #tpu.memory_space<hbm>>) target(%arg8 : memref<40x128xf32, #tpu.memory_space<vmem>>) offsets(%dma_start3A_193 : memref<40xi32, #tpu.memory_space<vmem>>) semaphore(%arg14 : memref<!tpu.dma_semaphore, #tpu.memory_space<semaphore_mem>>)
      %mul3A_197 = arith.constant 5 : i32
      %mul3A_198 = arith.muli %scan3A_76, %mul3A_197 : i32
      %add3A_199 = arith.constant 3 : i32
      %add3A_200 = arith.addi %mul3A_198, %add3A_199 : i32
      %dma_wait3A_201 = arith.constant 0 : i32
      %dma_wait3A_202 = tpu.memref_slice %arg5[%add3A_200, %dma_wait3A_201] : memref<160x40xi32, #tpu.memory_space<vmem>> -> memref<1x40xi32, #tpu.memory_space<vmem>>
      %dma_wait3A_203 = tpu.memref_squeeze %dma_wait3A_202 : memref<1x40xi32, #tpu.memory_space<vmem>> -> memref<40xi32, #tpu.memory_space<vmem>>
      %dma_wait3A_204 = arith.constant 0 : i32
      %dma_wait3A_205 = arith.constant 0 : i32
      %dma_wait3A_206 = tpu.memref_slice %arg3[%dma_wait3A_204, %dma_wait3A_205] : memref<100000x128xf32, #tpu.memory_space<hbm>> -> memref<100000x128xf32, #tpu.memory_space<hbm>>
      tpu.wait_indirect_dma semaphore(%arg15 : memref<!tpu.dma_semaphore, #tpu.memory_space<semaphore_mem>>) src(%dma_wait3A_206 : memref<100000x128xf32, #tpu.memory_space<hbm>>) dst(%arg9 : memref<40x128xf32, #tpu.memory_space<vmem>>)
      %scan3A_207 = arith.constant 0 : i32
      %scan3A_208 = arith.constant 40 : i32
      %scan3A_209 = arith.addi %scan3A_207, %scan3A_208 : i32
      %scan3A_210 = arith.constant 2 : i32
      %scan3A_211:16 = scf.for %scan3A_339 = %scan3A_207 to %scan3A_209 step %scan3A_210 iter_args(%scan3A_340 = %scan3A_181#0, %scan3A_341 = %scan3A_181#1, %scan3A_342 = %scan3A_181#2, %scan3A_343 = %scan3A_181#3, %scan3A_344 = %scan3A_181#4, %scan3A_345 = %scan3A_181#5, %scan3A_346 = %scan3A_181#6, %scan3A_347 = %scan3A_181#7, %scan3A_348 = %scan3A_181#8, %scan3A_349 = %scan3A_181#9, %scan3A_350 = %scan3A_181#10, %scan3A_351 = %scan3A_181#11, %scan3A_352 = %scan3A_181#12, %scan3A_353 = %scan3A_181#13, %scan3A_354 = %scan3A_181#14, %scan3A_355 = %scan3A_181#15) -> (vector<16xf32>, vector<16xf32>, vector<16xf32>, vector<16xf32>, vector<16xf32>, vector<16xf32>, vector<16xf32>, vector<16xf32>, vector<16xf32>, vector<16xf32>, vector<16xf32>, vector<16xf32>, vector<16xf32>, vector<16xf32>, vector<16xf32>, vector<16xf32>)  : i32 {
        %get3A = arith.index_cast %scan3A_339 : i32 to index
        %get3A_356 = arith.constant 0 : index
        %get3A_357 = tpu.vector_load %arg9[%get3A, %get3A_356] {strides = array<i32>} : memref<40x128xf32, #tpu.memory_space<vmem>>, vector<1x16xf32>,
        %get3A_358 = vector.shape_cast %get3A_357 : vector<1x16xf32> to vector<16xf32>
        %add3A_359 = arith.addf %scan3A_340, %get3A_358 : vector<16xf32>
        %max3A = arith.maximumf %scan3A_348, %get3A_358 : vector<16xf32>
        %get3A_360 = arith.index_cast %scan3A_339 : i32 to index
        %get3A_361 = arith.constant 16 : index
        %get3A_362 = tpu.vector_load %arg9[%get3A_360, %get3A_361] {strides = array<i32>} : memref<40x128xf32, #tpu.memory_space<vmem>>, vector<1x16xf32>,
        %get3A_363 = vector.shape_cast %get3A_362 : vector<1x16xf32> to vector<16xf32>
        %add3A_364 = arith.addf %scan3A_341, %get3A_363 : vector<16xf32>
        %max3A_365 = arith.maximumf %scan3A_349, %get3A_363 : vector<16xf32>
        %get3A_366 = arith.index_cast %scan3A_339 : i32 to index
        %get3A_367 = arith.constant 32 : index
        %get3A_368 = tpu.vector_load %arg9[%get3A_366, %get3A_367] {strides = array<i32>} : memref<40x128xf32, #tpu.memory_space<vmem>>, vector<1x16xf32>,
        %get3A_369 = vector.shape_cast %get3A_368 : vector<1x16xf32> to vector<16xf32>
        %add3A_370 = arith.addf %scan3A_342, %get3A_369 : vector<16xf32>
        %max3A_371 = arith.maximumf %scan3A_350, %get3A_369 : vector<16xf32>
        %get3A_372 = arith.index_cast %scan3A_339 : i32 to index
        %get3A_373 = arith.constant 48 : index
        %get3A_374 = tpu.vector_load %arg9[%get3A_372, %get3A_373] {strides = array<i32>} : memref<40x128xf32, #tpu.memory_space<vmem>>, vector<1x16xf32>,
        %get3A_375 = vector.shape_cast %get3A_374 : vector<1x16xf32> to vector<16xf32>
        %add3A_376 = arith.addf %scan3A_343, %get3A_375 : vector<16xf32>
        %max3A_377 = arith.maximumf %scan3A_351, %get3A_375 : vector<16xf32>
        %get3A_378 = arith.index_cast %scan3A_339 : i32 to index
        %get3A_379 = arith.constant 64 : index
        %get3A_380 = tpu.vector_load %arg9[%get3A_378, %get3A_379] {strides = array<i32>} : memref<40x128xf32, #tpu.memory_space<vmem>>, vector<1x16xf32>,
        %get3A_381 = vector.shape_cast %get3A_380 : vector<1x16xf32> to vector<16xf32>
        %add3A_382 = arith.addf %scan3A_344, %get3A_381 : vector<16xf32>
        %max3A_383 = arith.maximumf %scan3A_352, %get3A_381 : vector<16xf32>
        %get3A_384 = arith.index_cast %scan3A_339 : i32 to index
        %get3A_385 = arith.constant 80 : index
        %get3A_386 = tpu.vector_load %arg9[%get3A_384, %get3A_385] {strides = array<i32>} : memref<40x128xf32, #tpu.memory_space<vmem>>, vector<1x16xf32>,
        %get3A_387 = vector.shape_cast %get3A_386 : vector<1x16xf32> to vector<16xf32>
        %add3A_388 = arith.addf %scan3A_345, %get3A_387 : vector<16xf32>
        %max3A_389 = arith.maximumf %scan3A_353, %get3A_387 : vector<16xf32>
        %get3A_390 = arith.index_cast %scan3A_339 : i32 to index
        %get3A_391 = arith.constant 96 : index
        %get3A_392 = tpu.vector_load %arg9[%get3A_390, %get3A_391] {strides = array<i32>} : memref<40x128xf32, #tpu.memory_space<vmem>>, vector<1x16xf32>,
        %get3A_393 = vector.shape_cast %get3A_392 : vector<1x16xf32> to vector<16xf32>
        %add3A_394 = arith.addf %scan3A_346, %get3A_393 : vector<16xf32>
        %max3A_395 = arith.maximumf %scan3A_354, %get3A_393 : vector<16xf32>
        %get3A_396 = arith.index_cast %scan3A_339 : i32 to index
        %get3A_397 = arith.constant 112 : index
        %get3A_398 = tpu.vector_load %arg9[%get3A_396, %get3A_397] {strides = array<i32>} : memref<40x128xf32, #tpu.memory_space<vmem>>, vector<1x16xf32>,
        %get3A_399 = vector.shape_cast %get3A_398 : vector<1x16xf32> to vector<16xf32>
        %add3A_400 = arith.addf %scan3A_347, %get3A_399 : vector<16xf32>
        %max3A_401 = arith.maximumf %scan3A_355, %get3A_399 : vector<16xf32>
        %scan3A_402 = arith.constant 1 : i32
        %scan3A_403 = arith.addi %scan3A_339, %scan3A_402 : i32
        %get3A_404 = arith.index_cast %scan3A_403 : i32 to index
        %get3A_405 = arith.constant 0 : index
        %get3A_406 = tpu.vector_load %arg9[%get3A_404, %get3A_405] {strides = array<i32>} : memref<40x128xf32, #tpu.memory_space<vmem>>, vector<1x16xf32>,
        %get3A_407 = vector.shape_cast %get3A_406 : vector<1x16xf32> to vector<16xf32>
        %add3A_408 = arith.addf %add3A_359, %get3A_407 : vector<16xf32>
        %max3A_409 = arith.maximumf %max3A, %get3A_407 : vector<16xf32>
        %get3A_410 = arith.index_cast %scan3A_403 : i32 to index
        %get3A_411 = arith.constant 16 : index
        %get3A_412 = tpu.vector_load %arg9[%get3A_410, %get3A_411] {strides = array<i32>} : memref<40x128xf32, #tpu.memory_space<vmem>>, vector<1x16xf32>,
        %get3A_413 = vector.shape_cast %get3A_412 : vector<1x16xf32> to vector<16xf32>
        %add3A_414 = arith.addf %add3A_364, %get3A_413 : vector<16xf32>
        %max3A_415 = arith.maximumf %max3A_365, %get3A_413 : vector<16xf32>
        %get3A_416 = arith.index_cast %scan3A_403 : i32 to index
        %get3A_417 = arith.constant 32 : index
        %get3A_418 = tpu.vector_load %arg9[%get3A_416, %get3A_417] {strides = array<i32>} : memref<40x128xf32, #tpu.memory_space<vmem>>, vector<1x16xf32>,
        %get3A_419 = vector.shape_cast %get3A_418 : vector<1x16xf32> to vector<16xf32>
        %add3A_420 = arith.addf %add3A_370, %get3A_419 : vector<16xf32>
        %max3A_421 = arith.maximumf %max3A_371, %get3A_419 : vector<16xf32>
        %get3A_422 = arith.index_cast %scan3A_403 : i32 to index
        %get3A_423 = arith.constant 48 : index
        %get3A_424 = tpu.vector_load %arg9[%get3A_422, %get3A_423] {strides = array<i32>} : memref<40x128xf32, #tpu.memory_space<vmem>>, vector<1x16xf32>,
        %get3A_425 = vector.shape_cast %get3A_424 : vector<1x16xf32> to vector<16xf32>
        %add3A_426 = arith.addf %add3A_376, %get3A_425 : vector<16xf32>
        %max3A_427 = arith.maximumf %max3A_377, %get3A_425 : vector<16xf32>
        %get3A_428 = arith.index_cast %scan3A_403 : i32 to index
        %get3A_429 = arith.constant 64 : index
        %get3A_430 = tpu.vector_load %arg9[%get3A_428, %get3A_429] {strides = array<i32>} : memref<40x128xf32, #tpu.memory_space<vmem>>, vector<1x16xf32>,
        %get3A_431 = vector.shape_cast %get3A_430 : vector<1x16xf32> to vector<16xf32>
        %add3A_432 = arith.addf %add3A_382, %get3A_431 : vector<16xf32>
        %max3A_433 = arith.maximumf %max3A_383, %get3A_431 : vector<16xf32>
        %get3A_434 = arith.index_cast %scan3A_403 : i32 to index
        %get3A_435 = arith.constant 80 : index
        %get3A_436 = tpu.vector_load %arg9[%get3A_434, %get3A_435] {strides = array<i32>} : memref<40x128xf32, #tpu.memory_space<vmem>>, vector<1x16xf32>,
        %get3A_437 = vector.shape_cast %get3A_436 : vector<1x16xf32> to vector<16xf32>
        %add3A_438 = arith.addf %add3A_388, %get3A_437 : vector<16xf32>
        %max3A_439 = arith.maximumf %max3A_389, %get3A_437 : vector<16xf32>
        %get3A_440 = arith.index_cast %scan3A_403 : i32 to index
        %get3A_441 = arith.constant 96 : index
        %get3A_442 = tpu.vector_load %arg9[%get3A_440, %get3A_441] {strides = array<i32>} : memref<40x128xf32, #tpu.memory_space<vmem>>, vector<1x16xf32>,
        %get3A_443 = vector.shape_cast %get3A_442 : vector<1x16xf32> to vector<16xf32>
        %add3A_444 = arith.addf %add3A_394, %get3A_443 : vector<16xf32>
        %max3A_445 = arith.maximumf %max3A_395, %get3A_443 : vector<16xf32>
        %get3A_446 = arith.index_cast %scan3A_403 : i32 to index
        %get3A_447 = arith.constant 112 : index
        %get3A_448 = tpu.vector_load %arg9[%get3A_446, %get3A_447] {strides = array<i32>} : memref<40x128xf32, #tpu.memory_space<vmem>>, vector<1x16xf32>,
        %get3A_449 = vector.shape_cast %get3A_448 : vector<1x16xf32> to vector<16xf32>
        %add3A_450 = arith.addf %add3A_400, %get3A_449 : vector<16xf32>
        %max3A_451 = arith.maximumf %max3A_401, %get3A_449 : vector<16xf32>
        scf.yield %add3A_408, %add3A_414, %add3A_420, %add3A_426, %add3A_432, %add3A_438, %add3A_444, %add3A_450, %max3A_409, %max3A_415, %max3A_421, %max3A_427, %max3A_433, %max3A_439, %max3A_445, %max3A_451 : vector<16xf32>, vector<16xf32>, vector<16xf32>, vector<16xf32>, vector<16xf32>, vector<16xf32>, vector<16xf32>, vector<16xf32>, vector<16xf32>, vector<16xf32>, vector<16xf32>, vector<16xf32>, vector<16xf32>, vector<16xf32>, vector<16xf32>, vector<16xf32>
      }
      %scan3A_212 = arith.constant 40 : i32
      %add3A_213 = arith.constant 1 : i32
      %add3A_214 = arith.addi %scan3A_76, %add3A_213 : i32
      %min3A_215 = arith.constant 31 : i32
      %min3A_216 = arith.minsi %add3A_214, %min3A_215 : i32
      %mul3A_217 = arith.constant 5 : i32
      %mul3A_218 = arith.muli %min3A_216, %mul3A_217 : i32
      %add3A_219 = arith.constant 3 : i32
      %add3A_220 = arith.addi %mul3A_218, %add3A_219 : i32
      %dma_start3A_221 = arith.constant 0 : i32
      %dma_start3A_222 = tpu.memref_slice %arg5[%add3A_220, %dma_start3A_221] : memref<160x40xi32, #tpu.memory_space<vmem>> -> memref<1x40xi32, #tpu.memory_space<vmem>>
      %dma_start3A_223 = tpu.memref_squeeze %dma_start3A_222 : memref<1x40xi32, #tpu.memory_space<vmem>> -> memref<40xi32, #tpu.memory_space<vmem>>
      %dma_start3A_224 = arith.constant 0 : i32
      %dma_start3A_225 = arith.constant 0 : i32
      %dma_start3A_226 = tpu.memref_slice %arg3[%dma_start3A_224, %dma_start3A_225] : memref<100000x128xf32, #tpu.memory_space<hbm>> -> memref<100000x128xf32, #tpu.memory_space<hbm>>
      tpu.enqueue_indirect_dma source(%dma_start3A_226 : memref<100000x128xf32, #tpu.memory_space<hbm>>) target(%arg9 : memref<40x128xf32, #tpu.memory_space<vmem>>) offsets(%dma_start3A_223 : memref<40xi32, #tpu.memory_space<vmem>>) semaphore(%arg15 : memref<!tpu.dma_semaphore, #tpu.memory_space<semaphore_mem>>)
      %mul3A_227 = arith.constant 5 : i32
      %mul3A_228 = arith.muli %scan3A_76, %mul3A_227 : i32
      %add3A_229 = arith.constant 4 : i32
      %add3A_230 = arith.addi %mul3A_228, %add3A_229 : i32
      %dma_wait3A_231 = arith.constant 0 : i32
      %dma_wait3A_232 = tpu.memref_slice %arg5[%add3A_230, %dma_wait3A_231] : memref<160x40xi32, #tpu.memory_space<vmem>> -> memref<1x40xi32, #tpu.memory_space<vmem>>
      %dma_wait3A_233 = tpu.memref_squeeze %dma_wait3A_232 : memref<1x40xi32, #tpu.memory_space<vmem>> -> memref<40xi32, #tpu.memory_space<vmem>>
      %dma_wait3A_234 = arith.constant 0 : i32
      %dma_wait3A_235 = arith.constant 0 : i32
      %dma_wait3A_236 = tpu.memref_slice %arg3[%dma_wait3A_234, %dma_wait3A_235] : memref<100000x128xf32, #tpu.memory_space<hbm>> -> memref<100000x128xf32, #tpu.memory_space<hbm>>
      tpu.wait_indirect_dma semaphore(%arg16 : memref<!tpu.dma_semaphore, #tpu.memory_space<semaphore_mem>>) src(%dma_wait3A_236 : memref<100000x128xf32, #tpu.memory_space<hbm>>) dst(%arg10 : memref<40x128xf32, #tpu.memory_space<vmem>>)
      %scan3A_237 = arith.constant 0 : i32
      %scan3A_238 = arith.constant 40 : i32
      %scan3A_239 = arith.addi %scan3A_237, %scan3A_238 : i32
      %scan3A_240 = arith.constant 2 : i32
      %scan3A_241:16 = scf.for %scan3A_339 = %scan3A_237 to %scan3A_239 step %scan3A_240 iter_args(%scan3A_340 = %scan3A_211#0, %scan3A_341 = %scan3A_211#1, %scan3A_342 = %scan3A_211#2, %scan3A_343 = %scan3A_211#3, %scan3A_344 = %scan3A_211#4, %scan3A_345 = %scan3A_211#5, %scan3A_346 = %scan3A_211#6, %scan3A_347 = %scan3A_211#7, %scan3A_348 = %scan3A_211#8, %scan3A_349 = %scan3A_211#9, %scan3A_350 = %scan3A_211#10, %scan3A_351 = %scan3A_211#11, %scan3A_352 = %scan3A_211#12, %scan3A_353 = %scan3A_211#13, %scan3A_354 = %scan3A_211#14, %scan3A_355 = %scan3A_211#15) -> (vector<16xf32>, vector<16xf32>, vector<16xf32>, vector<16xf32>, vector<16xf32>, vector<16xf32>, vector<16xf32>, vector<16xf32>, vector<16xf32>, vector<16xf32>, vector<16xf32>, vector<16xf32>, vector<16xf32>, vector<16xf32>, vector<16xf32>, vector<16xf32>)  : i32 {
        %get3A = arith.index_cast %scan3A_339 : i32 to index
        %get3A_356 = arith.constant 0 : index
        %get3A_357 = tpu.vector_load %arg10[%get3A, %get3A_356] {strides = array<i32>} : memref<40x128xf32, #tpu.memory_space<vmem>>, vector<1x16xf32>,
        %get3A_358 = vector.shape_cast %get3A_357 : vector<1x16xf32> to vector<16xf32>
        %add3A_359 = arith.addf %scan3A_340, %get3A_358 : vector<16xf32>
        %max3A = arith.maximumf %scan3A_348, %get3A_358 : vector<16xf32>
        %get3A_360 = arith.index_cast %scan3A_339 : i32 to index
        %get3A_361 = arith.constant 16 : index
        %get3A_362 = tpu.vector_load %arg10[%get3A_360, %get3A_361] {strides = array<i32>} : memref<40x128xf32, #tpu.memory_space<vmem>>, vector<1x16xf32>,
        %get3A_363 = vector.shape_cast %get3A_362 : vector<1x16xf32> to vector<16xf32>
        %add3A_364 = arith.addf %scan3A_341, %get3A_363 : vector<16xf32>
        %max3A_365 = arith.maximumf %scan3A_349, %get3A_363 : vector<16xf32>
        %get3A_366 = arith.index_cast %scan3A_339 : i32 to index
        %get3A_367 = arith.constant 32 : index
        %get3A_368 = tpu.vector_load %arg10[%get3A_366, %get3A_367] {strides = array<i32>} : memref<40x128xf32, #tpu.memory_space<vmem>>, vector<1x16xf32>,
        %get3A_369 = vector.shape_cast %get3A_368 : vector<1x16xf32> to vector<16xf32>
        %add3A_370 = arith.addf %scan3A_342, %get3A_369 : vector<16xf32>
        %max3A_371 = arith.maximumf %scan3A_350, %get3A_369 : vector<16xf32>
        %get3A_372 = arith.index_cast %scan3A_339 : i32 to index
        %get3A_373 = arith.constant 48 : index
        %get3A_374 = tpu.vector_load %arg10[%get3A_372, %get3A_373] {strides = array<i32>} : memref<40x128xf32, #tpu.memory_space<vmem>>, vector<1x16xf32>,
        %get3A_375 = vector.shape_cast %get3A_374 : vector<1x16xf32> to vector<16xf32>
        %add3A_376 = arith.addf %scan3A_343, %get3A_375 : vector<16xf32>
        %max3A_377 = arith.maximumf %scan3A_351, %get3A_375 : vector<16xf32>
        %get3A_378 = arith.index_cast %scan3A_339 : i32 to index
        %get3A_379 = arith.constant 64 : index
        %get3A_380 = tpu.vector_load %arg10[%get3A_378, %get3A_379] {strides = array<i32>} : memref<40x128xf32, #tpu.memory_space<vmem>>, vector<1x16xf32>,
        %get3A_381 = vector.shape_cast %get3A_380 : vector<1x16xf32> to vector<16xf32>
        %add3A_382 = arith.addf %scan3A_344, %get3A_381 : vector<16xf32>
        %max3A_383 = arith.maximumf %scan3A_352, %get3A_381 : vector<16xf32>
        %get3A_384 = arith.index_cast %scan3A_339 : i32 to index
        %get3A_385 = arith.constant 80 : index
        %get3A_386 = tpu.vector_load %arg10[%get3A_384, %get3A_385] {strides = array<i32>} : memref<40x128xf32, #tpu.memory_space<vmem>>, vector<1x16xf32>,
        %get3A_387 = vector.shape_cast %get3A_386 : vector<1x16xf32> to vector<16xf32>
        %add3A_388 = arith.addf %scan3A_345, %get3A_387 : vector<16xf32>
        %max3A_389 = arith.maximumf %scan3A_353, %get3A_387 : vector<16xf32>
        %get3A_390 = arith.index_cast %scan3A_339 : i32 to index
        %get3A_391 = arith.constant 96 : index
        %get3A_392 = tpu.vector_load %arg10[%get3A_390, %get3A_391] {strides = array<i32>} : memref<40x128xf32, #tpu.memory_space<vmem>>, vector<1x16xf32>,
        %get3A_393 = vector.shape_cast %get3A_392 : vector<1x16xf32> to vector<16xf32>
        %add3A_394 = arith.addf %scan3A_346, %get3A_393 : vector<16xf32>
        %max3A_395 = arith.maximumf %scan3A_354, %get3A_393 : vector<16xf32>
        %get3A_396 = arith.index_cast %scan3A_339 : i32 to index
        %get3A_397 = arith.constant 112 : index
        %get3A_398 = tpu.vector_load %arg10[%get3A_396, %get3A_397] {strides = array<i32>} : memref<40x128xf32, #tpu.memory_space<vmem>>, vector<1x16xf32>,
        %get3A_399 = vector.shape_cast %get3A_398 : vector<1x16xf32> to vector<16xf32>
        %add3A_400 = arith.addf %scan3A_347, %get3A_399 : vector<16xf32>
        %max3A_401 = arith.maximumf %scan3A_355, %get3A_399 : vector<16xf32>
        %scan3A_402 = arith.constant 1 : i32
        %scan3A_403 = arith.addi %scan3A_339, %scan3A_402 : i32
        %get3A_404 = arith.index_cast %scan3A_403 : i32 to index
        %get3A_405 = arith.constant 0 : index
        %get3A_406 = tpu.vector_load %arg10[%get3A_404, %get3A_405] {strides = array<i32>} : memref<40x128xf32, #tpu.memory_space<vmem>>, vector<1x16xf32>,
        %get3A_407 = vector.shape_cast %get3A_406 : vector<1x16xf32> to vector<16xf32>
        %add3A_408 = arith.addf %add3A_359, %get3A_407 : vector<16xf32>
        %max3A_409 = arith.maximumf %max3A, %get3A_407 : vector<16xf32>
        %get3A_410 = arith.index_cast %scan3A_403 : i32 to index
        %get3A_411 = arith.constant 16 : index
        %get3A_412 = tpu.vector_load %arg10[%get3A_410, %get3A_411] {strides = array<i32>} : memref<40x128xf32, #tpu.memory_space<vmem>>, vector<1x16xf32>,
        %get3A_413 = vector.shape_cast %get3A_412 : vector<1x16xf32> to vector<16xf32>
        %add3A_414 = arith.addf %add3A_364, %get3A_413 : vector<16xf32>
        %max3A_415 = arith.maximumf %max3A_365, %get3A_413 : vector<16xf32>
        %get3A_416 = arith.index_cast %scan3A_403 : i32 to index
        %get3A_417 = arith.constant 32 : index
        %get3A_418 = tpu.vector_load %arg10[%get3A_416, %get3A_417] {strides = array<i32>} : memref<40x128xf32, #tpu.memory_space<vmem>>, vector<1x16xf32>,
        %get3A_419 = vector.shape_cast %get3A_418 : vector<1x16xf32> to vector<16xf32>
        %add3A_420 = arith.addf %add3A_370, %get3A_419 : vector<16xf32>
        %max3A_421 = arith.maximumf %max3A_371, %get3A_419 : vector<16xf32>
        %get3A_422 = arith.index_cast %scan3A_403 : i32 to index
        %get3A_423 = arith.constant 48 : index
        %get3A_424 = tpu.vector_load %arg10[%get3A_422, %get3A_423] {strides = array<i32>} : memref<40x128xf32, #tpu.memory_space<vmem>>, vector<1x16xf32>,
        %get3A_425 = vector.shape_cast %get3A_424 : vector<1x16xf32> to vector<16xf32>
        %add3A_426 = arith.addf %add3A_376, %get3A_425 : vector<16xf32>
        %max3A_427 = arith.maximumf %max3A_377, %get3A_425 : vector<16xf32>
        %get3A_428 = arith.index_cast %scan3A_403 : i32 to index
        %get3A_429 = arith.constant 64 : index
        %get3A_430 = tpu.vector_load %arg10[%get3A_428, %get3A_429] {strides = array<i32>} : memref<40x128xf32, #tpu.memory_space<vmem>>, vector<1x16xf32>,
        %get3A_431 = vector.shape_cast %get3A_430 : vector<1x16xf32> to vector<16xf32>
        %add3A_432 = arith.addf %add3A_382, %get3A_431 : vector<16xf32>
        %max3A_433 = arith.maximumf %max3A_383, %get3A_431 : vector<16xf32>
        %get3A_434 = arith.index_cast %scan3A_403 : i32 to index
        %get3A_435 = arith.constant 80 : index
        %get3A_436 = tpu.vector_load %arg10[%get3A_434, %get3A_435] {strides = array<i32>} : memref<40x128xf32, #tpu.memory_space<vmem>>, vector<1x16xf32>,
        %get3A_437 = vector.shape_cast %get3A_436 : vector<1x16xf32> to vector<16xf32>
        %add3A_438 = arith.addf %add3A_388, %get3A_437 : vector<16xf32>
        %max3A_439 = arith.maximumf %max3A_389, %get3A_437 : vector<16xf32>
        %get3A_440 = arith.index_cast %scan3A_403 : i32 to index
        %get3A_441 = arith.constant 96 : index
        %get3A_442 = tpu.vector_load %arg10[%get3A_440, %get3A_441] {strides = array<i32>} : memref<40x128xf32, #tpu.memory_space<vmem>>, vector<1x16xf32>,
        %get3A_443 = vector.shape_cast %get3A_442 : vector<1x16xf32> to vector<16xf32>
        %add3A_444 = arith.addf %add3A_394, %get3A_443 : vector<16xf32>
        %max3A_445 = arith.maximumf %max3A_395, %get3A_443 : vector<16xf32>
        %get3A_446 = arith.index_cast %scan3A_403 : i32 to index
        %get3A_447 = arith.constant 112 : index
        %get3A_448 = tpu.vector_load %arg10[%get3A_446, %get3A_447] {strides = array<i32>} : memref<40x128xf32, #tpu.memory_space<vmem>>, vector<1x16xf32>,
        %get3A_449 = vector.shape_cast %get3A_448 : vector<1x16xf32> to vector<16xf32>
        %add3A_450 = arith.addf %add3A_400, %get3A_449 : vector<16xf32>
        %max3A_451 = arith.maximumf %max3A_401, %get3A_449 : vector<16xf32>
        scf.yield %add3A_408, %add3A_414, %add3A_420, %add3A_426, %add3A_432, %add3A_438, %add3A_444, %add3A_450, %max3A_409, %max3A_415, %max3A_421, %max3A_427, %max3A_433, %max3A_439, %max3A_445, %max3A_451 : vector<16xf32>, vector<16xf32>, vector<16xf32>, vector<16xf32>, vector<16xf32>, vector<16xf32>, vector<16xf32>, vector<16xf32>, vector<16xf32>, vector<16xf32>, vector<16xf32>, vector<16xf32>, vector<16xf32>, vector<16xf32>, vector<16xf32>, vector<16xf32>
      }
      %scan3A_242 = arith.constant 40 : i32
      %add3A_243 = arith.constant 1 : i32
      %add3A_244 = arith.addi %scan3A_76, %add3A_243 : i32
      %min3A_245 = arith.constant 31 : i32
      %min3A_246 = arith.minsi %add3A_244, %min3A_245 : i32
      %mul3A_247 = arith.constant 5 : i32
      %mul3A_248 = arith.muli %min3A_246, %mul3A_247 : i32
      %add3A_249 = arith.constant 4 : i32
      %add3A_250 = arith.addi %mul3A_248, %add3A_249 : i32
      %dma_start3A_251 = arith.constant 0 : i32
      %dma_start3A_252 = tpu.memref_slice %arg5[%add3A_250, %dma_start3A_251] : memref<160x40xi32, #tpu.memory_space<vmem>> -> memref<1x40xi32, #tpu.memory_space<vmem>>
      %dma_start3A_253 = tpu.memref_squeeze %dma_start3A_252 : memref<1x40xi32, #tpu.memory_space<vmem>> -> memref<40xi32, #tpu.memory_space<vmem>>
      %dma_start3A_254 = arith.constant 0 : i32
      %dma_start3A_255 = arith.constant 0 : i32
      %dma_start3A_256 = tpu.memref_slice %arg3[%dma_start3A_254, %dma_start3A_255] : memref<100000x128xf32, #tpu.memory_space<hbm>> -> memref<100000x128xf32, #tpu.memory_space<hbm>>
      tpu.enqueue_indirect_dma source(%dma_start3A_256 : memref<100000x128xf32, #tpu.memory_space<hbm>>) target(%arg10 : memref<40x128xf32, #tpu.memory_space<vmem>>) offsets(%dma_start3A_253 : memref<40xi32, #tpu.memory_space<vmem>>) semaphore(%arg16 : memref<!tpu.dma_semaphore, #tpu.memory_space<semaphore_mem>>)
      %mul3A_257 = vector.broadcast %scan3A : f32 to vector<16xf32>
      %mul3A_258 = arith.mulf %scan3A_241#0, %mul3A_257 : vector<16xf32>
      %swap3A = arith.constant 0 : index
      %swap3A_259 = tpu.vector_load %arg11[%swap3A] {strides = array<i32>} : memref<256xf32, #tpu.memory_space<vmem>>, vector<16xf32>,
      %swap3A_260 = vector.shape_cast %swap3A_259 : vector<16xf32> to vector<16xf32>
      %swap3A_261 = vector.shape_cast %mul3A_258 : vector<16xf32> to vector<16xf32>
      tpu.vector_store %arg11[%swap3A], %swap3A_261 {strides = array<i32>} : memref<256xf32, #tpu.memory_space<vmem>>, vector<16xf32>,
      %swap3A_262 = arith.constant 128 : index
      %swap3A_263 = tpu.vector_load %arg11[%swap3A_262] {strides = array<i32>} : memref<256xf32, #tpu.memory_space<vmem>>, vector<16xf32>,
      %swap3A_264 = vector.shape_cast %swap3A_263 : vector<16xf32> to vector<16xf32>
      %swap3A_265 = vector.shape_cast %scan3A_241#8 : vector<16xf32> to vector<16xf32>
      tpu.vector_store %arg11[%swap3A_262], %swap3A_265 {strides = array<i32>} : memref<256xf32, #tpu.memory_space<vmem>>, vector<16xf32>,
      %mul3A_266 = vector.broadcast %scan3A : f32 to vector<16xf32>
      %mul3A_267 = arith.mulf %scan3A_241#1, %mul3A_266 : vector<16xf32>
      %swap3A_268 = arith.constant 16 : index
      %swap3A_269 = tpu.vector_load %arg11[%swap3A_268] {strides = array<i32>} : memref<256xf32, #tpu.memory_space<vmem>>, vector<16xf32>,
      %swap3A_270 = vector.shape_cast %swap3A_269 : vector<16xf32> to vector<16xf32>
      %swap3A_271 = vector.shape_cast %mul3A_267 : vector<16xf32> to vector<16xf32>
      tpu.vector_store %arg11[%swap3A_268], %swap3A_271 {strides = array<i32>} : memref<256xf32, #tpu.memory_space<vmem>>, vector<16xf32>,
      %swap3A_272 = arith.constant 144 : index
      %swap3A_273 = tpu.vector_load %arg11[%swap3A_272] {strides = array<i32>} : memref<256xf32, #tpu.memory_space<vmem>>, vector<16xf32>,
      %swap3A_274 = vector.shape_cast %swap3A_273 : vector<16xf32> to vector<16xf32>
      %swap3A_275 = vector.shape_cast %scan3A_241#9 : vector<16xf32> to vector<16xf32>
      tpu.vector_store %arg11[%swap3A_272], %swap3A_275 {strides = array<i32>} : memref<256xf32, #tpu.memory_space<vmem>>, vector<16xf32>,
      %mul3A_276 = vector.broadcast %scan3A : f32 to vector<16xf32>
      %mul3A_277 = arith.mulf %scan3A_241#2, %mul3A_276 : vector<16xf32>
      %swap3A_278 = arith.constant 32 : index
      %swap3A_279 = tpu.vector_load %arg11[%swap3A_278] {strides = array<i32>} : memref<256xf32, #tpu.memory_space<vmem>>, vector<16xf32>,
      %swap3A_280 = vector.shape_cast %swap3A_279 : vector<16xf32> to vector<16xf32>
      %swap3A_281 = vector.shape_cast %mul3A_277 : vector<16xf32> to vector<16xf32>
      tpu.vector_store %arg11[%swap3A_278], %swap3A_281 {strides = array<i32>} : memref<256xf32, #tpu.memory_space<vmem>>, vector<16xf32>,
      %swap3A_282 = arith.constant 160 : index
      %swap3A_283 = tpu.vector_load %arg11[%swap3A_282] {strides = array<i32>} : memref<256xf32, #tpu.memory_space<vmem>>, vector<16xf32>,
      %swap3A_284 = vector.shape_cast %swap3A_283 : vector<16xf32> to vector<16xf32>
      %swap3A_285 = vector.shape_cast %scan3A_241#10 : vector<16xf32> to vector<16xf32>
      tpu.vector_store %arg11[%swap3A_282], %swap3A_285 {strides = array<i32>} : memref<256xf32, #tpu.memory_space<vmem>>, vector<16xf32>,
      %mul3A_286 = vector.broadcast %scan3A : f32 to vector<16xf32>
      %mul3A_287 = arith.mulf %scan3A_241#3, %mul3A_286 : vector<16xf32>
      %swap3A_288 = arith.constant 48 : index
      %swap3A_289 = tpu.vector_load %arg11[%swap3A_288] {strides = array<i32>} : memref<256xf32, #tpu.memory_space<vmem>>, vector<16xf32>,
      %swap3A_290 = vector.shape_cast %swap3A_289 : vector<16xf32> to vector<16xf32>
      %swap3A_291 = vector.shape_cast %mul3A_287 : vector<16xf32> to vector<16xf32>
      tpu.vector_store %arg11[%swap3A_288], %swap3A_291 {strides = array<i32>} : memref<256xf32, #tpu.memory_space<vmem>>, vector<16xf32>,
      %swap3A_292 = arith.constant 176 : index
      %swap3A_293 = tpu.vector_load %arg11[%swap3A_292] {strides = array<i32>} : memref<256xf32, #tpu.memory_space<vmem>>, vector<16xf32>,
      %swap3A_294 = vector.shape_cast %swap3A_293 : vector<16xf32> to vector<16xf32>
      %swap3A_295 = vector.shape_cast %scan3A_241#11 : vector<16xf32> to vector<16xf32>
      tpu.vector_store %arg11[%swap3A_292], %swap3A_295 {strides = array<i32>} : memref<256xf32, #tpu.memory_space<vmem>>, vector<16xf32>,
      %mul3A_296 = vector.broadcast %scan3A : f32 to vector<16xf32>
      %mul3A_297 = arith.mulf %scan3A_241#4, %mul3A_296 : vector<16xf32>
      %swap3A_298 = arith.constant 64 : index
      %swap3A_299 = tpu.vector_load %arg11[%swap3A_298] {strides = array<i32>} : memref<256xf32, #tpu.memory_space<vmem>>, vector<16xf32>,
      %swap3A_300 = vector.shape_cast %swap3A_299 : vector<16xf32> to vector<16xf32>
      %swap3A_301 = vector.shape_cast %mul3A_297 : vector<16xf32> to vector<16xf32>
      tpu.vector_store %arg11[%swap3A_298], %swap3A_301 {strides = array<i32>} : memref<256xf32, #tpu.memory_space<vmem>>, vector<16xf32>,
      %swap3A_302 = arith.constant 192 : index
      %swap3A_303 = tpu.vector_load %arg11[%swap3A_302] {strides = array<i32>} : memref<256xf32, #tpu.memory_space<vmem>>, vector<16xf32>,
      %swap3A_304 = vector.shape_cast %swap3A_303 : vector<16xf32> to vector<16xf32>
      %swap3A_305 = vector.shape_cast %scan3A_241#12 : vector<16xf32> to vector<16xf32>
      tpu.vector_store %arg11[%swap3A_302], %swap3A_305 {strides = array<i32>} : memref<256xf32, #tpu.memory_space<vmem>>, vector<16xf32>,
      %mul3A_306 = vector.broadcast %scan3A : f32 to vector<16xf32>
      %mul3A_307 = arith.mulf %scan3A_241#5, %mul3A_306 : vector<16xf32>
      %swap3A_308 = arith.constant 80 : index
      %swap3A_309 = tpu.vector_load %arg11[%swap3A_308] {strides = array<i32>} : memref<256xf32, #tpu.memory_space<vmem>>, vector<16xf32>,
      %swap3A_310 = vector.shape_cast %swap3A_309 : vector<16xf32> to vector<16xf32>
      %swap3A_311 = vector.shape_cast %mul3A_307 : vector<16xf32> to vector<16xf32>
      tpu.vector_store %arg11[%swap3A_308], %swap3A_311 {strides = array<i32>} : memref<256xf32, #tpu.memory_space<vmem>>, vector<16xf32>,
      %swap3A_312 = arith.constant 208 : index
      %swap3A_313 = tpu.vector_load %arg11[%swap3A_312] {strides = array<i32>} : memref<256xf32, #tpu.memory_space<vmem>>, vector<16xf32>,
      %swap3A_314 = vector.shape_cast %swap3A_313 : vector<16xf32> to vector<16xf32>
      %swap3A_315 = vector.shape_cast %scan3A_241#13 : vector<16xf32> to vector<16xf32>
      tpu.vector_store %arg11[%swap3A_312], %swap3A_315 {strides = array<i32>} : memref<256xf32, #tpu.memory_space<vmem>>, vector<16xf32>,
      %mul3A_316 = vector.broadcast %scan3A : f32 to vector<16xf32>
      %mul3A_317 = arith.mulf %scan3A_241#6, %mul3A_316 : vector<16xf32>
      %swap3A_318 = arith.constant 96 : index
      %swap3A_319 = tpu.vector_load %arg11[%swap3A_318] {strides = array<i32>} : memref<256xf32, #tpu.memory_space<vmem>>, vector<16xf32>,
      %swap3A_320 = vector.shape_cast %swap3A_319 : vector<16xf32> to vector<16xf32>
      %swap3A_321 = vector.shape_cast %mul3A_317 : vector<16xf32> to vector<16xf32>
      tpu.vector_store %arg11[%swap3A_318], %swap3A_321 {strides = array<i32>} : memref<256xf32, #tpu.memory_space<vmem>>, vector<16xf32>,
      %swap3A_322 = arith.constant 224 : index
      %swap3A_323 = tpu.vector_load %arg11[%swap3A_322] {strides = array<i32>} : memref<256xf32, #tpu.memory_space<vmem>>, vector<16xf32>,
      %swap3A_324 = vector.shape_cast %swap3A_323 : vector<16xf32> to vector<16xf32>
      %swap3A_325 = vector.shape_cast %scan3A_241#14 : vector<16xf32> to vector<16xf32>
      tpu.vector_store %arg11[%swap3A_322], %swap3A_325 {strides = array<i32>} : memref<256xf32, #tpu.memory_space<vmem>>, vector<16xf32>,
      %mul3A_326 = vector.broadcast %scan3A : f32 to vector<16xf32>
      %mul3A_327 = arith.mulf %scan3A_241#7, %mul3A_326 : vector<16xf32>
      %swap3A_328 = arith.constant 112 : index
      %swap3A_329 = tpu.vector_load %arg11[%swap3A_328] {strides = array<i32>} : memref<256xf32, #tpu.memory_space<vmem>>, vector<16xf32>,
      %swap3A_330 = vector.shape_cast %swap3A_329 : vector<16xf32> to vector<16xf32>
      %swap3A_331 = vector.shape_cast %mul3A_327 : vector<16xf32> to vector<16xf32>
      tpu.vector_store %arg11[%swap3A_328], %swap3A_331 {strides = array<i32>} : memref<256xf32, #tpu.memory_space<vmem>>, vector<16xf32>,
      %swap3A_332 = arith.constant 240 : index
      %swap3A_333 = tpu.vector_load %arg11[%swap3A_332] {strides = array<i32>} : memref<256xf32, #tpu.memory_space<vmem>>, vector<16xf32>,
      %swap3A_334 = vector.shape_cast %swap3A_333 : vector<16xf32> to vector<16xf32>
      %swap3A_335 = vector.shape_cast %scan3A_241#15 : vector<16xf32> to vector<16xf32>
      tpu.vector_store %arg11[%swap3A_332], %swap3A_335 {strides = array<i32>} : memref<256xf32, #tpu.memory_space<vmem>>, vector<16xf32>,
      %mul3A_336 = arith.constant 32 : i32
      %mul3A_337 = arith.muli %add3A, %mul3A_336 : i32
      %add3A_338 = arith.addi %mul3A_337, %scan3A_76 : i32
      "tpu.region"() ({
        %run_scoped3A = tpu.sem_alloc : memref<!tpu.dma_semaphore, #tpu.memory_space<semaphore_mem>>
        %dma_start3A_339 = arith.constant 0 : i32
        %dma_start3A_340 = tpu.memref_slice %arg4[%add3A_338, %dma_start3A_339] : memref<1024x256xf32, #tpu.memory_space<hbm>> -> memref<1x256xf32, #tpu.memory_space<hbm>>
        %dma_start3A_341 = tpu.memref_squeeze %dma_start3A_340 : memref<1x256xf32, #tpu.memory_space<hbm>> -> memref<256xf32, #tpu.memory_space<hbm>>
        %dma_start3A_342 = arith.constant 0 : i32
        %dma_start3A_343 = tpu.memref_slice %arg4[%add3A_338, %dma_start3A_342] : memref<1024x256xf32, #tpu.memory_space<hbm>> -> memref<1x256xf32, #tpu.memory_space<hbm>>
        %dma_start3A_344 = tpu.memref_squeeze %dma_start3A_343 : memref<1x256xf32, #tpu.memory_space<hbm>> -> memref<256xf32, #tpu.memory_space<hbm>>
        tpu.enqueue_dma source(%arg11 : memref<256xf32, #tpu.memory_space<vmem>>) target(%dma_start3A_344 : memref<256xf32, #tpu.memory_space<hbm>>) target_semaphore(%run_scoped3A : memref<!tpu.dma_semaphore, #tpu.memory_space<semaphore_mem>>)
        %dma_wait3A_345 = arith.constant 0 : i32
        %dma_wait3A_346 = tpu.memref_slice %arg4[%add3A_338, %dma_wait3A_345] : memref<1024x256xf32, #tpu.memory_space<hbm>> -> memref<1x256xf32, #tpu.memory_space<hbm>>
        %dma_wait3A_347 = tpu.memref_squeeze %dma_wait3A_346 : memref<1x256xf32, #tpu.memory_space<hbm>> -> memref<256xf32, #tpu.memory_space<hbm>>
        %dma_wait3A_348 = arith.constant 0 : i32
        %dma_wait3A_349 = tpu.memref_slice %arg4[%add3A_338, %dma_wait3A_348] : memref<1024x256xf32, #tpu.memory_space<hbm>> -> memref<1x256xf32, #tpu.memory_space<hbm>>
        %dma_wait3A_350 = tpu.memref_squeeze %dma_wait3A_349 : memref<1x256xf32, #tpu.memory_space<hbm>> -> memref<256xf32, #tpu.memory_space<hbm>>
        tpu.wait_dma2 semaphore(%run_scoped3A : memref<!tpu.dma_semaphore, #tpu.memory_space<semaphore_mem>>) src(%arg11 : memref<256xf32, #tpu.memory_space<vmem>>) dst(%dma_wait3A_350 : memref<256xf32, #tpu.memory_space<hbm>>)
        tpu.yield
      }) : () -> ()
    }
    %scan3A_41 = arith.constant 32 : i32
    %dma_wait3A = arith.constant 155 : i32
    %dma_wait3A_42 = arith.constant 0 : i32
    %dma_wait3A_43 = tpu.memref_slice %arg5[%dma_wait3A, %dma_wait3A_42] : memref<160x40xi32, #tpu.memory_space<vmem>> -> memref<1x40xi32, #tpu.memory_space<vmem>>
    %dma_wait3A_44 = tpu.memref_squeeze %dma_wait3A_43 : memref<1x40xi32, #tpu.memory_space<vmem>> -> memref<40xi32, #tpu.memory_space<vmem>>
    %dma_wait3A_45 = arith.constant 0 : i32
    %dma_wait3A_46 = arith.constant 0 : i32
    %dma_wait3A_47 = tpu.memref_slice %arg3[%dma_wait3A_45, %dma_wait3A_46] : memref<100000x128xf32, #tpu.memory_space<hbm>> -> memref<100000x128xf32, #tpu.memory_space<hbm>>
    tpu.wait_indirect_dma semaphore(%arg12 : memref<!tpu.dma_semaphore, #tpu.memory_space<semaphore_mem>>) src(%dma_wait3A_47 : memref<100000x128xf32, #tpu.memory_space<hbm>>) dst(%arg6 : memref<40x128xf32, #tpu.memory_space<vmem>>)
    %dma_wait3A_48 = arith.constant 156 : i32
    %dma_wait3A_49 = arith.constant 0 : i32
    %dma_wait3A_50 = tpu.memref_slice %arg5[%dma_wait3A_48, %dma_wait3A_49] : memref<160x40xi32, #tpu.memory_space<vmem>> -> memref<1x40xi32, #tpu.memory_space<vmem>>
    %dma_wait3A_51 = tpu.memref_squeeze %dma_wait3A_50 : memref<1x40xi32, #tpu.memory_space<vmem>> -> memref<40xi32, #tpu.memory_space<vmem>>
    %dma_wait3A_52 = arith.constant 0 : i32
    %dma_wait3A_53 = arith.constant 0 : i32
    %dma_wait3A_54 = tpu.memref_slice %arg3[%dma_wait3A_52, %dma_wait3A_53] : memref<100000x128xf32, #tpu.memory_space<hbm>> -> memref<100000x128xf32, #tpu.memory_space<hbm>>
    tpu.wait_indirect_dma semaphore(%arg13 : memref<!tpu.dma_semaphore, #tpu.memory_space<semaphore_mem>>) src(%dma_wait3A_54 : memref<100000x128xf32, #tpu.memory_space<hbm>>) dst(%arg7 : memref<40x128xf32, #tpu.memory_space<vmem>>)
    %dma_wait3A_55 = arith.constant 157 : i32
    %dma_wait3A_56 = arith.constant 0 : i32
    %dma_wait3A_57 = tpu.memref_slice %arg5[%dma_wait3A_55, %dma_wait3A_56] : memref<160x40xi32, #tpu.memory_space<vmem>> -> memref<1x40xi32, #tpu.memory_space<vmem>>
    %dma_wait3A_58 = tpu.memref_squeeze %dma_wait3A_57 : memref<1x40xi32, #tpu.memory_space<vmem>> -> memref<40xi32, #tpu.memory_space<vmem>>
    %dma_wait3A_59 = arith.constant 0 : i32
    %dma_wait3A_60 = arith.constant 0 : i32
    %dma_wait3A_61 = tpu.memref_slice %arg3[%dma_wait3A_59, %dma_wait3A_60] : memref<100000x128xf32, #tpu.memory_space<hbm>> -> memref<100000x128xf32, #tpu.memory_space<hbm>>
    tpu.wait_indirect_dma semaphore(%arg14 : memref<!tpu.dma_semaphore, #tpu.memory_space<semaphore_mem>>) src(%dma_wait3A_61 : memref<100000x128xf32, #tpu.memory_space<hbm>>) dst(%arg8 : memref<40x128xf32, #tpu.memory_space<vmem>>)
    %dma_wait3A_62 = arith.constant 158 : i32
    %dma_wait3A_63 = arith.constant 0 : i32
    %dma_wait3A_64 = tpu.memref_slice %arg5[%dma_wait3A_62, %dma_wait3A_63] : memref<160x40xi32, #tpu.memory_space<vmem>> -> memref<1x40xi32, #tpu.memory_space<vmem>>
    %dma_wait3A_65 = tpu.memref_squeeze %dma_wait3A_64 : memref<1x40xi32, #tpu.memory_space<vmem>> -> memref<40xi32, #tpu.memory_space<vmem>>
    %dma_wait3A_66 = arith.constant 0 : i32
    %dma_wait3A_67 = arith.constant 0 : i32
    %dma_wait3A_68 = tpu.memref_slice %arg3[%dma_wait3A_66, %dma_wait3A_67] : memref<100000x128xf32, #tpu.memory_space<hbm>> -> memref<100000x128xf32, #tpu.memory_space<hbm>>
    tpu.wait_indirect_dma semaphore(%arg15 : memref<!tpu.dma_semaphore, #tpu.memory_space<semaphore_mem>>) src(%dma_wait3A_68 : memref<100000x128xf32, #tpu.memory_space<hbm>>) dst(%arg9 : memref<40x128xf32, #tpu.memory_space<vmem>>)
    %dma_wait3A_69 = arith.constant 159 : i32
    %dma_wait3A_70 = arith.constant 0 : i32
    %dma_wait3A_71 = tpu.memref_slice %arg5[%dma_wait3A_69, %dma_wait3A_70] : memref<160x40xi32, #tpu.memory_space<vmem>> -> memref<1x40xi32, #tpu.memory_space<vmem>>
    %dma_wait3A_72 = tpu.memref_squeeze %dma_wait3A_71 : memref<1x40xi32, #tpu.memory_space<vmem>> -> memref<40xi32, #tpu.memory_space<vmem>>
    %dma_wait3A_73 = arith.constant 0 : i32
    %dma_wait3A_74 = arith.constant 0 : i32
    %dma_wait3A_75 = tpu.memref_slice %arg3[%dma_wait3A_73, %dma_wait3A_74] : memref<100000x128xf32, #tpu.memory_space<hbm>> -> memref<100000x128xf32, #tpu.memory_space<hbm>>
    tpu.wait_indirect_dma semaphore(%arg16 : memref<!tpu.dma_semaphore, #tpu.memory_space<semaphore_mem>>) src(%dma_wait3A_75 : memref<100000x128xf32, #tpu.memory_space<hbm>>) dst(%arg10 : memref<40x128xf32, #tpu.memory_space<vmem>>)
    return
  }
}

#map = affine_map<(d0, d1) -> (0, 0)>
module attributes {stable_mosaic.version = 14 : i64} {
  func.func @body(%arg0: i32, %arg1: i32, %arg2: memref<5120x40xi32, #tpu.memory_space<hbm>>, %arg3: memref<100000x128xf32, #tpu.memory_space<hbm>>, %arg4: memref<1024x88xf32, #tpu.memory_space<hbm>>, %arg5: memref<160x40xi32, #tpu.memory_space<vmem>>, %arg6: memref<40x128xf32, #tpu.memory_space<vmem>>, %arg7: memref<40x128xf32, #tpu.memory_space<vmem>>, %arg8: memref<40x128xf32, #tpu.memory_space<vmem>>, %arg9: memref<40x128xf32, #tpu.memory_space<vmem>>, %arg10: memref<40x128xf32, #tpu.memory_space<vmem>>, %arg11: memref<88xf32, #tpu.memory_space<vmem>>, %arg12: memref<!tpu.dma_semaphore, #tpu.memory_space<semaphore_mem>>, %arg13: memref<!tpu.dma_semaphore, #tpu.memory_space<semaphore_mem>>, %arg14: memref<!tpu.dma_semaphore, #tpu.memory_space<semaphore_mem>>, %arg15: memref<!tpu.dma_semaphore, #tpu.memory_space<semaphore_mem>>, %arg16: memref<!tpu.dma_semaphore, #tpu.memory_space<semaphore_mem>>) attributes {dimension_semantics = [#tpu.dimension_semantics<core_parallel>, #tpu.dimension_semantics<subcore_parallel>], iteration_bounds = array<i64: 2, 16>, scalar_prefetch = 0 : i64, scratch_operands = 12 : i64, tpu.core_type = #tpu.core_type<sc_vector_subcore>, window_params = [{transform_indices = #map}, {transform_indices = #map}, {transform_indices = #map}]} {
    %mul3A = arith.constant 2 : i32
    %mul3A_0 = arith.muli %arg1, %mul3A : i32
    %add3A = arith.addi %mul3A_0, %arg0 : i32
    %mul3A_1 = arith.constant 160 : i32
    %mul3A_2 = arith.muli %add3A, %mul3A_1 : i32
    "tpu.region"() ({
      %run_scoped3A = tpu.sem_alloc : memref<!tpu.dma_semaphore, #tpu.memory_space<semaphore_mem>>
      %dma_start3A_76 = arith.constant 0 : i32
      %dma_start3A_77 = tpu.memref_slice %arg2[%mul3A_2, %dma_start3A_76] : memref<5120x40xi32, #tpu.memory_space<hbm>> -> memref<160x40xi32, #tpu.memory_space<hbm>>
      %dma_start3A_78 = arith.constant 0 : i32
      %dma_start3A_79 = tpu.memref_slice %arg2[%mul3A_2, %dma_start3A_78] : memref<5120x40xi32, #tpu.memory_space<hbm>> -> memref<160x40xi32, #tpu.memory_space<hbm>>
      tpu.enqueue_dma source(%dma_start3A_79 : memref<160x40xi32, #tpu.memory_space<hbm>>) target(%arg5 : memref<160x40xi32, #tpu.memory_space<vmem>>) target_semaphore(%run_scoped3A : memref<!tpu.dma_semaphore, #tpu.memory_space<semaphore_mem>>)
      %dma_wait3A_80 = arith.constant 0 : i32
      %dma_wait3A_81 = tpu.memref_slice %arg2[%mul3A_2, %dma_wait3A_80] : memref<5120x40xi32, #tpu.memory_space<hbm>> -> memref<160x40xi32, #tpu.memory_space<hbm>>
      %dma_wait3A_82 = arith.constant 0 : i32
      %dma_wait3A_83 = tpu.memref_slice %arg2[%mul3A_2, %dma_wait3A_82] : memref<5120x40xi32, #tpu.memory_space<hbm>> -> memref<160x40xi32, #tpu.memory_space<hbm>>
      tpu.wait_dma2 semaphore(%run_scoped3A : memref<!tpu.dma_semaphore, #tpu.memory_space<semaphore_mem>>) src(%dma_wait3A_83 : memref<160x40xi32, #tpu.memory_space<hbm>>) dst(%arg5 : memref<160x40xi32, #tpu.memory_space<vmem>>)
      tpu.yield
    }) : () -> ()
    %dma_start3A = arith.constant 0 : i32
    %dma_start3A_3 = arith.constant 0 : i32
    %dma_start3A_4 = tpu.memref_slice %arg5[%dma_start3A, %dma_start3A_3] : memref<160x40xi32, #tpu.memory_space<vmem>> -> memref<1x40xi32, #tpu.memory_space<vmem>>
    %dma_start3A_5 = tpu.memref_squeeze %dma_start3A_4 : memref<1x40xi32, #tpu.memory_space<vmem>> -> memref<40xi32, #tpu.memory_space<vmem>>
    %dma_start3A_6 = arith.constant 0 : i32
    %dma_start3A_7 = arith.constant 0 : i32
    %dma_start3A_8 = tpu.memref_slice %arg3[%dma_start3A_6, %dma_start3A_7] : memref<100000x128xf32, #tpu.memory_space<hbm>> -> memref<100000x128xf32, #tpu.memory_space<hbm>>
    tpu.enqueue_indirect_dma source(%dma_start3A_8 : memref<100000x128xf32, #tpu.memory_space<hbm>>) target(%arg6 : memref<40x128xf32, #tpu.memory_space<vmem>>) offsets(%dma_start3A_5 : memref<40xi32, #tpu.memory_space<vmem>>) semaphore(%arg12 : memref<!tpu.dma_semaphore, #tpu.memory_space<semaphore_mem>>)
    %dma_start3A_9 = arith.constant 1 : i32
    %dma_start3A_10 = arith.constant 0 : i32
    %dma_start3A_11 = tpu.memref_slice %arg5[%dma_start3A_9, %dma_start3A_10] : memref<160x40xi32, #tpu.memory_space<vmem>> -> memref<1x40xi32, #tpu.memory_space<vmem>>
    %dma_start3A_12 = tpu.memref_squeeze %dma_start3A_11 : memref<1x40xi32, #tpu.memory_space<vmem>> -> memref<40xi32, #tpu.memory_space<vmem>>
    %dma_start3A_13 = arith.constant 0 : i32
    %dma_start3A_14 = arith.constant 0 : i32
    %dma_start3A_15 = tpu.memref_slice %arg3[%dma_start3A_13, %dma_start3A_14] : memref<100000x128xf32, #tpu.memory_space<hbm>> -> memref<100000x128xf32, #tpu.memory_space<hbm>>
    tpu.enqueue_indirect_dma source(%dma_start3A_15 : memref<100000x128xf32, #tpu.memory_space<hbm>>) target(%arg7 : memref<40x128xf32, #tpu.memory_space<vmem>>) offsets(%dma_start3A_12 : memref<40xi32, #tpu.memory_space<vmem>>) semaphore(%arg13 : memref<!tpu.dma_semaphore, #tpu.memory_space<semaphore_mem>>)
    %dma_start3A_16 = arith.constant 2 : i32
    %dma_start3A_17 = arith.constant 0 : i32
    %dma_start3A_18 = tpu.memref_slice %arg5[%dma_start3A_16, %dma_start3A_17] : memref<160x40xi32, #tpu.memory_space<vmem>> -> memref<1x40xi32, #tpu.memory_space<vmem>>
    %dma_start3A_19 = tpu.memref_squeeze %dma_start3A_18 : memref<1x40xi32, #tpu.memory_space<vmem>> -> memref<40xi32, #tpu.memory_space<vmem>>
    %dma_start3A_20 = arith.constant 0 : i32
    %dma_start3A_21 = arith.constant 0 : i32
    %dma_start3A_22 = tpu.memref_slice %arg3[%dma_start3A_20, %dma_start3A_21] : memref<100000x128xf32, #tpu.memory_space<hbm>> -> memref<100000x128xf32, #tpu.memory_space<hbm>>
    tpu.enqueue_indirect_dma source(%dma_start3A_22 : memref<100000x128xf32, #tpu.memory_space<hbm>>) target(%arg8 : memref<40x128xf32, #tpu.memory_space<vmem>>) offsets(%dma_start3A_19 : memref<40xi32, #tpu.memory_space<vmem>>) semaphore(%arg14 : memref<!tpu.dma_semaphore, #tpu.memory_space<semaphore_mem>>)
    %dma_start3A_23 = arith.constant 3 : i32
    %dma_start3A_24 = arith.constant 0 : i32
    %dma_start3A_25 = tpu.memref_slice %arg5[%dma_start3A_23, %dma_start3A_24] : memref<160x40xi32, #tpu.memory_space<vmem>> -> memref<1x40xi32, #tpu.memory_space<vmem>>
    %dma_start3A_26 = tpu.memref_squeeze %dma_start3A_25 : memref<1x40xi32, #tpu.memory_space<vmem>> -> memref<40xi32, #tpu.memory_space<vmem>>
    %dma_start3A_27 = arith.constant 0 : i32
    %dma_start3A_28 = arith.constant 0 : i32
    %dma_start3A_29 = tpu.memref_slice %arg3[%dma_start3A_27, %dma_start3A_28] : memref<100000x128xf32, #tpu.memory_space<hbm>> -> memref<100000x128xf32, #tpu.memory_space<hbm>>
    tpu.enqueue_indirect_dma source(%dma_start3A_29 : memref<100000x128xf32, #tpu.memory_space<hbm>>) target(%arg9 : memref<40x128xf32, #tpu.memory_space<vmem>>) offsets(%dma_start3A_26 : memref<40xi32, #tpu.memory_space<vmem>>) semaphore(%arg15 : memref<!tpu.dma_semaphore, #tpu.memory_space<semaphore_mem>>)
    %dma_start3A_30 = arith.constant 4 : i32
    %dma_start3A_31 = arith.constant 0 : i32
    %dma_start3A_32 = tpu.memref_slice %arg5[%dma_start3A_30, %dma_start3A_31] : memref<160x40xi32, #tpu.memory_space<vmem>> -> memref<1x40xi32, #tpu.memory_space<vmem>>
    %dma_start3A_33 = tpu.memref_squeeze %dma_start3A_32 : memref<1x40xi32, #tpu.memory_space<vmem>> -> memref<40xi32, #tpu.memory_space<vmem>>
    %dma_start3A_34 = arith.constant 0 : i32
    %dma_start3A_35 = arith.constant 0 : i32
    %dma_start3A_36 = tpu.memref_slice %arg3[%dma_start3A_34, %dma_start3A_35] : memref<100000x128xf32, #tpu.memory_space<hbm>> -> memref<100000x128xf32, #tpu.memory_space<hbm>>
    tpu.enqueue_indirect_dma source(%dma_start3A_36 : memref<100000x128xf32, #tpu.memory_space<hbm>>) target(%arg10 : memref<40x128xf32, #tpu.memory_space<vmem>>) offsets(%dma_start3A_33 : memref<40xi32, #tpu.memory_space<vmem>>) semaphore(%arg16 : memref<!tpu.dma_semaphore, #tpu.memory_space<semaphore_mem>>)
    %scan3A = arith.constant 5.000000e-03 : f32
    %scan3A_37 = arith.constant 0 : i32
    %scan3A_38 = arith.constant 32 : i32
    %scan3A_39 = arith.addi %scan3A_37, %scan3A_38 : i32
    %scan3A_40 = arith.constant 1 : i32
    scf.for %scan3A_76 = %scan3A_37 to %scan3A_39 step %scan3A_40  : i32 {
      %broadcast_in_dim3A = arith.constant 0.000000e+00 : f32
      %broadcast_in_dim3A_77 = vector.broadcast %broadcast_in_dim3A : f32 to vector<16xf32>
      %broadcast_in_dim3A_78 = arith.constant 0.000000e+00 : f32
      %broadcast_in_dim3A_79 = vector.broadcast %broadcast_in_dim3A_78 : f32 to vector<16xf32>
      %broadcast_in_dim3A_80 = arith.constant 0.000000e+00 : f32
      %broadcast_in_dim3A_81 = vector.broadcast %broadcast_in_dim3A_80 : f32 to vector<16xf32>
      %broadcast_in_dim3A_82 = arith.constant 0xFF800000 : f32
      %broadcast_in_dim3A_83 = vector.broadcast %broadcast_in_dim3A_82 : f32 to vector<16xf32>
      %broadcast_in_dim3A_84 = arith.constant 0xFF800000 : f32
      %broadcast_in_dim3A_85 = vector.broadcast %broadcast_in_dim3A_84 : f32 to vector<16xf32>
      %broadcast_in_dim3A_86 = arith.constant 0xFF800000 : f32
      %broadcast_in_dim3A_87 = vector.broadcast %broadcast_in_dim3A_86 : f32 to vector<16xf32>
      %mul3A_88 = arith.constant 5 : i32
      %mul3A_89 = arith.muli %scan3A_76, %mul3A_88 : i32
      %add3A_90 = arith.constant 0 : i32
      %add3A_91 = arith.addi %mul3A_89, %add3A_90 : i32
      %dma_wait3A_92 = arith.constant 0 : i32
      %dma_wait3A_93 = tpu.memref_slice %arg5[%add3A_91, %dma_wait3A_92] : memref<160x40xi32, #tpu.memory_space<vmem>> -> memref<1x40xi32, #tpu.memory_space<vmem>>
      %dma_wait3A_94 = tpu.memref_squeeze %dma_wait3A_93 : memref<1x40xi32, #tpu.memory_space<vmem>> -> memref<40xi32, #tpu.memory_space<vmem>>
      %dma_wait3A_95 = arith.constant 0 : i32
      %dma_wait3A_96 = arith.constant 0 : i32
      %dma_wait3A_97 = tpu.memref_slice %arg3[%dma_wait3A_95, %dma_wait3A_96] : memref<100000x128xf32, #tpu.memory_space<hbm>> -> memref<100000x128xf32, #tpu.memory_space<hbm>>
      tpu.wait_indirect_dma semaphore(%arg12 : memref<!tpu.dma_semaphore, #tpu.memory_space<semaphore_mem>>) src(%dma_wait3A_97 : memref<100000x128xf32, #tpu.memory_space<hbm>>) dst(%arg6 : memref<40x128xf32, #tpu.memory_space<vmem>>)
      %scan3A_98 = arith.constant 0 : i32
      %scan3A_99 = arith.constant 40 : i32
      %scan3A_100 = arith.addi %scan3A_98, %scan3A_99 : i32
      %scan3A_101 = arith.constant 2 : i32
      %scan3A_102:6 = scf.for %scan3A_269 = %scan3A_98 to %scan3A_100 step %scan3A_101 iter_args(%scan3A_270 = %broadcast_in_dim3A_77, %scan3A_271 = %broadcast_in_dim3A_79, %scan3A_272 = %broadcast_in_dim3A_81, %scan3A_273 = %broadcast_in_dim3A_83, %scan3A_274 = %broadcast_in_dim3A_85, %scan3A_275 = %broadcast_in_dim3A_87) -> (vector<16xf32>, vector<16xf32>, vector<16xf32>, vector<16xf32>, vector<16xf32>, vector<16xf32>)  : i32 {
        %get3A = arith.index_cast %scan3A_269 : i32 to index
        %get3A_276 = arith.constant 0 : index
        %get3A_277 = tpu.vector_load %arg6[%get3A, %get3A_276] {strides = array<i32>} : memref<40x128xf32, #tpu.memory_space<vmem>>, vector<1x16xf32>,
        %get3A_278 = vector.shape_cast %get3A_277 : vector<1x16xf32> to vector<16xf32>
        %add3A_279 = arith.addf %scan3A_270, %get3A_278 : vector<16xf32>
        %max3A = arith.maximumf %scan3A_273, %get3A_278 : vector<16xf32>
        %get3A_280 = arith.index_cast %scan3A_269 : i32 to index
        %get3A_281 = arith.constant 16 : index
        %get3A_282 = tpu.vector_load %arg6[%get3A_280, %get3A_281] {strides = array<i32>} : memref<40x128xf32, #tpu.memory_space<vmem>>, vector<1x16xf32>,
        %get3A_283 = vector.shape_cast %get3A_282 : vector<1x16xf32> to vector<16xf32>
        %add3A_284 = arith.addf %scan3A_271, %get3A_283 : vector<16xf32>
        %max3A_285 = arith.maximumf %scan3A_274, %get3A_283 : vector<16xf32>
        %get3A_286 = arith.index_cast %scan3A_269 : i32 to index
        %get3A_287 = arith.constant 28 : index
        %get3A_288 = tpu.vector_load %arg6[%get3A_286, %get3A_287] {strides = array<i32>} : memref<40x128xf32, #tpu.memory_space<vmem>>, vector<1x16xf32>,
        %get3A_289 = vector.shape_cast %get3A_288 : vector<1x16xf32> to vector<16xf32>
        %add3A_290 = arith.addf %scan3A_272, %get3A_289 : vector<16xf32>
        %max3A_291 = arith.maximumf %scan3A_275, %get3A_289 : vector<16xf32>
        %scan3A_292 = arith.constant 1 : i32
        %scan3A_293 = arith.addi %scan3A_269, %scan3A_292 : i32
        %get3A_294 = arith.index_cast %scan3A_293 : i32 to index
        %get3A_295 = arith.constant 0 : index
        %get3A_296 = tpu.vector_load %arg6[%get3A_294, %get3A_295] {strides = array<i32>} : memref<40x128xf32, #tpu.memory_space<vmem>>, vector<1x16xf32>,
        %get3A_297 = vector.shape_cast %get3A_296 : vector<1x16xf32> to vector<16xf32>
        %add3A_298 = arith.addf %add3A_279, %get3A_297 : vector<16xf32>
        %max3A_299 = arith.maximumf %max3A, %get3A_297 : vector<16xf32>
        %get3A_300 = arith.index_cast %scan3A_293 : i32 to index
        %get3A_301 = arith.constant 16 : index
        %get3A_302 = tpu.vector_load %arg6[%get3A_300, %get3A_301] {strides = array<i32>} : memref<40x128xf32, #tpu.memory_space<vmem>>, vector<1x16xf32>,
        %get3A_303 = vector.shape_cast %get3A_302 : vector<1x16xf32> to vector<16xf32>
        %add3A_304 = arith.addf %add3A_284, %get3A_303 : vector<16xf32>
        %max3A_305 = arith.maximumf %max3A_285, %get3A_303 : vector<16xf32>
        %get3A_306 = arith.index_cast %scan3A_293 : i32 to index
        %get3A_307 = arith.constant 28 : index
        %get3A_308 = tpu.vector_load %arg6[%get3A_306, %get3A_307] {strides = array<i32>} : memref<40x128xf32, #tpu.memory_space<vmem>>, vector<1x16xf32>,
        %get3A_309 = vector.shape_cast %get3A_308 : vector<1x16xf32> to vector<16xf32>
        %add3A_310 = arith.addf %add3A_290, %get3A_309 : vector<16xf32>
        %max3A_311 = arith.maximumf %max3A_291, %get3A_309 : vector<16xf32>
        scf.yield %add3A_298, %add3A_304, %add3A_310, %max3A_299, %max3A_305, %max3A_311 : vector<16xf32>, vector<16xf32>, vector<16xf32>, vector<16xf32>, vector<16xf32>, vector<16xf32>
      }
      %scan3A_103 = arith.constant 40 : i32
      %add3A_104 = arith.constant 1 : i32
      %add3A_105 = arith.addi %scan3A_76, %add3A_104 : i32
      %min3A = arith.constant 31 : i32
      %min3A_106 = arith.minsi %add3A_105, %min3A : i32
      %mul3A_107 = arith.constant 5 : i32
      %mul3A_108 = arith.muli %min3A_106, %mul3A_107 : i32
      %add3A_109 = arith.constant 0 : i32
      %add3A_110 = arith.addi %mul3A_108, %add3A_109 : i32
      %dma_start3A_111 = arith.constant 0 : i32
      %dma_start3A_112 = tpu.memref_slice %arg5[%add3A_110, %dma_start3A_111] : memref<160x40xi32, #tpu.memory_space<vmem>> -> memref<1x40xi32, #tpu.memory_space<vmem>>
      %dma_start3A_113 = tpu.memref_squeeze %dma_start3A_112 : memref<1x40xi32, #tpu.memory_space<vmem>> -> memref<40xi32, #tpu.memory_space<vmem>>
      %dma_start3A_114 = arith.constant 0 : i32
      %dma_start3A_115 = arith.constant 0 : i32
      %dma_start3A_116 = tpu.memref_slice %arg3[%dma_start3A_114, %dma_start3A_115] : memref<100000x128xf32, #tpu.memory_space<hbm>> -> memref<100000x128xf32, #tpu.memory_space<hbm>>
      tpu.enqueue_indirect_dma source(%dma_start3A_116 : memref<100000x128xf32, #tpu.memory_space<hbm>>) target(%arg6 : memref<40x128xf32, #tpu.memory_space<vmem>>) offsets(%dma_start3A_113 : memref<40xi32, #tpu.memory_space<vmem>>) semaphore(%arg12 : memref<!tpu.dma_semaphore, #tpu.memory_space<semaphore_mem>>)
      %mul3A_117 = arith.constant 5 : i32
      %mul3A_118 = arith.muli %scan3A_76, %mul3A_117 : i32
      %add3A_119 = arith.constant 1 : i32
      %add3A_120 = arith.addi %mul3A_118, %add3A_119 : i32
      %dma_wait3A_121 = arith.constant 0 : i32
      %dma_wait3A_122 = tpu.memref_slice %arg5[%add3A_120, %dma_wait3A_121] : memref<160x40xi32, #tpu.memory_space<vmem>> -> memref<1x40xi32, #tpu.memory_space<vmem>>
      %dma_wait3A_123 = tpu.memref_squeeze %dma_wait3A_122 : memref<1x40xi32, #tpu.memory_space<vmem>> -> memref<40xi32, #tpu.memory_space<vmem>>
      %dma_wait3A_124 = arith.constant 0 : i32
      %dma_wait3A_125 = arith.constant 0 : i32
      %dma_wait3A_126 = tpu.memref_slice %arg3[%dma_wait3A_124, %dma_wait3A_125] : memref<100000x128xf32, #tpu.memory_space<hbm>> -> memref<100000x128xf32, #tpu.memory_space<hbm>>
      tpu.wait_indirect_dma semaphore(%arg13 : memref<!tpu.dma_semaphore, #tpu.memory_space<semaphore_mem>>) src(%dma_wait3A_126 : memref<100000x128xf32, #tpu.memory_space<hbm>>) dst(%arg7 : memref<40x128xf32, #tpu.memory_space<vmem>>)
      %scan3A_127 = arith.constant 0 : i32
      %scan3A_128 = arith.constant 40 : i32
      %scan3A_129 = arith.addi %scan3A_127, %scan3A_128 : i32
      %scan3A_130 = arith.constant 2 : i32
      %scan3A_131:6 = scf.for %scan3A_269 = %scan3A_127 to %scan3A_129 step %scan3A_130 iter_args(%scan3A_270 = %scan3A_102#0, %scan3A_271 = %scan3A_102#1, %scan3A_272 = %scan3A_102#2, %scan3A_273 = %scan3A_102#3, %scan3A_274 = %scan3A_102#4, %scan3A_275 = %scan3A_102#5) -> (vector<16xf32>, vector<16xf32>, vector<16xf32>, vector<16xf32>, vector<16xf32>, vector<16xf32>)  : i32 {
        %get3A = arith.index_cast %scan3A_269 : i32 to index
        %get3A_276 = arith.constant 0 : index
        %get3A_277 = tpu.vector_load %arg7[%get3A, %get3A_276] {strides = array<i32>} : memref<40x128xf32, #tpu.memory_space<vmem>>, vector<1x16xf32>,
        %get3A_278 = vector.shape_cast %get3A_277 : vector<1x16xf32> to vector<16xf32>
        %add3A_279 = arith.addf %scan3A_270, %get3A_278 : vector<16xf32>
        %max3A = arith.maximumf %scan3A_273, %get3A_278 : vector<16xf32>
        %get3A_280 = arith.index_cast %scan3A_269 : i32 to index
        %get3A_281 = arith.constant 16 : index
        %get3A_282 = tpu.vector_load %arg7[%get3A_280, %get3A_281] {strides = array<i32>} : memref<40x128xf32, #tpu.memory_space<vmem>>, vector<1x16xf32>,
        %get3A_283 = vector.shape_cast %get3A_282 : vector<1x16xf32> to vector<16xf32>
        %add3A_284 = arith.addf %scan3A_271, %get3A_283 : vector<16xf32>
        %max3A_285 = arith.maximumf %scan3A_274, %get3A_283 : vector<16xf32>
        %get3A_286 = arith.index_cast %scan3A_269 : i32 to index
        %get3A_287 = arith.constant 28 : index
        %get3A_288 = tpu.vector_load %arg7[%get3A_286, %get3A_287] {strides = array<i32>} : memref<40x128xf32, #tpu.memory_space<vmem>>, vector<1x16xf32>,
        %get3A_289 = vector.shape_cast %get3A_288 : vector<1x16xf32> to vector<16xf32>
        %add3A_290 = arith.addf %scan3A_272, %get3A_289 : vector<16xf32>
        %max3A_291 = arith.maximumf %scan3A_275, %get3A_289 : vector<16xf32>
        %scan3A_292 = arith.constant 1 : i32
        %scan3A_293 = arith.addi %scan3A_269, %scan3A_292 : i32
        %get3A_294 = arith.index_cast %scan3A_293 : i32 to index
        %get3A_295 = arith.constant 0 : index
        %get3A_296 = tpu.vector_load %arg7[%get3A_294, %get3A_295] {strides = array<i32>} : memref<40x128xf32, #tpu.memory_space<vmem>>, vector<1x16xf32>,
        %get3A_297 = vector.shape_cast %get3A_296 : vector<1x16xf32> to vector<16xf32>
        %add3A_298 = arith.addf %add3A_279, %get3A_297 : vector<16xf32>
        %max3A_299 = arith.maximumf %max3A, %get3A_297 : vector<16xf32>
        %get3A_300 = arith.index_cast %scan3A_293 : i32 to index
        %get3A_301 = arith.constant 16 : index
        %get3A_302 = tpu.vector_load %arg7[%get3A_300, %get3A_301] {strides = array<i32>} : memref<40x128xf32, #tpu.memory_space<vmem>>, vector<1x16xf32>,
        %get3A_303 = vector.shape_cast %get3A_302 : vector<1x16xf32> to vector<16xf32>
        %add3A_304 = arith.addf %add3A_284, %get3A_303 : vector<16xf32>
        %max3A_305 = arith.maximumf %max3A_285, %get3A_303 : vector<16xf32>
        %get3A_306 = arith.index_cast %scan3A_293 : i32 to index
        %get3A_307 = arith.constant 28 : index
        %get3A_308 = tpu.vector_load %arg7[%get3A_306, %get3A_307] {strides = array<i32>} : memref<40x128xf32, #tpu.memory_space<vmem>>, vector<1x16xf32>,
        %get3A_309 = vector.shape_cast %get3A_308 : vector<1x16xf32> to vector<16xf32>
        %add3A_310 = arith.addf %add3A_290, %get3A_309 : vector<16xf32>
        %max3A_311 = arith.maximumf %max3A_291, %get3A_309 : vector<16xf32>
        scf.yield %add3A_298, %add3A_304, %add3A_310, %max3A_299, %max3A_305, %max3A_311 : vector<16xf32>, vector<16xf32>, vector<16xf32>, vector<16xf32>, vector<16xf32>, vector<16xf32>
      }
      %scan3A_132 = arith.constant 40 : i32
      %add3A_133 = arith.constant 1 : i32
      %add3A_134 = arith.addi %scan3A_76, %add3A_133 : i32
      %min3A_135 = arith.constant 31 : i32
      %min3A_136 = arith.minsi %add3A_134, %min3A_135 : i32
      %mul3A_137 = arith.constant 5 : i32
      %mul3A_138 = arith.muli %min3A_136, %mul3A_137 : i32
      %add3A_139 = arith.constant 1 : i32
      %add3A_140 = arith.addi %mul3A_138, %add3A_139 : i32
      %dma_start3A_141 = arith.constant 0 : i32
      %dma_start3A_142 = tpu.memref_slice %arg5[%add3A_140, %dma_start3A_141] : memref<160x40xi32, #tpu.memory_space<vmem>> -> memref<1x40xi32, #tpu.memory_space<vmem>>
      %dma_start3A_143 = tpu.memref_squeeze %dma_start3A_142 : memref<1x40xi32, #tpu.memory_space<vmem>> -> memref<40xi32, #tpu.memory_space<vmem>>
      %dma_start3A_144 = arith.constant 0 : i32
      %dma_start3A_145 = arith.constant 0 : i32
      %dma_start3A_146 = tpu.memref_slice %arg3[%dma_start3A_144, %dma_start3A_145] : memref<100000x128xf32, #tpu.memory_space<hbm>> -> memref<100000x128xf32, #tpu.memory_space<hbm>>
      tpu.enqueue_indirect_dma source(%dma_start3A_146 : memref<100000x128xf32, #tpu.memory_space<hbm>>) target(%arg7 : memref<40x128xf32, #tpu.memory_space<vmem>>) offsets(%dma_start3A_143 : memref<40xi32, #tpu.memory_space<vmem>>) semaphore(%arg13 : memref<!tpu.dma_semaphore, #tpu.memory_space<semaphore_mem>>)
      %mul3A_147 = arith.constant 5 : i32
      %mul3A_148 = arith.muli %scan3A_76, %mul3A_147 : i32
      %add3A_149 = arith.constant 2 : i32
      %add3A_150 = arith.addi %mul3A_148, %add3A_149 : i32
      %dma_wait3A_151 = arith.constant 0 : i32
      %dma_wait3A_152 = tpu.memref_slice %arg5[%add3A_150, %dma_wait3A_151] : memref<160x40xi32, #tpu.memory_space<vmem>> -> memref<1x40xi32, #tpu.memory_space<vmem>>
      %dma_wait3A_153 = tpu.memref_squeeze %dma_wait3A_152 : memref<1x40xi32, #tpu.memory_space<vmem>> -> memref<40xi32, #tpu.memory_space<vmem>>
      %dma_wait3A_154 = arith.constant 0 : i32
      %dma_wait3A_155 = arith.constant 0 : i32
      %dma_wait3A_156 = tpu.memref_slice %arg3[%dma_wait3A_154, %dma_wait3A_155] : memref<100000x128xf32, #tpu.memory_space<hbm>> -> memref<100000x128xf32, #tpu.memory_space<hbm>>
      tpu.wait_indirect_dma semaphore(%arg14 : memref<!tpu.dma_semaphore, #tpu.memory_space<semaphore_mem>>) src(%dma_wait3A_156 : memref<100000x128xf32, #tpu.memory_space<hbm>>) dst(%arg8 : memref<40x128xf32, #tpu.memory_space<vmem>>)
      %scan3A_157 = arith.constant 0 : i32
      %scan3A_158 = arith.constant 40 : i32
      %scan3A_159 = arith.addi %scan3A_157, %scan3A_158 : i32
      %scan3A_160 = arith.constant 2 : i32
      %scan3A_161:6 = scf.for %scan3A_269 = %scan3A_157 to %scan3A_159 step %scan3A_160 iter_args(%scan3A_270 = %scan3A_131#0, %scan3A_271 = %scan3A_131#1, %scan3A_272 = %scan3A_131#2, %scan3A_273 = %scan3A_131#3, %scan3A_274 = %scan3A_131#4, %scan3A_275 = %scan3A_131#5) -> (vector<16xf32>, vector<16xf32>, vector<16xf32>, vector<16xf32>, vector<16xf32>, vector<16xf32>)  : i32 {
        %get3A = arith.index_cast %scan3A_269 : i32 to index
        %get3A_276 = arith.constant 0 : index
        %get3A_277 = tpu.vector_load %arg8[%get3A, %get3A_276] {strides = array<i32>} : memref<40x128xf32, #tpu.memory_space<vmem>>, vector<1x16xf32>,
        %get3A_278 = vector.shape_cast %get3A_277 : vector<1x16xf32> to vector<16xf32>
        %add3A_279 = arith.addf %scan3A_270, %get3A_278 : vector<16xf32>
        %max3A = arith.maximumf %scan3A_273, %get3A_278 : vector<16xf32>
        %get3A_280 = arith.index_cast %scan3A_269 : i32 to index
        %get3A_281 = arith.constant 16 : index
        %get3A_282 = tpu.vector_load %arg8[%get3A_280, %get3A_281] {strides = array<i32>} : memref<40x128xf32, #tpu.memory_space<vmem>>, vector<1x16xf32>,
        %get3A_283 = vector.shape_cast %get3A_282 : vector<1x16xf32> to vector<16xf32>
        %add3A_284 = arith.addf %scan3A_271, %get3A_283 : vector<16xf32>
        %max3A_285 = arith.maximumf %scan3A_274, %get3A_283 : vector<16xf32>
        %get3A_286 = arith.index_cast %scan3A_269 : i32 to index
        %get3A_287 = arith.constant 28 : index
        %get3A_288 = tpu.vector_load %arg8[%get3A_286, %get3A_287] {strides = array<i32>} : memref<40x128xf32, #tpu.memory_space<vmem>>, vector<1x16xf32>,
        %get3A_289 = vector.shape_cast %get3A_288 : vector<1x16xf32> to vector<16xf32>
        %add3A_290 = arith.addf %scan3A_272, %get3A_289 : vector<16xf32>
        %max3A_291 = arith.maximumf %scan3A_275, %get3A_289 : vector<16xf32>
        %scan3A_292 = arith.constant 1 : i32
        %scan3A_293 = arith.addi %scan3A_269, %scan3A_292 : i32
        %get3A_294 = arith.index_cast %scan3A_293 : i32 to index
        %get3A_295 = arith.constant 0 : index
        %get3A_296 = tpu.vector_load %arg8[%get3A_294, %get3A_295] {strides = array<i32>} : memref<40x128xf32, #tpu.memory_space<vmem>>, vector<1x16xf32>,
        %get3A_297 = vector.shape_cast %get3A_296 : vector<1x16xf32> to vector<16xf32>
        %add3A_298 = arith.addf %add3A_279, %get3A_297 : vector<16xf32>
        %max3A_299 = arith.maximumf %max3A, %get3A_297 : vector<16xf32>
        %get3A_300 = arith.index_cast %scan3A_293 : i32 to index
        %get3A_301 = arith.constant 16 : index
        %get3A_302 = tpu.vector_load %arg8[%get3A_300, %get3A_301] {strides = array<i32>} : memref<40x128xf32, #tpu.memory_space<vmem>>, vector<1x16xf32>,
        %get3A_303 = vector.shape_cast %get3A_302 : vector<1x16xf32> to vector<16xf32>
        %add3A_304 = arith.addf %add3A_284, %get3A_303 : vector<16xf32>
        %max3A_305 = arith.maximumf %max3A_285, %get3A_303 : vector<16xf32>
        %get3A_306 = arith.index_cast %scan3A_293 : i32 to index
        %get3A_307 = arith.constant 28 : index
        %get3A_308 = tpu.vector_load %arg8[%get3A_306, %get3A_307] {strides = array<i32>} : memref<40x128xf32, #tpu.memory_space<vmem>>, vector<1x16xf32>,
        %get3A_309 = vector.shape_cast %get3A_308 : vector<1x16xf32> to vector<16xf32>
        %add3A_310 = arith.addf %add3A_290, %get3A_309 : vector<16xf32>
        %max3A_311 = arith.maximumf %max3A_291, %get3A_309 : vector<16xf32>
        scf.yield %add3A_298, %add3A_304, %add3A_310, %max3A_299, %max3A_305, %max3A_311 : vector<16xf32>, vector<16xf32>, vector<16xf32>, vector<16xf32>, vector<16xf32>, vector<16xf32>
      }
      %scan3A_162 = arith.constant 40 : i32
      %add3A_163 = arith.constant 1 : i32
      %add3A_164 = arith.addi %scan3A_76, %add3A_163 : i32
      %min3A_165 = arith.constant 31 : i32
      %min3A_166 = arith.minsi %add3A_164, %min3A_165 : i32
      %mul3A_167 = arith.constant 5 : i32
      %mul3A_168 = arith.muli %min3A_166, %mul3A_167 : i32
      %add3A_169 = arith.constant 2 : i32
      %add3A_170 = arith.addi %mul3A_168, %add3A_169 : i32
      %dma_start3A_171 = arith.constant 0 : i32
      %dma_start3A_172 = tpu.memref_slice %arg5[%add3A_170, %dma_start3A_171] : memref<160x40xi32, #tpu.memory_space<vmem>> -> memref<1x40xi32, #tpu.memory_space<vmem>>
      %dma_start3A_173 = tpu.memref_squeeze %dma_start3A_172 : memref<1x40xi32, #tpu.memory_space<vmem>> -> memref<40xi32, #tpu.memory_space<vmem>>
      %dma_start3A_174 = arith.constant 0 : i32
      %dma_start3A_175 = arith.constant 0 : i32
      %dma_start3A_176 = tpu.memref_slice %arg3[%dma_start3A_174, %dma_start3A_175] : memref<100000x128xf32, #tpu.memory_space<hbm>> -> memref<100000x128xf32, #tpu.memory_space<hbm>>
      tpu.enqueue_indirect_dma source(%dma_start3A_176 : memref<100000x128xf32, #tpu.memory_space<hbm>>) target(%arg8 : memref<40x128xf32, #tpu.memory_space<vmem>>) offsets(%dma_start3A_173 : memref<40xi32, #tpu.memory_space<vmem>>) semaphore(%arg14 : memref<!tpu.dma_semaphore, #tpu.memory_space<semaphore_mem>>)
      %mul3A_177 = arith.constant 5 : i32
      %mul3A_178 = arith.muli %scan3A_76, %mul3A_177 : i32
      %add3A_179 = arith.constant 3 : i32
      %add3A_180 = arith.addi %mul3A_178, %add3A_179 : i32
      %dma_wait3A_181 = arith.constant 0 : i32
      %dma_wait3A_182 = tpu.memref_slice %arg5[%add3A_180, %dma_wait3A_181] : memref<160x40xi32, #tpu.memory_space<vmem>> -> memref<1x40xi32, #tpu.memory_space<vmem>>
      %dma_wait3A_183 = tpu.memref_squeeze %dma_wait3A_182 : memref<1x40xi32, #tpu.memory_space<vmem>> -> memref<40xi32, #tpu.memory_space<vmem>>
      %dma_wait3A_184 = arith.constant 0 : i32
      %dma_wait3A_185 = arith.constant 0 : i32
      %dma_wait3A_186 = tpu.memref_slice %arg3[%dma_wait3A_184, %dma_wait3A_185] : memref<100000x128xf32, #tpu.memory_space<hbm>> -> memref<100000x128xf32, #tpu.memory_space<hbm>>
      tpu.wait_indirect_dma semaphore(%arg15 : memref<!tpu.dma_semaphore, #tpu.memory_space<semaphore_mem>>) src(%dma_wait3A_186 : memref<100000x128xf32, #tpu.memory_space<hbm>>) dst(%arg9 : memref<40x128xf32, #tpu.memory_space<vmem>>)
      %scan3A_187 = arith.constant 0 : i32
      %scan3A_188 = arith.constant 40 : i32
      %scan3A_189 = arith.addi %scan3A_187, %scan3A_188 : i32
      %scan3A_190 = arith.constant 2 : i32
      %scan3A_191:6 = scf.for %scan3A_269 = %scan3A_187 to %scan3A_189 step %scan3A_190 iter_args(%scan3A_270 = %scan3A_161#0, %scan3A_271 = %scan3A_161#1, %scan3A_272 = %scan3A_161#2, %scan3A_273 = %scan3A_161#3, %scan3A_274 = %scan3A_161#4, %scan3A_275 = %scan3A_161#5) -> (vector<16xf32>, vector<16xf32>, vector<16xf32>, vector<16xf32>, vector<16xf32>, vector<16xf32>)  : i32 {
        %get3A = arith.index_cast %scan3A_269 : i32 to index
        %get3A_276 = arith.constant 0 : index
        %get3A_277 = tpu.vector_load %arg9[%get3A, %get3A_276] {strides = array<i32>} : memref<40x128xf32, #tpu.memory_space<vmem>>, vector<1x16xf32>,
        %get3A_278 = vector.shape_cast %get3A_277 : vector<1x16xf32> to vector<16xf32>
        %add3A_279 = arith.addf %scan3A_270, %get3A_278 : vector<16xf32>
        %max3A = arith.maximumf %scan3A_273, %get3A_278 : vector<16xf32>
        %get3A_280 = arith.index_cast %scan3A_269 : i32 to index
        %get3A_281 = arith.constant 16 : index
        %get3A_282 = tpu.vector_load %arg9[%get3A_280, %get3A_281] {strides = array<i32>} : memref<40x128xf32, #tpu.memory_space<vmem>>, vector<1x16xf32>,
        %get3A_283 = vector.shape_cast %get3A_282 : vector<1x16xf32> to vector<16xf32>
        %add3A_284 = arith.addf %scan3A_271, %get3A_283 : vector<16xf32>
        %max3A_285 = arith.maximumf %scan3A_274, %get3A_283 : vector<16xf32>
        %get3A_286 = arith.index_cast %scan3A_269 : i32 to index
        %get3A_287 = arith.constant 28 : index
        %get3A_288 = tpu.vector_load %arg9[%get3A_286, %get3A_287] {strides = array<i32>} : memref<40x128xf32, #tpu.memory_space<vmem>>, vector<1x16xf32>,
        %get3A_289 = vector.shape_cast %get3A_288 : vector<1x16xf32> to vector<16xf32>
        %add3A_290 = arith.addf %scan3A_272, %get3A_289 : vector<16xf32>
        %max3A_291 = arith.maximumf %scan3A_275, %get3A_289 : vector<16xf32>
        %scan3A_292 = arith.constant 1 : i32
        %scan3A_293 = arith.addi %scan3A_269, %scan3A_292 : i32
        %get3A_294 = arith.index_cast %scan3A_293 : i32 to index
        %get3A_295 = arith.constant 0 : index
        %get3A_296 = tpu.vector_load %arg9[%get3A_294, %get3A_295] {strides = array<i32>} : memref<40x128xf32, #tpu.memory_space<vmem>>, vector<1x16xf32>,
        %get3A_297 = vector.shape_cast %get3A_296 : vector<1x16xf32> to vector<16xf32>
        %add3A_298 = arith.addf %add3A_279, %get3A_297 : vector<16xf32>
        %max3A_299 = arith.maximumf %max3A, %get3A_297 : vector<16xf32>
        %get3A_300 = arith.index_cast %scan3A_293 : i32 to index
        %get3A_301 = arith.constant 16 : index
        %get3A_302 = tpu.vector_load %arg9[%get3A_300, %get3A_301] {strides = array<i32>} : memref<40x128xf32, #tpu.memory_space<vmem>>, vector<1x16xf32>,
        %get3A_303 = vector.shape_cast %get3A_302 : vector<1x16xf32> to vector<16xf32>
        %add3A_304 = arith.addf %add3A_284, %get3A_303 : vector<16xf32>
        %max3A_305 = arith.maximumf %max3A_285, %get3A_303 : vector<16xf32>
        %get3A_306 = arith.index_cast %scan3A_293 : i32 to index
        %get3A_307 = arith.constant 28 : index
        %get3A_308 = tpu.vector_load %arg9[%get3A_306, %get3A_307] {strides = array<i32>} : memref<40x128xf32, #tpu.memory_space<vmem>>, vector<1x16xf32>,
        %get3A_309 = vector.shape_cast %get3A_308 : vector<1x16xf32> to vector<16xf32>
        %add3A_310 = arith.addf %add3A_290, %get3A_309 : vector<16xf32>
        %max3A_311 = arith.maximumf %max3A_291, %get3A_309 : vector<16xf32>
        scf.yield %add3A_298, %add3A_304, %add3A_310, %max3A_299, %max3A_305, %max3A_311 : vector<16xf32>, vector<16xf32>, vector<16xf32>, vector<16xf32>, vector<16xf32>, vector<16xf32>
      }
      %scan3A_192 = arith.constant 40 : i32
      %add3A_193 = arith.constant 1 : i32
      %add3A_194 = arith.addi %scan3A_76, %add3A_193 : i32
      %min3A_195 = arith.constant 31 : i32
      %min3A_196 = arith.minsi %add3A_194, %min3A_195 : i32
      %mul3A_197 = arith.constant 5 : i32
      %mul3A_198 = arith.muli %min3A_196, %mul3A_197 : i32
      %add3A_199 = arith.constant 3 : i32
      %add3A_200 = arith.addi %mul3A_198, %add3A_199 : i32
      %dma_start3A_201 = arith.constant 0 : i32
      %dma_start3A_202 = tpu.memref_slice %arg5[%add3A_200, %dma_start3A_201] : memref<160x40xi32, #tpu.memory_space<vmem>> -> memref<1x40xi32, #tpu.memory_space<vmem>>
      %dma_start3A_203 = tpu.memref_squeeze %dma_start3A_202 : memref<1x40xi32, #tpu.memory_space<vmem>> -> memref<40xi32, #tpu.memory_space<vmem>>
      %dma_start3A_204 = arith.constant 0 : i32
      %dma_start3A_205 = arith.constant 0 : i32
      %dma_start3A_206 = tpu.memref_slice %arg3[%dma_start3A_204, %dma_start3A_205] : memref<100000x128xf32, #tpu.memory_space<hbm>> -> memref<100000x128xf32, #tpu.memory_space<hbm>>
      tpu.enqueue_indirect_dma source(%dma_start3A_206 : memref<100000x128xf32, #tpu.memory_space<hbm>>) target(%arg9 : memref<40x128xf32, #tpu.memory_space<vmem>>) offsets(%dma_start3A_203 : memref<40xi32, #tpu.memory_space<vmem>>) semaphore(%arg15 : memref<!tpu.dma_semaphore, #tpu.memory_space<semaphore_mem>>)
      %mul3A_207 = arith.constant 5 : i32
      %mul3A_208 = arith.muli %scan3A_76, %mul3A_207 : i32
      %add3A_209 = arith.constant 4 : i32
      %add3A_210 = arith.addi %mul3A_208, %add3A_209 : i32
      %dma_wait3A_211 = arith.constant 0 : i32
      %dma_wait3A_212 = tpu.memref_slice %arg5[%add3A_210, %dma_wait3A_211] : memref<160x40xi32, #tpu.memory_space<vmem>> -> memref<1x40xi32, #tpu.memory_space<vmem>>
      %dma_wait3A_213 = tpu.memref_squeeze %dma_wait3A_212 : memref<1x40xi32, #tpu.memory_space<vmem>> -> memref<40xi32, #tpu.memory_space<vmem>>
      %dma_wait3A_214 = arith.constant 0 : i32
      %dma_wait3A_215 = arith.constant 0 : i32
      %dma_wait3A_216 = tpu.memref_slice %arg3[%dma_wait3A_214, %dma_wait3A_215] : memref<100000x128xf32, #tpu.memory_space<hbm>> -> memref<100000x128xf32, #tpu.memory_space<hbm>>
      tpu.wait_indirect_dma semaphore(%arg16 : memref<!tpu.dma_semaphore, #tpu.memory_space<semaphore_mem>>) src(%dma_wait3A_216 : memref<100000x128xf32, #tpu.memory_space<hbm>>) dst(%arg10 : memref<40x128xf32, #tpu.memory_space<vmem>>)
      %scan3A_217 = arith.constant 0 : i32
      %scan3A_218 = arith.constant 40 : i32
      %scan3A_219 = arith.addi %scan3A_217, %scan3A_218 : i32
      %scan3A_220 = arith.constant 2 : i32
      %scan3A_221:6 = scf.for %scan3A_269 = %scan3A_217 to %scan3A_219 step %scan3A_220 iter_args(%scan3A_270 = %scan3A_191#0, %scan3A_271 = %scan3A_191#1, %scan3A_272 = %scan3A_191#2, %scan3A_273 = %scan3A_191#3, %scan3A_274 = %scan3A_191#4, %scan3A_275 = %scan3A_191#5) -> (vector<16xf32>, vector<16xf32>, vector<16xf32>, vector<16xf32>, vector<16xf32>, vector<16xf32>)  : i32 {
        %get3A = arith.index_cast %scan3A_269 : i32 to index
        %get3A_276 = arith.constant 0 : index
        %get3A_277 = tpu.vector_load %arg10[%get3A, %get3A_276] {strides = array<i32>} : memref<40x128xf32, #tpu.memory_space<vmem>>, vector<1x16xf32>,
        %get3A_278 = vector.shape_cast %get3A_277 : vector<1x16xf32> to vector<16xf32>
        %add3A_279 = arith.addf %scan3A_270, %get3A_278 : vector<16xf32>
        %max3A = arith.maximumf %scan3A_273, %get3A_278 : vector<16xf32>
        %get3A_280 = arith.index_cast %scan3A_269 : i32 to index
        %get3A_281 = arith.constant 16 : index
        %get3A_282 = tpu.vector_load %arg10[%get3A_280, %get3A_281] {strides = array<i32>} : memref<40x128xf32, #tpu.memory_space<vmem>>, vector<1x16xf32>,
        %get3A_283 = vector.shape_cast %get3A_282 : vector<1x16xf32> to vector<16xf32>
        %add3A_284 = arith.addf %scan3A_271, %get3A_283 : vector<16xf32>
        %max3A_285 = arith.maximumf %scan3A_274, %get3A_283 : vector<16xf32>
        %get3A_286 = arith.index_cast %scan3A_269 : i32 to index
        %get3A_287 = arith.constant 28 : index
        %get3A_288 = tpu.vector_load %arg10[%get3A_286, %get3A_287] {strides = array<i32>} : memref<40x128xf32, #tpu.memory_space<vmem>>, vector<1x16xf32>,
        %get3A_289 = vector.shape_cast %get3A_288 : vector<1x16xf32> to vector<16xf32>
        %add3A_290 = arith.addf %scan3A_272, %get3A_289 : vector<16xf32>
        %max3A_291 = arith.maximumf %scan3A_275, %get3A_289 : vector<16xf32>
        %scan3A_292 = arith.constant 1 : i32
        %scan3A_293 = arith.addi %scan3A_269, %scan3A_292 : i32
        %get3A_294 = arith.index_cast %scan3A_293 : i32 to index
        %get3A_295 = arith.constant 0 : index
        %get3A_296 = tpu.vector_load %arg10[%get3A_294, %get3A_295] {strides = array<i32>} : memref<40x128xf32, #tpu.memory_space<vmem>>, vector<1x16xf32>,
        %get3A_297 = vector.shape_cast %get3A_296 : vector<1x16xf32> to vector<16xf32>
        %add3A_298 = arith.addf %add3A_279, %get3A_297 : vector<16xf32>
        %max3A_299 = arith.maximumf %max3A, %get3A_297 : vector<16xf32>
        %get3A_300 = arith.index_cast %scan3A_293 : i32 to index
        %get3A_301 = arith.constant 16 : index
        %get3A_302 = tpu.vector_load %arg10[%get3A_300, %get3A_301] {strides = array<i32>} : memref<40x128xf32, #tpu.memory_space<vmem>>, vector<1x16xf32>,
        %get3A_303 = vector.shape_cast %get3A_302 : vector<1x16xf32> to vector<16xf32>
        %add3A_304 = arith.addf %add3A_284, %get3A_303 : vector<16xf32>
        %max3A_305 = arith.maximumf %max3A_285, %get3A_303 : vector<16xf32>
        %get3A_306 = arith.index_cast %scan3A_293 : i32 to index
        %get3A_307 = arith.constant 28 : index
        %get3A_308 = tpu.vector_load %arg10[%get3A_306, %get3A_307] {strides = array<i32>} : memref<40x128xf32, #tpu.memory_space<vmem>>, vector<1x16xf32>,
        %get3A_309 = vector.shape_cast %get3A_308 : vector<1x16xf32> to vector<16xf32>
        %add3A_310 = arith.addf %add3A_290, %get3A_309 : vector<16xf32>
        %max3A_311 = arith.maximumf %max3A_291, %get3A_309 : vector<16xf32>
        scf.yield %add3A_298, %add3A_304, %add3A_310, %max3A_299, %max3A_305, %max3A_311 : vector<16xf32>, vector<16xf32>, vector<16xf32>, vector<16xf32>, vector<16xf32>, vector<16xf32>
      }
      %scan3A_222 = arith.constant 40 : i32
      %add3A_223 = arith.constant 1 : i32
      %add3A_224 = arith.addi %scan3A_76, %add3A_223 : i32
      %min3A_225 = arith.constant 31 : i32
      %min3A_226 = arith.minsi %add3A_224, %min3A_225 : i32
      %mul3A_227 = arith.constant 5 : i32
      %mul3A_228 = arith.muli %min3A_226, %mul3A_227 : i32
      %add3A_229 = arith.constant 4 : i32
      %add3A_230 = arith.addi %mul3A_228, %add3A_229 : i32
      %dma_start3A_231 = arith.constant 0 : i32
      %dma_start3A_232 = tpu.memref_slice %arg5[%add3A_230, %dma_start3A_231] : memref<160x40xi32, #tpu.memory_space<vmem>> -> memref<1x40xi32, #tpu.memory_space<vmem>>
      %dma_start3A_233 = tpu.memref_squeeze %dma_start3A_232 : memref<1x40xi32, #tpu.memory_space<vmem>> -> memref<40xi32, #tpu.memory_space<vmem>>
      %dma_start3A_234 = arith.constant 0 : i32
      %dma_start3A_235 = arith.constant 0 : i32
      %dma_start3A_236 = tpu.memref_slice %arg3[%dma_start3A_234, %dma_start3A_235] : memref<100000x128xf32, #tpu.memory_space<hbm>> -> memref<100000x128xf32, #tpu.memory_space<hbm>>
      tpu.enqueue_indirect_dma source(%dma_start3A_236 : memref<100000x128xf32, #tpu.memory_space<hbm>>) target(%arg10 : memref<40x128xf32, #tpu.memory_space<vmem>>) offsets(%dma_start3A_233 : memref<40xi32, #tpu.memory_space<vmem>>) semaphore(%arg16 : memref<!tpu.dma_semaphore, #tpu.memory_space<semaphore_mem>>)
      %mul3A_237 = vector.broadcast %scan3A : f32 to vector<16xf32>
      %mul3A_238 = arith.mulf %scan3A_221#2, %mul3A_237 : vector<16xf32>
      %swap3A = arith.constant 28 : index
      %swap3A_239 = tpu.vector_load %arg11[%swap3A] {strides = array<i32>} : memref<88xf32, #tpu.memory_space<vmem>>, vector<16xf32>,
      %swap3A_240 = vector.shape_cast %swap3A_239 : vector<16xf32> to vector<16xf32>
      %swap3A_241 = vector.shape_cast %mul3A_238 : vector<16xf32> to vector<16xf32>
      tpu.vector_store %arg11[%swap3A], %swap3A_241 {strides = array<i32>} : memref<88xf32, #tpu.memory_space<vmem>>, vector<16xf32>,
      %swap3A_242 = arith.constant 72 : index
      %swap3A_243 = tpu.vector_load %arg11[%swap3A_242] {strides = array<i32>} : memref<88xf32, #tpu.memory_space<vmem>>, vector<16xf32>,
      %swap3A_244 = vector.shape_cast %swap3A_243 : vector<16xf32> to vector<16xf32>
      %swap3A_245 = vector.shape_cast %scan3A_221#5 : vector<16xf32> to vector<16xf32>
      tpu.vector_store %arg11[%swap3A_242], %swap3A_245 {strides = array<i32>} : memref<88xf32, #tpu.memory_space<vmem>>, vector<16xf32>,
      %mul3A_246 = vector.broadcast %scan3A : f32 to vector<16xf32>
      %mul3A_247 = arith.mulf %scan3A_221#0, %mul3A_246 : vector<16xf32>
      %swap3A_248 = arith.constant 0 : index
      %swap3A_249 = tpu.vector_load %arg11[%swap3A_248] {strides = array<i32>} : memref<88xf32, #tpu.memory_space<vmem>>, vector<16xf32>,
      %swap3A_250 = vector.shape_cast %swap3A_249 : vector<16xf32> to vector<16xf32>
      %swap3A_251 = vector.shape_cast %mul3A_247 : vector<16xf32> to vector<16xf32>
      tpu.vector_store %arg11[%swap3A_248], %swap3A_251 {strides = array<i32>} : memref<88xf32, #tpu.memory_space<vmem>>, vector<16xf32>,
      %swap3A_252 = arith.constant 44 : index
      %swap3A_253 = tpu.vector_load %arg11[%swap3A_252] {strides = array<i32>} : memref<88xf32, #tpu.memory_space<vmem>>, vector<16xf32>,
      %swap3A_254 = vector.shape_cast %swap3A_253 : vector<16xf32> to vector<16xf32>
      %swap3A_255 = vector.shape_cast %scan3A_221#3 : vector<16xf32> to vector<16xf32>
      tpu.vector_store %arg11[%swap3A_252], %swap3A_255 {strides = array<i32>} : memref<88xf32, #tpu.memory_space<vmem>>, vector<16xf32>,
      %mul3A_256 = vector.broadcast %scan3A : f32 to vector<16xf32>
      %mul3A_257 = arith.mulf %scan3A_221#1, %mul3A_256 : vector<16xf32>
      %swap3A_258 = arith.constant 16 : index
      %swap3A_259 = tpu.vector_load %arg11[%swap3A_258] {strides = array<i32>} : memref<88xf32, #tpu.memory_space<vmem>>, vector<16xf32>,
      %swap3A_260 = vector.shape_cast %swap3A_259 : vector<16xf32> to vector<16xf32>
      %swap3A_261 = vector.shape_cast %mul3A_257 : vector<16xf32> to vector<16xf32>
      tpu.vector_store %arg11[%swap3A_258], %swap3A_261 {strides = array<i32>} : memref<88xf32, #tpu.memory_space<vmem>>, vector<16xf32>,
      %swap3A_262 = arith.constant 60 : index
      %swap3A_263 = tpu.vector_load %arg11[%swap3A_262] {strides = array<i32>} : memref<88xf32, #tpu.memory_space<vmem>>, vector<16xf32>,
      %swap3A_264 = vector.shape_cast %swap3A_263 : vector<16xf32> to vector<16xf32>
      %swap3A_265 = vector.shape_cast %scan3A_221#4 : vector<16xf32> to vector<16xf32>
      tpu.vector_store %arg11[%swap3A_262], %swap3A_265 {strides = array<i32>} : memref<88xf32, #tpu.memory_space<vmem>>, vector<16xf32>,
      %mul3A_266 = arith.constant 32 : i32
      %mul3A_267 = arith.muli %add3A, %mul3A_266 : i32
      %add3A_268 = arith.addi %mul3A_267, %scan3A_76 : i32
      "tpu.region"() ({
        %run_scoped3A = tpu.sem_alloc : memref<!tpu.dma_semaphore, #tpu.memory_space<semaphore_mem>>
        %dma_start3A_269 = arith.constant 0 : i32
        %dma_start3A_270 = tpu.memref_slice %arg4[%add3A_268, %dma_start3A_269] : memref<1024x88xf32, #tpu.memory_space<hbm>> -> memref<1x88xf32, #tpu.memory_space<hbm>>
        %dma_start3A_271 = tpu.memref_squeeze %dma_start3A_270 : memref<1x88xf32, #tpu.memory_space<hbm>> -> memref<88xf32, #tpu.memory_space<hbm>>
        %dma_start3A_272 = arith.constant 0 : i32
        %dma_start3A_273 = tpu.memref_slice %arg4[%add3A_268, %dma_start3A_272] : memref<1024x88xf32, #tpu.memory_space<hbm>> -> memref<1x88xf32, #tpu.memory_space<hbm>>
        %dma_start3A_274 = tpu.memref_squeeze %dma_start3A_273 : memref<1x88xf32, #tpu.memory_space<hbm>> -> memref<88xf32, #tpu.memory_space<hbm>>
        tpu.enqueue_dma source(%arg11 : memref<88xf32, #tpu.memory_space<vmem>>) target(%dma_start3A_274 : memref<88xf32, #tpu.memory_space<hbm>>) target_semaphore(%run_scoped3A : memref<!tpu.dma_semaphore, #tpu.memory_space<semaphore_mem>>)
        %dma_wait3A_275 = arith.constant 0 : i32
        %dma_wait3A_276 = tpu.memref_slice %arg4[%add3A_268, %dma_wait3A_275] : memref<1024x88xf32, #tpu.memory_space<hbm>> -> memref<1x88xf32, #tpu.memory_space<hbm>>
        %dma_wait3A_277 = tpu.memref_squeeze %dma_wait3A_276 : memref<1x88xf32, #tpu.memory_space<hbm>> -> memref<88xf32, #tpu.memory_space<hbm>>
        %dma_wait3A_278 = arith.constant 0 : i32
        %dma_wait3A_279 = tpu.memref_slice %arg4[%add3A_268, %dma_wait3A_278] : memref<1024x88xf32, #tpu.memory_space<hbm>> -> memref<1x88xf32, #tpu.memory_space<hbm>>
        %dma_wait3A_280 = tpu.memref_squeeze %dma_wait3A_279 : memref<1x88xf32, #tpu.memory_space<hbm>> -> memref<88xf32, #tpu.memory_space<hbm>>
        tpu.wait_dma2 semaphore(%run_scoped3A : memref<!tpu.dma_semaphore, #tpu.memory_space<semaphore_mem>>) src(%arg11 : memref<88xf32, #tpu.memory_space<vmem>>) dst(%dma_wait3A_280 : memref<88xf32, #tpu.memory_space<hbm>>)
        tpu.yield
      }) : () -> ()
    }
    %scan3A_41 = arith.constant 32 : i32
    %dma_wait3A = arith.constant 155 : i32
    %dma_wait3A_42 = arith.constant 0 : i32
    %dma_wait3A_43 = tpu.memref_slice %arg5[%dma_wait3A, %dma_wait3A_42] : memref<160x40xi32, #tpu.memory_space<vmem>> -> memref<1x40xi32, #tpu.memory_space<vmem>>
    %dma_wait3A_44 = tpu.memref_squeeze %dma_wait3A_43 : memref<1x40xi32, #tpu.memory_space<vmem>> -> memref<40xi32, #tpu.memory_space<vmem>>
    %dma_wait3A_45 = arith.constant 0 : i32
    %dma_wait3A_46 = arith.constant 0 : i32
    %dma_wait3A_47 = tpu.memref_slice %arg3[%dma_wait3A_45, %dma_wait3A_46] : memref<100000x128xf32, #tpu.memory_space<hbm>> -> memref<100000x128xf32, #tpu.memory_space<hbm>>
    tpu.wait_indirect_dma semaphore(%arg12 : memref<!tpu.dma_semaphore, #tpu.memory_space<semaphore_mem>>) src(%dma_wait3A_47 : memref<100000x128xf32, #tpu.memory_space<hbm>>) dst(%arg6 : memref<40x128xf32, #tpu.memory_space<vmem>>)
    %dma_wait3A_48 = arith.constant 156 : i32
    %dma_wait3A_49 = arith.constant 0 : i32
    %dma_wait3A_50 = tpu.memref_slice %arg5[%dma_wait3A_48, %dma_wait3A_49] : memref<160x40xi32, #tpu.memory_space<vmem>> -> memref<1x40xi32, #tpu.memory_space<vmem>>
    %dma_wait3A_51 = tpu.memref_squeeze %dma_wait3A_50 : memref<1x40xi32, #tpu.memory_space<vmem>> -> memref<40xi32, #tpu.memory_space<vmem>>
    %dma_wait3A_52 = arith.constant 0 : i32
    %dma_wait3A_53 = arith.constant 0 : i32
    %dma_wait3A_54 = tpu.memref_slice %arg3[%dma_wait3A_52, %dma_wait3A_53] : memref<100000x128xf32, #tpu.memory_space<hbm>> -> memref<100000x128xf32, #tpu.memory_space<hbm>>
    tpu.wait_indirect_dma semaphore(%arg13 : memref<!tpu.dma_semaphore, #tpu.memory_space<semaphore_mem>>) src(%dma_wait3A_54 : memref<100000x128xf32, #tpu.memory_space<hbm>>) dst(%arg7 : memref<40x128xf32, #tpu.memory_space<vmem>>)
    %dma_wait3A_55 = arith.constant 157 : i32
    %dma_wait3A_56 = arith.constant 0 : i32
    %dma_wait3A_57 = tpu.memref_slice %arg5[%dma_wait3A_55, %dma_wait3A_56] : memref<160x40xi32, #tpu.memory_space<vmem>> -> memref<1x40xi32, #tpu.memory_space<vmem>>
    %dma_wait3A_58 = tpu.memref_squeeze %dma_wait3A_57 : memref<1x40xi32, #tpu.memory_space<vmem>> -> memref<40xi32, #tpu.memory_space<vmem>>
    %dma_wait3A_59 = arith.constant 0 : i32
    %dma_wait3A_60 = arith.constant 0 : i32
    %dma_wait3A_61 = tpu.memref_slice %arg3[%dma_wait3A_59, %dma_wait3A_60] : memref<100000x128xf32, #tpu.memory_space<hbm>> -> memref<100000x128xf32, #tpu.memory_space<hbm>>
    tpu.wait_indirect_dma semaphore(%arg14 : memref<!tpu.dma_semaphore, #tpu.memory_space<semaphore_mem>>) src(%dma_wait3A_61 : memref<100000x128xf32, #tpu.memory_space<hbm>>) dst(%arg8 : memref<40x128xf32, #tpu.memory_space<vmem>>)
    %dma_wait3A_62 = arith.constant 158 : i32
    %dma_wait3A_63 = arith.constant 0 : i32
    %dma_wait3A_64 = tpu.memref_slice %arg5[%dma_wait3A_62, %dma_wait3A_63] : memref<160x40xi32, #tpu.memory_space<vmem>> -> memref<1x40xi32, #tpu.memory_space<vmem>>
    %dma_wait3A_65 = tpu.memref_squeeze %dma_wait3A_64 : memref<1x40xi32, #tpu.memory_space<vmem>> -> memref<40xi32, #tpu.memory_space<vmem>>
    %dma_wait3A_66 = arith.constant 0 : i32
    %dma_wait3A_67 = arith.constant 0 : i32
    %dma_wait3A_68 = tpu.memref_slice %arg3[%dma_wait3A_66, %dma_wait3A_67] : memref<100000x128xf32, #tpu.memory_space<hbm>> -> memref<100000x128xf32, #tpu.memory_space<hbm>>
    tpu.wait_indirect_dma semaphore(%arg15 : memref<!tpu.dma_semaphore, #tpu.memory_space<semaphore_mem>>) src(%dma_wait3A_68 : memref<100000x128xf32, #tpu.memory_space<hbm>>) dst(%arg9 : memref<40x128xf32, #tpu.memory_space<vmem>>)
    %dma_wait3A_69 = arith.constant 159 : i32
    %dma_wait3A_70 = arith.constant 0 : i32
    %dma_wait3A_71 = tpu.memref_slice %arg5[%dma_wait3A_69, %dma_wait3A_70] : memref<160x40xi32, #tpu.memory_space<vmem>> -> memref<1x40xi32, #tpu.memory_space<vmem>>
    %dma_wait3A_72 = tpu.memref_squeeze %dma_wait3A_71 : memref<1x40xi32, #tpu.memory_space<vmem>> -> memref<40xi32, #tpu.memory_space<vmem>>
    %dma_wait3A_73 = arith.constant 0 : i32
    %dma_wait3A_74 = arith.constant 0 : i32
    %dma_wait3A_75 = tpu.memref_slice %arg3[%dma_wait3A_73, %dma_wait3A_74] : memref<100000x128xf32, #tpu.memory_space<hbm>> -> memref<100000x128xf32, #tpu.memory_space<hbm>>
    tpu.wait_indirect_dma semaphore(%arg16 : memref<!tpu.dma_semaphore, #tpu.memory_space<semaphore_mem>>) src(%dma_wait3A_75 : memref<100000x128xf32, #tpu.memory_space<hbm>>) dst(%arg10 : memref<40x128xf32, #tpu.memory_space<vmem>>)
    return
  }
}

#map = affine_map<(d0, d1) -> (0, 0)>
module attributes {stable_mosaic.version = 14 : i64} {
  func.func @body(%arg0: i32, %arg1: i32, %arg2: memref<5120x40xi32, #tpu.memory_space<hbm>>, %arg3: memref<100000x128xf32, #tpu.memory_space<hbm>>, %arg4: memref<1024x256xf32, #tpu.memory_space<hbm>>, %arg5: memref<160x40xi32, #tpu.memory_space<vmem>>, %arg6: memref<40x128xf32, #tpu.memory_space<vmem>>, %arg7: memref<40x128xf32, #tpu.memory_space<vmem>>, %arg8: memref<40x128xf32, #tpu.memory_space<vmem>>, %arg9: memref<40x128xf32, #tpu.memory_space<vmem>>, %arg10: memref<40x128xf32, #tpu.memory_space<vmem>>, %arg11: memref<256xf32, #tpu.memory_space<vmem>>, %arg12: memref<!tpu.dma_semaphore, #tpu.memory_space<semaphore_mem>>, %arg13: memref<!tpu.dma_semaphore, #tpu.memory_space<semaphore_mem>>, %arg14: memref<!tpu.dma_semaphore, #tpu.memory_space<semaphore_mem>>, %arg15: memref<!tpu.dma_semaphore, #tpu.memory_space<semaphore_mem>>, %arg16: memref<!tpu.dma_semaphore, #tpu.memory_space<semaphore_mem>>) attributes {dimension_semantics = [#tpu.dimension_semantics<core_parallel>, #tpu.dimension_semantics<subcore_parallel>], iteration_bounds = array<i64: 2, 16>, scalar_prefetch = 0 : i64, scratch_operands = 12 : i64, tpu.core_type = #tpu.core_type<sc_vector_subcore>, window_params = [{transform_indices = #map}, {transform_indices = #map}, {transform_indices = #map}]} {
    %mul3A = arith.constant 2 : i32
    %mul3A_0 = arith.muli %arg1, %mul3A : i32
    %add3A = arith.addi %mul3A_0, %arg0 : i32
    %mul3A_1 = arith.constant 160 : i32
    %mul3A_2 = arith.muli %add3A, %mul3A_1 : i32
    "tpu.region"() ({
      %run_scoped3A = tpu.sem_alloc : memref<!tpu.dma_semaphore, #tpu.memory_space<semaphore_mem>>
      %dma_start3A_76 = arith.constant 0 : i32
      %dma_start3A_77 = tpu.memref_slice %arg2[%mul3A_2, %dma_start3A_76] : memref<5120x40xi32, #tpu.memory_space<hbm>> -> memref<160x40xi32, #tpu.memory_space<hbm>>
      %dma_start3A_78 = arith.constant 0 : i32
      %dma_start3A_79 = tpu.memref_slice %arg2[%mul3A_2, %dma_start3A_78] : memref<5120x40xi32, #tpu.memory_space<hbm>> -> memref<160x40xi32, #tpu.memory_space<hbm>>
      tpu.enqueue_dma source(%dma_start3A_79 : memref<160x40xi32, #tpu.memory_space<hbm>>) target(%arg5 : memref<160x40xi32, #tpu.memory_space<vmem>>) target_semaphore(%run_scoped3A : memref<!tpu.dma_semaphore, #tpu.memory_space<semaphore_mem>>)
      %dma_wait3A_80 = arith.constant 0 : i32
      %dma_wait3A_81 = tpu.memref_slice %arg2[%mul3A_2, %dma_wait3A_80] : memref<5120x40xi32, #tpu.memory_space<hbm>> -> memref<160x40xi32, #tpu.memory_space<hbm>>
      %dma_wait3A_82 = arith.constant 0 : i32
      %dma_wait3A_83 = tpu.memref_slice %arg2[%mul3A_2, %dma_wait3A_82] : memref<5120x40xi32, #tpu.memory_space<hbm>> -> memref<160x40xi32, #tpu.memory_space<hbm>>
      tpu.wait_dma2 semaphore(%run_scoped3A : memref<!tpu.dma_semaphore, #tpu.memory_space<semaphore_mem>>) src(%dma_wait3A_83 : memref<160x40xi32, #tpu.memory_space<hbm>>) dst(%arg5 : memref<160x40xi32, #tpu.memory_space<vmem>>)
      tpu.yield
    }) : () -> ()
    %dma_start3A = arith.constant 0 : i32
    %dma_start3A_3 = arith.constant 0 : i32
    %dma_start3A_4 = tpu.memref_slice %arg5[%dma_start3A, %dma_start3A_3] : memref<160x40xi32, #tpu.memory_space<vmem>> -> memref<1x40xi32, #tpu.memory_space<vmem>>
    %dma_start3A_5 = tpu.memref_squeeze %dma_start3A_4 : memref<1x40xi32, #tpu.memory_space<vmem>> -> memref<40xi32, #tpu.memory_space<vmem>>
    %dma_start3A_6 = arith.constant 0 : i32
    %dma_start3A_7 = arith.constant 0 : i32
    %dma_start3A_8 = tpu.memref_slice %arg3[%dma_start3A_6, %dma_start3A_7] : memref<100000x128xf32, #tpu.memory_space<hbm>> -> memref<100000x128xf32, #tpu.memory_space<hbm>>
    tpu.enqueue_indirect_dma source(%dma_start3A_8 : memref<100000x128xf32, #tpu.memory_space<hbm>>) target(%arg6 : memref<40x128xf32, #tpu.memory_space<vmem>>) offsets(%dma_start3A_5 : memref<40xi32, #tpu.memory_space<vmem>>) semaphore(%arg12 : memref<!tpu.dma_semaphore, #tpu.memory_space<semaphore_mem>>)
    %dma_start3A_9 = arith.constant 1 : i32
    %dma_start3A_10 = arith.constant 0 : i32
    %dma_start3A_11 = tpu.memref_slice %arg5[%dma_start3A_9, %dma_start3A_10] : memref<160x40xi32, #tpu.memory_space<vmem>> -> memref<1x40xi32, #tpu.memory_space<vmem>>
    %dma_start3A_12 = tpu.memref_squeeze %dma_start3A_11 : memref<1x40xi32, #tpu.memory_space<vmem>> -> memref<40xi32, #tpu.memory_space<vmem>>
    %dma_start3A_13 = arith.constant 0 : i32
    %dma_start3A_14 = arith.constant 0 : i32
    %dma_start3A_15 = tpu.memref_slice %arg3[%dma_start3A_13, %dma_start3A_14] : memref<100000x128xf32, #tpu.memory_space<hbm>> -> memref<100000x128xf32, #tpu.memory_space<hbm>>
    tpu.enqueue_indirect_dma source(%dma_start3A_15 : memref<100000x128xf32, #tpu.memory_space<hbm>>) target(%arg7 : memref<40x128xf32, #tpu.memory_space<vmem>>) offsets(%dma_start3A_12 : memref<40xi32, #tpu.memory_space<vmem>>) semaphore(%arg13 : memref<!tpu.dma_semaphore, #tpu.memory_space<semaphore_mem>>)
    %dma_start3A_16 = arith.constant 2 : i32
    %dma_start3A_17 = arith.constant 0 : i32
    %dma_start3A_18 = tpu.memref_slice %arg5[%dma_start3A_16, %dma_start3A_17] : memref<160x40xi32, #tpu.memory_space<vmem>> -> memref<1x40xi32, #tpu.memory_space<vmem>>
    %dma_start3A_19 = tpu.memref_squeeze %dma_start3A_18 : memref<1x40xi32, #tpu.memory_space<vmem>> -> memref<40xi32, #tpu.memory_space<vmem>>
    %dma_start3A_20 = arith.constant 0 : i32
    %dma_start3A_21 = arith.constant 0 : i32
    %dma_start3A_22 = tpu.memref_slice %arg3[%dma_start3A_20, %dma_start3A_21] : memref<100000x128xf32, #tpu.memory_space<hbm>> -> memref<100000x128xf32, #tpu.memory_space<hbm>>
    tpu.enqueue_indirect_dma source(%dma_start3A_22 : memref<100000x128xf32, #tpu.memory_space<hbm>>) target(%arg8 : memref<40x128xf32, #tpu.memory_space<vmem>>) offsets(%dma_start3A_19 : memref<40xi32, #tpu.memory_space<vmem>>) semaphore(%arg14 : memref<!tpu.dma_semaphore, #tpu.memory_space<semaphore_mem>>)
    %dma_start3A_23 = arith.constant 3 : i32
    %dma_start3A_24 = arith.constant 0 : i32
    %dma_start3A_25 = tpu.memref_slice %arg5[%dma_start3A_23, %dma_start3A_24] : memref<160x40xi32, #tpu.memory_space<vmem>> -> memref<1x40xi32, #tpu.memory_space<vmem>>
    %dma_start3A_26 = tpu.memref_squeeze %dma_start3A_25 : memref<1x40xi32, #tpu.memory_space<vmem>> -> memref<40xi32, #tpu.memory_space<vmem>>
    %dma_start3A_27 = arith.constant 0 : i32
    %dma_start3A_28 = arith.constant 0 : i32
    %dma_start3A_29 = tpu.memref_slice %arg3[%dma_start3A_27, %dma_start3A_28] : memref<100000x128xf32, #tpu.memory_space<hbm>> -> memref<100000x128xf32, #tpu.memory_space<hbm>>
    tpu.enqueue_indirect_dma source(%dma_start3A_29 : memref<100000x128xf32, #tpu.memory_space<hbm>>) target(%arg9 : memref<40x128xf32, #tpu.memory_space<vmem>>) offsets(%dma_start3A_26 : memref<40xi32, #tpu.memory_space<vmem>>) semaphore(%arg15 : memref<!tpu.dma_semaphore, #tpu.memory_space<semaphore_mem>>)
    %dma_start3A_30 = arith.constant 4 : i32
    %dma_start3A_31 = arith.constant 0 : i32
    %dma_start3A_32 = tpu.memref_slice %arg5[%dma_start3A_30, %dma_start3A_31] : memref<160x40xi32, #tpu.memory_space<vmem>> -> memref<1x40xi32, #tpu.memory_space<vmem>>
    %dma_start3A_33 = tpu.memref_squeeze %dma_start3A_32 : memref<1x40xi32, #tpu.memory_space<vmem>> -> memref<40xi32, #tpu.memory_space<vmem>>
    %dma_start3A_34 = arith.constant 0 : i32
    %dma_start3A_35 = arith.constant 0 : i32
    %dma_start3A_36 = tpu.memref_slice %arg3[%dma_start3A_34, %dma_start3A_35] : memref<100000x128xf32, #tpu.memory_space<hbm>> -> memref<100000x128xf32, #tpu.memory_space<hbm>>
    tpu.enqueue_indirect_dma source(%dma_start3A_36 : memref<100000x128xf32, #tpu.memory_space<hbm>>) target(%arg10 : memref<40x128xf32, #tpu.memory_space<vmem>>) offsets(%dma_start3A_33 : memref<40xi32, #tpu.memory_space<vmem>>) semaphore(%arg16 : memref<!tpu.dma_semaphore, #tpu.memory_space<semaphore_mem>>)
    %scan3A = arith.constant 5.000000e-03 : f32
    %scan3A_37 = arith.constant 0 : i32
    %scan3A_38 = arith.constant 32 : i32
    %scan3A_39 = arith.addi %scan3A_37, %scan3A_38 : i32
    %scan3A_40 = arith.constant 1 : i32
    scf.for %scan3A_76 = %scan3A_37 to %scan3A_39 step %scan3A_40  : i32 {
      %broadcast_in_dim3A = arith.constant 0.000000e+00 : f32
      %broadcast_in_dim3A_77 = vector.broadcast %broadcast_in_dim3A : f32 to vector<16xf32>
      %broadcast_in_dim3A_78 = arith.constant 0.000000e+00 : f32
      %broadcast_in_dim3A_79 = vector.broadcast %broadcast_in_dim3A_78 : f32 to vector<16xf32>
      %broadcast_in_dim3A_80 = arith.constant 0.000000e+00 : f32
      %broadcast_in_dim3A_81 = vector.broadcast %broadcast_in_dim3A_80 : f32 to vector<16xf32>
      %broadcast_in_dim3A_82 = arith.constant 0.000000e+00 : f32
      %broadcast_in_dim3A_83 = vector.broadcast %broadcast_in_dim3A_82 : f32 to vector<16xf32>
      %broadcast_in_dim3A_84 = arith.constant 0.000000e+00 : f32
      %broadcast_in_dim3A_85 = vector.broadcast %broadcast_in_dim3A_84 : f32 to vector<16xf32>
      %broadcast_in_dim3A_86 = arith.constant 0.000000e+00 : f32
      %broadcast_in_dim3A_87 = vector.broadcast %broadcast_in_dim3A_86 : f32 to vector<16xf32>
      %broadcast_in_dim3A_88 = arith.constant 0.000000e+00 : f32
      %broadcast_in_dim3A_89 = vector.broadcast %broadcast_in_dim3A_88 : f32 to vector<16xf32>
      %broadcast_in_dim3A_90 = arith.constant 0.000000e+00 : f32
      %broadcast_in_dim3A_91 = vector.broadcast %broadcast_in_dim3A_90 : f32 to vector<16xf32>
      %broadcast_in_dim3A_92 = arith.constant 0xFF800000 : f32
      %broadcast_in_dim3A_93 = vector.broadcast %broadcast_in_dim3A_92 : f32 to vector<16xf32>
      %broadcast_in_dim3A_94 = arith.constant 0xFF800000 : f32
      %broadcast_in_dim3A_95 = vector.broadcast %broadcast_in_dim3A_94 : f32 to vector<16xf32>
      %broadcast_in_dim3A_96 = arith.constant 0xFF800000 : f32
      %broadcast_in_dim3A_97 = vector.broadcast %broadcast_in_dim3A_96 : f32 to vector<16xf32>
      %broadcast_in_dim3A_98 = arith.constant 0xFF800000 : f32
      %broadcast_in_dim3A_99 = vector.broadcast %broadcast_in_dim3A_98 : f32 to vector<16xf32>
      %broadcast_in_dim3A_100 = arith.constant 0xFF800000 : f32
      %broadcast_in_dim3A_101 = vector.broadcast %broadcast_in_dim3A_100 : f32 to vector<16xf32>
      %broadcast_in_dim3A_102 = arith.constant 0xFF800000 : f32
      %broadcast_in_dim3A_103 = vector.broadcast %broadcast_in_dim3A_102 : f32 to vector<16xf32>
      %broadcast_in_dim3A_104 = arith.constant 0xFF800000 : f32
      %broadcast_in_dim3A_105 = vector.broadcast %broadcast_in_dim3A_104 : f32 to vector<16xf32>
      %broadcast_in_dim3A_106 = arith.constant 0xFF800000 : f32
      %broadcast_in_dim3A_107 = vector.broadcast %broadcast_in_dim3A_106 : f32 to vector<16xf32>
      %mul3A_108 = arith.constant 5 : i32
      %mul3A_109 = arith.muli %scan3A_76, %mul3A_108 : i32
      %add3A_110 = arith.constant 0 : i32
      %add3A_111 = arith.addi %mul3A_109, %add3A_110 : i32
      %dma_wait3A_112 = arith.constant 0 : i32
      %dma_wait3A_113 = tpu.memref_slice %arg5[%add3A_111, %dma_wait3A_112] : memref<160x40xi32, #tpu.memory_space<vmem>> -> memref<1x40xi32, #tpu.memory_space<vmem>>
      %dma_wait3A_114 = tpu.memref_squeeze %dma_wait3A_113 : memref<1x40xi32, #tpu.memory_space<vmem>> -> memref<40xi32, #tpu.memory_space<vmem>>
      %dma_wait3A_115 = arith.constant 0 : i32
      %dma_wait3A_116 = arith.constant 0 : i32
      %dma_wait3A_117 = tpu.memref_slice %arg3[%dma_wait3A_115, %dma_wait3A_116] : memref<100000x128xf32, #tpu.memory_space<hbm>> -> memref<100000x128xf32, #tpu.memory_space<hbm>>
      tpu.wait_indirect_dma semaphore(%arg12 : memref<!tpu.dma_semaphore, #tpu.memory_space<semaphore_mem>>) src(%dma_wait3A_117 : memref<100000x128xf32, #tpu.memory_space<hbm>>) dst(%arg6 : memref<40x128xf32, #tpu.memory_space<vmem>>)
      %scan3A_118 = arith.constant 0 : i32
      %scan3A_119 = arith.constant 40 : i32
      %scan3A_120 = arith.addi %scan3A_118, %scan3A_119 : i32
      %scan3A_121 = arith.constant 2 : i32
      %scan3A_122:16 = scf.for %scan3A_339 = %scan3A_118 to %scan3A_120 step %scan3A_121 iter_args(%scan3A_340 = %broadcast_in_dim3A_77, %scan3A_341 = %broadcast_in_dim3A_79, %scan3A_342 = %broadcast_in_dim3A_81, %scan3A_343 = %broadcast_in_dim3A_83, %scan3A_344 = %broadcast_in_dim3A_85, %scan3A_345 = %broadcast_in_dim3A_87, %scan3A_346 = %broadcast_in_dim3A_89, %scan3A_347 = %broadcast_in_dim3A_91, %scan3A_348 = %broadcast_in_dim3A_93, %scan3A_349 = %broadcast_in_dim3A_95, %scan3A_350 = %broadcast_in_dim3A_97, %scan3A_351 = %broadcast_in_dim3A_99, %scan3A_352 = %broadcast_in_dim3A_101, %scan3A_353 = %broadcast_in_dim3A_103, %scan3A_354 = %broadcast_in_dim3A_105, %scan3A_355 = %broadcast_in_dim3A_107) -> (vector<16xf32>, vector<16xf32>, vector<16xf32>, vector<16xf32>, vector<16xf32>, vector<16xf32>, vector<16xf32>, vector<16xf32>, vector<16xf32>, vector<16xf32>, vector<16xf32>, vector<16xf32>, vector<16xf32>, vector<16xf32>, vector<16xf32>, vector<16xf32>)  : i32 {
        %get3A = arith.index_cast %scan3A_339 : i32 to index
        %get3A_356 = arith.constant 0 : index
        %get3A_357 = tpu.vector_load %arg6[%get3A, %get3A_356] {strides = array<i32>} : memref<40x128xf32, #tpu.memory_space<vmem>>, vector<1x16xf32>,
        %get3A_358 = vector.shape_cast %get3A_357 : vector<1x16xf32> to vector<16xf32>
        %add3A_359 = arith.addf %scan3A_340, %get3A_358 : vector<16xf32>
        %max3A = arith.maximumf %scan3A_348, %get3A_358 : vector<16xf32>
        %get3A_360 = arith.index_cast %scan3A_339 : i32 to index
        %get3A_361 = arith.constant 16 : index
        %get3A_362 = tpu.vector_load %arg6[%get3A_360, %get3A_361] {strides = array<i32>} : memref<40x128xf32, #tpu.memory_space<vmem>>, vector<1x16xf32>,
        %get3A_363 = vector.shape_cast %get3A_362 : vector<1x16xf32> to vector<16xf32>
        %add3A_364 = arith.addf %scan3A_341, %get3A_363 : vector<16xf32>
        %max3A_365 = arith.maximumf %scan3A_349, %get3A_363 : vector<16xf32>
        %get3A_366 = arith.index_cast %scan3A_339 : i32 to index
        %get3A_367 = arith.constant 32 : index
        %get3A_368 = tpu.vector_load %arg6[%get3A_366, %get3A_367] {strides = array<i32>} : memref<40x128xf32, #tpu.memory_space<vmem>>, vector<1x16xf32>,
        %get3A_369 = vector.shape_cast %get3A_368 : vector<1x16xf32> to vector<16xf32>
        %add3A_370 = arith.addf %scan3A_342, %get3A_369 : vector<16xf32>
        %max3A_371 = arith.maximumf %scan3A_350, %get3A_369 : vector<16xf32>
        %get3A_372 = arith.index_cast %scan3A_339 : i32 to index
        %get3A_373 = arith.constant 48 : index
        %get3A_374 = tpu.vector_load %arg6[%get3A_372, %get3A_373] {strides = array<i32>} : memref<40x128xf32, #tpu.memory_space<vmem>>, vector<1x16xf32>,
        %get3A_375 = vector.shape_cast %get3A_374 : vector<1x16xf32> to vector<16xf32>
        %add3A_376 = arith.addf %scan3A_343, %get3A_375 : vector<16xf32>
        %max3A_377 = arith.maximumf %scan3A_351, %get3A_375 : vector<16xf32>
        %get3A_378 = arith.index_cast %scan3A_339 : i32 to index
        %get3A_379 = arith.constant 64 : index
        %get3A_380 = tpu.vector_load %arg6[%get3A_378, %get3A_379] {strides = array<i32>} : memref<40x128xf32, #tpu.memory_space<vmem>>, vector<1x16xf32>,
        %get3A_381 = vector.shape_cast %get3A_380 : vector<1x16xf32> to vector<16xf32>
        %add3A_382 = arith.addf %scan3A_344, %get3A_381 : vector<16xf32>
        %max3A_383 = arith.maximumf %scan3A_352, %get3A_381 : vector<16xf32>
        %get3A_384 = arith.index_cast %scan3A_339 : i32 to index
        %get3A_385 = arith.constant 80 : index
        %get3A_386 = tpu.vector_load %arg6[%get3A_384, %get3A_385] {strides = array<i32>} : memref<40x128xf32, #tpu.memory_space<vmem>>, vector<1x16xf32>,
        %get3A_387 = vector.shape_cast %get3A_386 : vector<1x16xf32> to vector<16xf32>
        %add3A_388 = arith.addf %scan3A_345, %get3A_387 : vector<16xf32>
        %max3A_389 = arith.maximumf %scan3A_353, %get3A_387 : vector<16xf32>
        %get3A_390 = arith.index_cast %scan3A_339 : i32 to index
        %get3A_391 = arith.constant 96 : index
        %get3A_392 = tpu.vector_load %arg6[%get3A_390, %get3A_391] {strides = array<i32>} : memref<40x128xf32, #tpu.memory_space<vmem>>, vector<1x16xf32>,
        %get3A_393 = vector.shape_cast %get3A_392 : vector<1x16xf32> to vector<16xf32>
        %add3A_394 = arith.addf %scan3A_346, %get3A_393 : vector<16xf32>
        %max3A_395 = arith.maximumf %scan3A_354, %get3A_393 : vector<16xf32>
        %get3A_396 = arith.index_cast %scan3A_339 : i32 to index
        %get3A_397 = arith.constant 112 : index
        %get3A_398 = tpu.vector_load %arg6[%get3A_396, %get3A_397] {strides = array<i32>} : memref<40x128xf32, #tpu.memory_space<vmem>>, vector<1x16xf32>,
        %get3A_399 = vector.shape_cast %get3A_398 : vector<1x16xf32> to vector<16xf32>
        %add3A_400 = arith.addf %scan3A_347, %get3A_399 : vector<16xf32>
        %max3A_401 = arith.maximumf %scan3A_355, %get3A_399 : vector<16xf32>
        %scan3A_402 = arith.constant 1 : i32
        %scan3A_403 = arith.addi %scan3A_339, %scan3A_402 : i32
        %get3A_404 = arith.index_cast %scan3A_403 : i32 to index
        %get3A_405 = arith.constant 0 : index
        %get3A_406 = tpu.vector_load %arg6[%get3A_404, %get3A_405] {strides = array<i32>} : memref<40x128xf32, #tpu.memory_space<vmem>>, vector<1x16xf32>,
        %get3A_407 = vector.shape_cast %get3A_406 : vector<1x16xf32> to vector<16xf32>
        %add3A_408 = arith.addf %add3A_359, %get3A_407 : vector<16xf32>
        %max3A_409 = arith.maximumf %max3A, %get3A_407 : vector<16xf32>
        %get3A_410 = arith.index_cast %scan3A_403 : i32 to index
        %get3A_411 = arith.constant 16 : index
        %get3A_412 = tpu.vector_load %arg6[%get3A_410, %get3A_411] {strides = array<i32>} : memref<40x128xf32, #tpu.memory_space<vmem>>, vector<1x16xf32>,
        %get3A_413 = vector.shape_cast %get3A_412 : vector<1x16xf32> to vector<16xf32>
        %add3A_414 = arith.addf %add3A_364, %get3A_413 : vector<16xf32>
        %max3A_415 = arith.maximumf %max3A_365, %get3A_413 : vector<16xf32>
        %get3A_416 = arith.index_cast %scan3A_403 : i32 to index
        %get3A_417 = arith.constant 32 : index
        %get3A_418 = tpu.vector_load %arg6[%get3A_416, %get3A_417] {strides = array<i32>} : memref<40x128xf32, #tpu.memory_space<vmem>>, vector<1x16xf32>,
        %get3A_419 = vector.shape_cast %get3A_418 : vector<1x16xf32> to vector<16xf32>
        %add3A_420 = arith.addf %add3A_370, %get3A_419 : vector<16xf32>
        %max3A_421 = arith.maximumf %max3A_371, %get3A_419 : vector<16xf32>
        %get3A_422 = arith.index_cast %scan3A_403 : i32 to index
        %get3A_423 = arith.constant 48 : index
        %get3A_424 = tpu.vector_load %arg6[%get3A_422, %get3A_423] {strides = array<i32>} : memref<40x128xf32, #tpu.memory_space<vmem>>, vector<1x16xf32>,
        %get3A_425 = vector.shape_cast %get3A_424 : vector<1x16xf32> to vector<16xf32>
        %add3A_426 = arith.addf %add3A_376, %get3A_425 : vector<16xf32>
        %max3A_427 = arith.maximumf %max3A_377, %get3A_425 : vector<16xf32>
        %get3A_428 = arith.index_cast %scan3A_403 : i32 to index
        %get3A_429 = arith.constant 64 : index
        %get3A_430 = tpu.vector_load %arg6[%get3A_428, %get3A_429] {strides = array<i32>} : memref<40x128xf32, #tpu.memory_space<vmem>>, vector<1x16xf32>,
        %get3A_431 = vector.shape_cast %get3A_430 : vector<1x16xf32> to vector<16xf32>
        %add3A_432 = arith.addf %add3A_382, %get3A_431 : vector<16xf32>
        %max3A_433 = arith.maximumf %max3A_383, %get3A_431 : vector<16xf32>
        %get3A_434 = arith.index_cast %scan3A_403 : i32 to index
        %get3A_435 = arith.constant 80 : index
        %get3A_436 = tpu.vector_load %arg6[%get3A_434, %get3A_435] {strides = array<i32>} : memref<40x128xf32, #tpu.memory_space<vmem>>, vector<1x16xf32>,
        %get3A_437 = vector.shape_cast %get3A_436 : vector<1x16xf32> to vector<16xf32>
        %add3A_438 = arith.addf %add3A_388, %get3A_437 : vector<16xf32>
        %max3A_439 = arith.maximumf %max3A_389, %get3A_437 : vector<16xf32>
        %get3A_440 = arith.index_cast %scan3A_403 : i32 to index
        %get3A_441 = arith.constant 96 : index
        %get3A_442 = tpu.vector_load %arg6[%get3A_440, %get3A_441] {strides = array<i32>} : memref<40x128xf32, #tpu.memory_space<vmem>>, vector<1x16xf32>,
        %get3A_443 = vector.shape_cast %get3A_442 : vector<1x16xf32> to vector<16xf32>
        %add3A_444 = arith.addf %add3A_394, %get3A_443 : vector<16xf32>
        %max3A_445 = arith.maximumf %max3A_395, %get3A_443 : vector<16xf32>
        %get3A_446 = arith.index_cast %scan3A_403 : i32 to index
        %get3A_447 = arith.constant 112 : index
        %get3A_448 = tpu.vector_load %arg6[%get3A_446, %get3A_447] {strides = array<i32>} : memref<40x128xf32, #tpu.memory_space<vmem>>, vector<1x16xf32>,
        %get3A_449 = vector.shape_cast %get3A_448 : vector<1x16xf32> to vector<16xf32>
        %add3A_450 = arith.addf %add3A_400, %get3A_449 : vector<16xf32>
        %max3A_451 = arith.maximumf %max3A_401, %get3A_449 : vector<16xf32>
        scf.yield %add3A_408, %add3A_414, %add3A_420, %add3A_426, %add3A_432, %add3A_438, %add3A_444, %add3A_450, %max3A_409, %max3A_415, %max3A_421, %max3A_427, %max3A_433, %max3A_439, %max3A_445, %max3A_451 : vector<16xf32>, vector<16xf32>, vector<16xf32>, vector<16xf32>, vector<16xf32>, vector<16xf32>, vector<16xf32>, vector<16xf32>, vector<16xf32>, vector<16xf32>, vector<16xf32>, vector<16xf32>, vector<16xf32>, vector<16xf32>, vector<16xf32>, vector<16xf32>
      }
      %scan3A_123 = arith.constant 40 : i32
      %add3A_124 = arith.constant 1 : i32
      %add3A_125 = arith.addi %scan3A_76, %add3A_124 : i32
      %min3A = arith.constant 31 : i32
      %min3A_126 = arith.minsi %add3A_125, %min3A : i32
      %mul3A_127 = arith.constant 5 : i32
      %mul3A_128 = arith.muli %min3A_126, %mul3A_127 : i32
      %add3A_129 = arith.constant 0 : i32
      %add3A_130 = arith.addi %mul3A_128, %add3A_129 : i32
      %dma_start3A_131 = arith.constant 0 : i32
      %dma_start3A_132 = tpu.memref_slice %arg5[%add3A_130, %dma_start3A_131] : memref<160x40xi32, #tpu.memory_space<vmem>> -> memref<1x40xi32, #tpu.memory_space<vmem>>
      %dma_start3A_133 = tpu.memref_squeeze %dma_start3A_132 : memref<1x40xi32, #tpu.memory_space<vmem>> -> memref<40xi32, #tpu.memory_space<vmem>>
      %dma_start3A_134 = arith.constant 0 : i32
      %dma_start3A_135 = arith.constant 0 : i32
      %dma_start3A_136 = tpu.memref_slice %arg3[%dma_start3A_134, %dma_start3A_135] : memref<100000x128xf32, #tpu.memory_space<hbm>> -> memref<100000x128xf32, #tpu.memory_space<hbm>>
      tpu.enqueue_indirect_dma source(%dma_start3A_136 : memref<100000x128xf32, #tpu.memory_space<hbm>>) target(%arg6 : memref<40x128xf32, #tpu.memory_space<vmem>>) offsets(%dma_start3A_133 : memref<40xi32, #tpu.memory_space<vmem>>) semaphore(%arg12 : memref<!tpu.dma_semaphore, #tpu.memory_space<semaphore_mem>>)
      %mul3A_137 = arith.constant 5 : i32
      %mul3A_138 = arith.muli %scan3A_76, %mul3A_137 : i32
      %add3A_139 = arith.constant 1 : i32
      %add3A_140 = arith.addi %mul3A_138, %add3A_139 : i32
      %dma_wait3A_141 = arith.constant 0 : i32
      %dma_wait3A_142 = tpu.memref_slice %arg5[%add3A_140, %dma_wait3A_141] : memref<160x40xi32, #tpu.memory_space<vmem>> -> memref<1x40xi32, #tpu.memory_space<vmem>>
      %dma_wait3A_143 = tpu.memref_squeeze %dma_wait3A_142 : memref<1x40xi32, #tpu.memory_space<vmem>> -> memref<40xi32, #tpu.memory_space<vmem>>
      %dma_wait3A_144 = arith.constant 0 : i32
      %dma_wait3A_145 = arith.constant 0 : i32
      %dma_wait3A_146 = tpu.memref_slice %arg3[%dma_wait3A_144, %dma_wait3A_145] : memref<100000x128xf32, #tpu.memory_space<hbm>> -> memref<100000x128xf32, #tpu.memory_space<hbm>>
      tpu.wait_indirect_dma semaphore(%arg13 : memref<!tpu.dma_semaphore, #tpu.memory_space<semaphore_mem>>) src(%dma_wait3A_146 : memref<100000x128xf32, #tpu.memory_space<hbm>>) dst(%arg7 : memref<40x128xf32, #tpu.memory_space<vmem>>)
      %scan3A_147 = arith.constant 0 : i32
      %scan3A_148 = arith.constant 40 : i32
      %scan3A_149 = arith.addi %scan3A_147, %scan3A_148 : i32
      %scan3A_150 = arith.constant 2 : i32
      %scan3A_151:16 = scf.for %scan3A_339 = %scan3A_147 to %scan3A_149 step %scan3A_150 iter_args(%scan3A_340 = %scan3A_122#0, %scan3A_341 = %scan3A_122#1, %scan3A_342 = %scan3A_122#2, %scan3A_343 = %scan3A_122#3, %scan3A_344 = %scan3A_122#4, %scan3A_345 = %scan3A_122#5, %scan3A_346 = %scan3A_122#6, %scan3A_347 = %scan3A_122#7, %scan3A_348 = %scan3A_122#8, %scan3A_349 = %scan3A_122#9, %scan3A_350 = %scan3A_122#10, %scan3A_351 = %scan3A_122#11, %scan3A_352 = %scan3A_122#12, %scan3A_353 = %scan3A_122#13, %scan3A_354 = %scan3A_122#14, %scan3A_355 = %scan3A_122#15) -> (vector<16xf32>, vector<16xf32>, vector<16xf32>, vector<16xf32>, vector<16xf32>, vector<16xf32>, vector<16xf32>, vector<16xf32>, vector<16xf32>, vector<16xf32>, vector<16xf32>, vector<16xf32>, vector<16xf32>, vector<16xf32>, vector<16xf32>, vector<16xf32>)  : i32 {
        %get3A = arith.index_cast %scan3A_339 : i32 to index
        %get3A_356 = arith.constant 0 : index
        %get3A_357 = tpu.vector_load %arg7[%get3A, %get3A_356] {strides = array<i32>} : memref<40x128xf32, #tpu.memory_space<vmem>>, vector<1x16xf32>,
        %get3A_358 = vector.shape_cast %get3A_357 : vector<1x16xf32> to vector<16xf32>
        %add3A_359 = arith.addf %scan3A_340, %get3A_358 : vector<16xf32>
        %max3A = arith.maximumf %scan3A_348, %get3A_358 : vector<16xf32>
        %get3A_360 = arith.index_cast %scan3A_339 : i32 to index
        %get3A_361 = arith.constant 16 : index
        %get3A_362 = tpu.vector_load %arg7[%get3A_360, %get3A_361] {strides = array<i32>} : memref<40x128xf32, #tpu.memory_space<vmem>>, vector<1x16xf32>,
        %get3A_363 = vector.shape_cast %get3A_362 : vector<1x16xf32> to vector<16xf32>
        %add3A_364 = arith.addf %scan3A_341, %get3A_363 : vector<16xf32>
        %max3A_365 = arith.maximumf %scan3A_349, %get3A_363 : vector<16xf32>
        %get3A_366 = arith.index_cast %scan3A_339 : i32 to index
        %get3A_367 = arith.constant 32 : index
        %get3A_368 = tpu.vector_load %arg7[%get3A_366, %get3A_367] {strides = array<i32>} : memref<40x128xf32, #tpu.memory_space<vmem>>, vector<1x16xf32>,
        %get3A_369 = vector.shape_cast %get3A_368 : vector<1x16xf32> to vector<16xf32>
        %add3A_370 = arith.addf %scan3A_342, %get3A_369 : vector<16xf32>
        %max3A_371 = arith.maximumf %scan3A_350, %get3A_369 : vector<16xf32>
        %get3A_372 = arith.index_cast %scan3A_339 : i32 to index
        %get3A_373 = arith.constant 48 : index
        %get3A_374 = tpu.vector_load %arg7[%get3A_372, %get3A_373] {strides = array<i32>} : memref<40x128xf32, #tpu.memory_space<vmem>>, vector<1x16xf32>,
        %get3A_375 = vector.shape_cast %get3A_374 : vector<1x16xf32> to vector<16xf32>
        %add3A_376 = arith.addf %scan3A_343, %get3A_375 : vector<16xf32>
        %max3A_377 = arith.maximumf %scan3A_351, %get3A_375 : vector<16xf32>
        %get3A_378 = arith.index_cast %scan3A_339 : i32 to index
        %get3A_379 = arith.constant 64 : index
        %get3A_380 = tpu.vector_load %arg7[%get3A_378, %get3A_379] {strides = array<i32>} : memref<40x128xf32, #tpu.memory_space<vmem>>, vector<1x16xf32>,
        %get3A_381 = vector.shape_cast %get3A_380 : vector<1x16xf32> to vector<16xf32>
        %add3A_382 = arith.addf %scan3A_344, %get3A_381 : vector<16xf32>
        %max3A_383 = arith.maximumf %scan3A_352, %get3A_381 : vector<16xf32>
        %get3A_384 = arith.index_cast %scan3A_339 : i32 to index
        %get3A_385 = arith.constant 80 : index
        %get3A_386 = tpu.vector_load %arg7[%get3A_384, %get3A_385] {strides = array<i32>} : memref<40x128xf32, #tpu.memory_space<vmem>>, vector<1x16xf32>,
        %get3A_387 = vector.shape_cast %get3A_386 : vector<1x16xf32> to vector<16xf32>
        %add3A_388 = arith.addf %scan3A_345, %get3A_387 : vector<16xf32>
        %max3A_389 = arith.maximumf %scan3A_353, %get3A_387 : vector<16xf32>
        %get3A_390 = arith.index_cast %scan3A_339 : i32 to index
        %get3A_391 = arith.constant 96 : index
        %get3A_392 = tpu.vector_load %arg7[%get3A_390, %get3A_391] {strides = array<i32>} : memref<40x128xf32, #tpu.memory_space<vmem>>, vector<1x16xf32>,
        %get3A_393 = vector.shape_cast %get3A_392 : vector<1x16xf32> to vector<16xf32>
        %add3A_394 = arith.addf %scan3A_346, %get3A_393 : vector<16xf32>
        %max3A_395 = arith.maximumf %scan3A_354, %get3A_393 : vector<16xf32>
        %get3A_396 = arith.index_cast %scan3A_339 : i32 to index
        %get3A_397 = arith.constant 112 : index
        %get3A_398 = tpu.vector_load %arg7[%get3A_396, %get3A_397] {strides = array<i32>} : memref<40x128xf32, #tpu.memory_space<vmem>>, vector<1x16xf32>,
        %get3A_399 = vector.shape_cast %get3A_398 : vector<1x16xf32> to vector<16xf32>
        %add3A_400 = arith.addf %scan3A_347, %get3A_399 : vector<16xf32>
        %max3A_401 = arith.maximumf %scan3A_355, %get3A_399 : vector<16xf32>
        %scan3A_402 = arith.constant 1 : i32
        %scan3A_403 = arith.addi %scan3A_339, %scan3A_402 : i32
        %get3A_404 = arith.index_cast %scan3A_403 : i32 to index
        %get3A_405 = arith.constant 0 : index
        %get3A_406 = tpu.vector_load %arg7[%get3A_404, %get3A_405] {strides = array<i32>} : memref<40x128xf32, #tpu.memory_space<vmem>>, vector<1x16xf32>,
        %get3A_407 = vector.shape_cast %get3A_406 : vector<1x16xf32> to vector<16xf32>
        %add3A_408 = arith.addf %add3A_359, %get3A_407 : vector<16xf32>
        %max3A_409 = arith.maximumf %max3A, %get3A_407 : vector<16xf32>
        %get3A_410 = arith.index_cast %scan3A_403 : i32 to index
        %get3A_411 = arith.constant 16 : index
        %get3A_412 = tpu.vector_load %arg7[%get3A_410, %get3A_411] {strides = array<i32>} : memref<40x128xf32, #tpu.memory_space<vmem>>, vector<1x16xf32>,
        %get3A_413 = vector.shape_cast %get3A_412 : vector<1x16xf32> to vector<16xf32>
        %add3A_414 = arith.addf %add3A_364, %get3A_413 : vector<16xf32>
        %max3A_415 = arith.maximumf %max3A_365, %get3A_413 : vector<16xf32>
        %get3A_416 = arith.index_cast %scan3A_403 : i32 to index
        %get3A_417 = arith.constant 32 : index
        %get3A_418 = tpu.vector_load %arg7[%get3A_416, %get3A_417] {strides = array<i32>} : memref<40x128xf32, #tpu.memory_space<vmem>>, vector<1x16xf32>,
        %get3A_419 = vector.shape_cast %get3A_418 : vector<1x16xf32> to vector<16xf32>
        %add3A_420 = arith.addf %add3A_370, %get3A_419 : vector<16xf32>
        %max3A_421 = arith.maximumf %max3A_371, %get3A_419 : vector<16xf32>
        %get3A_422 = arith.index_cast %scan3A_403 : i32 to index
        %get3A_423 = arith.constant 48 : index
        %get3A_424 = tpu.vector_load %arg7[%get3A_422, %get3A_423] {strides = array<i32>} : memref<40x128xf32, #tpu.memory_space<vmem>>, vector<1x16xf32>,
        %get3A_425 = vector.shape_cast %get3A_424 : vector<1x16xf32> to vector<16xf32>
        %add3A_426 = arith.addf %add3A_376, %get3A_425 : vector<16xf32>
        %max3A_427 = arith.maximumf %max3A_377, %get3A_425 : vector<16xf32>
        %get3A_428 = arith.index_cast %scan3A_403 : i32 to index
        %get3A_429 = arith.constant 64 : index
        %get3A_430 = tpu.vector_load %arg7[%get3A_428, %get3A_429] {strides = array<i32>} : memref<40x128xf32, #tpu.memory_space<vmem>>, vector<1x16xf32>,
        %get3A_431 = vector.shape_cast %get3A_430 : vector<1x16xf32> to vector<16xf32>
        %add3A_432 = arith.addf %add3A_382, %get3A_431 : vector<16xf32>
        %max3A_433 = arith.maximumf %max3A_383, %get3A_431 : vector<16xf32>
        %get3A_434 = arith.index_cast %scan3A_403 : i32 to index
        %get3A_435 = arith.constant 80 : index
        %get3A_436 = tpu.vector_load %arg7[%get3A_434, %get3A_435] {strides = array<i32>} : memref<40x128xf32, #tpu.memory_space<vmem>>, vector<1x16xf32>,
        %get3A_437 = vector.shape_cast %get3A_436 : vector<1x16xf32> to vector<16xf32>
        %add3A_438 = arith.addf %add3A_388, %get3A_437 : vector<16xf32>
        %max3A_439 = arith.maximumf %max3A_389, %get3A_437 : vector<16xf32>
        %get3A_440 = arith.index_cast %scan3A_403 : i32 to index
        %get3A_441 = arith.constant 96 : index
        %get3A_442 = tpu.vector_load %arg7[%get3A_440, %get3A_441] {strides = array<i32>} : memref<40x128xf32, #tpu.memory_space<vmem>>, vector<1x16xf32>,
        %get3A_443 = vector.shape_cast %get3A_442 : vector<1x16xf32> to vector<16xf32>
        %add3A_444 = arith.addf %add3A_394, %get3A_443 : vector<16xf32>
        %max3A_445 = arith.maximumf %max3A_395, %get3A_443 : vector<16xf32>
        %get3A_446 = arith.index_cast %scan3A_403 : i32 to index
        %get3A_447 = arith.constant 112 : index
        %get3A_448 = tpu.vector_load %arg7[%get3A_446, %get3A_447] {strides = array<i32>} : memref<40x128xf32, #tpu.memory_space<vmem>>, vector<1x16xf32>,
        %get3A_449 = vector.shape_cast %get3A_448 : vector<1x16xf32> to vector<16xf32>
        %add3A_450 = arith.addf %add3A_400, %get3A_449 : vector<16xf32>
        %max3A_451 = arith.maximumf %max3A_401, %get3A_449 : vector<16xf32>
        scf.yield %add3A_408, %add3A_414, %add3A_420, %add3A_426, %add3A_432, %add3A_438, %add3A_444, %add3A_450, %max3A_409, %max3A_415, %max3A_421, %max3A_427, %max3A_433, %max3A_439, %max3A_445, %max3A_451 : vector<16xf32>, vector<16xf32>, vector<16xf32>, vector<16xf32>, vector<16xf32>, vector<16xf32>, vector<16xf32>, vector<16xf32>, vector<16xf32>, vector<16xf32>, vector<16xf32>, vector<16xf32>, vector<16xf32>, vector<16xf32>, vector<16xf32>, vector<16xf32>
      }
      %scan3A_152 = arith.constant 40 : i32
      %add3A_153 = arith.constant 1 : i32
      %add3A_154 = arith.addi %scan3A_76, %add3A_153 : i32
      %min3A_155 = arith.constant 31 : i32
      %min3A_156 = arith.minsi %add3A_154, %min3A_155 : i32
      %mul3A_157 = arith.constant 5 : i32
      %mul3A_158 = arith.muli %min3A_156, %mul3A_157 : i32
      %add3A_159 = arith.constant 1 : i32
      %add3A_160 = arith.addi %mul3A_158, %add3A_159 : i32
      %dma_start3A_161 = arith.constant 0 : i32
      %dma_start3A_162 = tpu.memref_slice %arg5[%add3A_160, %dma_start3A_161] : memref<160x40xi32, #tpu.memory_space<vmem>> -> memref<1x40xi32, #tpu.memory_space<vmem>>
      %dma_start3A_163 = tpu.memref_squeeze %dma_start3A_162 : memref<1x40xi32, #tpu.memory_space<vmem>> -> memref<40xi32, #tpu.memory_space<vmem>>
      %dma_start3A_164 = arith.constant 0 : i32
      %dma_start3A_165 = arith.constant 0 : i32
      %dma_start3A_166 = tpu.memref_slice %arg3[%dma_start3A_164, %dma_start3A_165] : memref<100000x128xf32, #tpu.memory_space<hbm>> -> memref<100000x128xf32, #tpu.memory_space<hbm>>
      tpu.enqueue_indirect_dma source(%dma_start3A_166 : memref<100000x128xf32, #tpu.memory_space<hbm>>) target(%arg7 : memref<40x128xf32, #tpu.memory_space<vmem>>) offsets(%dma_start3A_163 : memref<40xi32, #tpu.memory_space<vmem>>) semaphore(%arg13 : memref<!tpu.dma_semaphore, #tpu.memory_space<semaphore_mem>>)
      %mul3A_167 = arith.constant 5 : i32
      %mul3A_168 = arith.muli %scan3A_76, %mul3A_167 : i32
      %add3A_169 = arith.constant 2 : i32
      %add3A_170 = arith.addi %mul3A_168, %add3A_169 : i32
      %dma_wait3A_171 = arith.constant 0 : i32
      %dma_wait3A_172 = tpu.memref_slice %arg5[%add3A_170, %dma_wait3A_171] : memref<160x40xi32, #tpu.memory_space<vmem>> -> memref<1x40xi32, #tpu.memory_space<vmem>>
      %dma_wait3A_173 = tpu.memref_squeeze %dma_wait3A_172 : memref<1x40xi32, #tpu.memory_space<vmem>> -> memref<40xi32, #tpu.memory_space<vmem>>
      %dma_wait3A_174 = arith.constant 0 : i32
      %dma_wait3A_175 = arith.constant 0 : i32
      %dma_wait3A_176 = tpu.memref_slice %arg3[%dma_wait3A_174, %dma_wait3A_175] : memref<100000x128xf32, #tpu.memory_space<hbm>> -> memref<100000x128xf32, #tpu.memory_space<hbm>>
      tpu.wait_indirect_dma semaphore(%arg14 : memref<!tpu.dma_semaphore, #tpu.memory_space<semaphore_mem>>) src(%dma_wait3A_176 : memref<100000x128xf32, #tpu.memory_space<hbm>>) dst(%arg8 : memref<40x128xf32, #tpu.memory_space<vmem>>)
      %scan3A_177 = arith.constant 0 : i32
      %scan3A_178 = arith.constant 40 : i32
      %scan3A_179 = arith.addi %scan3A_177, %scan3A_178 : i32
      %scan3A_180 = arith.constant 2 : i32
      %scan3A_181:16 = scf.for %scan3A_339 = %scan3A_177 to %scan3A_179 step %scan3A_180 iter_args(%scan3A_340 = %scan3A_151#0, %scan3A_341 = %scan3A_151#1, %scan3A_342 = %scan3A_151#2, %scan3A_343 = %scan3A_151#3, %scan3A_344 = %scan3A_151#4, %scan3A_345 = %scan3A_151#5, %scan3A_346 = %scan3A_151#6, %scan3A_347 = %scan3A_151#7, %scan3A_348 = %scan3A_151#8, %scan3A_349 = %scan3A_151#9, %scan3A_350 = %scan3A_151#10, %scan3A_351 = %scan3A_151#11, %scan3A_352 = %scan3A_151#12, %scan3A_353 = %scan3A_151#13, %scan3A_354 = %scan3A_151#14, %scan3A_355 = %scan3A_151#15) -> (vector<16xf32>, vector<16xf32>, vector<16xf32>, vector<16xf32>, vector<16xf32>, vector<16xf32>, vector<16xf32>, vector<16xf32>, vector<16xf32>, vector<16xf32>, vector<16xf32>, vector<16xf32>, vector<16xf32>, vector<16xf32>, vector<16xf32>, vector<16xf32>)  : i32 {
        %get3A = arith.index_cast %scan3A_339 : i32 to index
        %get3A_356 = arith.constant 0 : index
        %get3A_357 = tpu.vector_load %arg8[%get3A, %get3A_356] {strides = array<i32>} : memref<40x128xf32, #tpu.memory_space<vmem>>, vector<1x16xf32>,
        %get3A_358 = vector.shape_cast %get3A_357 : vector<1x16xf32> to vector<16xf32>
        %add3A_359 = arith.addf %scan3A_340, %get3A_358 : vector<16xf32>
        %max3A = arith.maximumf %scan3A_348, %get3A_358 : vector<16xf32>
        %get3A_360 = arith.index_cast %scan3A_339 : i32 to index
        %get3A_361 = arith.constant 16 : index
        %get3A_362 = tpu.vector_load %arg8[%get3A_360, %get3A_361] {strides = array<i32>} : memref<40x128xf32, #tpu.memory_space<vmem>>, vector<1x16xf32>,
        %get3A_363 = vector.shape_cast %get3A_362 : vector<1x16xf32> to vector<16xf32>
        %add3A_364 = arith.addf %scan3A_341, %get3A_363 : vector<16xf32>
        %max3A_365 = arith.maximumf %scan3A_349, %get3A_363 : vector<16xf32>
        %get3A_366 = arith.index_cast %scan3A_339 : i32 to index
        %get3A_367 = arith.constant 32 : index
        %get3A_368 = tpu.vector_load %arg8[%get3A_366, %get3A_367] {strides = array<i32>} : memref<40x128xf32, #tpu.memory_space<vmem>>, vector<1x16xf32>,
        %get3A_369 = vector.shape_cast %get3A_368 : vector<1x16xf32> to vector<16xf32>
        %add3A_370 = arith.addf %scan3A_342, %get3A_369 : vector<16xf32>
        %max3A_371 = arith.maximumf %scan3A_350, %get3A_369 : vector<16xf32>
        %get3A_372 = arith.index_cast %scan3A_339 : i32 to index
        %get3A_373 = arith.constant 48 : index
        %get3A_374 = tpu.vector_load %arg8[%get3A_372, %get3A_373] {strides = array<i32>} : memref<40x128xf32, #tpu.memory_space<vmem>>, vector<1x16xf32>,
        %get3A_375 = vector.shape_cast %get3A_374 : vector<1x16xf32> to vector<16xf32>
        %add3A_376 = arith.addf %scan3A_343, %get3A_375 : vector<16xf32>
        %max3A_377 = arith.maximumf %scan3A_351, %get3A_375 : vector<16xf32>
        %get3A_378 = arith.index_cast %scan3A_339 : i32 to index
        %get3A_379 = arith.constant 64 : index
        %get3A_380 = tpu.vector_load %arg8[%get3A_378, %get3A_379] {strides = array<i32>} : memref<40x128xf32, #tpu.memory_space<vmem>>, vector<1x16xf32>,
        %get3A_381 = vector.shape_cast %get3A_380 : vector<1x16xf32> to vector<16xf32>
        %add3A_382 = arith.addf %scan3A_344, %get3A_381 : vector<16xf32>
        %max3A_383 = arith.maximumf %scan3A_352, %get3A_381 : vector<16xf32>
        %get3A_384 = arith.index_cast %scan3A_339 : i32 to index
        %get3A_385 = arith.constant 80 : index
        %get3A_386 = tpu.vector_load %arg8[%get3A_384, %get3A_385] {strides = array<i32>} : memref<40x128xf32, #tpu.memory_space<vmem>>, vector<1x16xf32>,
        %get3A_387 = vector.shape_cast %get3A_386 : vector<1x16xf32> to vector<16xf32>
        %add3A_388 = arith.addf %scan3A_345, %get3A_387 : vector<16xf32>
        %max3A_389 = arith.maximumf %scan3A_353, %get3A_387 : vector<16xf32>
        %get3A_390 = arith.index_cast %scan3A_339 : i32 to index
        %get3A_391 = arith.constant 96 : index
        %get3A_392 = tpu.vector_load %arg8[%get3A_390, %get3A_391] {strides = array<i32>} : memref<40x128xf32, #tpu.memory_space<vmem>>, vector<1x16xf32>,
        %get3A_393 = vector.shape_cast %get3A_392 : vector<1x16xf32> to vector<16xf32>
        %add3A_394 = arith.addf %scan3A_346, %get3A_393 : vector<16xf32>
        %max3A_395 = arith.maximumf %scan3A_354, %get3A_393 : vector<16xf32>
        %get3A_396 = arith.index_cast %scan3A_339 : i32 to index
        %get3A_397 = arith.constant 112 : index
        %get3A_398 = tpu.vector_load %arg8[%get3A_396, %get3A_397] {strides = array<i32>} : memref<40x128xf32, #tpu.memory_space<vmem>>, vector<1x16xf32>,
        %get3A_399 = vector.shape_cast %get3A_398 : vector<1x16xf32> to vector<16xf32>
        %add3A_400 = arith.addf %scan3A_347, %get3A_399 : vector<16xf32>
        %max3A_401 = arith.maximumf %scan3A_355, %get3A_399 : vector<16xf32>
        %scan3A_402 = arith.constant 1 : i32
        %scan3A_403 = arith.addi %scan3A_339, %scan3A_402 : i32
        %get3A_404 = arith.index_cast %scan3A_403 : i32 to index
        %get3A_405 = arith.constant 0 : index
        %get3A_406 = tpu.vector_load %arg8[%get3A_404, %get3A_405] {strides = array<i32>} : memref<40x128xf32, #tpu.memory_space<vmem>>, vector<1x16xf32>,
        %get3A_407 = vector.shape_cast %get3A_406 : vector<1x16xf32> to vector<16xf32>
        %add3A_408 = arith.addf %add3A_359, %get3A_407 : vector<16xf32>
        %max3A_409 = arith.maximumf %max3A, %get3A_407 : vector<16xf32>
        %get3A_410 = arith.index_cast %scan3A_403 : i32 to index
        %get3A_411 = arith.constant 16 : index
        %get3A_412 = tpu.vector_load %arg8[%get3A_410, %get3A_411] {strides = array<i32>} : memref<40x128xf32, #tpu.memory_space<vmem>>, vector<1x16xf32>,
        %get3A_413 = vector.shape_cast %get3A_412 : vector<1x16xf32> to vector<16xf32>
        %add3A_414 = arith.addf %add3A_364, %get3A_413 : vector<16xf32>
        %max3A_415 = arith.maximumf %max3A_365, %get3A_413 : vector<16xf32>
        %get3A_416 = arith.index_cast %scan3A_403 : i32 to index
        %get3A_417 = arith.constant 32 : index
        %get3A_418 = tpu.vector_load %arg8[%get3A_416, %get3A_417] {strides = array<i32>} : memref<40x128xf32, #tpu.memory_space<vmem>>, vector<1x16xf32>,
        %get3A_419 = vector.shape_cast %get3A_418 : vector<1x16xf32> to vector<16xf32>
        %add3A_420 = arith.addf %add3A_370, %get3A_419 : vector<16xf32>
        %max3A_421 = arith.maximumf %max3A_371, %get3A_419 : vector<16xf32>
        %get3A_422 = arith.index_cast %scan3A_403 : i32 to index
        %get3A_423 = arith.constant 48 : index
        %get3A_424 = tpu.vector_load %arg8[%get3A_422, %get3A_423] {strides = array<i32>} : memref<40x128xf32, #tpu.memory_space<vmem>>, vector<1x16xf32>,
        %get3A_425 = vector.shape_cast %get3A_424 : vector<1x16xf32> to vector<16xf32>
        %add3A_426 = arith.addf %add3A_376, %get3A_425 : vector<16xf32>
        %max3A_427 = arith.maximumf %max3A_377, %get3A_425 : vector<16xf32>
        %get3A_428 = arith.index_cast %scan3A_403 : i32 to index
        %get3A_429 = arith.constant 64 : index
        %get3A_430 = tpu.vector_load %arg8[%get3A_428, %get3A_429] {strides = array<i32>} : memref<40x128xf32, #tpu.memory_space<vmem>>, vector<1x16xf32>,
        %get3A_431 = vector.shape_cast %get3A_430 : vector<1x16xf32> to vector<16xf32>
        %add3A_432 = arith.addf %add3A_382, %get3A_431 : vector<16xf32>
        %max3A_433 = arith.maximumf %max3A_383, %get3A_431 : vector<16xf32>
        %get3A_434 = arith.index_cast %scan3A_403 : i32 to index
        %get3A_435 = arith.constant 80 : index
        %get3A_436 = tpu.vector_load %arg8[%get3A_434, %get3A_435] {strides = array<i32>} : memref<40x128xf32, #tpu.memory_space<vmem>>, vector<1x16xf32>,
        %get3A_437 = vector.shape_cast %get3A_436 : vector<1x16xf32> to vector<16xf32>
        %add3A_438 = arith.addf %add3A_388, %get3A_437 : vector<16xf32>
        %max3A_439 = arith.maximumf %max3A_389, %get3A_437 : vector<16xf32>
        %get3A_440 = arith.index_cast %scan3A_403 : i32 to index
        %get3A_441 = arith.constant 96 : index
        %get3A_442 = tpu.vector_load %arg8[%get3A_440, %get3A_441] {strides = array<i32>} : memref<40x128xf32, #tpu.memory_space<vmem>>, vector<1x16xf32>,
        %get3A_443 = vector.shape_cast %get3A_442 : vector<1x16xf32> to vector<16xf32>
        %add3A_444 = arith.addf %add3A_394, %get3A_443 : vector<16xf32>
        %max3A_445 = arith.maximumf %max3A_395, %get3A_443 : vector<16xf32>
        %get3A_446 = arith.index_cast %scan3A_403 : i32 to index
        %get3A_447 = arith.constant 112 : index
        %get3A_448 = tpu.vector_load %arg8[%get3A_446, %get3A_447] {strides = array<i32>} : memref<40x128xf32, #tpu.memory_space<vmem>>, vector<1x16xf32>,
        %get3A_449 = vector.shape_cast %get3A_448 : vector<1x16xf32> to vector<16xf32>
        %add3A_450 = arith.addf %add3A_400, %get3A_449 : vector<16xf32>
        %max3A_451 = arith.maximumf %max3A_401, %get3A_449 : vector<16xf32>
        scf.yield %add3A_408, %add3A_414, %add3A_420, %add3A_426, %add3A_432, %add3A_438, %add3A_444, %add3A_450, %max3A_409, %max3A_415, %max3A_421, %max3A_427, %max3A_433, %max3A_439, %max3A_445, %max3A_451 : vector<16xf32>, vector<16xf32>, vector<16xf32>, vector<16xf32>, vector<16xf32>, vector<16xf32>, vector<16xf32>, vector<16xf32>, vector<16xf32>, vector<16xf32>, vector<16xf32>, vector<16xf32>, vector<16xf32>, vector<16xf32>, vector<16xf32>, vector<16xf32>
      }
      %scan3A_182 = arith.constant 40 : i32
      %add3A_183 = arith.constant 1 : i32
      %add3A_184 = arith.addi %scan3A_76, %add3A_183 : i32
      %min3A_185 = arith.constant 31 : i32
      %min3A_186 = arith.minsi %add3A_184, %min3A_185 : i32
      %mul3A_187 = arith.constant 5 : i32
      %mul3A_188 = arith.muli %min3A_186, %mul3A_187 : i32
      %add3A_189 = arith.constant 2 : i32
      %add3A_190 = arith.addi %mul3A_188, %add3A_189 : i32
      %dma_start3A_191 = arith.constant 0 : i32
      %dma_start3A_192 = tpu.memref_slice %arg5[%add3A_190, %dma_start3A_191] : memref<160x40xi32, #tpu.memory_space<vmem>> -> memref<1x40xi32, #tpu.memory_space<vmem>>
      %dma_start3A_193 = tpu.memref_squeeze %dma_start3A_192 : memref<1x40xi32, #tpu.memory_space<vmem>> -> memref<40xi32, #tpu.memory_space<vmem>>
      %dma_start3A_194 = arith.constant 0 : i32
      %dma_start3A_195 = arith.constant 0 : i32
      %dma_start3A_196 = tpu.memref_slice %arg3[%dma_start3A_194, %dma_start3A_195] : memref<100000x128xf32, #tpu.memory_space<hbm>> -> memref<100000x128xf32, #tpu.memory_space<hbm>>
      tpu.enqueue_indirect_dma source(%dma_start3A_196 : memref<100000x128xf32, #tpu.memory_space<hbm>>) target(%arg8 : memref<40x128xf32, #tpu.memory_space<vmem>>) offsets(%dma_start3A_193 : memref<40xi32, #tpu.memory_space<vmem>>) semaphore(%arg14 : memref<!tpu.dma_semaphore, #tpu.memory_space<semaphore_mem>>)
      %mul3A_197 = arith.constant 5 : i32
      %mul3A_198 = arith.muli %scan3A_76, %mul3A_197 : i32
      %add3A_199 = arith.constant 3 : i32
      %add3A_200 = arith.addi %mul3A_198, %add3A_199 : i32
      %dma_wait3A_201 = arith.constant 0 : i32
      %dma_wait3A_202 = tpu.memref_slice %arg5[%add3A_200, %dma_wait3A_201] : memref<160x40xi32, #tpu.memory_space<vmem>> -> memref<1x40xi32, #tpu.memory_space<vmem>>
      %dma_wait3A_203 = tpu.memref_squeeze %dma_wait3A_202 : memref<1x40xi32, #tpu.memory_space<vmem>> -> memref<40xi32, #tpu.memory_space<vmem>>
      %dma_wait3A_204 = arith.constant 0 : i32
      %dma_wait3A_205 = arith.constant 0 : i32
      %dma_wait3A_206 = tpu.memref_slice %arg3[%dma_wait3A_204, %dma_wait3A_205] : memref<100000x128xf32, #tpu.memory_space<hbm>> -> memref<100000x128xf32, #tpu.memory_space<hbm>>
      tpu.wait_indirect_dma semaphore(%arg15 : memref<!tpu.dma_semaphore, #tpu.memory_space<semaphore_mem>>) src(%dma_wait3A_206 : memref<100000x128xf32, #tpu.memory_space<hbm>>) dst(%arg9 : memref<40x128xf32, #tpu.memory_space<vmem>>)
      %scan3A_207 = arith.constant 0 : i32
      %scan3A_208 = arith.constant 40 : i32
      %scan3A_209 = arith.addi %scan3A_207, %scan3A_208 : i32
      %scan3A_210 = arith.constant 2 : i32
      %scan3A_211:16 = scf.for %scan3A_339 = %scan3A_207 to %scan3A_209 step %scan3A_210 iter_args(%scan3A_340 = %scan3A_181#0, %scan3A_341 = %scan3A_181#1, %scan3A_342 = %scan3A_181#2, %scan3A_343 = %scan3A_181#3, %scan3A_344 = %scan3A_181#4, %scan3A_345 = %scan3A_181#5, %scan3A_346 = %scan3A_181#6, %scan3A_347 = %scan3A_181#7, %scan3A_348 = %scan3A_181#8, %scan3A_349 = %scan3A_181#9, %scan3A_350 = %scan3A_181#10, %scan3A_351 = %scan3A_181#11, %scan3A_352 = %scan3A_181#12, %scan3A_353 = %scan3A_181#13, %scan3A_354 = %scan3A_181#14, %scan3A_355 = %scan3A_181#15) -> (vector<16xf32>, vector<16xf32>, vector<16xf32>, vector<16xf32>, vector<16xf32>, vector<16xf32>, vector<16xf32>, vector<16xf32>, vector<16xf32>, vector<16xf32>, vector<16xf32>, vector<16xf32>, vector<16xf32>, vector<16xf32>, vector<16xf32>, vector<16xf32>)  : i32 {
        %get3A = arith.index_cast %scan3A_339 : i32 to index
        %get3A_356 = arith.constant 0 : index
        %get3A_357 = tpu.vector_load %arg9[%get3A, %get3A_356] {strides = array<i32>} : memref<40x128xf32, #tpu.memory_space<vmem>>, vector<1x16xf32>,
        %get3A_358 = vector.shape_cast %get3A_357 : vector<1x16xf32> to vector<16xf32>
        %add3A_359 = arith.addf %scan3A_340, %get3A_358 : vector<16xf32>
        %max3A = arith.maximumf %scan3A_348, %get3A_358 : vector<16xf32>
        %get3A_360 = arith.index_cast %scan3A_339 : i32 to index
        %get3A_361 = arith.constant 16 : index
        %get3A_362 = tpu.vector_load %arg9[%get3A_360, %get3A_361] {strides = array<i32>} : memref<40x128xf32, #tpu.memory_space<vmem>>, vector<1x16xf32>,
        %get3A_363 = vector.shape_cast %get3A_362 : vector<1x16xf32> to vector<16xf32>
        %add3A_364 = arith.addf %scan3A_341, %get3A_363 : vector<16xf32>
        %max3A_365 = arith.maximumf %scan3A_349, %get3A_363 : vector<16xf32>
        %get3A_366 = arith.index_cast %scan3A_339 : i32 to index
        %get3A_367 = arith.constant 32 : index
        %get3A_368 = tpu.vector_load %arg9[%get3A_366, %get3A_367] {strides = array<i32>} : memref<40x128xf32, #tpu.memory_space<vmem>>, vector<1x16xf32>,
        %get3A_369 = vector.shape_cast %get3A_368 : vector<1x16xf32> to vector<16xf32>
        %add3A_370 = arith.addf %scan3A_342, %get3A_369 : vector<16xf32>
        %max3A_371 = arith.maximumf %scan3A_350, %get3A_369 : vector<16xf32>
        %get3A_372 = arith.index_cast %scan3A_339 : i32 to index
        %get3A_373 = arith.constant 48 : index
        %get3A_374 = tpu.vector_load %arg9[%get3A_372, %get3A_373] {strides = array<i32>} : memref<40x128xf32, #tpu.memory_space<vmem>>, vector<1x16xf32>,
        %get3A_375 = vector.shape_cast %get3A_374 : vector<1x16xf32> to vector<16xf32>
        %add3A_376 = arith.addf %scan3A_343, %get3A_375 : vector<16xf32>
        %max3A_377 = arith.maximumf %scan3A_351, %get3A_375 : vector<16xf32>
        %get3A_378 = arith.index_cast %scan3A_339 : i32 to index
        %get3A_379 = arith.constant 64 : index
        %get3A_380 = tpu.vector_load %arg9[%get3A_378, %get3A_379] {strides = array<i32>} : memref<40x128xf32, #tpu.memory_space<vmem>>, vector<1x16xf32>,
        %get3A_381 = vector.shape_cast %get3A_380 : vector<1x16xf32> to vector<16xf32>
        %add3A_382 = arith.addf %scan3A_344, %get3A_381 : vector<16xf32>
        %max3A_383 = arith.maximumf %scan3A_352, %get3A_381 : vector<16xf32>
        %get3A_384 = arith.index_cast %scan3A_339 : i32 to index
        %get3A_385 = arith.constant 80 : index
        %get3A_386 = tpu.vector_load %arg9[%get3A_384, %get3A_385] {strides = array<i32>} : memref<40x128xf32, #tpu.memory_space<vmem>>, vector<1x16xf32>,
        %get3A_387 = vector.shape_cast %get3A_386 : vector<1x16xf32> to vector<16xf32>
        %add3A_388 = arith.addf %scan3A_345, %get3A_387 : vector<16xf32>
        %max3A_389 = arith.maximumf %scan3A_353, %get3A_387 : vector<16xf32>
        %get3A_390 = arith.index_cast %scan3A_339 : i32 to index
        %get3A_391 = arith.constant 96 : index
        %get3A_392 = tpu.vector_load %arg9[%get3A_390, %get3A_391] {strides = array<i32>} : memref<40x128xf32, #tpu.memory_space<vmem>>, vector<1x16xf32>,
        %get3A_393 = vector.shape_cast %get3A_392 : vector<1x16xf32> to vector<16xf32>
        %add3A_394 = arith.addf %scan3A_346, %get3A_393 : vector<16xf32>
        %max3A_395 = arith.maximumf %scan3A_354, %get3A_393 : vector<16xf32>
        %get3A_396 = arith.index_cast %scan3A_339 : i32 to index
        %get3A_397 = arith.constant 112 : index
        %get3A_398 = tpu.vector_load %arg9[%get3A_396, %get3A_397] {strides = array<i32>} : memref<40x128xf32, #tpu.memory_space<vmem>>, vector<1x16xf32>,
        %get3A_399 = vector.shape_cast %get3A_398 : vector<1x16xf32> to vector<16xf32>
        %add3A_400 = arith.addf %scan3A_347, %get3A_399 : vector<16xf32>
        %max3A_401 = arith.maximumf %scan3A_355, %get3A_399 : vector<16xf32>
        %scan3A_402 = arith.constant 1 : i32
        %scan3A_403 = arith.addi %scan3A_339, %scan3A_402 : i32
        %get3A_404 = arith.index_cast %scan3A_403 : i32 to index
        %get3A_405 = arith.constant 0 : index
        %get3A_406 = tpu.vector_load %arg9[%get3A_404, %get3A_405] {strides = array<i32>} : memref<40x128xf32, #tpu.memory_space<vmem>>, vector<1x16xf32>,
        %get3A_407 = vector.shape_cast %get3A_406 : vector<1x16xf32> to vector<16xf32>
        %add3A_408 = arith.addf %add3A_359, %get3A_407 : vector<16xf32>
        %max3A_409 = arith.maximumf %max3A, %get3A_407 : vector<16xf32>
        %get3A_410 = arith.index_cast %scan3A_403 : i32 to index
        %get3A_411 = arith.constant 16 : index
        %get3A_412 = tpu.vector_load %arg9[%get3A_410, %get3A_411] {strides = array<i32>} : memref<40x128xf32, #tpu.memory_space<vmem>>, vector<1x16xf32>,
        %get3A_413 = vector.shape_cast %get3A_412 : vector<1x16xf32> to vector<16xf32>
        %add3A_414 = arith.addf %add3A_364, %get3A_413 : vector<16xf32>
        %max3A_415 = arith.maximumf %max3A_365, %get3A_413 : vector<16xf32>
        %get3A_416 = arith.index_cast %scan3A_403 : i32 to index
        %get3A_417 = arith.constant 32 : index
        %get3A_418 = tpu.vector_load %arg9[%get3A_416, %get3A_417] {strides = array<i32>} : memref<40x128xf32, #tpu.memory_space<vmem>>, vector<1x16xf32>,
        %get3A_419 = vector.shape_cast %get3A_418 : vector<1x16xf32> to vector<16xf32>
        %add3A_420 = arith.addf %add3A_370, %get3A_419 : vector<16xf32>
        %max3A_421 = arith.maximumf %max3A_371, %get3A_419 : vector<16xf32>
        %get3A_422 = arith.index_cast %scan3A_403 : i32 to index
        %get3A_423 = arith.constant 48 : index
        %get3A_424 = tpu.vector_load %arg9[%get3A_422, %get3A_423] {strides = array<i32>} : memref<40x128xf32, #tpu.memory_space<vmem>>, vector<1x16xf32>,
        %get3A_425 = vector.shape_cast %get3A_424 : vector<1x16xf32> to vector<16xf32>
        %add3A_426 = arith.addf %add3A_376, %get3A_425 : vector<16xf32>
        %max3A_427 = arith.maximumf %max3A_377, %get3A_425 : vector<16xf32>
        %get3A_428 = arith.index_cast %scan3A_403 : i32 to index
        %get3A_429 = arith.constant 64 : index
        %get3A_430 = tpu.vector_load %arg9[%get3A_428, %get3A_429] {strides = array<i32>} : memref<40x128xf32, #tpu.memory_space<vmem>>, vector<1x16xf32>,
        %get3A_431 = vector.shape_cast %get3A_430 : vector<1x16xf32> to vector<16xf32>
        %add3A_432 = arith.addf %add3A_382, %get3A_431 : vector<16xf32>
        %max3A_433 = arith.maximumf %max3A_383, %get3A_431 : vector<16xf32>
        %get3A_434 = arith.index_cast %scan3A_403 : i32 to index
        %get3A_435 = arith.constant 80 : index
        %get3A_436 = tpu.vector_load %arg9[%get3A_434, %get3A_435] {strides = array<i32>} : memref<40x128xf32, #tpu.memory_space<vmem>>, vector<1x16xf32>,
        %get3A_437 = vector.shape_cast %get3A_436 : vector<1x16xf32> to vector<16xf32>
        %add3A_438 = arith.addf %add3A_388, %get3A_437 : vector<16xf32>
        %max3A_439 = arith.maximumf %max3A_389, %get3A_437 : vector<16xf32>
        %get3A_440 = arith.index_cast %scan3A_403 : i32 to index
        %get3A_441 = arith.constant 96 : index
        %get3A_442 = tpu.vector_load %arg9[%get3A_440, %get3A_441] {strides = array<i32>} : memref<40x128xf32, #tpu.memory_space<vmem>>, vector<1x16xf32>,
        %get3A_443 = vector.shape_cast %get3A_442 : vector<1x16xf32> to vector<16xf32>
        %add3A_444 = arith.addf %add3A_394, %get3A_443 : vector<16xf32>
        %max3A_445 = arith.maximumf %max3A_395, %get3A_443 : vector<16xf32>
        %get3A_446 = arith.index_cast %scan3A_403 : i32 to index
        %get3A_447 = arith.constant 112 : index
        %get3A_448 = tpu.vector_load %arg9[%get3A_446, %get3A_447] {strides = array<i32>} : memref<40x128xf32, #tpu.memory_space<vmem>>, vector<1x16xf32>,
        %get3A_449 = vector.shape_cast %get3A_448 : vector<1x16xf32> to vector<16xf32>
        %add3A_450 = arith.addf %add3A_400, %get3A_449 : vector<16xf32>
        %max3A_451 = arith.maximumf %max3A_401, %get3A_449 : vector<16xf32>
        scf.yield %add3A_408, %add3A_414, %add3A_420, %add3A_426, %add3A_432, %add3A_438, %add3A_444, %add3A_450, %max3A_409, %max3A_415, %max3A_421, %max3A_427, %max3A_433, %max3A_439, %max3A_445, %max3A_451 : vector<16xf32>, vector<16xf32>, vector<16xf32>, vector<16xf32>, vector<16xf32>, vector<16xf32>, vector<16xf32>, vector<16xf32>, vector<16xf32>, vector<16xf32>, vector<16xf32>, vector<16xf32>, vector<16xf32>, vector<16xf32>, vector<16xf32>, vector<16xf32>
      }
      %scan3A_212 = arith.constant 40 : i32
      %add3A_213 = arith.constant 1 : i32
      %add3A_214 = arith.addi %scan3A_76, %add3A_213 : i32
      %min3A_215 = arith.constant 31 : i32
      %min3A_216 = arith.minsi %add3A_214, %min3A_215 : i32
      %mul3A_217 = arith.constant 5 : i32
      %mul3A_218 = arith.muli %min3A_216, %mul3A_217 : i32
      %add3A_219 = arith.constant 3 : i32
      %add3A_220 = arith.addi %mul3A_218, %add3A_219 : i32
      %dma_start3A_221 = arith.constant 0 : i32
      %dma_start3A_222 = tpu.memref_slice %arg5[%add3A_220, %dma_start3A_221] : memref<160x40xi32, #tpu.memory_space<vmem>> -> memref<1x40xi32, #tpu.memory_space<vmem>>
      %dma_start3A_223 = tpu.memref_squeeze %dma_start3A_222 : memref<1x40xi32, #tpu.memory_space<vmem>> -> memref<40xi32, #tpu.memory_space<vmem>>
      %dma_start3A_224 = arith.constant 0 : i32
      %dma_start3A_225 = arith.constant 0 : i32
      %dma_start3A_226 = tpu.memref_slice %arg3[%dma_start3A_224, %dma_start3A_225] : memref<100000x128xf32, #tpu.memory_space<hbm>> -> memref<100000x128xf32, #tpu.memory_space<hbm>>
      tpu.enqueue_indirect_dma source(%dma_start3A_226 : memref<100000x128xf32, #tpu.memory_space<hbm>>) target(%arg9 : memref<40x128xf32, #tpu.memory_space<vmem>>) offsets(%dma_start3A_223 : memref<40xi32, #tpu.memory_space<vmem>>) semaphore(%arg15 : memref<!tpu.dma_semaphore, #tpu.memory_space<semaphore_mem>>)
      %mul3A_227 = arith.constant 5 : i32
      %mul3A_228 = arith.muli %scan3A_76, %mul3A_227 : i32
      %add3A_229 = arith.constant 4 : i32
      %add3A_230 = arith.addi %mul3A_228, %add3A_229 : i32
      %dma_wait3A_231 = arith.constant 0 : i32
      %dma_wait3A_232 = tpu.memref_slice %arg5[%add3A_230, %dma_wait3A_231] : memref<160x40xi32, #tpu.memory_space<vmem>> -> memref<1x40xi32, #tpu.memory_space<vmem>>
      %dma_wait3A_233 = tpu.memref_squeeze %dma_wait3A_232 : memref<1x40xi32, #tpu.memory_space<vmem>> -> memref<40xi32, #tpu.memory_space<vmem>>
      %dma_wait3A_234 = arith.constant 0 : i32
      %dma_wait3A_235 = arith.constant 0 : i32
      %dma_wait3A_236 = tpu.memref_slice %arg3[%dma_wait3A_234, %dma_wait3A_235] : memref<100000x128xf32, #tpu.memory_space<hbm>> -> memref<100000x128xf32, #tpu.memory_space<hbm>>
      tpu.wait_indirect_dma semaphore(%arg16 : memref<!tpu.dma_semaphore, #tpu.memory_space<semaphore_mem>>) src(%dma_wait3A_236 : memref<100000x128xf32, #tpu.memory_space<hbm>>) dst(%arg10 : memref<40x128xf32, #tpu.memory_space<vmem>>)
      %scan3A_237 = arith.constant 0 : i32
      %scan3A_238 = arith.constant 40 : i32
      %scan3A_239 = arith.addi %scan3A_237, %scan3A_238 : i32
      %scan3A_240 = arith.constant 2 : i32
      %scan3A_241:16 = scf.for %scan3A_339 = %scan3A_237 to %scan3A_239 step %scan3A_240 iter_args(%scan3A_340 = %scan3A_211#0, %scan3A_341 = %scan3A_211#1, %scan3A_342 = %scan3A_211#2, %scan3A_343 = %scan3A_211#3, %scan3A_344 = %scan3A_211#4, %scan3A_345 = %scan3A_211#5, %scan3A_346 = %scan3A_211#6, %scan3A_347 = %scan3A_211#7, %scan3A_348 = %scan3A_211#8, %scan3A_349 = %scan3A_211#9, %scan3A_350 = %scan3A_211#10, %scan3A_351 = %scan3A_211#11, %scan3A_352 = %scan3A_211#12, %scan3A_353 = %scan3A_211#13, %scan3A_354 = %scan3A_211#14, %scan3A_355 = %scan3A_211#15) -> (vector<16xf32>, vector<16xf32>, vector<16xf32>, vector<16xf32>, vector<16xf32>, vector<16xf32>, vector<16xf32>, vector<16xf32>, vector<16xf32>, vector<16xf32>, vector<16xf32>, vector<16xf32>, vector<16xf32>, vector<16xf32>, vector<16xf32>, vector<16xf32>)  : i32 {
        %get3A = arith.index_cast %scan3A_339 : i32 to index
        %get3A_356 = arith.constant 0 : index
        %get3A_357 = tpu.vector_load %arg10[%get3A, %get3A_356] {strides = array<i32>} : memref<40x128xf32, #tpu.memory_space<vmem>>, vector<1x16xf32>,
        %get3A_358 = vector.shape_cast %get3A_357 : vector<1x16xf32> to vector<16xf32>
        %add3A_359 = arith.addf %scan3A_340, %get3A_358 : vector<16xf32>
        %max3A = arith.maximumf %scan3A_348, %get3A_358 : vector<16xf32>
        %get3A_360 = arith.index_cast %scan3A_339 : i32 to index
        %get3A_361 = arith.constant 16 : index
        %get3A_362 = tpu.vector_load %arg10[%get3A_360, %get3A_361] {strides = array<i32>} : memref<40x128xf32, #tpu.memory_space<vmem>>, vector<1x16xf32>,
        %get3A_363 = vector.shape_cast %get3A_362 : vector<1x16xf32> to vector<16xf32>
        %add3A_364 = arith.addf %scan3A_341, %get3A_363 : vector<16xf32>
        %max3A_365 = arith.maximumf %scan3A_349, %get3A_363 : vector<16xf32>
        %get3A_366 = arith.index_cast %scan3A_339 : i32 to index
        %get3A_367 = arith.constant 32 : index
        %get3A_368 = tpu.vector_load %arg10[%get3A_366, %get3A_367] {strides = array<i32>} : memref<40x128xf32, #tpu.memory_space<vmem>>, vector<1x16xf32>,
        %get3A_369 = vector.shape_cast %get3A_368 : vector<1x16xf32> to vector<16xf32>
        %add3A_370 = arith.addf %scan3A_342, %get3A_369 : vector<16xf32>
        %max3A_371 = arith.maximumf %scan3A_350, %get3A_369 : vector<16xf32>
        %get3A_372 = arith.index_cast %scan3A_339 : i32 to index
        %get3A_373 = arith.constant 48 : index
        %get3A_374 = tpu.vector_load %arg10[%get3A_372, %get3A_373] {strides = array<i32>} : memref<40x128xf32, #tpu.memory_space<vmem>>, vector<1x16xf32>,
        %get3A_375 = vector.shape_cast %get3A_374 : vector<1x16xf32> to vector<16xf32>
        %add3A_376 = arith.addf %scan3A_343, %get3A_375 : vector<16xf32>
        %max3A_377 = arith.maximumf %scan3A_351, %get3A_375 : vector<16xf32>
        %get3A_378 = arith.index_cast %scan3A_339 : i32 to index
        %get3A_379 = arith.constant 64 : index
        %get3A_380 = tpu.vector_load %arg10[%get3A_378, %get3A_379] {strides = array<i32>} : memref<40x128xf32, #tpu.memory_space<vmem>>, vector<1x16xf32>,
        %get3A_381 = vector.shape_cast %get3A_380 : vector<1x16xf32> to vector<16xf32>
        %add3A_382 = arith.addf %scan3A_344, %get3A_381 : vector<16xf32>
        %max3A_383 = arith.maximumf %scan3A_352, %get3A_381 : vector<16xf32>
        %get3A_384 = arith.index_cast %scan3A_339 : i32 to index
        %get3A_385 = arith.constant 80 : index
        %get3A_386 = tpu.vector_load %arg10[%get3A_384, %get3A_385] {strides = array<i32>} : memref<40x128xf32, #tpu.memory_space<vmem>>, vector<1x16xf32>,
        %get3A_387 = vector.shape_cast %get3A_386 : vector<1x16xf32> to vector<16xf32>
        %add3A_388 = arith.addf %scan3A_345, %get3A_387 : vector<16xf32>
        %max3A_389 = arith.maximumf %scan3A_353, %get3A_387 : vector<16xf32>
        %get3A_390 = arith.index_cast %scan3A_339 : i32 to index
        %get3A_391 = arith.constant 96 : index
        %get3A_392 = tpu.vector_load %arg10[%get3A_390, %get3A_391] {strides = array<i32>} : memref<40x128xf32, #tpu.memory_space<vmem>>, vector<1x16xf32>,
        %get3A_393 = vector.shape_cast %get3A_392 : vector<1x16xf32> to vector<16xf32>
        %add3A_394 = arith.addf %scan3A_346, %get3A_393 : vector<16xf32>
        %max3A_395 = arith.maximumf %scan3A_354, %get3A_393 : vector<16xf32>
        %get3A_396 = arith.index_cast %scan3A_339 : i32 to index
        %get3A_397 = arith.constant 112 : index
        %get3A_398 = tpu.vector_load %arg10[%get3A_396, %get3A_397] {strides = array<i32>} : memref<40x128xf32, #tpu.memory_space<vmem>>, vector<1x16xf32>,
        %get3A_399 = vector.shape_cast %get3A_398 : vector<1x16xf32> to vector<16xf32>
        %add3A_400 = arith.addf %scan3A_347, %get3A_399 : vector<16xf32>
        %max3A_401 = arith.maximumf %scan3A_355, %get3A_399 : vector<16xf32>
        %scan3A_402 = arith.constant 1 : i32
        %scan3A_403 = arith.addi %scan3A_339, %scan3A_402 : i32
        %get3A_404 = arith.index_cast %scan3A_403 : i32 to index
        %get3A_405 = arith.constant 0 : index
        %get3A_406 = tpu.vector_load %arg10[%get3A_404, %get3A_405] {strides = array<i32>} : memref<40x128xf32, #tpu.memory_space<vmem>>, vector<1x16xf32>,
        %get3A_407 = vector.shape_cast %get3A_406 : vector<1x16xf32> to vector<16xf32>
        %add3A_408 = arith.addf %add3A_359, %get3A_407 : vector<16xf32>
        %max3A_409 = arith.maximumf %max3A, %get3A_407 : vector<16xf32>
        %get3A_410 = arith.index_cast %scan3A_403 : i32 to index
        %get3A_411 = arith.constant 16 : index
        %get3A_412 = tpu.vector_load %arg10[%get3A_410, %get3A_411] {strides = array<i32>} : memref<40x128xf32, #tpu.memory_space<vmem>>, vector<1x16xf32>,
        %get3A_413 = vector.shape_cast %get3A_412 : vector<1x16xf32> to vector<16xf32>
        %add3A_414 = arith.addf %add3A_364, %get3A_413 : vector<16xf32>
        %max3A_415 = arith.maximumf %max3A_365, %get3A_413 : vector<16xf32>
        %get3A_416 = arith.index_cast %scan3A_403 : i32 to index
        %get3A_417 = arith.constant 32 : index
        %get3A_418 = tpu.vector_load %arg10[%get3A_416, %get3A_417] {strides = array<i32>} : memref<40x128xf32, #tpu.memory_space<vmem>>, vector<1x16xf32>,
        %get3A_419 = vector.shape_cast %get3A_418 : vector<1x16xf32> to vector<16xf32>
        %add3A_420 = arith.addf %add3A_370, %get3A_419 : vector<16xf32>
        %max3A_421 = arith.maximumf %max3A_371, %get3A_419 : vector<16xf32>
        %get3A_422 = arith.index_cast %scan3A_403 : i32 to index
        %get3A_423 = arith.constant 48 : index
        %get3A_424 = tpu.vector_load %arg10[%get3A_422, %get3A_423] {strides = array<i32>} : memref<40x128xf32, #tpu.memory_space<vmem>>, vector<1x16xf32>,
        %get3A_425 = vector.shape_cast %get3A_424 : vector<1x16xf32> to vector<16xf32>
        %add3A_426 = arith.addf %add3A_376, %get3A_425 : vector<16xf32>
        %max3A_427 = arith.maximumf %max3A_377, %get3A_425 : vector<16xf32>
        %get3A_428 = arith.index_cast %scan3A_403 : i32 to index
        %get3A_429 = arith.constant 64 : index
        %get3A_430 = tpu.vector_load %arg10[%get3A_428, %get3A_429] {strides = array<i32>} : memref<40x128xf32, #tpu.memory_space<vmem>>, vector<1x16xf32>,
        %get3A_431 = vector.shape_cast %get3A_430 : vector<1x16xf32> to vector<16xf32>
        %add3A_432 = arith.addf %add3A_382, %get3A_431 : vector<16xf32>
        %max3A_433 = arith.maximumf %max3A_383, %get3A_431 : vector<16xf32>
        %get3A_434 = arith.index_cast %scan3A_403 : i32 to index
        %get3A_435 = arith.constant 80 : index
        %get3A_436 = tpu.vector_load %arg10[%get3A_434, %get3A_435] {strides = array<i32>} : memref<40x128xf32, #tpu.memory_space<vmem>>, vector<1x16xf32>,
        %get3A_437 = vector.shape_cast %get3A_436 : vector<1x16xf32> to vector<16xf32>
        %add3A_438 = arith.addf %add3A_388, %get3A_437 : vector<16xf32>
        %max3A_439 = arith.maximumf %max3A_389, %get3A_437 : vector<16xf32>
        %get3A_440 = arith.index_cast %scan3A_403 : i32 to index
        %get3A_441 = arith.constant 96 : index
        %get3A_442 = tpu.vector_load %arg10[%get3A_440, %get3A_441] {strides = array<i32>} : memref<40x128xf32, #tpu.memory_space<vmem>>, vector<1x16xf32>,
        %get3A_443 = vector.shape_cast %get3A_442 : vector<1x16xf32> to vector<16xf32>
        %add3A_444 = arith.addf %add3A_394, %get3A_443 : vector<16xf32>
        %max3A_445 = arith.maximumf %max3A_395, %get3A_443 : vector<16xf32>
        %get3A_446 = arith.index_cast %scan3A_403 : i32 to index
        %get3A_447 = arith.constant 112 : index
        %get3A_448 = tpu.vector_load %arg10[%get3A_446, %get3A_447] {strides = array<i32>} : memref<40x128xf32, #tpu.memory_space<vmem>>, vector<1x16xf32>,
        %get3A_449 = vector.shape_cast %get3A_448 : vector<1x16xf32> to vector<16xf32>
        %add3A_450 = arith.addf %add3A_400, %get3A_449 : vector<16xf32>
        %max3A_451 = arith.maximumf %max3A_401, %get3A_449 : vector<16xf32>
        scf.yield %add3A_408, %add3A_414, %add3A_420, %add3A_426, %add3A_432, %add3A_438, %add3A_444, %add3A_450, %max3A_409, %max3A_415, %max3A_421, %max3A_427, %max3A_433, %max3A_439, %max3A_445, %max3A_451 : vector<16xf32>, vector<16xf32>, vector<16xf32>, vector<16xf32>, vector<16xf32>, vector<16xf32>, vector<16xf32>, vector<16xf32>, vector<16xf32>, vector<16xf32>, vector<16xf32>, vector<16xf32>, vector<16xf32>, vector<16xf32>, vector<16xf32>, vector<16xf32>
      }
      %scan3A_242 = arith.constant 40 : i32
      %add3A_243 = arith.constant 1 : i32
      %add3A_244 = arith.addi %scan3A_76, %add3A_243 : i32
      %min3A_245 = arith.constant 31 : i32
      %min3A_246 = arith.minsi %add3A_244, %min3A_245 : i32
      %mul3A_247 = arith.constant 5 : i32
      %mul3A_248 = arith.muli %min3A_246, %mul3A_247 : i32
      %add3A_249 = arith.constant 4 : i32
      %add3A_250 = arith.addi %mul3A_248, %add3A_249 : i32
      %dma_start3A_251 = arith.constant 0 : i32
      %dma_start3A_252 = tpu.memref_slice %arg5[%add3A_250, %dma_start3A_251] : memref<160x40xi32, #tpu.memory_space<vmem>> -> memref<1x40xi32, #tpu.memory_space<vmem>>
      %dma_start3A_253 = tpu.memref_squeeze %dma_start3A_252 : memref<1x40xi32, #tpu.memory_space<vmem>> -> memref<40xi32, #tpu.memory_space<vmem>>
      %dma_start3A_254 = arith.constant 0 : i32
      %dma_start3A_255 = arith.constant 0 : i32
      %dma_start3A_256 = tpu.memref_slice %arg3[%dma_start3A_254, %dma_start3A_255] : memref<100000x128xf32, #tpu.memory_space<hbm>> -> memref<100000x128xf32, #tpu.memory_space<hbm>>
      tpu.enqueue_indirect_dma source(%dma_start3A_256 : memref<100000x128xf32, #tpu.memory_space<hbm>>) target(%arg10 : memref<40x128xf32, #tpu.memory_space<vmem>>) offsets(%dma_start3A_253 : memref<40xi32, #tpu.memory_space<vmem>>) semaphore(%arg16 : memref<!tpu.dma_semaphore, #tpu.memory_space<semaphore_mem>>)
      %mul3A_257 = vector.broadcast %scan3A : f32 to vector<16xf32>
      %mul3A_258 = arith.mulf %scan3A_241#0, %mul3A_257 : vector<16xf32>
      %swap3A = arith.constant 0 : index
      %swap3A_259 = tpu.vector_load %arg11[%swap3A] {strides = array<i32>} : memref<256xf32, #tpu.memory_space<vmem>>, vector<16xf32>,
      %swap3A_260 = vector.shape_cast %swap3A_259 : vector<16xf32> to vector<16xf32>
      %swap3A_261 = vector.shape_cast %mul3A_258 : vector<16xf32> to vector<16xf32>
      tpu.vector_store %arg11[%swap3A], %swap3A_261 {strides = array<i32>} : memref<256xf32, #tpu.memory_space<vmem>>, vector<16xf32>,
      %swap3A_262 = arith.constant 128 : index
      %swap3A_263 = tpu.vector_load %arg11[%swap3A_262] {strides = array<i32>} : memref<256xf32, #tpu.memory_space<vmem>>, vector<16xf32>,
      %swap3A_264 = vector.shape_cast %swap3A_263 : vector<16xf32> to vector<16xf32>
      %swap3A_265 = vector.shape_cast %scan3A_241#8 : vector<16xf32> to vector<16xf32>
      tpu.vector_store %arg11[%swap3A_262], %swap3A_265 {strides = array<i32>} : memref<256xf32, #tpu.memory_space<vmem>>, vector<16xf32>,
      %mul3A_266 = vector.broadcast %scan3A : f32 to vector<16xf32>
      %mul3A_267 = arith.mulf %scan3A_241#1, %mul3A_266 : vector<16xf32>
      %swap3A_268 = arith.constant 16 : index
      %swap3A_269 = tpu.vector_load %arg11[%swap3A_268] {strides = array<i32>} : memref<256xf32, #tpu.memory_space<vmem>>, vector<16xf32>,
      %swap3A_270 = vector.shape_cast %swap3A_269 : vector<16xf32> to vector<16xf32>
      %swap3A_271 = vector.shape_cast %mul3A_267 : vector<16xf32> to vector<16xf32>
      tpu.vector_store %arg11[%swap3A_268], %swap3A_271 {strides = array<i32>} : memref<256xf32, #tpu.memory_space<vmem>>, vector<16xf32>,
      %swap3A_272 = arith.constant 144 : index
      %swap3A_273 = tpu.vector_load %arg11[%swap3A_272] {strides = array<i32>} : memref<256xf32, #tpu.memory_space<vmem>>, vector<16xf32>,
      %swap3A_274 = vector.shape_cast %swap3A_273 : vector<16xf32> to vector<16xf32>
      %swap3A_275 = vector.shape_cast %scan3A_241#9 : vector<16xf32> to vector<16xf32>
      tpu.vector_store %arg11[%swap3A_272], %swap3A_275 {strides = array<i32>} : memref<256xf32, #tpu.memory_space<vmem>>, vector<16xf32>,
      %mul3A_276 = vector.broadcast %scan3A : f32 to vector<16xf32>
      %mul3A_277 = arith.mulf %scan3A_241#2, %mul3A_276 : vector<16xf32>
      %swap3A_278 = arith.constant 32 : index
      %swap3A_279 = tpu.vector_load %arg11[%swap3A_278] {strides = array<i32>} : memref<256xf32, #tpu.memory_space<vmem>>, vector<16xf32>,
      %swap3A_280 = vector.shape_cast %swap3A_279 : vector<16xf32> to vector<16xf32>
      %swap3A_281 = vector.shape_cast %mul3A_277 : vector<16xf32> to vector<16xf32>
      tpu.vector_store %arg11[%swap3A_278], %swap3A_281 {strides = array<i32>} : memref<256xf32, #tpu.memory_space<vmem>>, vector<16xf32>,
      %swap3A_282 = arith.constant 160 : index
      %swap3A_283 = tpu.vector_load %arg11[%swap3A_282] {strides = array<i32>} : memref<256xf32, #tpu.memory_space<vmem>>, vector<16xf32>,
      %swap3A_284 = vector.shape_cast %swap3A_283 : vector<16xf32> to vector<16xf32>
      %swap3A_285 = vector.shape_cast %scan3A_241#10 : vector<16xf32> to vector<16xf32>
      tpu.vector_store %arg11[%swap3A_282], %swap3A_285 {strides = array<i32>} : memref<256xf32, #tpu.memory_space<vmem>>, vector<16xf32>,
      %mul3A_286 = vector.broadcast %scan3A : f32 to vector<16xf32>
      %mul3A_287 = arith.mulf %scan3A_241#3, %mul3A_286 : vector<16xf32>
      %swap3A_288 = arith.constant 48 : index
      %swap3A_289 = tpu.vector_load %arg11[%swap3A_288] {strides = array<i32>} : memref<256xf32, #tpu.memory_space<vmem>>, vector<16xf32>,
      %swap3A_290 = vector.shape_cast %swap3A_289 : vector<16xf32> to vector<16xf32>
      %swap3A_291 = vector.shape_cast %mul3A_287 : vector<16xf32> to vector<16xf32>
      tpu.vector_store %arg11[%swap3A_288], %swap3A_291 {strides = array<i32>} : memref<256xf32, #tpu.memory_space<vmem>>, vector<16xf32>,
      %swap3A_292 = arith.constant 176 : index
      %swap3A_293 = tpu.vector_load %arg11[%swap3A_292] {strides = array<i32>} : memref<256xf32, #tpu.memory_space<vmem>>, vector<16xf32>,
      %swap3A_294 = vector.shape_cast %swap3A_293 : vector<16xf32> to vector<16xf32>
      %swap3A_295 = vector.shape_cast %scan3A_241#11 : vector<16xf32> to vector<16xf32>
      tpu.vector_store %arg11[%swap3A_292], %swap3A_295 {strides = array<i32>} : memref<256xf32, #tpu.memory_space<vmem>>, vector<16xf32>,
      %mul3A_296 = vector.broadcast %scan3A : f32 to vector<16xf32>
      %mul3A_297 = arith.mulf %scan3A_241#4, %mul3A_296 : vector<16xf32>
      %swap3A_298 = arith.constant 64 : index
      %swap3A_299 = tpu.vector_load %arg11[%swap3A_298] {strides = array<i32>} : memref<256xf32, #tpu.memory_space<vmem>>, vector<16xf32>,
      %swap3A_300 = vector.shape_cast %swap3A_299 : vector<16xf32> to vector<16xf32>
      %swap3A_301 = vector.shape_cast %mul3A_297 : vector<16xf32> to vector<16xf32>
      tpu.vector_store %arg11[%swap3A_298], %swap3A_301 {strides = array<i32>} : memref<256xf32, #tpu.memory_space<vmem>>, vector<16xf32>,
      %swap3A_302 = arith.constant 192 : index
      %swap3A_303 = tpu.vector_load %arg11[%swap3A_302] {strides = array<i32>} : memref<256xf32, #tpu.memory_space<vmem>>, vector<16xf32>,
      %swap3A_304 = vector.shape_cast %swap3A_303 : vector<16xf32> to vector<16xf32>
      %swap3A_305 = vector.shape_cast %scan3A_241#12 : vector<16xf32> to vector<16xf32>
      tpu.vector_store %arg11[%swap3A_302], %swap3A_305 {strides = array<i32>} : memref<256xf32, #tpu.memory_space<vmem>>, vector<16xf32>,
      %mul3A_306 = vector.broadcast %scan3A : f32 to vector<16xf32>
      %mul3A_307 = arith.mulf %scan3A_241#5, %mul3A_306 : vector<16xf32>
      %swap3A_308 = arith.constant 80 : index
      %swap3A_309 = tpu.vector_load %arg11[%swap3A_308] {strides = array<i32>} : memref<256xf32, #tpu.memory_space<vmem>>, vector<16xf32>,
      %swap3A_310 = vector.shape_cast %swap3A_309 : vector<16xf32> to vector<16xf32>
      %swap3A_311 = vector.shape_cast %mul3A_307 : vector<16xf32> to vector<16xf32>
      tpu.vector_store %arg11[%swap3A_308], %swap3A_311 {strides = array<i32>} : memref<256xf32, #tpu.memory_space<vmem>>, vector<16xf32>,
      %swap3A_312 = arith.constant 208 : index
      %swap3A_313 = tpu.vector_load %arg11[%swap3A_312] {strides = array<i32>} : memref<256xf32, #tpu.memory_space<vmem>>, vector<16xf32>,
      %swap3A_314 = vector.shape_cast %swap3A_313 : vector<16xf32> to vector<16xf32>
      %swap3A_315 = vector.shape_cast %scan3A_241#13 : vector<16xf32> to vector<16xf32>
      tpu.vector_store %arg11[%swap3A_312], %swap3A_315 {strides = array<i32>} : memref<256xf32, #tpu.memory_space<vmem>>, vector<16xf32>,
      %mul3A_316 = vector.broadcast %scan3A : f32 to vector<16xf32>
      %mul3A_317 = arith.mulf %scan3A_241#6, %mul3A_316 : vector<16xf32>
      %swap3A_318 = arith.constant 96 : index
      %swap3A_319 = tpu.vector_load %arg11[%swap3A_318] {strides = array<i32>} : memref<256xf32, #tpu.memory_space<vmem>>, vector<16xf32>,
      %swap3A_320 = vector.shape_cast %swap3A_319 : vector<16xf32> to vector<16xf32>
      %swap3A_321 = vector.shape_cast %mul3A_317 : vector<16xf32> to vector<16xf32>
      tpu.vector_store %arg11[%swap3A_318], %swap3A_321 {strides = array<i32>} : memref<256xf32, #tpu.memory_space<vmem>>, vector<16xf32>,
      %swap3A_322 = arith.constant 224 : index
      %swap3A_323 = tpu.vector_load %arg11[%swap3A_322] {strides = array<i32>} : memref<256xf32, #tpu.memory_space<vmem>>, vector<16xf32>,
      %swap3A_324 = vector.shape_cast %swap3A_323 : vector<16xf32> to vector<16xf32>
      %swap3A_325 = vector.shape_cast %scan3A_241#14 : vector<16xf32> to vector<16xf32>
      tpu.vector_store %arg11[%swap3A_322], %swap3A_325 {strides = array<i32>} : memref<256xf32, #tpu.memory_space<vmem>>, vector<16xf32>,
      %mul3A_326 = vector.broadcast %scan3A : f32 to vector<16xf32>
      %mul3A_327 = arith.mulf %scan3A_241#7, %mul3A_326 : vector<16xf32>
      %swap3A_328 = arith.constant 112 : index
      %swap3A_329 = tpu.vector_load %arg11[%swap3A_328] {strides = array<i32>} : memref<256xf32, #tpu.memory_space<vmem>>, vector<16xf32>,
      %swap3A_330 = vector.shape_cast %swap3A_329 : vector<16xf32> to vector<16xf32>
      %swap3A_331 = vector.shape_cast %mul3A_327 : vector<16xf32> to vector<16xf32>
      tpu.vector_store %arg11[%swap3A_328], %swap3A_331 {strides = array<i32>} : memref<256xf32, #tpu.memory_space<vmem>>, vector<16xf32>,
      %swap3A_332 = arith.constant 240 : index
      %swap3A_333 = tpu.vector_load %arg11[%swap3A_332] {strides = array<i32>} : memref<256xf32, #tpu.memory_space<vmem>>, vector<16xf32>,
      %swap3A_334 = vector.shape_cast %swap3A_333 : vector<16xf32> to vector<16xf32>
      %swap3A_335 = vector.shape_cast %scan3A_241#15 : vector<16xf32> to vector<16xf32>
      tpu.vector_store %arg11[%swap3A_332], %swap3A_335 {strides = array<i32>} : memref<256xf32, #tpu.memory_space<vmem>>, vector<16xf32>,
      %mul3A_336 = arith.constant 32 : i32
      %mul3A_337 = arith.muli %add3A, %mul3A_336 : i32
      %add3A_338 = arith.addi %mul3A_337, %scan3A_76 : i32
      "tpu.region"() ({
        %run_scoped3A = tpu.sem_alloc : memref<!tpu.dma_semaphore, #tpu.memory_space<semaphore_mem>>
        %dma_start3A_339 = arith.constant 0 : i32
        %dma_start3A_340 = tpu.memref_slice %arg4[%add3A_338, %dma_start3A_339] : memref<1024x256xf32, #tpu.memory_space<hbm>> -> memref<1x256xf32, #tpu.memory_space<hbm>>
        %dma_start3A_341 = tpu.memref_squeeze %dma_start3A_340 : memref<1x256xf32, #tpu.memory_space<hbm>> -> memref<256xf32, #tpu.memory_space<hbm>>
        %dma_start3A_342 = arith.constant 0 : i32
        %dma_start3A_343 = tpu.memref_slice %arg4[%add3A_338, %dma_start3A_342] : memref<1024x256xf32, #tpu.memory_space<hbm>> -> memref<1x256xf32, #tpu.memory_space<hbm>>
        %dma_start3A_344 = tpu.memref_squeeze %dma_start3A_343 : memref<1x256xf32, #tpu.memory_space<hbm>> -> memref<256xf32, #tpu.memory_space<hbm>>
        tpu.enqueue_dma source(%arg11 : memref<256xf32, #tpu.memory_space<vmem>>) target(%dma_start3A_344 : memref<256xf32, #tpu.memory_space<hbm>>) target_semaphore(%run_scoped3A : memref<!tpu.dma_semaphore, #tpu.memory_space<semaphore_mem>>)
        %dma_wait3A_345 = arith.constant 0 : i32
        %dma_wait3A_346 = tpu.memref_slice %arg4[%add3A_338, %dma_wait3A_345] : memref<1024x256xf32, #tpu.memory_space<hbm>> -> memref<1x256xf32, #tpu.memory_space<hbm>>
        %dma_wait3A_347 = tpu.memref_squeeze %dma_wait3A_346 : memref<1x256xf32, #tpu.memory_space<hbm>> -> memref<256xf32, #tpu.memory_space<hbm>>
        %dma_wait3A_348 = arith.constant 0 : i32
        %dma_wait3A_349 = tpu.memref_slice %arg4[%add3A_338, %dma_wait3A_348] : memref<1024x256xf32, #tpu.memory_space<hbm>> -> memref<1x256xf32, #tpu.memory_space<hbm>>
        %dma_wait3A_350 = tpu.memref_squeeze %dma_wait3A_349 : memref<1x256xf32, #tpu.memory_space<hbm>> -> memref<256xf32, #tpu.memory_space<hbm>>
        tpu.wait_dma2 semaphore(%run_scoped3A : memref<!tpu.dma_semaphore, #tpu.memory_space<semaphore_mem>>) src(%arg11 : memref<256xf32, #tpu.memory_space<vmem>>) dst(%dma_wait3A_350 : memref<256xf32, #tpu.memory_space<hbm>>)
        tpu.yield
      }) : () -> ()
    }
    %scan3A_41 = arith.constant 32 : i32
    %dma_wait3A = arith.constant 155 : i32
    %dma_wait3A_42 = arith.constant 0 : i32
    %dma_wait3A_43 = tpu.memref_slice %arg5[%dma_wait3A, %dma_wait3A_42] : memref<160x40xi32, #tpu.memory_space<vmem>> -> memref<1x40xi32, #tpu.memory_space<vmem>>
    %dma_wait3A_44 = tpu.memref_squeeze %dma_wait3A_43 : memref<1x40xi32, #tpu.memory_space<vmem>> -> memref<40xi32, #tpu.memory_space<vmem>>
    %dma_wait3A_45 = arith.constant 0 : i32
    %dma_wait3A_46 = arith.constant 0 : i32
    %dma_wait3A_47 = tpu.memref_slice %arg3[%dma_wait3A_45, %dma_wait3A_46] : memref<100000x128xf32, #tpu.memory_space<hbm>> -> memref<100000x128xf32, #tpu.memory_space<hbm>>
    tpu.wait_indirect_dma semaphore(%arg12 : memref<!tpu.dma_semaphore, #tpu.memory_space<semaphore_mem>>) src(%dma_wait3A_47 : memref<100000x128xf32, #tpu.memory_space<hbm>>) dst(%arg6 : memref<40x128xf32, #tpu.memory_space<vmem>>)
    %dma_wait3A_48 = arith.constant 156 : i32
    %dma_wait3A_49 = arith.constant 0 : i32
    %dma_wait3A_50 = tpu.memref_slice %arg5[%dma_wait3A_48, %dma_wait3A_49] : memref<160x40xi32, #tpu.memory_space<vmem>> -> memref<1x40xi32, #tpu.memory_space<vmem>>
    %dma_wait3A_51 = tpu.memref_squeeze %dma_wait3A_50 : memref<1x40xi32, #tpu.memory_space<vmem>> -> memref<40xi32, #tpu.memory_space<vmem>>
    %dma_wait3A_52 = arith.constant 0 : i32
    %dma_wait3A_53 = arith.constant 0 : i32
    %dma_wait3A_54 = tpu.memref_slice %arg3[%dma_wait3A_52, %dma_wait3A_53] : memref<100000x128xf32, #tpu.memory_space<hbm>> -> memref<100000x128xf32, #tpu.memory_space<hbm>>
    tpu.wait_indirect_dma semaphore(%arg13 : memref<!tpu.dma_semaphore, #tpu.memory_space<semaphore_mem>>) src(%dma_wait3A_54 : memref<100000x128xf32, #tpu.memory_space<hbm>>) dst(%arg7 : memref<40x128xf32, #tpu.memory_space<vmem>>)
    %dma_wait3A_55 = arith.constant 157 : i32
    %dma_wait3A_56 = arith.constant 0 : i32
    %dma_wait3A_57 = tpu.memref_slice %arg5[%dma_wait3A_55, %dma_wait3A_56] : memref<160x40xi32, #tpu.memory_space<vmem>> -> memref<1x40xi32, #tpu.memory_space<vmem>>
    %dma_wait3A_58 = tpu.memref_squeeze %dma_wait3A_57 : memref<1x40xi32, #tpu.memory_space<vmem>> -> memref<40xi32, #tpu.memory_space<vmem>>
    %dma_wait3A_59 = arith.constant 0 : i32
    %dma_wait3A_60 = arith.constant 0 : i32
    %dma_wait3A_61 = tpu.memref_slice %arg3[%dma_wait3A_59, %dma_wait3A_60] : memref<100000x128xf32, #tpu.memory_space<hbm>> -> memref<100000x128xf32, #tpu.memory_space<hbm>>
    tpu.wait_indirect_dma semaphore(%arg14 : memref<!tpu.dma_semaphore, #tpu.memory_space<semaphore_mem>>) src(%dma_wait3A_61 : memref<100000x128xf32, #tpu.memory_space<hbm>>) dst(%arg8 : memref<40x128xf32, #tpu.memory_space<vmem>>)
    %dma_wait3A_62 = arith.constant 158 : i32
    %dma_wait3A_63 = arith.constant 0 : i32
    %dma_wait3A_64 = tpu.memref_slice %arg5[%dma_wait3A_62, %dma_wait3A_63] : memref<160x40xi32, #tpu.memory_space<vmem>> -> memref<1x40xi32, #tpu.memory_space<vmem>>
    %dma_wait3A_65 = tpu.memref_squeeze %dma_wait3A_64 : memref<1x40xi32, #tpu.memory_space<vmem>> -> memref<40xi32, #tpu.memory_space<vmem>>
    %dma_wait3A_66 = arith.constant 0 : i32
    %dma_wait3A_67 = arith.constant 0 : i32
    %dma_wait3A_68 = tpu.memref_slice %arg3[%dma_wait3A_66, %dma_wait3A_67] : memref<100000x128xf32, #tpu.memory_space<hbm>> -> memref<100000x128xf32, #tpu.memory_space<hbm>>
    tpu.wait_indirect_dma semaphore(%arg15 : memref<!tpu.dma_semaphore, #tpu.memory_space<semaphore_mem>>) src(%dma_wait3A_68 : memref<100000x128xf32, #tpu.memory_space<hbm>>) dst(%arg9 : memref<40x128xf32, #tpu.memory_space<vmem>>)
    %dma_wait3A_69 = arith.constant 159 : i32
    %dma_wait3A_70 = arith.constant 0 : i32
    %dma_wait3A_71 = tpu.memref_slice %arg5[%dma_wait3A_69, %dma_wait3A_70] : memref<160x40xi32, #tpu.memory_space<vmem>> -> memref<1x40xi32, #tpu.memory_space<vmem>>
    %dma_wait3A_72 = tpu.memref_squeeze %dma_wait3A_71 : memref<1x40xi32, #tpu.memory_space<vmem>> -> memref<40xi32, #tpu.memory_space<vmem>>
    %dma_wait3A_73 = arith.constant 0 : i32
    %dma_wait3A_74 = arith.constant 0 : i32
    %dma_wait3A_75 = tpu.memref_slice %arg3[%dma_wait3A_73, %dma_wait3A_74] : memref<100000x128xf32, #tpu.memory_space<hbm>> -> memref<100000x128xf32, #tpu.memory_space<hbm>>
    tpu.wait_indirect_dma semaphore(%arg16 : memref<!tpu.dma_semaphore, #tpu.memory_space<semaphore_mem>>) src(%dma_wait3A_75 : memref<100000x128xf32, #tpu.memory_space<hbm>>) dst(%arg10 : memref<40x128xf32, #tpu.memory_space<vmem>>)
    return
  }
}

module attributes {stable_mosaic.version = 14 : i64} {
  func.func @_mlp_body(%arg0: memref<1024x256xf32, #tpu.memory_space<vmem>>, %arg1: memref<1024x256xf32, #tpu.memory_space<vmem>>, %arg2: memref<1024x88xf32, #tpu.memory_space<vmem>>, %arg3: memref<1x600xf32, #tpu.memory_space<vmem>>, %arg4: memref<1x600xf32, #tpu.memory_space<vmem>>, %arg5: memref<600x256xf32, #tpu.memory_space<vmem>>, %arg6: memref<1x256xf32, #tpu.memory_space<vmem>>, %arg7: memref<1x256xf32, #tpu.memory_space<vmem>>, %arg8: memref<1x256xf32, #tpu.memory_space<vmem>>, %arg9: memref<256x20xf32, #tpu.memory_space<vmem>>, %arg10: memref<1x20xf32, #tpu.memory_space<vmem>>, %arg11: memref<1024x20xf32, #tpu.memory_space<vmem>>, %arg12: memref<1024x256xf32, #tpu.memory_space<vmem>>) attributes {dimension_semantics = [], scalar_prefetch = 0 : i64, scratch_operands = 0 : i64, tpu.core_type = #tpu.core_type<tc>} {
    %get3A = arith.constant 0 : index
    %get3A_0 = arith.constant 0 : index
    %get3A_1 = vector.load %arg0[%get3A, %get3A_0] : memref<1024x256xf32, #tpu.memory_space<vmem>>, vector<1024x256xf32>
    %get3A_2 = arith.constant 0 : index
    %get3A_3 = arith.constant 0 : index
    %get3A_4 = vector.load %arg1[%get3A_2, %get3A_3] : memref<1024x256xf32, #tpu.memory_space<vmem>>, vector<1024x256xf32>
    %get3A_5 = arith.constant 0 : index
    %get3A_6 = arith.constant 0 : index
    %get3A_7 = vector.load %arg2[%get3A_5, %get3A_6] : memref<1024x88xf32, #tpu.memory_space<vmem>>, vector<1024x88xf32>
    %slice3A = vector.extract_strided_slice %get3A_1 {offsets = [0, 0], sizes = [1024, 128], strides = [1, 1]} : vector<1024x256xf32> to vector<1024x128xf32>
    %slice3A_8 = vector.extract_strided_slice %get3A_4 {offsets = [0, 0], sizes = [1024, 128], strides = [1, 1]} : vector<1024x256xf32> to vector<1024x128xf32>
    %slice3A_9 = vector.extract_strided_slice %get3A_7 {offsets = [0, 0], sizes = [1024, 44], strides = [1, 1]} : vector<1024x88xf32> to vector<1024x44xf32>
    %slice3A_10 = vector.extract_strided_slice %get3A_1 {offsets = [0, 128], sizes = [1024, 128], strides = [1, 1]} : vector<1024x256xf32> to vector<1024x128xf32>
    %slice3A_11 = vector.extract_strided_slice %get3A_4 {offsets = [0, 128], sizes = [1024, 128], strides = [1, 1]} : vector<1024x256xf32> to vector<1024x128xf32>
    %slice3A_12 = vector.extract_strided_slice %get3A_7 {offsets = [0, 44], sizes = [1024, 44], strides = [1, 1]} : vector<1024x88xf32> to vector<1024x44xf32>
    %concatenate3A = tpu.concatenate %slice3A, %slice3A_8, %slice3A_9, %slice3A_10, %slice3A_11, %slice3A_12 in 1 : vector<1024x128xf32>, vector<1024x128xf32>, vector<1024x44xf32>, vector<1024x128xf32>, vector<1024x128xf32>, vector<1024x44xf32> -> vector<1024x600xf32>
    %reduce_sum3A = arith.constant dense<0.000000e+00> : vector<600xf32>
    %reduce_sum3A_13 = vector.multi_reduction <add>, %concatenate3A, %reduce_sum3A [0] : vector<1024x600xf32> to vector<600xf32>
    %broadcast_in_dim3A = vector.shape_cast %reduce_sum3A_13 : vector<600xf32> to vector<1x600xf32>
    %div3A = arith.constant 1.024000e+03 : f32
    %div3A_14 = vector.broadcast %div3A : f32 to vector<1x600xf32>
    %div3A_15 = arith.divf %broadcast_in_dim3A, %div3A_14 : vector<1x600xf32>
    %sub3A = vector.broadcast %div3A_15 : vector<1x600xf32> to vector<1024x600xf32>
    %sub3A_16 = arith.subf %concatenate3A, %sub3A : vector<1024x600xf32>
    %mul3A = arith.mulf %sub3A_16, %sub3A_16 : vector<1024x600xf32>
    %reduce_sum3A_17 = arith.constant dense<0.000000e+00> : vector<600xf32>
    %reduce_sum3A_18 = vector.multi_reduction <add>, %mul3A, %reduce_sum3A_17 [0] : vector<1024x600xf32> to vector<600xf32>
    %broadcast_in_dim3A_19 = vector.shape_cast %reduce_sum3A_18 : vector<600xf32> to vector<1x600xf32>
    %div3A_20 = arith.constant 1.024000e+03 : f32
    %div3A_21 = vector.broadcast %div3A_20 : f32 to vector<1x600xf32>
    %div3A_22 = arith.divf %broadcast_in_dim3A_19, %div3A_21 : vector<1x600xf32>
    %add3A = arith.constant 9.99999974E-6 : f32
    %add3A_23 = vector.broadcast %add3A : f32 to vector<1x600xf32>
    %add3A_24 = arith.addf %div3A_22, %add3A_23 : vector<1x600xf32>
    %rsqrt3A = math.rsqrt %add3A_24 : vector<1x600xf32>
    %mul3A_25 = vector.broadcast %rsqrt3A : vector<1x600xf32> to vector<1024x600xf32>
    %mul3A_26 = arith.mulf %sub3A_16, %mul3A_25 : vector<1024x600xf32>
    %get3A_27 = arith.constant 0 : index
    %get3A_28 = arith.constant 0 : index
    %get3A_29 = vector.load %arg3[%get3A_27, %get3A_28] : memref<1x600xf32, #tpu.memory_space<vmem>>, vector<1x600xf32>
    %mul3A_30 = vector.broadcast %get3A_29 : vector<1x600xf32> to vector<1024x600xf32>
    %mul3A_31 = arith.mulf %mul3A_26, %mul3A_30 : vector<1024x600xf32>
    %get3A_32 = arith.constant 0 : index
    %get3A_33 = arith.constant 0 : index
    %get3A_34 = vector.load %arg4[%get3A_32, %get3A_33] : memref<1x600xf32, #tpu.memory_space<vmem>>, vector<1x600xf32>
    %add3A_35 = vector.broadcast %get3A_34 : vector<1x600xf32> to vector<1024x600xf32>
    %add3A_36 = arith.addf %mul3A_31, %add3A_35 : vector<1024x600xf32>
    %get3A_37 = arith.constant 0 : index
    %get3A_38 = arith.constant 0 : index
    %get3A_39 = vector.load %arg5[%get3A_37, %get3A_38] : memref<600x256xf32, #tpu.memory_space<vmem>>, vector<600x256xf32>
    %dot_general3A = arith.constant dense<0.000000e+00> : vector<1024x256xf32>
    %dot_general3A_40 = tpu.matmul %add3A_36, %get3A_39, %dot_general3A {dimension_numbers = #tpu.dot_dimension_numbers<[1], [0], [0], [1], [0, 0, 1, 1], [], []>, precision = #tpu.contract_precision<fp32>, transpose_lhs_hint = false} : vector<1024x600xf32>, vector<600x256xf32>, vector<1024x256xf32> -> vector<1024x256xf32>
    %get3A_41 = arith.constant 0 : index
    %get3A_42 = arith.constant 0 : index
    %get3A_43 = vector.load %arg6[%get3A_41, %get3A_42] : memref<1x256xf32, #tpu.memory_space<vmem>>, vector<1x256xf32>
    %add3A_44 = vector.broadcast %get3A_43 : vector<1x256xf32> to vector<1024x256xf32>
    %add3A_45 = arith.addf %dot_general3A_40, %add3A_44 : vector<1024x256xf32>
    %swap3A = arith.constant 0 : index
    %swap3A_46 = arith.constant 0 : index
    %swap3A_47 = vector.load %arg12[%swap3A, %swap3A_46] : memref<1024x256xf32, #tpu.memory_space<vmem>>, vector<1024x256xf32>
    tpu.vector_store %arg12[%swap3A, %swap3A_46], %add3A_45 {strides = array<i32>} : memref<1024x256xf32, #tpu.memory_space<vmem>>, vector<1024x256xf32>,
    %reduce_sum3A_48 = arith.constant dense<0.000000e+00> : vector<256xf32>
    %reduce_sum3A_49 = vector.multi_reduction <add>, %add3A_45, %reduce_sum3A_48 [0] : vector<1024x256xf32> to vector<256xf32>
    %broadcast_in_dim3A_50 = vector.shape_cast %reduce_sum3A_49 : vector<256xf32> to vector<1x256xf32>
    %div3A_51 = arith.constant 1.024000e+03 : f32
    %div3A_52 = vector.broadcast %div3A_51 : f32 to vector<1x256xf32>
    %div3A_53 = arith.divf %broadcast_in_dim3A_50, %div3A_52 : vector<1x256xf32>
    %sub3A_54 = vector.broadcast %div3A_53 : vector<1x256xf32> to vector<1024x256xf32>
    %sub3A_55 = arith.subf %add3A_45, %sub3A_54 : vector<1024x256xf32>
    %mul3A_56 = arith.mulf %sub3A_55, %sub3A_55 : vector<1024x256xf32>
    %reduce_sum3A_57 = arith.constant dense<0.000000e+00> : vector<256xf32>
    %reduce_sum3A_58 = vector.multi_reduction <add>, %mul3A_56, %reduce_sum3A_57 [0] : vector<1024x256xf32> to vector<256xf32>
    %broadcast_in_dim3A_59 = vector.shape_cast %reduce_sum3A_58 : vector<256xf32> to vector<1x256xf32>
    %div3A_60 = arith.constant 1.024000e+03 : f32
    %div3A_61 = vector.broadcast %div3A_60 : f32 to vector<1x256xf32>
    %div3A_62 = arith.divf %broadcast_in_dim3A_59, %div3A_61 : vector<1x256xf32>
    %add3A_63 = arith.constant 9.99999974E-6 : f32
    %add3A_64 = vector.broadcast %add3A_63 : f32 to vector<1x256xf32>
    %add3A_65 = arith.addf %div3A_62, %add3A_64 : vector<1x256xf32>
    %rsqrt3A_66 = math.rsqrt %add3A_65 : vector<1x256xf32>
    %mul3A_67 = vector.broadcast %rsqrt3A_66 : vector<1x256xf32> to vector<1024x256xf32>
    %mul3A_68 = arith.mulf %sub3A_55, %mul3A_67 : vector<1024x256xf32>
    %get3A_69 = arith.constant 0 : index
    %get3A_70 = arith.constant 0 : index
    %get3A_71 = vector.load %arg7[%get3A_69, %get3A_70] : memref<1x256xf32, #tpu.memory_space<vmem>>, vector<1x256xf32>
    %mul3A_72 = vector.broadcast %get3A_71 : vector<1x256xf32> to vector<1024x256xf32>
    %mul3A_73 = arith.mulf %mul3A_68, %mul3A_72 : vector<1024x256xf32>
    %get3A_74 = arith.constant 0 : index
    %get3A_75 = arith.constant 0 : index
    %get3A_76 = vector.load %arg8[%get3A_74, %get3A_75] : memref<1x256xf32, #tpu.memory_space<vmem>>, vector<1x256xf32>
    %add3A_77 = vector.broadcast %get3A_76 : vector<1x256xf32> to vector<1024x256xf32>
    %add3A_78 = arith.addf %mul3A_73, %add3A_77 : vector<1024x256xf32>
    %get3A_79 = arith.constant 0 : index
    %get3A_80 = arith.constant 0 : index
    %get3A_81 = vector.load %arg9[%get3A_79, %get3A_80] : memref<256x20xf32, #tpu.memory_space<vmem>>, vector<256x20xf32>
    %dot_general3A_82 = arith.constant dense<0.000000e+00> : vector<1024x20xf32>
    %dot_general3A_83 = tpu.matmul %add3A_78, %get3A_81, %dot_general3A_82 {dimension_numbers = #tpu.dot_dimension_numbers<[1], [0], [0], [1], [0, 0, 1, 1], [], []>, precision = #tpu.contract_precision<fp32>, transpose_lhs_hint = false} : vector<1024x256xf32>, vector<256x20xf32>, vector<1024x20xf32> -> vector<1024x20xf32>
    %get3A_84 = arith.constant 0 : index
    %get3A_85 = arith.constant 0 : index
    %get3A_86 = vector.load %arg10[%get3A_84, %get3A_85] : memref<1x20xf32, #tpu.memory_space<vmem>>, vector<1x20xf32>
    %add3A_87 = vector.broadcast %get3A_86 : vector<1x20xf32> to vector<1024x20xf32>
    %add3A_88 = arith.addf %dot_general3A_83, %add3A_87 : vector<1024x20xf32>
    %swap3A_89 = arith.constant 0 : index
    %swap3A_90 = arith.constant 0 : index
    %swap3A_91 = vector.load %arg11[%swap3A_89, %swap3A_90] : memref<1024x20xf32, #tpu.memory_space<vmem>>, vector<1024x20xf32>
    tpu.vector_store %arg11[%swap3A_89, %swap3A_90], %add3A_88 {strides = array<i32>} : memref<1024x20xf32, #tpu.memory_space<vmem>>, vector<1024x20xf32>,
    return
  }
}

</mosaic_0001>

<sc_bundles>
// kernel: kernel.12.cloned.1.call-start
scs
__scs_entry_jumppad:
0x0: {  	(pc) =	sbr.rel $0x88, $3  }
0x1: {  	(tag) =	ssettag $0x0;
	lr =	simm.s32 $0x1  }
0x2: {  	[smem:$0x3F97] =	sst lr;
	_ =	strace $0xD0000000  }
0x3: {  	_ = 	snop  }
0x4: {  	_ = 	snop  }
0x5: {  	_ = 	snop  }
0x6: {  	_ = 	snop  }
0x7: {  	_ = 	snop  }
__scs_overlays_trampoline_lowered:
0x8: {  	[smem:$0x3FA6] =	sst s0  }
0x9: {  	[smem:$0x3FA7] =	sst s1  }
0xa: {  	[smem:$0x3FA8] =	sst s2  }
0xb: {  	[smem:$0x3FA9] =	sst s3  }
0xc: {  	[smem:$0x3FAA] =	sst s4  }
0xd: {  	[smem:$0x3FAB] =	sst s5  }
0xe: {  	[smem:$0x3FAC] =	sst s6  }
0xf: {  	[smem:$0x3FAD] =	sst s7  }
0x10: {  	[smem:$0x3FAE] =	sst s8  }
0x11: {  	[smem:$0x3FAF] =	sst s9;
	s0 =	simm.s32 @!p0 $0x0  }
0x12: {  	s1 =	sld [smem:$0x3F95];
	s0 =	simm.s32 @p0 $0x1  }
0x13: {  	[smem:$0x3FB0] =	sst s0;
	s0 =	simm.s32 @!p1 $0x0  }
0x14: {  	s2 =	sld [smem:$0x3F94];
	s0 =	simm.s32 @p1 $0x1  }
0x15: {  	[smem:$0x3FB1] =	sst s0;
	s0 =	simm.s32 @!p2 $0x0  }
0x16: {  	s3 =	sld [smem:$0x3FDB];
	s0 =	simm.s32 @p2 $0x1  }
0x17: {  	s4 =	simm.s32 $0x1BF5;
	[smem:$0x3FB3] =	sst s0  }
0x18: {  	s0 =	sld [smem:$0x3F96];
	_ =	swait.ge [sflag:s4], $0x0  }
0x19: {  	s7 =	sld [smem:$0x3F97]  }
0x1a: {  	s8 =	sadd.s32 $0xFFFFE003, lr  }
0x1b: {  	s9 =	sadd.s32 $0xFFFFFEF7, lr;
	s5 =	simm.s32 $0xFFFFFFFF;
	p2 =	slt.u32 s8, $0xFFFFF086  }
0x1c: {  	p1 =	slt.u32 s9, $0xF7A;
	s5 =	simm.s32 @!p2 $0x0  }
0x1d: {  	s5 =	simm.s32 @p1 $0x1;
	p0 =	seq.s32 s7, s2  }
0x1e: {  	s7 =	smul.u32 @!p0 $0xF7A, s2;
	p2 =	seq.s32 @!p0 s5, $0x0  }
0x1f: {  	s9 =	smul.u32 $0xF7A, s1;
	s8 =	simm.s32 @!p0 $0x1BF5;
	p2 =	por !p2, p0  }
0x20: {  	[sflag:s8] =	ssyncset.s32 @!p0 $0xFFFFF086;
	s6 =	sadd.s32 @!p0 s3, s7;
	s7 =	simm.s32 @!p0 $0x108  }
0x21: {  	s3 =	sadd.s32 s3, s9;
	s6 =	sadd.s32 @!p0 $0x88, s6;
	s7 =	simm.s32 @p2 $0x1082  }
0x22: {  	[simem:s7], [sflag:s8] =	dma.local @!p0 [hbm:s6], $0xF7A  }
0x23: {  	s9 =	sor.u32 $0xD0000000, s2;
	s6 =	simm.s32 $0x108;
	_ =	swait.ge @!p0 [sflag:s8], $0x0  }
0x24: {  	s3 =	sadd.s32 $0x88, s3;
	s6 =	simm.s32 @!p1 $0x1082;
	[sflag:s4] =	ssyncset.s32 $0xFFFFF086  }
0x25: {  	[simem:s6], [sflag:s4] =	dma.local [hbm:s3], $0xF7A  }
0x26: {  	[smem:$0x3F97] =	sst s1;
	(tag) =	ssettag s2;
	_ =	strace s9  }
0x27: {  	s1 =	sld [smem:$0x3FA7]  }
0x28: {  	s2 =	sld [smem:$0x3FA8]  }
0x29: {  	s4 =	sld [smem:$0x3FAA]  }
0x2a: {  	p0 =	seq.s32 s5, $0x0;
	s5 =	sld [smem:$0x3FAB]  }
0x2b: {  	s6 =	sld [smem:$0x3FAC]  }
0x2c: {  	s7 =	sld [smem:$0x3FAD]  }
0x2d: {  	s3 =	simm.s32 $0x108;
	s8 =	sld [smem:$0x3FAE]  }
0x2e: {  	s3 =	simm.s32 @!p0 $0x1082;
	s9 =	sld [smem:$0x3FAF]  }
0x2f: {  	lr =	sadd.s32 s0, s3;
	s0 =	sld [smem:$0x3FA6]  }
0x30: {  	s3 =	sld [smem:$0x3FA9]  }
0x31: {  	[smem:$0x3FB2] =	sst s10  }
0x32: {  	s10 =	sld [smem:$0x3FB0];
	_ =	sdelay $0x3  }
0x33: {  	p0 =	seq.s32 s10, $0x1;
	s10 =	sld [smem:$0x3FB2];
	_ =	sdelay $0x3  }
0x34: {  	[smem:$0x3FB2] =	sst s10  }
0x35: {  	s10 =	sld [smem:$0x3FB1];
	_ =	sdelay $0x3  }
0x36: {  	p1 =	seq.s32 s10, $0x1;
	s10 =	sld [smem:$0x3FB2];
	_ =	sdelay $0x3  }
0x37: {  	[smem:$0x3FB2] =	sst s10  }
0x38: {  	s10 =	sld [smem:$0x3FB3]  }
0x39: {  	_ = 	snop;
	(pc) =	sbr.ind lr, $3  }
0x3a: {  	_ = 	snop  }
0x3b: {  	_ = 	snop  }
0x3c: {  	p2 =	seq.s32 s10, $0x1;
	s10 =	sld [smem:$0x3FB2]  }
0x3d: {  	_ =	shalt  }
0x3e: {  	_ =	shalt  }
0x3f: {  	_ =	shalt  }
0x40: {  	_ =	shalt  }
0x41: {  	_ =	shalt  }
0x42: {  	_ =	shalt  }
0x43: {  	_ =	shalt  }
0x44: {  	_ =	shalt  }
0x45: {  	_ =	shalt  }
0x46: {  	_ =	shalt  }
0x47: {  	_ =	shalt  }
0x48: {  	_ =	shalt  }
0x49: {  	_ =	shalt  }
0x4a: {  	_ =	shalt  }
0x4b: {  	_ =	shalt  }
0x4c: {  	_ =	shalt  }
0x4d: {  	_ =	shalt  }
0x4e: {  	_ =	shalt  }
0x4f: {  	_ =	shalt  }
0x50: {  	_ =	shalt  }
0x51: {  	_ =	shalt  }
0x52: {  	_ =	shalt  }
0x53: {  	_ =	shalt  }
0x54: {  	_ =	shalt  }
0x55: {  	_ =	shalt  }
0x56: {  	_ =	shalt  }
0x57: {  	_ =	shalt  }
0x58: {  	_ =	shalt  }
0x59: {  	_ =	shalt  }
0x5a: {  	_ =	shalt  }
0x5b: {  	_ =	shalt  }
0x5c: {  	_ =	shalt  }
0x5d: {  	_ =	shalt  }
0x5e: {  	_ =	shalt  }
0x5f: {  	_ =	shalt  }
0x60: {  	_ =	shalt  }
0x61: {  	_ =	shalt  }
0x62: {  	_ =	shalt  }
0x63: {  	_ =	shalt  }
0x64: {  	_ =	shalt  }
0x65: {  	_ =	shalt  }
0x66: {  	_ =	shalt  }
0x67: {  	_ =	shalt  }
0x68: {  	_ =	shalt  }
0x69: {  	_ =	shalt  }
0x6a: {  	_ =	shalt  }
0x6b: {  	_ =	shalt  }
0x6c: {  	_ =	shalt  }
0x6d: {  	_ =	shalt  }
0x6e: {  	_ =	shalt  }
0x6f: {  	_ =	shalt  }
0x70: {  	_ =	shalt  }
0x71: {  	_ =	shalt  }
0x72: {  	_ =	shalt  }
0x73: {  	_ =	shalt  }
0x74: {  	_ =	shalt  }
0x75: {  	_ =	shalt  }
0x76: {  	_ =	shalt  }
0x77: {  	_ =	shalt  }
0x78: {  	_ =	shalt  }
0x79: {  	_ =	shalt  }
0x7a: {  	_ =	shalt  }
0x7b: {  	_ =	shalt  }
0x7c: {  	_ =	shalt  }
0x7d: {  	_ =	shalt  }
0x7e: {  	_ =	shalt  }
0x7f: {  	_ =	shalt  }
0x80: {  	_ =	shalt  }
0x81: {  	_ =	shalt  }
0x82: {  	_ =	shalt  }
0x83: {  	_ =	shalt  }
0x84: {  	_ =	shalt  }
0x85: {  	_ =	shalt  }
0x86: {  	_ =	shalt  }
0x87: {  	_ =	shalt  }
.Lfunc_end0:
.L_simem_size_0:
called_computation.2_lowered:
.L_overlay_start_0:
0x88: {  	s2 =	sld [smem:$0x3FD9]  }
0x89: {  	s3 =	sld [smem:$0x3FFE];
	_ =	sdelay $0x1  }
0x8a: {  	s1 =	srdreg.scid  }
0x8b: {  	s0 =	sand.u32 $0x1, s1  }
0x8c: {  	s17 =	sshll.u32 s0, $0xA;
	s2 =	sadd.s32 s3, s2  }
0x8d: {  	s2 =	sadd.s32 s2, s17  }
0x8e: {  	[smem:$0x3FBE] =	sst s2  }
0x8f: {  	_ = 	snop  }
0x90: {  	(tm) =	ssettm $0x1  }
0x91: {  	s18 =	sld [smem:$0x3FFB];
	_ =	sdelay $0x3  }
0x92: {  	_ =	strace s18  }
0x93: {  	s2 =	sld [smem:$0x3FFC];
	_ =	sdelay $0x3  }
0x94: {  	_ =	strace s2  }
0x95: {  	s2 =	sld [smem:$0x3FFD];
	_ =	sdelay $0x3  }
0x96: {  	_ =	strace s2  }
0x97: {  	_ =	strace $0x8FFFFFFF  }
0x98: {  	s19 =	sld [smem:$0x3FDB];
	_ =	sdelay $0x1  }
0x99: {  	s20 =	simm.s32 $_scs_section_size  }
0x9a: {  	s4 =	simm.s32 $_size__tile_overlayer_lowered;
	s5 =	simm.s32 $_tile_overlayer_lowered  }
0x9b: {  	s6 =	simm.s32 $0x1BFF;
	s21 =	sshll.u32 s5, $0x1;
	s3 =	sadd.s32 s20, s19  }
0x9c: {  	s22 =	simm.s32 $0x0;
	s4 =	sshll.u32 s4, $0x1;
	s5 =	sadd.s32 s21, s3  }
0x9d: {  	[timem:s22], [sflag:s6] =	dma.local [hbm:s5], s4  }
0x9e: {  	_ =	swait.ge [sflag:s6], s4  }
0x9f: {  	s4 =	ssub.s32 $0x0, s4;
	[sflag:s6] =	ssyncset.done $0x0  }
0xa0: {  	[sflag:s6] =	ssyncadd.s32 s4;
	_ =	sdelay $0x1  }
0xa1: {  	s23 =	simm.s32 $0x1B8B  }
0xa2: {  	_ =	swait.ge [sflag:s23], $0x1  }
0xa3: {  	[sflag:s23] =	ssyncset.done $0x0  }
0xa4: {  	[sflag:s23] =	ssyncadd.s32 $0xFFFFFFFF  }
0xa5: {  	s4 =	sld [smem:$0x0]  }
0xa6: {  	s5 =	sand.u32 $0xFFFFFFFE, s1  }
0xa7: {  	p0 =	sne.s32 s1, s5  }
0xa8: {  	s5 =	sshll.u32 @p0 s5, $0xE  }
0xa9: {  	s5 =	sadd.s32 @p0 $0x11B8D, s5;
	s6 =	sshll.u32 @p0 s4, $0x11  }
0xaa: {  	s5 =	sor.u32 @p0 s6, s5  }
0xab: {  	[sflag:s5] =	ssyncadd.remote.s32 @p0 $0x1;
	_ =	sdelay $0x1  }
0xac: {  	s5 =	simm.s32 @p0 $0x1B8D  }
0xad: {  	_ =	swait.eq @p0 [sflag:s5], $0x1  }
0xae: {  	[sflag:s5] =	ssyncadd.s32 @p0 $0xFFFFFFFF  }
0xaf: {  	s6 =	sshll.u32 @!p0 s1, $0xE  }
0xb0: {  	s6 =	sor.u32 @!p0 $0x4000, s6;
	s5 =	simm.s32 @!p0 $0x1B8D  }
0xb1: {  	s4 =	sshll.u32 @!p0 s4, $0x11;
	s6 =	sadd.s32 @!p0 $0x11B8D, s6;
	_ =	swait.eq @!p0 [sflag:s5], $0x1  }
0xb2: {  	s4 =	sor.u32 @!p0 s4, s6;
	[sflag:s5] =	ssyncadd.s32 @!p0 $0xFFFFFFFF  }
0xb3: {  	s25 =	simm.s32 $0x1B8E;
	s24 =	sld [smem:$0x3FFE];
	[sflag:s4] =	ssyncadd.remote.s32 @!p0 $0x1  }
0xb4: {  	s26 =	simm.s32 $execute0_lowered;
	[smem:$0x3FD2] =	sst s25  }
0xb5: {  	s5 =	sshll.u32 s26, $0x1;
	_ =	strace $0x8000004C;
	[dreg:$0x1] =	wrdreg $0xFFFFFFFF  }
0xb6: {  	s28 =	simm.s32 $_size_execute0_lowered;
	s3 =	sadd.s32 s3, s5;
	[dreg:$0x0] =	wrdreg $0x0  }
0xb7: {  	s5 =	sshll.u32 s28, $0x1;
	[dreg:$0x2] =	wrdreg s3  }
0xb8: {  	[dreg:$0x3] =	wrdreg s5  }
0xb9: {  	[dreg:$0x4] =	wrdreg $0xC0  }
0xba: {  	_ =	task [dreg:s22], $0x5FFFF  }
0xbb: {  	[dreg:$0x1] =	wrdreg $0xFFFFFFFF  }
0xbc: {  	[dreg:$0x0] =	wrdreg $0x60  }
0xbd: {  	[dreg:$0x2] =	wrdreg s24  }
0xbe: {  	[dreg:$0x3] =	wrdreg $0xB  }
0xbf: {  	_ =	task.clear_ibuf [dreg:s22], $0x4FFFF;
	_ =	strace $0x9000004C  }
0xc0: {  	s29 =	simm.s32 $0xB;
	_ =	strace $0x8000004E  }
0xc1: {  	_ =	swait.ge [sflag:s29], $0x1  }
0xc2: {  	[sflag:s29] =	ssyncadd.s32 $0xFFFFFFFF  }
0xc3: {  	_ =	strace $0x9000004E  }
0xc4: {  	_ =	sfence  }
0xc5: {  	s30 =	sld [smem:$0x0];
	_ =	sdelay $0x2  }
0xc6: {  	s31 =	sshll.u32 s1, $0xD;
	s1 =	sshrl.u32 s1, $0x2  }
0xc7: {  	s4 =	sand.u32 $0x4000, s31;
	s1 =	sadd.s32 s1, s30  }
0xc8: {  	s0 =	sor.u32 s4, s0;
	s1 =	sshll.u32 s1, $0x11  }
0xc9: {  	s0 =	sor.u32 s1, s0  }
0xca: {  	s0 =	sadd.s32 $0x8F2B, s0  }
0xcb: {  	[sflag:s0] =	ssyncadd.remote.s32 $0x1  }
0xcc: {  	_ =	sfence.sel $0xFFFF  }
0xcd: {  	[dreg:$0x0] =	wrdreg $0xFFFFFFFF;
	(pc) =	sbr.abs _section_cstart, $3  }
0xce: {  	[dreg:$0x1] =	wrdreg $0xFFFFFFFF  }
0xcf: {  	_ =	task.clear_ibuf [dreg:s22], $0x2FFFF;
	_ =	strace $0x9FFFFFFF  }
0xd0: {  	(tm) =	ssettm $0x7FFFFFFF  }
0xd1: {  	_ =	shalt  }
tec
execute0_lowered:
.L_overlay_start_1:
0x0: {  	(tag) =	ssettag $0x1  }
0x1: {  	s1 =	srdreg.scid  }
0x2: {  	s0 =	stileid.u32;
	s4 =	rddreg [dreg:$0x0];
	s2 =	simm.s32 $0x0  }
0x3: {  	s9 =	simm.s32 $0x28;
	s10 =	simm.s32 $0x1900;
	s11 =	simm.s32 $0x2D00  }
0x4: {  	s12 =	simm.s32 $0x50;
	s13 =	simm.s32 $0x4100;
	s14 =	simm.s32 $0x78  }
0x5: {  	s15 =	simm.s32 $0x5500;
	s16 =	simm.s32 $0xA0;
	s17 =	simm.s32 $0x6900  }
0x6: {  	s18 =	simm.s32 $0x1;
	s19 =	simm.s32 $0x2;
	s20 =	simm.s32 $0x3  }
0x7: {  	s21 =	simm.s32 $0x4;
	s22 =	simm.s32 $0x5;
	s23 =	simm.s32 $0x7D00  }
0x8: {  	s3 =	sand.u32 $0x1, s1;
	s31 =	sshll.u32 s0, $0x1;
	s1 =	rddreg [dreg:$0x1]  }
0x9: {  	s24 =	simm.s32 $0x0;
	[smem:$0x7FF] =	sst s2;
	s6 =	sor.u32 s3, s31  }
0xa: {  	_ =	strace $0x8000004D;
	s7 =	ssub.s32 $0x2, s3;
	s5 =	smul.u32 $0x320, s6  }
0xb: {  	s3 =	sadd.s32 $0x623C00, s4;
	s8 =	sshrl.u32 s7, $0x1;
	s6 =	sshll.u32 s6, $0x5  }
0xc: {  	s7 =	ssub.s32 s7, s8;
	s8 =	simm.s32 $0x6;
	s5 =	sadd.s32 s5, s4  }
0xd: {  	s4 =	sadd.s32 $0x10800, s4;
	s7 =	smax.u32 s7, $0x1;
	s5 =	sadd.s32 $0x2400, s5  }
.LBB2_1:
0xe: {  	[tilespmem:s2], [sflag:$0x6] =	stream.linear.gather [hbm4b:s5+s2], $0x1900, $0x38;
	[tilespmem:$0x7D58] =	vst v63  }
0xf: {  	_ =	swait.ge [sflag:s8], $0x1900  }
0x10: {  	[sflag:s8] =	ssyncset.done $0x0  }
0x11: {  	[sflag:s8] =	ssyncadd.s32 $0xFFFFE700  }
0x12: {  	[tilespmem:s10], [sflag:$0x1] =	stream.indirect.gather [hbm4b:s3+s9], $0x80, s2, s9, $0xb8;
	[tilespmem:$0x7D58] =	vst v63  }
0x13: {  	_ = 	snop  }
0x14: {  	[tilespmem:s11], [sflag:$0x2] =	stream.indirect.gather [hbm4b:s3+s9], $0x80, s9, s9, $0xb8;
	[tilespmem:$0x7D58] =	vst v63  }
0x15: {  	_ = 	snop  }
0x16: {  	[tilespmem:s13], [sflag:$0x3] =	stream.indirect.gather [hbm4b:s3+s9], $0x80, s12, s9, $0xb8;
	[tilespmem:$0x7D58] =	vst v63  }
0x17: {  	_ = 	snop  }
0x18: {  	[tilespmem:s15], [sflag:$0x4] =	stream.indirect.gather [hbm4b:s3+s9], $0x80, s14, s9, $0xb8;
	[tilespmem:$0x7D58] =	vst v63  }
0x19: {  	s25 =	simm.s32 $0x0  }
0x1a: {  	[tilespmem:s17], [sflag:$0x5] =	stream.indirect.gather [hbm4b:s3+s9], $0x80, s16, s9, $0xb8;
	[tilespmem:$0x7D58] =	vst v63  }
.LBB2_2:
0x1b: {  	_ =	swait.ge [sflag:s18], $0x1400  }
0x1c: {  	[sflag:s18] =	ssyncset.done $0x0  }
0x1d: {  	s26 =	simm.s32 $0x1980;
	[sflag:s18] =	ssyncadd.s32 $0xFFFFEC00  }
0x1e: {  	v1 =	vld [tilespmem:s26+$0x10]  }
0x1f: {  	v2 =	vld [tilespmem:s26+$0x1C]  }
0x20: {  	v5 =	vld [tilespmem:s26+$0xFFFFFF80]  }
0x21: {  	v7 =	vld [tilespmem:s26+$0xFFFFFF9C]  }
0x22: {  	s28 =	simm.s32 $0x1A80;
	v8 =	vld [tilespmem:s26+$0xFFFFFF90]  }
0x23: {  	v0 =	vld [tilespmem:s28+$0x10]  }
0x24: {  	v6 =	vld [tilespmem:s26+$0x0]  }
0x25: {  	v9 =	vimm.f32 $0.0e+00;
	v12 =	vimm.f32 $-Inf;
	v3 =	vld [tilespmem:s28+$0x1C]  }
0x26: {  	v4 =	vld [tilespmem:s28+$0xFFFFFF80];
	v10 =	vmax.f32 v12, v5;
	v11 =	vadd.f32 v5, v9;
	v14 =	vadd.f32 v7, v9  }
0x27: {  	v7 =	vmax.f32 v12, v7;
	v5 =	vld [tilespmem:s28+$0xFFFFFF9C];
	v13 =	vadd.f32 v8, v9;
	v9 =	vmax.f32 v12, v8  }
0x28: {  	s29 =	simm.s32 $0x1B80;
	s26 =	simm.s32 $0x2;
	v8 =	vmax.f32 v7, v2;
	v7 =	vld [tilespmem:s28+$0xFFFFFF90];
	v9 =	vmax.f32 v9, v1;
	v12 =	vadd.f32 v2, v14  }
.LBB2_3:
0x29: {  	s26 =	sadd.s32 $0x2, s26  }
0x2a: {  	v2 =	vadd.f32 v6, v11;
	v10 =	vmax.f32 v10, v6;
	v13 =	vadd.f32 v1, v13;
	v1 =	vmovc v0;
	v0 =	vld [tilespmem:s29+$0x10];
	p0 =	slt.u32 s26, $0x26  }
.Ltmp0:
0x2b: {  	v6 =	vld [tilespmem:s28+$0x0];
	v14 =	vmov v3;
	s28 =	smov.u32 s29;
	(pc) =	sbr.rel @p0 .LBB2_3-.Ltmp0, $4  }
0x2c: {  	v3 =	vld [tilespmem:s29+$0x1C];
	v10 =	vmax.f32 v10, v4  }
0x2d: {  	v11 =	vadd.f32 v4, v2;
	v4 =	vld [tilespmem:s29+$0xFFFFFF80];
	v2 =	vadd.f32 v5, v12;
	v8 =	vmax.f32 v8, v5  }
0x2e: {  	v5 =	vld [tilespmem:s29+$0xFFFFFF9C];
	v13 =	vadd.f32 v7, v13;
	v9 =	vmax.f32 v9, v7;
	v8 =	vmax.f32 v8, v14  }
0x2f: {  	s29 =	sadd.s32 $0x100, s29;
	v7 =	vld [tilespmem:s28+$0xFFFFFF90];
	v9 =	vmax.f32 v9, v1;
	v12 =	vadd.f32 v14, v2  }
0x30: {  	s26 =	sadd.s32 $0x1, s25  }
0x31: {  	p0 =	slt.s32 s26, $0x1F;
	s29 =	smov.u32 s26  }
0x32: {  	s29 =	simm.s32 @!p0 $0x1F  }
0x33: {  	s29 =	smul.u32 $0x320, s29;
	_ =	sdelay $0x1  }
0x34: {  	v14 =	vld [tilespmem:s28+$0x0];
	s28 =	sshra.s32 s29, $0x2  }
0x35: {  	[tilespmem:s10], [sflag:$0x1] =	stream.indirect.gather [hbm4b:s3+s9], $0x80, s28, s9, $0xb8;
	[tilespmem:$0x7D58] =	vst v63  }
0x36: {  	_ =	swait.ge [sflag:s19], $0x1400  }
0x37: {  	[sflag:s19] =	ssyncset.done $0x0  }
0x38: {  	s30 =	simm.s32 $0x2D80;
	[sflag:s19] =	ssyncadd.s32 $0xFFFFEC00  }
0x39: {  	v2 =	vld [tilespmem:s30+$0x10]  }
0x3a: {  	v15 =	vld [tilespmem:s30+$0x1C]  }
0x3b: {  	v11 =	vadd.f32 v6, v11;
	v16 =	vld [tilespmem:s30+$0xFFFFFF80]  }
0x3c: {  	v6 =	vmax.f32 v10, v6;
	v1 =	vadd.f32 v1, v13;
	v13 =	vld [tilespmem:s30+$0xFFFFFF9C]  }
0x3d: {  	v10 =	vmax.f32 v6, v4;
	v4 =	vadd.f32 v4, v11;
	v6 =	vadd.f32 v5, v12;
	s29 =	simm.s32 $0x2E80;
	v12 =	vld [tilespmem:s30+$0xFFFFFF90]  }
0x3e: {  	v5 =	vmax.f32 v8, v5;
	v8 =	vadd.f32 v7, v1;
	v7 =	vmax.f32 v9, v7;
	v1 =	vld [tilespmem:s29+$0x10]  }
0x3f: {  	v5 =	vmax.f32 v5, v3;
	v3 =	vadd.f32 v3, v6;
	v9 =	vadd.f32 v14, v4;
	v6 =	vld [tilespmem:s30+$0x0]  }
0x40: {  	v7 =	vmax.f32 v7, v0;
	v10 =	vmax.f32 v10, v14;
	v8 =	vadd.f32 v0, v8;
	v4 =	vld [tilespmem:s29+$0x1C]  }
0x41: {  	v0 =	vld [tilespmem:s29+$0xFFFFFF80];
	v10 =	vmax.f32 v10, v16;
	v11 =	vadd.f32 v16, v9;
	v3 =	vadd.f32 v13, v3  }
0x42: {  	v9 =	vmax.f32 v5, v13;
	v5 =	vld [tilespmem:s29+$0xFFFFFF9C];
	v13 =	vadd.f32 v12, v8;
	v12 =	vmax.f32 v7, v12  }
0x43: {  	s31 =	simm.s32 $0x2F80;
	s30 =	simm.s32 $0x2;
	v7 =	vld [tilespmem:s29+$0xFFFFFF90];
	v8 =	vmax.f32 v9, v15;
	v9 =	vmax.f32 v12, v2;
	v12 =	vadd.f32 v15, v3  }
.LBB2_5:
0x44: {  	s30 =	sadd.s32 $0x2, s30  }
0x45: {  	v3 =	vadd.f32 v6, v11;
	v10 =	vmax.f32 v10, v6;
	v13 =	vadd.f32 v2, v13;
	v2 =	vmovc v1;
	v1 =	vld [tilespmem:s31+$0x10];
	p0 =	slt.u32 s30, $0x26  }
.Ltmp1:
0x46: {  	v6 =	vld [tilespmem:s29+$0x0];
	v14 =	vmov v4;
	s29 =	smov.u32 s31;
	(pc) =	sbr.rel @p0 .LBB2_5-.Ltmp1, $4  }
0x47: {  	v4 =	vld [tilespmem:s31+$0x1C];
	v10 =	vmax.f32 v10, v0  }
0x48: {  	v11 =	vadd.f32 v0, v3;
	v0 =	vld [tilespmem:s31+$0xFFFFFF80];
	v3 =	vadd.f32 v5, v12;
	v8 =	vmax.f32 v8, v5  }
0x49: {  	v5 =	vld [tilespmem:s31+$0xFFFFFF9C];
	v13 =	vadd.f32 v7, v13;
	v9 =	vmax.f32 v9, v7;
	v8 =	vmax.f32 v8, v14  }
0x4a: {  	s31 =	sadd.s32 $0x100, s31;
	v7 =	vld [tilespmem:s29+$0xFFFFFF90];
	v9 =	vmax.f32 v9, v2;
	v12 =	vadd.f32 v14, v3  }
0x4b: {  	v14 =	vld [tilespmem:s29+$0x0];
	s29 =	sadd.s32 $0x28, s28  }
0x4c: {  	[tilespmem:s11], [sflag:$0x2] =	stream.indirect.gather [hbm4b:s3+s9], $0x80, s29, s9, $0xb8;
	[tilespmem:$0x7D58] =	vst v63  }
0x4d: {  	_ =	swait.ge [sflag:s20], $0x1400  }
0x4e: {  	[sflag:s20] =	ssyncset.done $0x0  }
0x4f: {  	s30 =	simm.s32 $0x4180;
	[sflag:s20] =	ssyncadd.s32 $0xFFFFEC00  }
0x50: {  	v3 =	vld [tilespmem:s30+$0x10]  }
0x51: {  	v15 =	vld [tilespmem:s30+$0x1C]  }
0x52: {  	v11 =	vadd.f32 v6, v11;
	v16 =	vld [tilespmem:s30+$0xFFFFFF80]  }
0x53: {  	v6 =	vmax.f32 v10, v6;
	v2 =	vadd.f32 v2, v13;
	v13 =	vld [tilespmem:s30+$0xFFFFFF9C]  }
0x54: {  	s29 =	simm.s32 $0x4280;
	v10 =	vmax.f32 v6, v0;
	v6 =	vadd.f32 v0, v11;
	v11 =	vadd.f32 v5, v12;
	v12 =	vld [tilespmem:s30+$0xFFFFFF90]  }
0x55: {  	v5 =	vmax.f32 v8, v5;
	v2 =	vadd.f32 v7, v2;
	v7 =	vmax.f32 v9, v7;
	v0 =	vld [tilespmem:s29+$0x10]  }
0x56: {  	v5 =	vmax.f32 v5, v4;
	v8 =	vadd.f32 v4, v11;
	v9 =	vadd.f32 v14, v6;
	v6 =	vld [tilespmem:s30+$0x0]  }
0x57: {  	v7 =	vmax.f32 v7, v1;
	v10 =	vmax.f32 v10, v14;
	v4 =	vld [tilespmem:s29+$0x1C];
	v2 =	vadd.f32 v1, v2  }
0x58: {  	v1 =	vld [tilespmem:s29+$0xFFFFFF80];
	v10 =	vmax.f32 v10, v16;
	v11 =	vadd.f32 v16, v9;
	v14 =	vadd.f32 v13, v8  }
0x59: {  	v8 =	vmax.f32 v5, v13;
	v5 =	vld [tilespmem:s29+$0xFFFFFF9C];
	v13 =	vadd.f32 v12, v2;
	v2 =	vmax.f32 v7, v12  }
0x5a: {  	s31 =	simm.s32 $0x4380;
	s30 =	simm.s32 $0x2;
	v7 =	vld [tilespmem:s29+$0xFFFFFF90];
	v8 =	vmax.f32 v8, v15;
	v9 =	vmax.f32 v2, v3;
	v12 =	vadd.f32 v15, v14  }
.LBB2_7:
0x5b: {  	s30 =	sadd.s32 $0x2, s30  }
0x5c: {  	v2 =	vadd.f32 v6, v11;
	v10 =	vmax.f32 v10, v6;
	v13 =	vadd.f32 v3, v13;
	v3 =	vmovc v0;
	v0 =	vld [tilespmem:s31+$0x10];
	p0 =	slt.u32 s30, $0x26  }
.Ltmp2:
0x5d: {  	v6 =	vld [tilespmem:s29+$0x0];
	v14 =	vmov v4;
	s29 =	smov.u32 s31;
	(pc) =	sbr.rel @p0 .LBB2_7-.Ltmp2, $4  }
0x5e: {  	v4 =	vld [tilespmem:s31+$0x1C];
	v10 =	vmax.f32 v10, v1  }
0x5f: {  	v11 =	vadd.f32 v1, v2;
	v1 =	vld [tilespmem:s31+$0xFFFFFF80];
	v2 =	vadd.f32 v5, v12;
	v8 =	vmax.f32 v8, v5  }
0x60: {  	v5 =	vld [tilespmem:s31+$0xFFFFFF9C];
	v13 =	vadd.f32 v7, v13;
	v9 =	vmax.f32 v9, v7;
	v8 =	vmax.f32 v8, v14  }
0x61: {  	s31 =	sadd.s32 $0x100, s31;
	v7 =	vld [tilespmem:s29+$0xFFFFFF90];
	v9 =	vmax.f32 v9, v3;
	v12 =	vadd.f32 v14, v2  }
0x62: {  	v14 =	vld [tilespmem:s29+$0x0];
	s29 =	sadd.s32 $0x50, s28  }
0x63: {  	[tilespmem:s13], [sflag:$0x3] =	stream.indirect.gather [hbm4b:s3+s9], $0x80, s29, s9, $0xb8;
	[tilespmem:$0x7D58] =	vst v63  }
0x64: {  	_ =	swait.ge [sflag:s21], $0x1400  }
0x65: {  	[sflag:s21] =	ssyncset.done $0x0  }
0x66: {  	s30 =	simm.s32 $0x5580;
	[sflag:s21] =	ssyncadd.s32 $0xFFFFEC00  }
0x67: {  	v2 =	vld [tilespmem:s30+$0x10]  }
0x68: {  	v15 =	vld [tilespmem:s30+$0x1C]  }
0x69: {  	v11 =	vadd.f32 v6, v11;
	v16 =	vld [tilespmem:s30+$0xFFFFFF80]  }
0x6a: {  	v6 =	vmax.f32 v10, v6;
	v3 =	vadd.f32 v3, v13;
	v13 =	vld [tilespmem:s30+$0xFFFFFF9C]  }
0x6b: {  	s29 =	simm.s32 $0x5680;
	v10 =	vmax.f32 v6, v1;
	v6 =	vadd.f32 v1, v11;
	v11 =	vadd.f32 v5, v12;
	v12 =	vld [tilespmem:s30+$0xFFFFFF90]  }
0x6c: {  	v5 =	vmax.f32 v8, v5;
	v3 =	vadd.f32 v7, v3;
	v7 =	vmax.f32 v9, v7;
	v1 =	vld [tilespmem:s29+$0x10]  }
0x6d: {  	v5 =	vmax.f32 v5, v4;
	v8 =	vadd.f32 v4, v11;
	v9 =	vadd.f32 v14, v6;
	v6 =	vld [tilespmem:s30+$0x0]  }
0x6e: {  	v7 =	vmax.f32 v7, v0;
	v10 =	vmax.f32 v10, v14;
	v4 =	vld [tilespmem:s29+$0x1C];
	v3 =	vadd.f32 v0, v3  }
0x6f: {  	v0 =	vld [tilespmem:s29+$0xFFFFFF80];
	v10 =	vmax.f32 v10, v16;
	v11 =	vadd.f32 v16, v9;
	v14 =	vadd.f32 v13, v8  }
0x70: {  	v8 =	vmax.f32 v5, v13;
	v5 =	vld [tilespmem:s29+$0xFFFFFF9C];
	v13 =	vadd.f32 v12, v3;
	v3 =	vmax.f32 v7, v12  }
0x71: {  	s31 =	simm.s32 $0x5780;
	s30 =	simm.s32 $0x2;
	v7 =	vld [tilespmem:s29+$0xFFFFFF90];
	v8 =	vmax.f32 v8, v15;
	v9 =	vmax.f32 v3, v2;
	v12 =	vadd.f32 v15, v14  }
.LBB2_9:
0x72: {  	s30 =	sadd.s32 $0x2, s30  }
0x73: {  	v3 =	vadd.f32 v6, v11;
	v10 =	vmax.f32 v10, v6;
	v13 =	vadd.f32 v2, v13;
	v2 =	vmovc v1;
	v1 =	vld [tilespmem:s31+$0x10];
	p0 =	slt.u32 s30, $0x26  }
.Ltmp3:
0x74: {  	v6 =	vld [tilespmem:s29+$0x0];
	v14 =	vmov v4;
	s29 =	smov.u32 s31;
	(pc) =	sbr.rel @p0 .LBB2_9-.Ltmp3, $4  }
0x75: {  	v4 =	vld [tilespmem:s31+$0x1C];
	v10 =	vmax.f32 v10, v0  }
0x76: {  	v11 =	vadd.f32 v0, v3;
	v0 =	vld [tilespmem:s31+$0xFFFFFF80];
	v3 =	vadd.f32 v5, v12;
	v8 =	vmax.f32 v8, v5  }
0x77: {  	v5 =	vld [tilespmem:s31+$0xFFFFFF9C];
	v13 =	vadd.f32 v7, v13;
	v9 =	vmax.f32 v9, v7;
	v8 =	vmax.f32 v8, v14  }
0x78: {  	s31 =	sadd.s32 $0x100, s31;
	v7 =	vld [tilespmem:s29+$0xFFFFFF90];
	v9 =	vmax.f32 v9, v2;
	v12 =	vadd.f32 v14, v3  }
0x79: {  	v14 =	vld [tilespmem:s29+$0x0];
	s29 =	sadd.s32 $0x78, s28  }
0x7a: {  	[tilespmem:s15], [sflag:$0x4] =	stream.indirect.gather [hbm4b:s3+s9], $0x80, s29, s9, $0xb8;
	[tilespmem:$0x7D58] =	vst v63  }
0x7b: {  	_ =	swait.ge [sflag:s22], $0x1400  }
0x7c: {  	[sflag:s22] =	ssyncset.done $0x0  }
0x7d: {  	s30 =	simm.s32 $0x6980;
	[sflag:s22] =	ssyncadd.s32 $0xFFFFEC00  }
0x7e: {  	v3 =	vld [tilespmem:s30+$0x10]  }
0x7f: {  	v15 =	vld [tilespmem:s30+$0x1C]  }
0x80: {  	v11 =	vadd.f32 v6, v11;
	v16 =	vld [tilespmem:s30+$0xFFFFFF80]  }
0x81: {  	v6 =	vmax.f32 v10, v6;
	v2 =	vadd.f32 v2, v13;
	v13 =	vld [tilespmem:s30+$0xFFFFFF9C]  }
0x82: {  	s29 =	simm.s32 $0x6A80;
	v6 =	vmax.f32 v6, v0;
	v10 =	vadd.f32 v0, v11;
	v11 =	vadd.f32 v5, v12;
	v12 =	vld [tilespmem:s30+$0xFFFFFF90]  }
0x83: {  	v5 =	vmax.f32 v8, v5;
	v2 =	vadd.f32 v7, v2;
	v7 =	vmax.f32 v9, v7;
	v0 =	vld [tilespmem:s29+$0x10]  }
0x84: {  	v9 =	vmax.f32 v5, v4;
	v4 =	vadd.f32 v4, v11;
	v10 =	vadd.f32 v14, v10;
	v5 =	vld [tilespmem:s30+$0x0]  }
0x85: {  	v17 =	vmax.f32 v7, v1;
	v6 =	vmax.f32 v6, v14;
	v7 =	vld [tilespmem:s29+$0xFFFFFF9C];
	v11 =	vadd.f32 v1, v2  }
0x86: {  	v2 =	vld [tilespmem:s29+$0x1C];
	v8 =	vmax.f32 v6, v16;
	v10 =	vadd.f32 v16, v10;
	v14 =	vadd.f32 v13, v4  }
0x87: {  	v1 =	vld [tilespmem:s29+$0xFFFFFF80];
	v4 =	vmax.f32 v9, v13;
	v11 =	vadd.f32 v12, v11;
	v6 =	vmax.f32 v17, v12  }
0x88: {  	s31 =	simm.s32 $0x6B80;
	s30 =	simm.s32 $0x2;
	v9 =	vmax.f32 v4, v15;
	v4 =	vld [tilespmem:s29+$0xFFFFFF90];
	v6 =	vmax.f32 v6, v3;
	v12 =	vadd.f32 v15, v14  }
.LBB2_11:
0x89: {  	s30 =	sadd.s32 $0x2, s30  }
0x8a: {  	v10 =	vadd.f32 v5, v10;
	v8 =	vmax.f32 v8, v5;
	v11 =	vadd.f32 v3, v11;
	v3 =	vmovc v0;
	v0 =	vld [tilespmem:s31+$0x10];
	p0 =	slt.u32 s30, $0x26  }
.Ltmp4:
0x8b: {  	v5 =	vld [tilespmem:s29+$0x0];
	v13 =	vmov v2;
	s29 =	smov.u32 s31;
	(pc) =	sbr.rel @p0 .LBB2_11-.Ltmp4, $4  }
0x8c: {  	v2 =	vld [tilespmem:s31+$0x1C];
	v8 =	vmax.f32 v8, v1  }
0x8d: {  	v10 =	vadd.f32 v1, v10;
	v1 =	vld [tilespmem:s31+$0xFFFFFF80];
	v12 =	vadd.f32 v7, v12;
	v9 =	vmax.f32 v9, v7  }
0x8e: {  	v7 =	vld [tilespmem:s31+$0xFFFFFF9C];
	v11 =	vadd.f32 v4, v11;
	v6 =	vmax.f32 v6, v4;
	v9 =	vmax.f32 v9, v13  }
0x8f: {  	s31 =	sadd.s32 $0x100, s31;
	v4 =	vld [tilespmem:s29+$0xFFFFFF90];
	v6 =	vmax.f32 v6, v3;
	v12 =	vadd.f32 v13, v12  }
0x90: {  	_ = 	snop  }
0x91: {  	v13 =	vld [tilespmem:s29+$0x0]  }
0x92: {  	v10 =	vadd.f32 v5, v10  }
0x93: {  	v3 =	vadd.f32 v3, v11;
	v56 =	vmax.f32 v8, v5;
	v12 =	vadd.f32 v7, v12  }
0x94: {  	s28 =	sadd.s32 $0xA0, s28;
	v10 =	vadd.f32 v1, v10;
	v60 =	vmax.f32 v56, v1;
	v57 =	vmax.f32 v9, v7  }
0x95: {  	[tilespmem:s17], [sflag:$0x5] =	stream.indirect.gather [hbm4b:s3+s9], $0x80, s28, s9, $0xb8;
	v3 =	vadd.f32 v4, v3;
	v58 =	vmax.f32 v57, v2;
	v55 =	vadd.f32 v2, v12;
	[tilespmem:$0x7D58] =	vst v63  }
0x96: {  	v62 =	vmax.f32 v6, v4;
	v10 =	vadd.f32 v13, v10;
	[tilespmem:$0x7D48] =	vst v58;
	v1 =	vmax.f32 v60, v13  }
0x97: {  	v63 =	vmax.f32 v62, v0;
	v3 =	vadd.f32 v0, v3;
	[tilespmem:$0x7D2C] =	vst v1;
	v11 =	vmul.f32 $4.999999890e-03, v55  }
0x98: {  	s25 =	sadd.s32 s6, s25;
	[tilespmem:$0x7D3C] =	vst v63;
	v59 =	vmul.f32 $4.999999890e-03, v10  }
0x99: {  	s25 =	smul.u32 $0xB, s25;
	v61 =	vmul.f32 $4.999999890e-03, v3;
	[tilespmem:$0x7D1C] =	vst v11  }
0x9a: {  	p0 =	sne.s32 s26, $0x20;
	[tilespmem:$0x7D00] =	vst v59  }
.Ltmp5:
0x9b: {  	s25 =	sadd.s32 s4, s25;
	[tilespmem:$0x7D10] =	vst v61;
	(pc) =	sbr.rel @p0 .LBB2_2-.Ltmp5, $4  }
0x9c: {  	[hbm4b:s25+s2] =	stream.linear.scatter [tilespmem:s23], [sflag:$0x6], $0x58, $0x38;
	[tilespmem:$0x7D58] =	vst v63  }
0x9d: {  	_ =	swait.ge [sflag:s8], $0x58  }
0x9e: {  	[sflag:s8] =	ssyncset.done $0x0  }
0x9f: {  	s25 =	smov.u32 s26;
	[sflag:s8] =	ssyncadd.s32 $0xFFFFFFA8  }
0xa0: {  	_ =	swait.ge [sflag:s18], $0x1400  }
0xa1: {  	[sflag:s18] =	ssyncset.done $0x0  }
0xa2: {  	[sflag:s18] =	ssyncadd.s32 $0xFFFFEC00  }
0xa3: {  	_ =	swait.ge [sflag:s19], $0x1400  }
0xa4: {  	[sflag:s19] =	ssyncset.done $0x0  }
0xa5: {  	[sflag:s19] =	ssyncadd.s32 $0xFFFFEC00  }
0xa6: {  	_ =	swait.ge [sflag:s20], $0x1400  }
0xa7: {  	[sflag:s20] =	ssyncset.done $0x0  }
0xa8: {  	s24 =	sadd.s32 $0x1, s24;
	[sflag:s20] =	ssyncadd.s32 $0xFFFFEC00  }
0xa9: {  	p0 =	sne.s32 s24, s7;
	_ =	swait.ge [sflag:s21], $0x1400  }
.Ltmp6:
0xaa: {  	[sflag:s21] =	ssyncset.done $0x0;
	(pc) =	sbr.rel @p0 .LBB2_1-.Ltmp6, $4  }
0xab: {  	[sflag:s21] =	ssyncadd.s32 $0xFFFFEC00  }
0xac: {  	_ =	swait.ge [sflag:s22], $0x1400  }
0xad: {  	[sflag:s22] =	ssyncset.done $0x0  }
0xae: {  	[sflag:s22] =	ssyncadd.s32 $0xFFFFEC00  }
0xaf: {  	_ =	sfence.sel $0x180000  }
0xb0: {  	[bflag:$0x0] =	sbarrier.arrive $0xFFFF  }
0xb1: {  	p0 =	sne.s32 s0, $0x0;
	_ =	strace $0x9000004D  }
0xb2: {  	s0 =	sadd.s32 @!p0 $0x100000, s1;
	[bflag:$0x2] =	sbarrier.arrive $0xFFFF  }
0xb3: {  	[sflag:s0] =	ssyncadd.tile.s32 @!p0 $0x1;
	_ =	shalt  }
.Lfunc_end2:
_tile_overlayer_lowered:
.L_overlay_start_2:
0xb4: {  	(tag) =	ssettag $0x2  }
0xb5: {  	s0 =	rddreg [dreg:$0x0];
	s2 =	stileid.u32  }
0xb6: {  	s1 =	rddreg [dreg:$0x1];
	p0 =	sne.s32 s2, $0x0  }
0xb7: {  	s3 =	rddreg [dreg:$0x2];
	[bflag:$0x3] =	sbarrier.arrive $0xFFFF;
	s2 =	simm.s32 @!p0 $0x1C06  }
0xb8: {  	[timem:s3], [sflag:s2] =	dma.local @!p0 [hbm:s0], s1  }
0xb9: {  	s0 =	simm.s32 @!p0 $0x6  }
0xba: {  	_ =	swait.ge @!p0 [sflag:s0], s1  }
0xbb: {  	s1 =	ssub.s32 @!p0 $0x0, s1;
	[sflag:s0] =	ssyncset.done @!p0 $0x0  }
0xbc: {  	[sflag:s0] =	ssyncadd.s32 @!p0 s1  }
0xbd: {  	[bflag:$0x3] =	sbarrier.arrive $0xFFFF  }
0xbe: {  	_ =	shalt  }

// kernel: kernel.6.cloned.1.call-start
scs
__scs_entry_jumppad:
0x0: {  	(pc) =	sbr.rel $0x88, $3  }
0x1: {  	(tag) =	ssettag $0x0;
	lr =	simm.s32 $0x1  }
0x2: {  	[smem:$0x3F97] =	sst lr;
	_ =	strace $0xD0000000  }
0x3: {  	_ = 	snop  }
0x4: {  	_ = 	snop  }
0x5: {  	_ = 	snop  }
0x6: {  	_ = 	snop  }
0x7: {  	_ = 	snop  }
__scs_overlays_trampoline_lowered:
0x8: {  	[smem:$0x3FA6] =	sst s0  }
0x9: {  	[smem:$0x3FA7] =	sst s1  }
0xa: {  	[smem:$0x3FA8] =	sst s2  }
0xb: {  	[smem:$0x3FA9] =	sst s3  }
0xc: {  	[smem:$0x3FAA] =	sst s4  }
0xd: {  	[smem:$0x3FAB] =	sst s5  }
0xe: {  	[smem:$0x3FAC] =	sst s6  }
0xf: {  	[smem:$0x3FAD] =	sst s7  }
0x10: {  	[smem:$0x3FAE] =	sst s8  }
0x11: {  	[smem:$0x3FAF] =	sst s9;
	s0 =	simm.s32 @!p0 $0x0  }
0x12: {  	s1 =	sld [smem:$0x3F95];
	s0 =	simm.s32 @p0 $0x1  }
0x13: {  	[smem:$0x3FB0] =	sst s0;
	s0 =	simm.s32 @!p1 $0x0  }
0x14: {  	s2 =	sld [smem:$0x3F94];
	s0 =	simm.s32 @p1 $0x1  }
0x15: {  	[smem:$0x3FB1] =	sst s0;
	s0 =	simm.s32 @!p2 $0x0  }
0x16: {  	s3 =	sld [smem:$0x3FDB];
	s0 =	simm.s32 @p2 $0x1  }
0x17: {  	s4 =	simm.s32 $0x1BF5;
	[smem:$0x3FB3] =	sst s0  }
0x18: {  	s0 =	sld [smem:$0x3F96];
	_ =	swait.ge [sflag:s4], $0x0  }
0x19: {  	s7 =	sld [smem:$0x3F97]  }
0x1a: {  	s8 =	sadd.s32 $0xFFFFE003, lr  }
0x1b: {  	s9 =	sadd.s32 $0xFFFFFEF7, lr;
	s5 =	simm.s32 $0xFFFFFFFF;
	p2 =	slt.u32 s8, $0xFFFFF086  }
0x1c: {  	p1 =	slt.u32 s9, $0xF7A;
	s5 =	simm.s32 @!p2 $0x0  }
0x1d: {  	s5 =	simm.s32 @p1 $0x1;
	p0 =	seq.s32 s7, s2  }
0x1e: {  	s7 =	smul.u32 @!p0 $0xF7A, s2;
	p2 =	seq.s32 @!p0 s5, $0x0  }
0x1f: {  	s9 =	smul.u32 $0xF7A, s1;
	s8 =	simm.s32 @!p0 $0x1BF5;
	p2 =	por !p2, p0  }
0x20: {  	[sflag:s8] =	ssyncset.s32 @!p0 $0xFFFFF086;
	s6 =	sadd.s32 @!p0 s3, s7;
	s7 =	simm.s32 @!p0 $0x108  }
0x21: {  	s3 =	sadd.s32 s3, s9;
	s6 =	sadd.s32 @!p0 $0x88, s6;
	s7 =	simm.s32 @p2 $0x1082  }
0x22: {  	[simem:s7], [sflag:s8] =	dma.local @!p0 [hbm:s6], $0xF7A  }
0x23: {  	s9 =	sor.u32 $0xD0000000, s2;
	s6 =	simm.s32 $0x108;
	_ =	swait.ge @!p0 [sflag:s8], $0x0  }
0x24: {  	s3 =	sadd.s32 $0x88, s3;
	s6 =	simm.s32 @!p1 $0x1082;
	[sflag:s4] =	ssyncset.s32 $0xFFFFF086  }
0x25: {  	[simem:s6], [sflag:s4] =	dma.local [hbm:s3], $0xF7A  }
0x26: {  	[smem:$0x3F97] =	sst s1;
	(tag) =	ssettag s2;
	_ =	strace s9  }
0x27: {  	s1 =	sld [smem:$0x3FA7]  }
0x28: {  	s2 =	sld [smem:$0x3FA8]  }
0x29: {  	s4 =	sld [smem:$0x3FAA]  }
0x2a: {  	p0 =	seq.s32 s5, $0x0;
	s5 =	sld [smem:$0x3FAB]  }
0x2b: {  	s6 =	sld [smem:$0x3FAC]  }
0x2c: {  	s7 =	sld [smem:$0x3FAD]  }
0x2d: {  	s3 =	simm.s32 $0x108;
	s8 =	sld [smem:$0x3FAE]  }
0x2e: {  	s3 =	simm.s32 @!p0 $0x1082;
	s9 =	sld [smem:$0x3FAF]  }
0x2f: {  	lr =	sadd.s32 s0, s3;
	s0 =	sld [smem:$0x3FA6]  }
0x30: {  	s3 =	sld [smem:$0x3FA9]  }
0x31: {  	[smem:$0x3FB2] =	sst s10  }
0x32: {  	s10 =	sld [smem:$0x3FB0];
	_ =	sdelay $0x3  }
0x33: {  	p0 =	seq.s32 s10, $0x1;
	s10 =	sld [smem:$0x3FB2];
	_ =	sdelay $0x3  }
0x34: {  	[smem:$0x3FB2] =	sst s10  }
0x35: {  	s10 =	sld [smem:$0x3FB1];
	_ =	sdelay $0x3  }
0x36: {  	p1 =	seq.s32 s10, $0x1;
	s10 =	sld [smem:$0x3FB2];
	_ =	sdelay $0x3  }
0x37: {  	[smem:$0x3FB2] =	sst s10  }
0x38: {  	s10 =	sld [smem:$0x3FB3]  }
0x39: {  	_ = 	snop;
	(pc) =	sbr.ind lr, $3  }
0x3a: {  	_ = 	snop  }
0x3b: {  	_ = 	snop  }
0x3c: {  	p2 =	seq.s32 s10, $0x1;
	s10 =	sld [smem:$0x3FB2]  }
0x3d: {  	_ =	shalt  }
0x3e: {  	_ =	shalt  }
0x3f: {  	_ =	shalt  }
0x40: {  	_ =	shalt  }
0x41: {  	_ =	shalt  }
0x42: {  	_ =	shalt  }
0x43: {  	_ =	shalt  }
0x44: {  	_ =	shalt  }
0x45: {  	_ =	shalt  }
0x46: {  	_ =	shalt  }
0x47: {  	_ =	shalt  }
0x48: {  	_ =	shalt  }
0x49: {  	_ =	shalt  }
0x4a: {  	_ =	shalt  }
0x4b: {  	_ =	shalt  }
0x4c: {  	_ =	shalt  }
0x4d: {  	_ =	shalt  }
0x4e: {  	_ =	shalt  }
0x4f: {  	_ =	shalt  }
0x50: {  	_ =	shalt  }
0x51: {  	_ =	shalt  }
0x52: {  	_ =	shalt  }
0x53: {  	_ =	shalt  }
0x54: {  	_ =	shalt  }
0x55: {  	_ =	shalt  }
0x56: {  	_ =	shalt  }
0x57: {  	_ =	shalt  }
0x58: {  	_ =	shalt  }
0x59: {  	_ =	shalt  }
0x5a: {  	_ =	shalt  }
0x5b: {  	_ =	shalt  }
0x5c: {  	_ =	shalt  }
0x5d: {  	_ =	shalt  }
0x5e: {  	_ =	shalt  }
0x5f: {  	_ =	shalt  }
0x60: {  	_ =	shalt  }
0x61: {  	_ =	shalt  }
0x62: {  	_ =	shalt  }
0x63: {  	_ =	shalt  }
0x64: {  	_ =	shalt  }
0x65: {  	_ =	shalt  }
0x66: {  	_ =	shalt  }
0x67: {  	_ =	shalt  }
0x68: {  	_ =	shalt  }
0x69: {  	_ =	shalt  }
0x6a: {  	_ =	shalt  }
0x6b: {  	_ =	shalt  }
0x6c: {  	_ =	shalt  }
0x6d: {  	_ =	shalt  }
0x6e: {  	_ =	shalt  }
0x6f: {  	_ =	shalt  }
0x70: {  	_ =	shalt  }
0x71: {  	_ =	shalt  }
0x72: {  	_ =	shalt  }
0x73: {  	_ =	shalt  }
0x74: {  	_ =	shalt  }
0x75: {  	_ =	shalt  }
0x76: {  	_ =	shalt  }
0x77: {  	_ =	shalt  }
0x78: {  	_ =	shalt  }
0x79: {  	_ =	shalt  }
0x7a: {  	_ =	shalt  }
0x7b: {  	_ =	shalt  }
0x7c: {  	_ =	shalt  }
0x7d: {  	_ =	shalt  }
0x7e: {  	_ =	shalt  }
0x7f: {  	_ =	shalt  }
0x80: {  	_ =	shalt  }
0x81: {  	_ =	shalt  }
0x82: {  	_ =	shalt  }
0x83: {  	_ =	shalt  }
0x84: {  	_ =	shalt  }
0x85: {  	_ =	shalt  }
0x86: {  	_ =	shalt  }
0x87: {  	_ =	shalt  }
.Lfunc_end0:
.L_simem_size_0:
called_computation_lowered:
.L_overlay_start_0:
0x88: {  	s2 =	sld [smem:$0x3FD9]  }
0x89: {  	s3 =	sld [smem:$0x3FFE];
	_ =	sdelay $0x1  }
0x8a: {  	s1 =	srdreg.scid  }
0x8b: {  	s0 =	sand.u32 $0x1, s1  }
0x8c: {  	s15 =	sshll.u32 s0, $0xA;
	s2 =	sadd.s32 s3, s2  }
0x8d: {  	s2 =	sadd.s32 s2, s15  }
0x8e: {  	[smem:$0x3FBE] =	sst s2  }
0x8f: {  	_ = 	snop  }
0x90: {  	s2 =	sld [smem:$0x3FD0];
	_ =	sdelay $0x2  }
0x91: {  	s16 =	simm.s32 $0xC;
	s4 =	simm.s32 $0x10  }
0x92: {  	[smem:s4], [sflag:s16] =	dma.local [hbm:s2], $0x1  }
0x93: {  	_ =	swait.eq [sflag:s16], $0x1  }
0x94: {  	[sflag:s16] =	ssyncset.done $0x0  }
0x95: {  	[sflag:s16] =	ssyncadd.s32 $0xFFFFFFFF  }
0x96: {  	s17 =	sld [smem:$0x11];
	(tm) =	ssettm $0x1  }
0x97: {  	s18 =	sld [smem:$0x3FFB];
	_ =	sdelay $0x3  }
0x98: {  	_ =	strace s18  }
0x99: {  	s2 =	sld [smem:$0x3FFC];
	_ =	sdelay $0x3  }
0x9a: {  	_ =	strace s2  }
0x9b: {  	s2 =	sld [smem:$0x3FFD];
	_ =	sdelay $0x3  }
0x9c: {  	_ =	strace s2  }
0x9d: {  	_ =	strace $0x8FFFFFFF  }
0x9e: {  	s19 =	sld [smem:$0x3FDB];
	_ =	sdelay $0x1  }
0x9f: {  	s20 =	simm.s32 $_scs_section_size  }
0xa0: {  	s5 =	simm.s32 $_size__tile_overlayer_lowered;
	s6 =	simm.s32 $_tile_overlayer_lowered  }
0xa1: {  	s7 =	simm.s32 $0x1BFF;
	s21 =	sshll.u32 s6, $0x1;
	s4 =	sadd.s32 s20, s19  }
0xa2: {  	s22 =	simm.s32 $0x0;
	s5 =	sshll.u32 s5, $0x1;
	s6 =	sadd.s32 s21, s4  }
0xa3: {  	[timem:s22], [sflag:s7] =	dma.local [hbm:s6], s5  }
0xa4: {  	_ =	swait.ge [sflag:s7], s5  }
0xa5: {  	s5 =	ssub.s32 $0x0, s5;
	[sflag:s7] =	ssyncset.done $0x0  }
0xa6: {  	[sflag:s7] =	ssyncadd.s32 s5;
	_ =	sdelay $0x1  }
0xa7: {  	s23 =	simm.s32 $0x1B8B  }
0xa8: {  	_ =	swait.ge [sflag:s23], $0x1  }
0xa9: {  	[sflag:s23] =	ssyncset.done $0x0  }
0xaa: {  	[sflag:s23] =	ssyncadd.s32 $0xFFFFFFFF  }
0xab: {  	s5 =	sld [smem:$0x0]  }
0xac: {  	s6 =	sand.u32 $0xFFFFFFFE, s1  }
0xad: {  	p0 =	sne.s32 s1, s6  }
0xae: {  	s6 =	sshll.u32 @p0 s6, $0xE  }
0xaf: {  	s6 =	sadd.s32 @p0 $0x11B8D, s6;
	s7 =	sshll.u32 @p0 s5, $0x11  }
0xb0: {  	s6 =	sor.u32 @p0 s7, s6  }
0xb1: {  	[sflag:s6] =	ssyncadd.remote.s32 @p0 $0x1;
	_ =	sdelay $0x1  }
0xb2: {  	s6 =	simm.s32 @p0 $0x1B8D  }
0xb3: {  	_ =	swait.eq @p0 [sflag:s6], $0x1  }
0xb4: {  	[sflag:s6] =	ssyncadd.s32 @p0 $0xFFFFFFFF  }
0xb5: {  	s7 =	sshll.u32 @!p0 s1, $0xE  }
0xb6: {  	s7 =	sor.u32 @!p0 $0x4000, s7;
	s6 =	simm.s32 @!p0 $0x1B8D  }
0xb7: {  	s5 =	sshll.u32 @!p0 s5, $0x11;
	s7 =	sadd.s32 @!p0 $0x11B8D, s7;
	_ =	swait.eq @!p0 [sflag:s6], $0x1  }
0xb8: {  	s5 =	sor.u32 @!p0 s5, s7;
	[sflag:s6] =	ssyncadd.s32 @!p0 $0xFFFFFFFF  }
0xb9: {  	s25 =	simm.s32 $0x1B8E;
	s24 =	sld [smem:$0x3FFE];
	[sflag:s5] =	ssyncadd.remote.s32 @!p0 $0x1  }
0xba: {  	s26 =	simm.s32 $execute0_lowered;
	[smem:$0x3FD2] =	sst s25  }
0xbb: {  	s6 =	sshll.u32 s26, $0x1;
	_ =	strace $0x80000049;
	[dreg:$0x1] =	wrdreg $0xFFFFFFFF  }
0xbc: {  	s28 =	simm.s32 $_size_execute0_lowered;
	s4 =	sadd.s32 s4, s6;
	[dreg:$0x0] =	wrdreg $0x0  }
0xbd: {  	s6 =	sshll.u32 s28, $0x1;
	[dreg:$0x2] =	wrdreg s4  }
0xbe: {  	[dreg:$0x3] =	wrdreg s6  }
0xbf: {  	[dreg:$0x4] =	wrdreg $0xC0  }
0xc0: {  	_ =	task [dreg:s22], $0x5FFFF  }
0xc1: {  	[dreg:$0x1] =	wrdreg $0xFFFFFFFF  }
0xc2: {  	[dreg:$0x0] =	wrdreg $0x60  }
0xc3: {  	[dreg:$0x2] =	wrdreg s24  }
0xc4: {  	[dreg:$0x3] =	wrdreg s17  }
0xc5: {  	[dreg:$0x4] =	wrdreg $0x9  }
0xc6: {  	_ =	task.clear_ibuf [dreg:s22], $0x5FFFF;
	_ =	strace $0x90000049  }
0xc7: {  	s29 =	simm.s32 $0x9;
	_ =	strace $0x8000004B  }
0xc8: {  	_ =	swait.ge [sflag:s29], $0x1  }
0xc9: {  	[sflag:s29] =	ssyncadd.s32 $0xFFFFFFFF  }
0xca: {  	_ =	strace $0x9000004B  }
0xcb: {  	_ =	sfence  }
0xcc: {  	s30 =	sld [smem:$0x0];
	_ =	sdelay $0x2  }
0xcd: {  	s31 =	sshll.u32 s1, $0xD;
	s1 =	sshrl.u32 s1, $0x2  }
0xce: {  	s4 =	sand.u32 $0x4000, s31;
	s1 =	sadd.s32 s1, s30  }
0xcf: {  	s0 =	sor.u32 s4, s0;
	s1 =	sshll.u32 s1, $0x11  }
0xd0: {  	s0 =	sor.u32 s1, s0  }
0xd1: {  	s0 =	sadd.s32 $0x8F2B, s0  }
0xd2: {  	[sflag:s0] =	ssyncadd.remote.s32 $0x1  }
0xd3: {  	_ =	sfence.sel $0xFFFF  }
0xd4: {  	[dreg:$0x0] =	wrdreg $0xFFFFFFFF;
	(pc) =	sbr.abs _section_cstart, $3  }
0xd5: {  	[dreg:$0x1] =	wrdreg $0xFFFFFFFF  }
0xd6: {  	_ =	task.clear_ibuf [dreg:s22], $0x2FFFF;
	_ =	strace $0x9FFFFFFF  }
0xd7: {  	(tm) =	ssettm $0x7FFFFFFF  }
tec
execute0_lowered:
.L_overlay_start_1:
0x0: {  	(tag) =	ssettag $0x1  }
0x1: {  	s1 =	srdreg.scid;
	s3 =	rddreg [dreg:$0x0]  }
0x2: {  	s0 =	stileid.u32;
	s5 =	rddreg [dreg:$0x1];
	s2 =	simm.s32 $0x0  }
0x3: {  	s9 =	simm.s32 $0x1900;
	s10 =	simm.s32 $0x2D00;
	s11 =	simm.s32 $0x50  }
0x4: {  	s12 =	simm.s32 $0x4100;
	s13 =	simm.s32 $0x78;
	s14 =	simm.s32 $0x5500  }
0x5: {  	s15 =	simm.s32 $0xA0;
	s16 =	simm.s32 $0x6900;
	s17 =	simm.s32 $0x1  }
0x6: {  	s18 =	simm.s32 $0x2;
	s19 =	simm.s32 $0x3;
	s20 =	simm.s32 $0x4  }
0x7: {  	s21 =	simm.s32 $0x5;
	s22 =	simm.s32 $0x7D00;
	s23 =	simm.s32 $0x0  }
0x8: {  	s4 =	sand.u32 $0x1, s1;
	s31 =	sshll.u32 s0, $0x1;
	s1 =	rddreg [dreg:$0x2]  }
0x9: {  	[smem:$0x7FF] =	sst s2;
	s6 =	sor.u32 s4, s31;
	s4 =	ssub.s32 $0x2, s4  }
0xa: {  	s7 =	smul.u32 $0x320, s6;
	s8 =	sshrl.u32 s4, $0x1;
	s6 =	sshll.u32 s6, $0xA  }
0xb: {  	_ =	strace $0x8000004A;
	s8 =	ssub.s32 s4, s8;
	s5 =	sadd.s32 s5, s6  }
0xc: {  	s7 =	sadd.s32 s7, s3;
	s3 =	sadd.s32 $0x49D200, s3;
	s6 =	smax.u32 s8, $0x1  }
0xd: {  	s8 =	simm.s32 $0x28;
	s4 =	sadd.s32 $0x2400, s7;
	s7 =	simm.s32 $0x6  }
.LBB2_1:
0xe: {  	[tilespmem:s2], [sflag:$0x6] =	stream.linear.gather [hbm4b:s4+s2], $0x1900, $0x38;
	[tilespmem:$0x7E00] =	vst v63  }
0xf: {  	_ =	swait.ge [sflag:s7], $0x1900  }
0x10: {  	[sflag:s7] =	ssyncset.done $0x0  }
0x11: {  	[sflag:s7] =	ssyncadd.s32 $0xFFFFE700  }
0x12: {  	[tilespmem:s9], [sflag:$0x1] =	stream.indirect.gather [hbm4b:s3+s8], $0x80, s2, s8, $0xb8;
	[tilespmem:$0x7E00] =	vst v63  }
0x13: {  	_ = 	snop  }
0x14: {  	[tilespmem:s10], [sflag:$0x2] =	stream.indirect.gather [hbm4b:s3+s8], $0x80, s8, s8, $0xb8;
	[tilespmem:$0x7E00] =	vst v63  }
0x15: {  	_ = 	snop  }
0x16: {  	[tilespmem:s12], [sflag:$0x3] =	stream.indirect.gather [hbm4b:s3+s8], $0x80, s11, s8, $0xb8;
	[tilespmem:$0x7E00] =	vst v63  }
0x17: {  	_ = 	snop  }
0x18: {  	[tilespmem:s14], [sflag:$0x4] =	stream.indirect.gather [hbm4b:s3+s8], $0x80, s13, s8, $0xb8;
	[tilespmem:$0x7E00] =	vst v63  }
0x19: {  	s24 =	simm.s32 $0x0  }
0x1a: {  	[tilespmem:s16], [sflag:$0x5] =	stream.indirect.gather [hbm4b:s3+s8], $0x80, s15, s8, $0xb8;
	[tilespmem:$0x7E00] =	vst v63  }
.LBB2_2:
0x1b: {  	_ =	swait.ge [sflag:s17], $0x1400  }
0x1c: {  	[sflag:s17] =	ssyncset.done $0x0  }
0x1d: {  	s26 =	simm.s32 $0x1980;
	[sflag:s17] =	ssyncadd.s32 $0xFFFFEC00  }
0x1e: {  	v0 =	vld [tilespmem:s26+$0x0]  }
0x1f: {  	v2 =	vld [tilespmem:s26+$0x10]  }
0x20: {  	v1 =	vld [tilespmem:s26+$0xFFFFFF80]  }
0x21: {  	v3 =	vld [tilespmem:s26+$0xFFFFFF90]  }
0x22: {  	v8 =	vld [tilespmem:s26+$0xFFFFFFA0]  }
0x23: {  	v13 =	vld [tilespmem:s26+$0xFFFFFFB0]  }
0x24: {  	v18 =	vld [tilespmem:s26+$0xFFFFFFC0]  }
0x25: {  	v11 =	vld [tilespmem:s26+$0x20]  }
0x26: {  	v9 =	vimm.f32 $0.0e+00;
	v6 =	vimm.f32 $-Inf;
	v16 =	vimm.f32 $0.0e+00;
	v14 =	vld [tilespmem:s26+$0x30]  }
0x27: {  	v10 =	vld [tilespmem:s26+$0x40];
	v4 =	vadd.f32 v1, v9;
	v5 =	vadd.f32 v3, v9;
	v1 =	vmax.f32 v6, v1  }
0x28: {  	v12 =	vld [tilespmem:s26+$0x50];
	v7 =	vadd.f32 v8, v9;
	v3 =	vmax.f32 v6, v3;
	v15 =	vadd.f32 v13, v9  }
0x29: {  	v20 =	vld [tilespmem:s26+$0xFFFFFFD0];
	v23 =	vadd.f32 v18, v9;
	v1 =	vmax.f32 v1, v0;
	v4 =	vadd.f32 v0, v4  }
0x2a: {  	v17 =	vld [tilespmem:s26+$0xFFFFFFE0];
	v5 =	vadd.f32 v2, v5;
	v2 =	vmax.f32 v3, v2;
	v7 =	vadd.f32 v11, v7  }
0x2b: {  	v19 =	vld [tilespmem:s26+$0xFFFFFFF0];
	v0 =	vmax.f32 v6, v8;
	v3 =	vmax.f32 v6, v13;
	v8 =	vadd.f32 v14, v15  }
0x2c: {  	v21 =	vld [tilespmem:s26+$0x60];
	v15 =	vimm.f32 $0.0e+00;
	v13 =	vimm.f32 $-Inf;
	v0 =	vmax.f32 v0, v11  }
0x2d: {  	s25 =	simm.s32 $0x0;
	v22 =	vld [tilespmem:s26+$0x70];
	s26 =	simm.s32 $0x1A80;
	v3 =	vmax.f32 v3, v14;
	v11 =	vimm.f32 $-Inf;
	v14 =	vimm.f32 $-Inf  }
.LBB2_3:
0x2e: {  	v24 =	vld [tilespmem:s26+$0x0];
	v6 =	vmax.f32 v6, v18;
	v9 =	vadd.f32 v20, v9;
	v23 =	vadd.f32 v10, v23  }
0x2f: {  	v11 =	vmax.f32 v11, v20;
	v25 =	vld [tilespmem:s26+$0x10];
	v16 =	vadd.f32 v17, v16;
	v6 =	vmax.f32 v6, v10  }
0x30: {  	v11 =	vmax.f32 v11, v12;
	v26 =	vld [tilespmem:s26+$0x20];
	v10 =	vadd.f32 v19, v15;
	v9 =	vadd.f32 v12, v9  }
0x31: {  	v12 =	vmax.f32 v13, v17;
	v14 =	vmax.f32 v14, v19;
	v27 =	vld [tilespmem:s26+$0x30];
	v16 =	vadd.f32 v21, v16  }
0x32: {  	v13 =	vmax.f32 v12, v21;
	v17 =	vld [tilespmem:s26+$0xFFFFFF80];
	v15 =	vadd.f32 v22, v10;
	v14 =	vmax.f32 v14, v22  }
0x33: {  	v19 =	vld [tilespmem:s26+$0xFFFFFF90]  }
0x34: {  	v21 =	vld [tilespmem:s26+$0xFFFFFFA0]  }
0x35: {  	v10 =	vld [tilespmem:s26+$0x40]  }
0x36: {  	v22 =	vld [tilespmem:s26+$0xFFFFFFB0]  }
0x37: {  	s25 =	sadd.s32 $0x2, s25;
	v4 =	vadd.f32 v17, v4;
	v18 =	vld [tilespmem:s26+$0xFFFFFFC0]  }
0x38: {  	p0 =	slt.u32 s25, $0x26;
	v5 =	vadd.f32 v19, v5;
	v12 =	vld [tilespmem:s26+$0x50]  }
.Ltmp0:
0x39: {  	v1 =	vmax.f32 v1, v17;
	v7 =	vadd.f32 v21, v7;
	v20 =	vld [tilespmem:s26+$0xFFFFFFD0];
	v4 =	vadd.f32 v24, v4;
	(pc) =	sbr.rel @p0 .LBB2_3-.Ltmp0, $4  }
0x3a: {  	v2 =	vmax.f32 v2, v19;
	v1 =	vmax.f32 v1, v24;
	v17 =	vld [tilespmem:s26+$0xFFFFFFE0];
	v5 =	vadd.f32 v25, v5  }
0x3b: {  	v2 =	vmax.f32 v2, v25;
	v8 =	vadd.f32 v22, v8;
	v19 =	vld [tilespmem:s26+$0xFFFFFFF0];
	v7 =	vadd.f32 v26, v7  }
0x3c: {  	v0 =	vmax.f32 v0, v21;
	v3 =	vmax.f32 v3, v22;
	v23 =	vadd.f32 v18, v23;
	v21 =	vld [tilespmem:s26+$0x60]  }
0x3d: {  	v0 =	vmax.f32 v0, v26;
	v3 =	vmax.f32 v3, v27;
	v8 =	vadd.f32 v27, v8;
	v22 =	vld [tilespmem:s26+$0x70];
	s26 =	sadd.s32 $0x100, s26  }
0x3e: {  	s25 =	sadd.s32 $0x1, s24  }
0x3f: {  	p0 =	slt.s32 s25, $0x1F;
	s26 =	smov.u32 s25  }
0x40: {  	s26 =	simm.s32 @!p0 $0x1F  }
0x41: {  	s26 =	smul.u32 $0x320, s26;
	_ =	sdelay $0x1  }
0x42: {  	s26 =	sshra.s32 s26, $0x2  }
0x43: {  	[tilespmem:s9], [sflag:$0x1] =	stream.indirect.gather [hbm4b:s3+s8], $0x80, s26, s8, $0xb8;
	[tilespmem:$0x7E00] =	vst v63  }
0x44: {  	_ =	swait.ge [sflag:s18], $0x1400  }
0x45: {  	[sflag:s18] =	ssyncset.done $0x0  }
0x46: {  	s29 =	simm.s32 $0x2D80;
	[sflag:s18] =	ssyncadd.s32 $0xFFFFEC00  }
0x47: {  	v24 =	vld [tilespmem:s29+$0x0]  }
0x48: {  	v25 =	vld [tilespmem:s29+$0x10]  }
0x49: {  	v26 =	vld [tilespmem:s29+$0x20]  }
0x4a: {  	v27 =	vld [tilespmem:s29+$0x30]  }
0x4b: {  	v6 =	vmax.f32 v6, v18;
	v28 =	vld [tilespmem:s29+$0xFFFFFF80]  }
0x4c: {  	v18 =	vadd.f32 v20, v9;
	v20 =	vmax.f32 v11, v20;
	v30 =	vadd.f32 v10, v23;
	v29 =	vld [tilespmem:s29+$0xFFFFFF90]  }
0x4d: {  	v9 =	vmax.f32 v6, v10;
	v6 =	vadd.f32 v17, v16;
	v10 =	vmax.f32 v20, v12;
	v31 =	vld [tilespmem:s29+$0xFFFFFFA0]  }
0x4e: {  	v11 =	vadd.f32 v12, v18;
	v12 =	vmax.f32 v13, v17;
	v13 =	vadd.f32 v19, v15;
	v17 =	vld [tilespmem:s29+$0xFFFFFFB0]  }
0x4f: {  	v15 =	vmax.f32 v14, v19;
	v14 =	vadd.f32 v21, v6;
	v6 =	vmax.f32 v12, v21;
	v21 =	vld [tilespmem:s29+$0xFFFFFFC0]  }
0x50: {  	v12 =	vadd.f32 v22, v13;
	v18 =	vld [tilespmem:s29+$0x40]  }
0x51: {  	v19 =	vld [tilespmem:s29+$0x50];
	v16 =	vadd.f32 v28, v4;
	v4 =	vmax.f32 v15, v22;
	v15 =	vadd.f32 v29, v5  }
0x52: {  	v23 =	vld [tilespmem:s29+$0xFFFFFFD0];
	v1 =	vmax.f32 v1, v28;
	v63 =	vadd.f32 v31, v7;
	v2 =	vmax.f32 v2, v29  }
0x53: {  	v20 =	vld [tilespmem:s29+$0xFFFFFFE0];
	v8 =	vadd.f32 v17, v8;
	v3 =	vmax.f32 v3, v17;
	v5 =	vmax.f32 v1, v24  }
0x54: {  	v22 =	vld [tilespmem:s29+$0xFFFFFFF0];
	v7 =	vmax.f32 v2, v25;
	v1 =	vmax.f32 v0, v31;
	v2 =	vadd.f32 v21, v30  }
0x55: {  	v0 =	vld [tilespmem:s29+$0x60];
	v3 =	vmax.f32 v3, v27;
	v13 =	vadd.f32 v24, v16;
	v15 =	vadd.f32 v25, v15  }
0x56: {  	s28 =	simm.s32 $0x0;
	v16 =	vadd.f32 v26, v63;
	v1 =	vmax.f32 v1, v26;
	v17 =	vadd.f32 v27, v8;
	v24 =	vld [tilespmem:s29+$0x70];
	s29 =	simm.s32 $0x2E80  }
.LBB2_5:
0x57: {  	v8 =	vld [tilespmem:s29+$0x0];
	v9 =	vmax.f32 v9, v21;
	v11 =	vadd.f32 v23, v11;
	v2 =	vadd.f32 v18, v2  }
0x58: {  	v10 =	vmax.f32 v10, v23;
	v25 =	vld [tilespmem:s29+$0x10];
	v14 =	vadd.f32 v20, v14;
	v9 =	vmax.f32 v9, v18  }
0x59: {  	v10 =	vmax.f32 v10, v19;
	v26 =	vld [tilespmem:s29+$0x20];
	v12 =	vadd.f32 v22, v12;
	v11 =	vadd.f32 v19, v11  }
0x5a: {  	v6 =	vmax.f32 v6, v20;
	v4 =	vmax.f32 v4, v22;
	v27 =	vld [tilespmem:s29+$0x30];
	v14 =	vadd.f32 v0, v14  }
0x5b: {  	v6 =	vmax.f32 v6, v0;
	v20 =	vld [tilespmem:s29+$0xFFFFFF80];
	v12 =	vadd.f32 v24, v12;
	v4 =	vmax.f32 v4, v24  }
0x5c: {  	v0 =	vld [tilespmem:s29+$0xFFFFFF90]  }
0x5d: {  	v24 =	vld [tilespmem:s29+$0xFFFFFFA0]  }
0x5e: {  	v18 =	vld [tilespmem:s29+$0x40]  }
0x5f: {  	v28 =	vld [tilespmem:s29+$0xFFFFFFB0]  }
0x60: {  	s28 =	sadd.s32 $0x2, s28;
	v13 =	vadd.f32 v20, v13;
	v21 =	vld [tilespmem:s29+$0xFFFFFFC0]  }
0x61: {  	p0 =	slt.u32 s28, $0x26;
	v15 =	vadd.f32 v0, v15;
	v19 =	vld [tilespmem:s29+$0x50]  }
.Ltmp1:
0x62: {  	v5 =	vmax.f32 v5, v20;
	v16 =	vadd.f32 v24, v16;
	v23 =	vld [tilespmem:s29+$0xFFFFFFD0];
	v13 =	vadd.f32 v8, v13;
	(pc) =	sbr.rel @p0 .LBB2_5-.Ltmp1, $4  }
0x63: {  	v0 =	vmax.f32 v7, v0;
	v5 =	vmax.f32 v5, v8;
	v20 =	vld [tilespmem:s29+$0xFFFFFFE0];
	v15 =	vadd.f32 v25, v15  }
0x64: {  	v7 =	vmax.f32 v0, v25;
	v8 =	vadd.f32 v28, v17;
	v22 =	vld [tilespmem:s29+$0xFFFFFFF0];
	v16 =	vadd.f32 v26, v16  }
0x65: {  	v1 =	vmax.f32 v1, v24;
	v3 =	vmax.f32 v3, v28;
	v2 =	vadd.f32 v21, v2;
	v0 =	vld [tilespmem:s29+$0x60]  }
0x66: {  	v1 =	vmax.f32 v1, v26;
	v3 =	vmax.f32 v3, v27;
	v17 =	vadd.f32 v27, v8;
	v24 =	vld [tilespmem:s29+$0x70];
	s29 =	sadd.s32 $0x100, s29  }
0x67: {  	s28 =	sadd.s32 $0x28, s26  }
0x68: {  	[tilespmem:s10], [sflag:$0x2] =	stream.indirect.gather [hbm4b:s3+s8], $0x80, s28, s8, $0xb8;
	[tilespmem:$0x7E00] =	vst v63  }
0x69: {  	_ =	swait.ge [sflag:s19], $0x1400  }
0x6a: {  	[sflag:s19] =	ssyncset.done $0x0  }
0x6b: {  	s29 =	simm.s32 $0x4180;
	[sflag:s19] =	ssyncadd.s32 $0xFFFFEC00  }
0x6c: {  	v25 =	vld [tilespmem:s29+$0x0]  }
0x6d: {  	v26 =	vld [tilespmem:s29+$0x10]  }
0x6e: {  	v27 =	vld [tilespmem:s29+$0x20]  }
0x6f: {  	v29 =	vld [tilespmem:s29+$0xFFFFFF80]  }
0x70: {  	v8 =	vmax.f32 v9, v21;
	v21 =	vld [tilespmem:s29+$0xFFFFFF90]  }
0x71: {  	v9 =	vadd.f32 v23, v11;
	v30 =	vld [tilespmem:s29+$0xFFFFFFA0]  }
0x72: {  	v10 =	vmax.f32 v10, v23;
	v23 =	vadd.f32 v18, v2;
	v2 =	vmax.f32 v8, v18;
	v31 =	vld [tilespmem:s29+$0xFFFFFFB0]  }
0x73: {  	v11 =	vadd.f32 v20, v14;
	v8 =	vmax.f32 v10, v19;
	v12 =	vadd.f32 v22, v12;
	v28 =	vld [tilespmem:s29+$0x30]  }
0x74: {  	v6 =	vmax.f32 v6, v20;
	v9 =	vadd.f32 v19, v9;
	v4 =	vmax.f32 v4, v22;
	v18 =	vld [tilespmem:s29+$0x40]  }
0x75: {  	v10 =	vadd.f32 v0, v11;
	v0 =	vmax.f32 v6, v0;
	v11 =	vadd.f32 v24, v12;
	v20 =	vld [tilespmem:s29+$0xFFFFFFC0]  }
0x76: {  	v4 =	vmax.f32 v4, v24;
	v22 =	vld [tilespmem:s29+$0xFFFFFFD0];
	v6 =	vadd.f32 v29, v13;
	v14 =	vadd.f32 v21, v15  }
0x77: {  	v19 =	vld [tilespmem:s29+$0xFFFFFFE0];
	v5 =	vmax.f32 v5, v29;
	v15 =	vadd.f32 v30, v16;
	v16 =	vadd.f32 v31, v17  }
0x78: {  	v13 =	vld [tilespmem:s29+$0x50];
	v1 =	vmax.f32 v1, v30;
	v3 =	vmax.f32 v3, v31;
	v5 =	vmax.f32 v5, v25  }
0x79: {  	v1 =	vmax.f32 v1, v27;
	v12 =	vadd.f32 v25, v6;
	v6 =	vmax.f32 v7, v21;
	v21 =	vld [tilespmem:s29+$0xFFFFFFF0]  }
0x7a: {  	v3 =	vmax.f32 v3, v28;
	v14 =	vadd.f32 v26, v14;
	v7 =	vadd.f32 v20, v23;
	v23 =	vld [tilespmem:s29+$0x60]  }
0x7b: {  	s28 =	simm.s32 $0x0;
	v24 =	vld [tilespmem:s29+$0x70];
	v15 =	vadd.f32 v27, v15;
	v16 =	vadd.f32 v28, v16;
	s29 =	simm.s32 $0x4280;
	v6 =	vmax.f32 v6, v26  }
.LBB2_7:
0x7c: {  	v17 =	vld [tilespmem:s29+$0x0];
	v2 =	vmax.f32 v2, v20;
	v9 =	vadd.f32 v22, v9;
	v7 =	vadd.f32 v18, v7  }
0x7d: {  	v8 =	vmax.f32 v8, v22;
	v25 =	vld [tilespmem:s29+$0x10];
	v10 =	vadd.f32 v19, v10;
	v2 =	vmax.f32 v2, v18  }
0x7e: {  	v8 =	vmax.f32 v8, v13;
	v26 =	vld [tilespmem:s29+$0x20];
	v11 =	vadd.f32 v21, v11;
	v9 =	vadd.f32 v13, v9  }
0x7f: {  	v0 =	vmax.f32 v0, v19;
	v4 =	vmax.f32 v4, v21;
	v27 =	vld [tilespmem:s29+$0x30];
	v10 =	vadd.f32 v23, v10  }
0x80: {  	v0 =	vmax.f32 v0, v23;
	v19 =	vld [tilespmem:s29+$0xFFFFFF80];
	v11 =	vadd.f32 v24, v11;
	v4 =	vmax.f32 v4, v24  }
0x81: {  	v21 =	vld [tilespmem:s29+$0xFFFFFF90]  }
0x82: {  	v23 =	vld [tilespmem:s29+$0xFFFFFFA0]  }
0x83: {  	v18 =	vld [tilespmem:s29+$0x40]  }
0x84: {  	v24 =	vld [tilespmem:s29+$0xFFFFFFB0]  }
0x85: {  	s28 =	sadd.s32 $0x2, s28;
	v12 =	vadd.f32 v19, v12;
	v20 =	vld [tilespmem:s29+$0xFFFFFFC0]  }
0x86: {  	p0 =	slt.u32 s28, $0x26;
	v14 =	vadd.f32 v21, v14;
	v13 =	vld [tilespmem:s29+$0x50]  }
.Ltmp2:
0x87: {  	v5 =	vmax.f32 v5, v19;
	v15 =	vadd.f32 v23, v15;
	v22 =	vld [tilespmem:s29+$0xFFFFFFD0];
	v12 =	vadd.f32 v17, v12;
	(pc) =	sbr.rel @p0 .LBB2_7-.Ltmp2, $4  }
0x88: {  	v6 =	vmax.f32 v6, v21;
	v5 =	vmax.f32 v5, v17;
	v19 =	vld [tilespmem:s29+$0xFFFFFFE0];
	v14 =	vadd.f32 v25, v14  }
0x89: {  	v6 =	vmax.f32 v6, v25;
	v16 =	vadd.f32 v24, v16;
	v21 =	vld [tilespmem:s29+$0xFFFFFFF0];
	v15 =	vadd.f32 v26, v15  }
0x8a: {  	v1 =	vmax.f32 v1, v23;
	v3 =	vmax.f32 v3, v24;
	v7 =	vadd.f32 v20, v7;
	v23 =	vld [tilespmem:s29+$0x60]  }
0x8b: {  	v1 =	vmax.f32 v1, v26;
	v3 =	vmax.f32 v3, v27;
	v16 =	vadd.f32 v27, v16;
	v24 =	vld [tilespmem:s29+$0x70];
	s29 =	sadd.s32 $0x100, s29  }
0x8c: {  	s28 =	sadd.s32 $0x50, s26  }
0x8d: {  	[tilespmem:s12], [sflag:$0x3] =	stream.indirect.gather [hbm4b:s3+s8], $0x80, s28, s8, $0xb8;
	[tilespmem:$0x7E00] =	vst v63  }
0x8e: {  	_ =	swait.ge [sflag:s20], $0x1400  }
0x8f: {  	[sflag:s20] =	ssyncset.done $0x0  }
0x90: {  	s29 =	simm.s32 $0x5580;
	[sflag:s20] =	ssyncadd.s32 $0xFFFFEC00  }
0x91: {  	v25 =	vld [tilespmem:s29+$0x0]  }
0x92: {  	v26 =	vld [tilespmem:s29+$0x10]  }
0x93: {  	v27 =	vld [tilespmem:s29+$0x20]  }
0x94: {  	v29 =	vld [tilespmem:s29+$0xFFFFFF80]  }
0x95: {  	v9 =	vadd.f32 v22, v9;
	v30 =	vld [tilespmem:s29+$0xFFFFFF90]  }
0x96: {  	v2 =	vmax.f32 v2, v20;
	v8 =	vmax.f32 v8, v22;
	v31 =	vadd.f32 v18, v7;
	v32 =	vld [tilespmem:s29+$0xFFFFFFA0]  }
0x97: {  	v2 =	vmax.f32 v2, v18;
	v18 =	vadd.f32 v19, v10;
	v10 =	vadd.f32 v13, v9;
	v9 =	vld [tilespmem:s29+$0xFFFFFFB0]  }
0x98: {  	v7 =	vmax.f32 v8, v13;
	v8 =	vadd.f32 v21, v11;
	v20 =	vld [tilespmem:s29+$0xFFFFFFC0]  }
0x99: {  	v0 =	vmax.f32 v0, v19;
	v4 =	vmax.f32 v4, v21;
	v28 =	vld [tilespmem:s29+$0x30]  }
0x9a: {  	v13 =	vadd.f32 v23, v18;
	v0 =	vmax.f32 v0, v23;
	v11 =	vadd.f32 v24, v8;
	v17 =	vld [tilespmem:s29+$0x40]  }
0x9b: {  	v8 =	vmax.f32 v4, v24;
	v18 =	vld [tilespmem:s29+$0x50];
	v12 =	vadd.f32 v29, v12;
	v4 =	vadd.f32 v30, v14  }
0x9c: {  	v22 =	vld [tilespmem:s29+$0xFFFFFFD0];
	v5 =	vmax.f32 v5, v29;
	v15 =	vadd.f32 v32, v15;
	v6 =	vmax.f32 v6, v30  }
0x9d: {  	v19 =	vld [tilespmem:s29+$0xFFFFFFE0];
	v16 =	vadd.f32 v9, v16;
	v9 =	vmax.f32 v3, v9;
	v3 =	vadd.f32 v20, v31  }
0x9e: {  	v21 =	vld [tilespmem:s29+$0xFFFFFFF0];
	v5 =	vmax.f32 v5, v25;
	v6 =	vmax.f32 v6, v26;
	v9 =	vmax.f32 v9, v28  }
0x9f: {  	v12 =	vadd.f32 v25, v12;
	v14 =	vadd.f32 v26, v4;
	v4 =	vmax.f32 v1, v32;
	v1 =	vld [tilespmem:s29+$0x60]  }
0xa0: {  	s28 =	simm.s32 $0x0;
	v23 =	vld [tilespmem:s29+$0x70];
	v15 =	vadd.f32 v27, v15;
	v16 =	vadd.f32 v28, v16;
	s29 =	simm.s32 $0x5680;
	v4 =	vmax.f32 v4, v27  }
.LBB2_9:
0xa1: {  	v24 =	vld [tilespmem:s29+$0x0];
	v2 =	vmax.f32 v2, v20;
	v10 =	vadd.f32 v22, v10;
	v3 =	vadd.f32 v17, v3  }
0xa2: {  	v7 =	vmax.f32 v7, v22;
	v25 =	vld [tilespmem:s29+$0x10];
	v13 =	vadd.f32 v19, v13;
	v2 =	vmax.f32 v2, v17  }
0xa3: {  	v7 =	vmax.f32 v7, v18;
	v26 =	vld [tilespmem:s29+$0x20];
	v11 =	vadd.f32 v21, v11;
	v10 =	vadd.f32 v18, v10  }
0xa4: {  	v0 =	vmax.f32 v0, v19;
	v8 =	vmax.f32 v8, v21;
	v27 =	vld [tilespmem:s29+$0x30];
	v13 =	vadd.f32 v1, v13  }
0xa5: {  	v0 =	vmax.f32 v0, v1;
	v19 =	vld [tilespmem:s29+$0xFFFFFF80];
	v11 =	vadd.f32 v23, v11;
	v8 =	vmax.f32 v8, v23  }
0xa6: {  	v1 =	vld [tilespmem:s29+$0xFFFFFF90]  }
0xa7: {  	v23 =	vld [tilespmem:s29+$0xFFFFFFA0]  }
0xa8: {  	v17 =	vld [tilespmem:s29+$0x40]  }
0xa9: {  	v28 =	vld [tilespmem:s29+$0xFFFFFFB0]  }
0xaa: {  	s28 =	sadd.s32 $0x2, s28;
	v12 =	vadd.f32 v19, v12;
	v20 =	vld [tilespmem:s29+$0xFFFFFFC0]  }
0xab: {  	p0 =	slt.u32 s28, $0x26;
	v14 =	vadd.f32 v1, v14;
	v18 =	vld [tilespmem:s29+$0x50]  }
.Ltmp3:
0xac: {  	v5 =	vmax.f32 v5, v19;
	v15 =	vadd.f32 v23, v15;
	v22 =	vld [tilespmem:s29+$0xFFFFFFD0];
	v12 =	vadd.f32 v24, v12;
	(pc) =	sbr.rel @p0 .LBB2_9-.Ltmp3, $4  }
0xad: {  	v1 =	vmax.f32 v6, v1;
	v5 =	vmax.f32 v5, v24;
	v19 =	vld [tilespmem:s29+$0xFFFFFFE0];
	v14 =	vadd.f32 v25, v14  }
0xae: {  	v6 =	vmax.f32 v1, v25;
	v16 =	vadd.f32 v28, v16;
	v21 =	vld [tilespmem:s29+$0xFFFFFFF0];
	v15 =	vadd.f32 v26, v15  }
0xaf: {  	v4 =	vmax.f32 v4, v23;
	v9 =	vmax.f32 v9, v28;
	v3 =	vadd.f32 v20, v3;
	v1 =	vld [tilespmem:s29+$0x60]  }
0xb0: {  	v4 =	vmax.f32 v4, v26;
	v9 =	vmax.f32 v9, v27;
	v16 =	vadd.f32 v27, v16;
	v23 =	vld [tilespmem:s29+$0x70];
	s29 =	sadd.s32 $0x100, s29  }
0xb1: {  	s28 =	sadd.s32 $0x78, s26  }
0xb2: {  	[tilespmem:s14], [sflag:$0x4] =	stream.indirect.gather [hbm4b:s3+s8], $0x80, s28, s8, $0xb8;
	[tilespmem:$0x7E00] =	vst v63  }
0xb3: {  	_ =	swait.ge [sflag:s21], $0x1400  }
0xb4: {  	[sflag:s21] =	ssyncset.done $0x0  }
0xb5: {  	s29 =	simm.s32 $0x6980;
	[sflag:s21] =	ssyncadd.s32 $0xFFFFEC00  }
0xb6: {  	v24 =	vld [tilespmem:s29+$0x0]  }
0xb7: {  	v25 =	vld [tilespmem:s29+$0x10]  }
0xb8: {  	v26 =	vld [tilespmem:s29+$0x20]  }
0xb9: {  	v28 =	vld [tilespmem:s29+$0xFFFFFF80]  }
0xba: {  	v2 =	vmax.f32 v2, v20;
	v10 =	vadd.f32 v22, v10;
	v22 =	vmax.f32 v7, v22;
	v20 =	vld [tilespmem:s29+$0xFFFFFF90]  }
0xbb: {  	v29 =	vadd.f32 v17, v3;
	v3 =	vmax.f32 v2, v17;
	v2 =	vmax.f32 v22, v18;
	v30 =	vld [tilespmem:s29+$0xFFFFFFA0]  }
0xbc: {  	v7 =	vadd.f32 v18, v10;
	v11 =	vadd.f32 v21, v11;
	v18 =	vmax.f32 v8, v21;
	v21 =	vld [tilespmem:s29+$0xFFFFFFB0]  }
0xbd: {  	v17 =	vadd.f32 v19, v13;
	v0 =	vmax.f32 v0, v19;
	v19 =	vld [tilespmem:s29+$0xFFFFFFC0]  }
0xbe: {  	v27 =	vld [tilespmem:s29+$0x30]  }
0xbf: {  	v10 =	vadd.f32 v1, v17;
	v0 =	vmax.f32 v0, v1;
	v8 =	vadd.f32 v23, v11;
	v13 =	vld [tilespmem:s29+$0x40]  }
0xc0: {  	v1 =	vmax.f32 v18, v23;
	v11 =	vld [tilespmem:s29+$0x50];
	v12 =	vadd.f32 v28, v12;
	v14 =	vadd.f32 v20, v14  }
0xc1: {  	v17 =	vld [tilespmem:s29+$0xFFFFFFD0];
	v18 =	vmax.f32 v5, v28;
	v22 =	vadd.f32 v30, v15;
	v20 =	vmax.f32 v6, v20  }
0xc2: {  	v5 =	vld [tilespmem:s29+$0xFFFFFFE0];
	v63 =	vadd.f32 v21, v16;
	v4 =	vmax.f32 v4, v30;
	v23 =	vadd.f32 v19, v29  }
0xc3: {  	v6 =	vld [tilespmem:s29+$0xFFFFFFF0];
	v15 =	vadd.f32 v24, v12;
	v12 =	vmax.f32 v18, v24;
	v18 =	vadd.f32 v25, v14  }
0xc4: {  	v14 =	vmax.f32 v20, v25;
	v16 =	vadd.f32 v26, v22;
	v22 =	vmax.f32 v9, v21;
	v20 =	vld [tilespmem:s29+$0x60]  }
0xc5: {  	s28 =	simm.s32 $0x0;
	v9 =	vmax.f32 v4, v26;
	v21 =	vadd.f32 v27, v63;
	v4 =	vmax.f32 v22, v27;
	v22 =	vld [tilespmem:s29+$0x70];
	s29 =	simm.s32 $0x6A80  }
.LBB2_11:
0xc6: {  	v24 =	vld [tilespmem:s29+$0x0];
	v3 =	vmax.f32 v3, v19;
	v7 =	vadd.f32 v17, v7;
	v23 =	vadd.f32 v13, v23  }
0xc7: {  	v2 =	vmax.f32 v2, v17;
	v25 =	vld [tilespmem:s29+$0x10];
	v10 =	vadd.f32 v5, v10;
	v3 =	vmax.f32 v3, v13  }
0xc8: {  	v2 =	vmax.f32 v2, v11;
	v26 =	vld [tilespmem:s29+$0x20];
	v8 =	vadd.f32 v6, v8;
	v7 =	vadd.f32 v11, v7  }
0xc9: {  	v0 =	vmax.f32 v0, v5;
	v1 =	vmax.f32 v1, v6;
	v27 =	vld [tilespmem:s29+$0x30];
	v10 =	vadd.f32 v20, v10  }
0xca: {  	v0 =	vmax.f32 v0, v20;
	v5 =	vld [tilespmem:s29+$0xFFFFFF80];
	v8 =	vadd.f32 v22, v8;
	v1 =	vmax.f32 v1, v22  }
0xcb: {  	v6 =	vld [tilespmem:s29+$0xFFFFFF90]  }
0xcc: {  	v20 =	vld [tilespmem:s29+$0xFFFFFFA0]  }
0xcd: {  	v13 =	vld [tilespmem:s29+$0x40]  }
0xce: {  	v22 =	vld [tilespmem:s29+$0xFFFFFFB0]  }
0xcf: {  	s28 =	sadd.s32 $0x2, s28;
	v15 =	vadd.f32 v5, v15;
	v19 =	vld [tilespmem:s29+$0xFFFFFFC0]  }
0xd0: {  	p0 =	slt.u32 s28, $0x26;
	v18 =	vadd.f32 v6, v18;
	v11 =	vld [tilespmem:s29+$0x50]  }
.Ltmp4:
0xd1: {  	v12 =	vmax.f32 v12, v5;
	v16 =	vadd.f32 v20, v16;
	v17 =	vld [tilespmem:s29+$0xFFFFFFD0];
	v15 =	vadd.f32 v24, v15;
	(pc) =	sbr.rel @p0 .LBB2_11-.Ltmp4, $4  }
0xd2: {  	v14 =	vmax.f32 v14, v6;
	v12 =	vmax.f32 v12, v24;
	v5 =	vld [tilespmem:s29+$0xFFFFFFE0];
	v18 =	vadd.f32 v25, v18  }
0xd3: {  	v14 =	vmax.f32 v14, v25;
	v21 =	vadd.f32 v22, v21;
	v6 =	vld [tilespmem:s29+$0xFFFFFFF0];
	v16 =	vadd.f32 v26, v16  }
0xd4: {  	v9 =	vmax.f32 v9, v20;
	v4 =	vmax.f32 v4, v22;
	v23 =	vadd.f32 v19, v23;
	v20 =	vld [tilespmem:s29+$0x60]  }
0xd5: {  	v9 =	vmax.f32 v9, v26;
	v4 =	vmax.f32 v4, v27;
	v21 =	vadd.f32 v27, v21;
	v22 =	vld [tilespmem:s29+$0x70];
	s29 =	sadd.s32 $0x100, s29  }
0xd6: {  	s26 =	sadd.s32 $0xA0, s26;
	v15 =	vmul.f32 $4.999999890e-03, v15  }
0xd7: {  	[tilespmem:s16], [sflag:$0x5] =	stream.indirect.gather [hbm4b:s3+s8], $0x80, s26, s8, $0xb8;
	[tilespmem:$0x7E00] =	vst v63  }
0xd8: {  	v52 =	vmul.f32 $4.999999890e-03, v18;
	[tilespmem:$0x7D00] =	vst v15  }
0xd9: {  	[tilespmem:$0x7D80] =	vst v12  }
0xda: {  	v53 =	vmul.f32 $4.999999890e-03, v16;
	[tilespmem:$0x7D10] =	vst v52  }
0xdb: {  	[tilespmem:$0x7D90] =	vst v14  }
0xdc: {  	[tilespmem:$0x7D20] =	vst v53  }
0xdd: {  	v3 =	vmax.f32 v3, v19;
	[tilespmem:$0x7DA0] =	vst v9  }
0xde: {  	v54 =	vadd.f32 v13, v23;
	v2 =	vmax.f32 v2, v17;
	v3 =	vmax.f32 v3, v13;
	[tilespmem:$0x7DB0] =	vst v4  }
0xdf: {  	v7 =	vadd.f32 v17, v7;
	v55 =	vmul.f32 $4.999999890e-03, v21;
	v2 =	vmax.f32 v2, v11;
	[tilespmem:$0x7DC0] =	vst v3  }
0xe0: {  	v56 =	vadd.f32 v5, v10;
	v57 =	vmul.f32 $4.999999890e-03, v54;
	[tilespmem:$0x7DD0] =	vst v2  }
0xe1: {  	v0 =	vmax.f32 v0, v5;
	v7 =	vadd.f32 v11, v7;
	v58 =	vadd.f32 v6, v8;
	[tilespmem:$0x7D30] =	vst v55  }
0xe2: {  	v1 =	vmax.f32 v1, v6;
	v59 =	vadd.f32 v20, v56;
	v0 =	vmax.f32 v0, v20;
	[tilespmem:$0x7D40] =	vst v57  }
0xe3: {  	v7 =	vmul.f32 $4.999999890e-03, v7;
	v60 =	vadd.f32 v22, v58;
	[tilespmem:$0x7DE0] =	vst v0;
	v63 =	vmax.f32 v1, v22  }
0xe4: {  	v61 =	vmul.f32 $4.999999890e-03, v59;
	[tilespmem:$0x7DF0] =	vst v63  }
0xe5: {  	[tilespmem:$0x7D50] =	vst v7;
	v62 =	vmul.f32 $4.999999890e-03, v60  }
0xe6: {  	s24 =	sshll.u32 s24, $0x5;
	p0 =	sne.s32 s25, $0x20;
	[tilespmem:$0x7D60] =	vst v61  }
.Ltmp5:
0xe7: {  	s24 =	sadd.s32 s24, s5;
	[tilespmem:$0x7D70] =	vst v62;
	(pc) =	sbr.rel @p0 .LBB2_2-.Ltmp5, $4  }
0xe8: {  	[hbm4b:s24+s2] =	stream.linear.scatter [tilespmem:s22], [sflag:$0x6], $0x100, $0x38;
	[tilespmem:$0x7E00] =	vst v63  }
0xe9: {  	_ =	swait.ge [sflag:s7], $0x100  }
0xea: {  	[sflag:s7] =	ssyncset.done $0x0  }
0xeb: {  	s24 =	smov.u32 s25;
	[sflag:s7] =	ssyncadd.s32 $0xFFFFFF00  }
0xec: {  	_ =	swait.ge [sflag:s17], $0x1400  }
0xed: {  	[sflag:s17] =	ssyncset.done $0x0  }
0xee: {  	[sflag:s17] =	ssyncadd.s32 $0xFFFFEC00  }
0xef: {  	_ =	swait.ge [sflag:s18], $0x1400  }
0xf0: {  	[sflag:s18] =	ssyncset.done $0x0  }
0xf1: {  	[sflag:s18] =	ssyncadd.s32 $0xFFFFEC00  }
0xf2: {  	_ =	swait.ge [sflag:s19], $0x1400  }
0xf3: {  	[sflag:s19] =	ssyncset.done $0x0  }
0xf4: {  	s23 =	sadd.s32 $0x1, s23;
	[sflag:s19] =	ssyncadd.s32 $0xFFFFEC00  }
0xf5: {  	p0 =	sne.s32 s23, s6;
	_ =	swait.ge [sflag:s20], $0x1400  }
.Ltmp6:
0xf6: {  	[sflag:s20] =	ssyncset.done $0x0;
	(pc) =	sbr.rel @p0 .LBB2_1-.Ltmp6, $4  }
0xf7: {  	[sflag:s20] =	ssyncadd.s32 $0xFFFFEC00  }
0xf8: {  	_ =	swait.ge [sflag:s21], $0x1400  }
0xf9: {  	[sflag:s21] =	ssyncset.done $0x0  }
0xfa: {  	[sflag:s21] =	ssyncadd.s32 $0xFFFFEC00  }
0xfb: {  	_ =	sfence.sel $0x180000  }
0xfc: {  	[bflag:$0x0] =	sbarrier.arrive $0xFFFF  }
0xfd: {  	p0 =	sne.s32 s0, $0x0;
	_ =	strace $0x9000004A  }
0xfe: {  	s0 =	sadd.s32 @!p0 $0x100000, s1;
	[bflag:$0x2] =	sbarrier.arrive $0xFFFF  }
0xff: {  	[sflag:s0] =	ssyncadd.tile.s32 @!p0 $0x1;
	_ =	shalt  }
.Lfunc_end2:
_tile_overlayer_lowered:
.L_overlay_start_2:
0x100: {  	(tag) =	ssettag $0x2  }
0x101: {  	s0 =	rddreg [dreg:$0x0];
	s2 =	stileid.u32  }
0x102: {  	s1 =	rddreg [dreg:$0x1];
	p0 =	sne.s32 s2, $0x0  }
0x103: {  	s3 =	rddreg [dreg:$0x2];
	[bflag:$0x3] =	sbarrier.arrive $0xFFFF;
	s2 =	simm.s32 @!p0 $0x1C06  }
0x104: {  	[timem:s3], [sflag:s2] =	dma.local @!p0 [hbm:s0], s1  }
0x105: {  	s0 =	simm.s32 @!p0 $0x6  }
0x106: {  	_ =	swait.ge @!p0 [sflag:s0], s1  }
0x107: {  	s1 =	ssub.s32 @!p0 $0x0, s1;
	[sflag:s0] =	ssyncset.done @!p0 $0x0  }
0x108: {  	[sflag:s0] =	ssyncadd.s32 @!p0 s1  }
0x109: {  	[bflag:$0x3] =	sbarrier.arrive $0xFFFF  }
0x10a: {  	_ =	shalt  }

// kernel: kernel.9.cloned.1.call-start
scs
__scs_entry_jumppad:
0x0: {  	(pc) =	sbr.rel $0x88, $3  }
0x1: {  	(tag) =	ssettag $0x0;
	lr =	simm.s32 $0x1  }
0x2: {  	[smem:$0x3F97] =	sst lr;
	_ =	strace $0xD0000000  }
0x3: {  	_ = 	snop  }
0x4: {  	_ = 	snop  }
0x5: {  	_ = 	snop  }
0x6: {  	_ = 	snop  }
0x7: {  	_ = 	snop  }
__scs_overlays_trampoline_lowered:
0x8: {  	[smem:$0x3FA6] =	sst s0  }
0x9: {  	[smem:$0x3FA7] =	sst s1  }
0xa: {  	[smem:$0x3FA8] =	sst s2  }
0xb: {  	[smem:$0x3FA9] =	sst s3  }
0xc: {  	[smem:$0x3FAA] =	sst s4  }
0xd: {  	[smem:$0x3FAB] =	sst s5  }
0xe: {  	[smem:$0x3FAC] =	sst s6  }
0xf: {  	[smem:$0x3FAD] =	sst s7  }
0x10: {  	[smem:$0x3FAE] =	sst s8  }
0x11: {  	[smem:$0x3FAF] =	sst s9;
	s0 =	simm.s32 @!p0 $0x0  }
0x12: {  	s1 =	sld [smem:$0x3F95];
	s0 =	simm.s32 @p0 $0x1  }
0x13: {  	[smem:$0x3FB0] =	sst s0;
	s0 =	simm.s32 @!p1 $0x0  }
0x14: {  	s2 =	sld [smem:$0x3F94];
	s0 =	simm.s32 @p1 $0x1  }
0x15: {  	[smem:$0x3FB1] =	sst s0;
	s0 =	simm.s32 @!p2 $0x0  }
0x16: {  	s3 =	sld [smem:$0x3FDB];
	s0 =	simm.s32 @p2 $0x1  }
0x17: {  	s4 =	simm.s32 $0x1BF5;
	[smem:$0x3FB3] =	sst s0  }
0x18: {  	s0 =	sld [smem:$0x3F96];
	_ =	swait.ge [sflag:s4], $0x0  }
0x19: {  	s7 =	sld [smem:$0x3F97]  }
0x1a: {  	s8 =	sadd.s32 $0xFFFFE003, lr  }
0x1b: {  	s9 =	sadd.s32 $0xFFFFFEF7, lr;
	s5 =	simm.s32 $0xFFFFFFFF;
	p2 =	slt.u32 s8, $0xFFFFF086  }
0x1c: {  	p1 =	slt.u32 s9, $0xF7A;
	s5 =	simm.s32 @!p2 $0x0  }
0x1d: {  	s5 =	simm.s32 @p1 $0x1;
	p0 =	seq.s32 s7, s2  }
0x1e: {  	s7 =	smul.u32 @!p0 $0xF7A, s2;
	p2 =	seq.s32 @!p0 s5, $0x0  }
0x1f: {  	s9 =	smul.u32 $0xF7A, s1;
	s8 =	simm.s32 @!p0 $0x1BF5;
	p2 =	por !p2, p0  }
0x20: {  	[sflag:s8] =	ssyncset.s32 @!p0 $0xFFFFF086;
	s6 =	sadd.s32 @!p0 s3, s7;
	s7 =	simm.s32 @!p0 $0x108  }
0x21: {  	s3 =	sadd.s32 s3, s9;
	s6 =	sadd.s32 @!p0 $0x88, s6;
	s7 =	simm.s32 @p2 $0x1082  }
0x22: {  	[simem:s7], [sflag:s8] =	dma.local @!p0 [hbm:s6], $0xF7A  }
0x23: {  	s9 =	sor.u32 $0xD0000000, s2;
	s6 =	simm.s32 $0x108;
	_ =	swait.ge @!p0 [sflag:s8], $0x0  }
0x24: {  	s3 =	sadd.s32 $0x88, s3;
	s6 =	simm.s32 @!p1 $0x1082;
	[sflag:s4] =	ssyncset.s32 $0xFFFFF086  }
0x25: {  	[simem:s6], [sflag:s4] =	dma.local [hbm:s3], $0xF7A  }
0x26: {  	[smem:$0x3F97] =	sst s1;
	(tag) =	ssettag s2;
	_ =	strace s9  }
0x27: {  	s1 =	sld [smem:$0x3FA7]  }
0x28: {  	s2 =	sld [smem:$0x3FA8]  }
0x29: {  	s4 =	sld [smem:$0x3FAA]  }
0x2a: {  	p0 =	seq.s32 s5, $0x0;
	s5 =	sld [smem:$0x3FAB]  }
0x2b: {  	s6 =	sld [smem:$0x3FAC]  }
0x2c: {  	s7 =	sld [smem:$0x3FAD]  }
0x2d: {  	s3 =	simm.s32 $0x108;
	s8 =	sld [smem:$0x3FAE]  }
0x2e: {  	s3 =	simm.s32 @!p0 $0x1082;
	s9 =	sld [smem:$0x3FAF]  }
0x2f: {  	lr =	sadd.s32 s0, s3;
	s0 =	sld [smem:$0x3FA6]  }
0x30: {  	s3 =	sld [smem:$0x3FA9]  }
0x31: {  	[smem:$0x3FB2] =	sst s10  }
0x32: {  	s10 =	sld [smem:$0x3FB0];
	_ =	sdelay $0x3  }
0x33: {  	p0 =	seq.s32 s10, $0x1;
	s10 =	sld [smem:$0x3FB2];
	_ =	sdelay $0x3  }
0x34: {  	[smem:$0x3FB2] =	sst s10  }
0x35: {  	s10 =	sld [smem:$0x3FB1];
	_ =	sdelay $0x3  }
0x36: {  	p1 =	seq.s32 s10, $0x1;
	s10 =	sld [smem:$0x3FB2];
	_ =	sdelay $0x3  }
0x37: {  	[smem:$0x3FB2] =	sst s10  }
0x38: {  	s10 =	sld [smem:$0x3FB3]  }
0x39: {  	_ = 	snop;
	(pc) =	sbr.ind lr, $3  }
0x3a: {  	_ = 	snop  }
0x3b: {  	_ = 	snop  }
0x3c: {  	p2 =	seq.s32 s10, $0x1;
	s10 =	sld [smem:$0x3FB2]  }
0x3d: {  	_ =	shalt  }
0x3e: {  	_ =	shalt  }
0x3f: {  	_ =	shalt  }
0x40: {  	_ =	shalt  }
0x41: {  	_ =	shalt  }
0x42: {  	_ =	shalt  }
0x43: {  	_ =	shalt  }
0x44: {  	_ =	shalt  }
0x45: {  	_ =	shalt  }
0x46: {  	_ =	shalt  }
0x47: {  	_ =	shalt  }
0x48: {  	_ =	shalt  }
0x49: {  	_ =	shalt  }
0x4a: {  	_ =	shalt  }
0x4b: {  	_ =	shalt  }
0x4c: {  	_ =	shalt  }
0x4d: {  	_ =	shalt  }
0x4e: {  	_ =	shalt  }
0x4f: {  	_ =	shalt  }
0x50: {  	_ =	shalt  }
0x51: {  	_ =	shalt  }
0x52: {  	_ =	shalt  }
0x53: {  	_ =	shalt  }
0x54: {  	_ =	shalt  }
0x55: {  	_ =	shalt  }
0x56: {  	_ =	shalt  }
0x57: {  	_ =	shalt  }
0x58: {  	_ =	shalt  }
0x59: {  	_ =	shalt  }
0x5a: {  	_ =	shalt  }
0x5b: {  	_ =	shalt  }
0x5c: {  	_ =	shalt  }
0x5d: {  	_ =	shalt  }
0x5e: {  	_ =	shalt  }
0x5f: {  	_ =	shalt  }
0x60: {  	_ =	shalt  }
0x61: {  	_ =	shalt  }
0x62: {  	_ =	shalt  }
0x63: {  	_ =	shalt  }
0x64: {  	_ =	shalt  }
0x65: {  	_ =	shalt  }
0x66: {  	_ =	shalt  }
0x67: {  	_ =	shalt  }
0x68: {  	_ =	shalt  }
0x69: {  	_ =	shalt  }
0x6a: {  	_ =	shalt  }
0x6b: {  	_ =	shalt  }
0x6c: {  	_ =	shalt  }
0x6d: {  	_ =	shalt  }
0x6e: {  	_ =	shalt  }
0x6f: {  	_ =	shalt  }
0x70: {  	_ =	shalt  }
0x71: {  	_ =	shalt  }
0x72: {  	_ =	shalt  }
0x73: {  	_ =	shalt  }
0x74: {  	_ =	shalt  }
0x75: {  	_ =	shalt  }
0x76: {  	_ =	shalt  }
0x77: {  	_ =	shalt  }
0x78: {  	_ =	shalt  }
0x79: {  	_ =	shalt  }
0x7a: {  	_ =	shalt  }
0x7b: {  	_ =	shalt  }
0x7c: {  	_ =	shalt  }
0x7d: {  	_ =	shalt  }
0x7e: {  	_ =	shalt  }
0x7f: {  	_ =	shalt  }
0x80: {  	_ =	shalt  }
0x81: {  	_ =	shalt  }
0x82: {  	_ =	shalt  }
0x83: {  	_ =	shalt  }
0x84: {  	_ =	shalt  }
0x85: {  	_ =	shalt  }
0x86: {  	_ =	shalt  }
0x87: {  	_ =	shalt  }
.Lfunc_end0:
.L_simem_size_0:
called_computation.1_lowered:
.L_overlay_start_0:
0x88: {  	s2 =	sld [smem:$0x3FD9]  }
0x89: {  	s3 =	sld [smem:$0x3FFE];
	_ =	sdelay $0x1  }
0x8a: {  	s1 =	srdreg.scid  }
0x8b: {  	s0 =	sand.u32 $0x1, s1  }
0x8c: {  	s16 =	sshll.u32 s0, $0xA;
	s2 =	sadd.s32 s3, s2  }
0x8d: {  	s2 =	sadd.s32 s2, s16  }
0x8e: {  	[smem:$0x3FBE] =	sst s2  }
0x8f: {  	_ = 	snop  }
0x90: {  	(tm) =	ssettm $0x1  }
0x91: {  	s17 =	sld [smem:$0x3FFB];
	_ =	sdelay $0x3  }
0x92: {  	_ =	strace s17  }
0x93: {  	s2 =	sld [smem:$0x3FFC];
	_ =	sdelay $0x3  }
0x94: {  	_ =	strace s2  }
0x95: {  	s2 =	sld [smem:$0x3FFD];
	_ =	sdelay $0x3  }
0x96: {  	_ =	strace s2  }
0x97: {  	_ =	strace $0x8FFFFFFF  }
0x98: {  	s18 =	sld [smem:$0x3FDB];
	_ =	sdelay $0x1  }
0x99: {  	s19 =	simm.s32 $_scs_section_size  }
0x9a: {  	s4 =	simm.s32 $_size__tile_overlayer_lowered;
	s5 =	simm.s32 $_tile_overlayer_lowered  }
0x9b: {  	s22 =	simm.s32 $0x1BFF;
	s21 =	sshll.u32 s5, $0x1;
	s2 =	sadd.s32 s19, s18  }
0x9c: {  	s6 =	simm.s32 $0x0;
	s20 =	sshll.u32 s4, $0x1;
	s4 =	sadd.s32 s21, s2  }
0x9d: {  	[timem:s6], [sflag:s22] =	dma.local [hbm:s4], s20  }
0x9e: {  	_ =	swait.ge [sflag:s22], s20  }
0x9f: {  	s3 =	ssub.s32 $0x0, s20;
	[sflag:s22] =	ssyncset.done $0x0  }
0xa0: {  	[sflag:s22] =	ssyncadd.s32 s3;
	_ =	sdelay $0x1  }
0xa1: {  	s23 =	simm.s32 $0x1B8B  }
0xa2: {  	_ =	swait.ge [sflag:s23], $0x1  }
0xa3: {  	[sflag:s23] =	ssyncset.done $0x0  }
0xa4: {  	s25 =	simm.s32 $0x1B8E;
	s24 =	sld [smem:$0x3FFE];
	[sflag:s23] =	ssyncadd.s32 $0xFFFFFFFF  }
0xa5: {  	s26 =	simm.s32 $execute0_lowered;
	[smem:$0x3FD2] =	sst s25  }
0xa6: {  	s4 =	sshll.u32 s26, $0x1;
	_ =	strace $0x80000046;
	[dreg:$0x1] =	wrdreg $0xFFFFFFFF  }
0xa7: {  	s28 =	simm.s32 $_size_execute0_lowered;
	s2 =	sadd.s32 s2, s4;
	[dreg:$0x0] =	wrdreg $0x0  }
0xa8: {  	s4 =	sshll.u32 s28, $0x1;
	[dreg:$0x2] =	wrdreg s2  }
0xa9: {  	[dreg:$0x3] =	wrdreg s4  }
0xaa: {  	[dreg:$0x4] =	wrdreg $0xC0  }
0xab: {  	_ =	task [dreg:s6], $0x5FFFF  }
0xac: {  	[dreg:$0x1] =	wrdreg $0xFFFFFFFF  }
0xad: {  	[dreg:$0x0] =	wrdreg $0x60  }
0xae: {  	[dreg:$0x2] =	wrdreg s24  }
0xaf: {  	[dreg:$0x3] =	wrdreg $0xA  }
0xb0: {  	_ =	task.clear_ibuf [dreg:s6], $0x4FFFF;
	_ =	strace $0x90000046  }
0xb1: {  	s29 =	simm.s32 $0xA;
	_ =	strace $0x80000048  }
0xb2: {  	_ =	swait.ge [sflag:s29], $0x1  }
0xb3: {  	[sflag:s29] =	ssyncadd.s32 $0xFFFFFFFF  }
0xb4: {  	_ =	strace $0x90000048  }
0xb5: {  	_ =	sfence  }
0xb6: {  	s30 =	sld [smem:$0x0];
	_ =	sdelay $0x2  }
0xb7: {  	s31 =	sshll.u32 s1, $0xD;
	s1 =	sshrl.u32 s1, $0x2  }
0xb8: {  	s3 =	sand.u32 $0x4000, s31;
	s1 =	sadd.s32 s1, s30  }
0xb9: {  	s0 =	sor.u32 s3, s0;
	s1 =	sshll.u32 s1, $0x11  }
0xba: {  	s0 =	sor.u32 s1, s0  }
0xbb: {  	s0 =	sadd.s32 $0x8F2B, s0  }
0xbc: {  	[sflag:s0] =	ssyncadd.remote.s32 $0x1  }
0xbd: {  	_ =	sfence.sel $0xFFFF  }
0xbe: {  	[dreg:$0x0] =	wrdreg $0xFFFFFFFF;
	(pc) =	sbr.abs _section_cstart, $3  }
0xbf: {  	[dreg:$0x1] =	wrdreg $0xFFFFFFFF  }
0xc0: {  	_ =	task.clear_ibuf [dreg:s6], $0x2FFFF;
	_ =	strace $0x9FFFFFFF  }
0xc1: {  	(tm) =	ssettm $0x7FFFFFFF  }
tec
execute0_lowered:
.L_overlay_start_1:
0x0: {  	(tag) =	ssettag $0x1  }
0x1: {  	s1 =	srdreg.scid;
	s0 =	stileid.u32  }
0x2: {  	s4 =	rddreg [dreg:$0x0];
	s2 =	simm.s32 $0x0;
	s8 =	simm.s32 $0x28  }
0x3: {  	s9 =	simm.s32 $0x1900;
	s10 =	simm.s32 $0x2D00;
	s11 =	simm.s32 $0x50  }
0x4: {  	s12 =	simm.s32 $0x4100;
	s13 =	simm.s32 $0x78;
	s14 =	simm.s32 $0x5500  }
0x5: {  	s15 =	simm.s32 $0xA0;
	s16 =	simm.s32 $0x6900;
	s17 =	simm.s32 $0x1  }
0x6: {  	s18 =	simm.s32 $0x2;
	s19 =	simm.s32 $0x3;
	s20 =	simm.s32 $0x4  }
0x7: {  	s21 =	simm.s32 $0x5;
	s22 =	simm.s32 $0x7D00;
	s23 =	simm.s32 $0x0  }
0x8: {  	s3 =	sand.u32 $0x1, s1;
	s5 =	sshll.u32 s0, $0x1;
	[smem:$0x7FF] =	sst s2  }
0x9: {  	s1 =	rddreg [dreg:$0x1];
	s5 =	sor.u32 s3, s5;
	_ =	strace $0x80000047  }
0xa: {  	s7 =	ssub.s32 $0x2, s3;
	s6 =	smul.u32 $0x320, s5;
	s5 =	sshll.u32 s5, $0xA  }
0xb: {  	s3 =	sadd.s32 $0x316800, s4;
	s31 =	sshrl.u32 s7, $0x1;
	s5 =	sadd.s32 s5, s4  }
0xc: {  	s7 =	ssub.s32 s7, s31;
	s6 =	sadd.s32 s6, s4;
	s5 =	sadd.s32 $0x8800, s5  }
0xd: {  	s4 =	sadd.s32 $0x2400, s6;
	s6 =	smax.u32 s7, $0x1;
	s7 =	simm.s32 $0x6  }
.LBB2_1:
0xe: {  	[tilespmem:s2], [sflag:$0x6] =	stream.linear.gather [hbm4b:s4+s2], $0x1900, $0x38;
	[tilespmem:$0x7E00] =	vst v63  }
0xf: {  	_ =	swait.ge [sflag:s7], $0x1900  }
0x10: {  	[sflag:s7] =	ssyncset.done $0x0  }
0x11: {  	[sflag:s7] =	ssyncadd.s32 $0xFFFFE700  }
0x12: {  	[tilespmem:s9], [sflag:$0x1] =	stream.indirect.gather [hbm4b:s3+s8], $0x80, s2, s8, $0xb8;
	[tilespmem:$0x7E00] =	vst v63  }
0x13: {  	_ = 	snop  }
0x14: {  	[tilespmem:s10], [sflag:$0x2] =	stream.indirect.gather [hbm4b:s3+s8], $0x80, s8, s8, $0xb8;
	[tilespmem:$0x7E00] =	vst v63  }
0x15: {  	_ = 	snop  }
0x16: {  	[tilespmem:s12], [sflag:$0x3] =	stream.indirect.gather [hbm4b:s3+s8], $0x80, s11, s8, $0xb8;
	[tilespmem:$0x7E00] =	vst v63  }
0x17: {  	_ = 	snop  }
0x18: {  	[tilespmem:s14], [sflag:$0x4] =	stream.indirect.gather [hbm4b:s3+s8], $0x80, s13, s8, $0xb8;
	[tilespmem:$0x7E00] =	vst v63  }
0x19: {  	s24 =	simm.s32 $0x0  }
0x1a: {  	[tilespmem:s16], [sflag:$0x5] =	stream.indirect.gather [hbm4b:s3+s8], $0x80, s15, s8, $0xb8;
	[tilespmem:$0x7E00] =	vst v63  }
.LBB2_2:
0x1b: {  	_ =	swait.ge [sflag:s17], $0x1400  }
0x1c: {  	[sflag:s17] =	ssyncset.done $0x0  }
0x1d: {  	s26 =	simm.s32 $0x1980;
	[sflag:s17] =	ssyncadd.s32 $0xFFFFEC00  }
0x1e: {  	v0 =	vld [tilespmem:s26+$0x0]  }
0x1f: {  	v2 =	vld [tilespmem:s26+$0x10]  }
0x20: {  	v1 =	vld [tilespmem:s26+$0xFFFFFF80]  }
0x21: {  	v3 =	vld [tilespmem:s26+$0xFFFFFF90]  }
0x22: {  	v8 =	vld [tilespmem:s26+$0xFFFFFFA0]  }
0x23: {  	v13 =	vld [tilespmem:s26+$0xFFFFFFB0]  }
0x24: {  	v18 =	vld [tilespmem:s26+$0xFFFFFFC0]  }
0x25: {  	v11 =	vld [tilespmem:s26+$0x20]  }
0x26: {  	v9 =	vimm.f32 $0.0e+00;
	v6 =	vimm.f32 $-Inf;
	v16 =	vimm.f32 $0.0e+00;
	v14 =	vld [tilespmem:s26+$0x30]  }
0x27: {  	v10 =	vld [tilespmem:s26+$0x40];
	v4 =	vadd.f32 v1, v9;
	v5 =	vadd.f32 v3, v9;
	v1 =	vmax.f32 v6, v1  }
0x28: {  	v12 =	vld [tilespmem:s26+$0x50];
	v7 =	vadd.f32 v8, v9;
	v3 =	vmax.f32 v6, v3;
	v15 =	vadd.f32 v13, v9  }
0x29: {  	v20 =	vld [tilespmem:s26+$0xFFFFFFD0];
	v23 =	vadd.f32 v18, v9;
	v1 =	vmax.f32 v1, v0;
	v4 =	vadd.f32 v0, v4  }
0x2a: {  	v17 =	vld [tilespmem:s26+$0xFFFFFFE0];
	v5 =	vadd.f32 v2, v5;
	v2 =	vmax.f32 v3, v2;
	v7 =	vadd.f32 v11, v7  }
0x2b: {  	v19 =	vld [tilespmem:s26+$0xFFFFFFF0];
	v0 =	vmax.f32 v6, v8;
	v3 =	vmax.f32 v6, v13;
	v8 =	vadd.f32 v14, v15  }
0x2c: {  	v21 =	vld [tilespmem:s26+$0x60];
	v15 =	vimm.f32 $0.0e+00;
	v13 =	vimm.f32 $-Inf;
	v0 =	vmax.f32 v0, v11  }
0x2d: {  	s25 =	simm.s32 $0x0;
	v22 =	vld [tilespmem:s26+$0x70];
	s26 =	simm.s32 $0x1A80;
	v3 =	vmax.f32 v3, v14;
	v11 =	vimm.f32 $-Inf;
	v14 =	vimm.f32 $-Inf  }
.LBB2_3:
0x2e: {  	v24 =	vld [tilespmem:s26+$0x0];
	v6 =	vmax.f32 v6, v18;
	v9 =	vadd.f32 v20, v9;
	v23 =	vadd.f32 v10, v23  }
0x2f: {  	v11 =	vmax.f32 v11, v20;
	v25 =	vld [tilespmem:s26+$0x10];
	v16 =	vadd.f32 v17, v16;
	v6 =	vmax.f32 v6, v10  }
0x30: {  	v11 =	vmax.f32 v11, v12;
	v26 =	vld [tilespmem:s26+$0x20];
	v10 =	vadd.f32 v19, v15;
	v9 =	vadd.f32 v12, v9  }
0x31: {  	v12 =	vmax.f32 v13, v17;
	v14 =	vmax.f32 v14, v19;
	v27 =	vld [tilespmem:s26+$0x30];
	v16 =	vadd.f32 v21, v16  }
0x32: {  	v13 =	vmax.f32 v12, v21;
	v17 =	vld [tilespmem:s26+$0xFFFFFF80];
	v15 =	vadd.f32 v22, v10;
	v14 =	vmax.f32 v14, v22  }
0x33: {  	v19 =	vld [tilespmem:s26+$0xFFFFFF90]  }
0x34: {  	v21 =	vld [tilespmem:s26+$0xFFFFFFA0]  }
0x35: {  	v10 =	vld [tilespmem:s26+$0x40]  }
0x36: {  	v22 =	vld [tilespmem:s26+$0xFFFFFFB0]  }
0x37: {  	s25 =	sadd.s32 $0x2, s25;
	v4 =	vadd.f32 v17, v4;
	v18 =	vld [tilespmem:s26+$0xFFFFFFC0]  }
0x38: {  	p0 =	slt.u32 s25, $0x26;
	v5 =	vadd.f32 v19, v5;
	v12 =	vld [tilespmem:s26+$0x50]  }
.Ltmp0:
0x39: {  	v1 =	vmax.f32 v1, v17;
	v7 =	vadd.f32 v21, v7;
	v20 =	vld [tilespmem:s26+$0xFFFFFFD0];
	v4 =	vadd.f32 v24, v4;
	(pc) =	sbr.rel @p0 .LBB2_3-.Ltmp0, $4  }
0x3a: {  	v2 =	vmax.f32 v2, v19;
	v1 =	vmax.f32 v1, v24;
	v17 =	vld [tilespmem:s26+$0xFFFFFFE0];
	v5 =	vadd.f32 v25, v5  }
0x3b: {  	v2 =	vmax.f32 v2, v25;
	v8 =	vadd.f32 v22, v8;
	v19 =	vld [tilespmem:s26+$0xFFFFFFF0];
	v7 =	vadd.f32 v26, v7  }
0x3c: {  	v0 =	vmax.f32 v0, v21;
	v3 =	vmax.f32 v3, v22;
	v23 =	vadd.f32 v18, v23;
	v21 =	vld [tilespmem:s26+$0x60]  }
0x3d: {  	v0 =	vmax.f32 v0, v26;
	v3 =	vmax.f32 v3, v27;
	v8 =	vadd.f32 v27, v8;
	v22 =	vld [tilespmem:s26+$0x70];
	s26 =	sadd.s32 $0x100, s26  }
0x3e: {  	s25 =	sadd.s32 $0x1, s24  }
0x3f: {  	p0 =	slt.s32 s25, $0x1F;
	s26 =	smov.u32 s25  }
0x40: {  	s26 =	simm.s32 @!p0 $0x1F  }
0x41: {  	s26 =	smul.u32 $0x320, s26;
	_ =	sdelay $0x1  }
0x42: {  	s26 =	sshra.s32 s26, $0x2  }
0x43: {  	[tilespmem:s9], [sflag:$0x1] =	stream.indirect.gather [hbm4b:s3+s8], $0x80, s26, s8, $0xb8;
	[tilespmem:$0x7E00] =	vst v63  }
0x44: {  	_ =	swait.ge [sflag:s18], $0x1400  }
0x45: {  	[sflag:s18] =	ssyncset.done $0x0  }
0x46: {  	s29 =	simm.s32 $0x2D80;
	[sflag:s18] =	ssyncadd.s32 $0xFFFFEC00  }
0x47: {  	v24 =	vld [tilespmem:s29+$0x0]  }
0x48: {  	v25 =	vld [tilespmem:s29+$0x10]  }
0x49: {  	v26 =	vld [tilespmem:s29+$0x20]  }
0x4a: {  	v27 =	vld [tilespmem:s29+$0x30]  }
0x4b: {  	v6 =	vmax.f32 v6, v18;
	v28 =	vld [tilespmem:s29+$0xFFFFFF80]  }
0x4c: {  	v18 =	vadd.f32 v20, v9;
	v20 =	vmax.f32 v11, v20;
	v30 =	vadd.f32 v10, v23;
	v29 =	vld [tilespmem:s29+$0xFFFFFF90]  }
0x4d: {  	v9 =	vmax.f32 v6, v10;
	v6 =	vadd.f32 v17, v16;
	v10 =	vmax.f32 v20, v12;
	v31 =	vld [tilespmem:s29+$0xFFFFFFA0]  }
0x4e: {  	v11 =	vadd.f32 v12, v18;
	v12 =	vmax.f32 v13, v17;
	v13 =	vadd.f32 v19, v15;
	v17 =	vld [tilespmem:s29+$0xFFFFFFB0]  }
0x4f: {  	v15 =	vmax.f32 v14, v19;
	v14 =	vadd.f32 v21, v6;
	v6 =	vmax.f32 v12, v21;
	v21 =	vld [tilespmem:s29+$0xFFFFFFC0]  }
0x50: {  	v12 =	vadd.f32 v22, v13;
	v18 =	vld [tilespmem:s29+$0x40]  }
0x51: {  	v19 =	vld [tilespmem:s29+$0x50];
	v16 =	vadd.f32 v28, v4;
	v4 =	vmax.f32 v15, v22;
	v15 =	vadd.f32 v29, v5  }
0x52: {  	v23 =	vld [tilespmem:s29+$0xFFFFFFD0];
	v1 =	vmax.f32 v1, v28;
	v63 =	vadd.f32 v31, v7;
	v2 =	vmax.f32 v2, v29  }
0x53: {  	v20 =	vld [tilespmem:s29+$0xFFFFFFE0];
	v8 =	vadd.f32 v17, v8;
	v3 =	vmax.f32 v3, v17;
	v5 =	vmax.f32 v1, v24  }
0x54: {  	v22 =	vld [tilespmem:s29+$0xFFFFFFF0];
	v7 =	vmax.f32 v2, v25;
	v1 =	vmax.f32 v0, v31;
	v2 =	vadd.f32 v21, v30  }
0x55: {  	v0 =	vld [tilespmem:s29+$0x60];
	v3 =	vmax.f32 v3, v27;
	v13 =	vadd.f32 v24, v16;
	v15 =	vadd.f32 v25, v15  }
0x56: {  	s28 =	simm.s32 $0x0;
	v16 =	vadd.f32 v26, v63;
	v1 =	vmax.f32 v1, v26;
	v17 =	vadd.f32 v27, v8;
	v24 =	vld [tilespmem:s29+$0x70];
	s29 =	simm.s32 $0x2E80  }
.LBB2_5:
0x57: {  	v8 =	vld [tilespmem:s29+$0x0];
	v9 =	vmax.f32 v9, v21;
	v11 =	vadd.f32 v23, v11;
	v2 =	vadd.f32 v18, v2  }
0x58: {  	v10 =	vmax.f32 v10, v23;
	v25 =	vld [tilespmem:s29+$0x10];
	v14 =	vadd.f32 v20, v14;
	v9 =	vmax.f32 v9, v18  }
0x59: {  	v10 =	vmax.f32 v10, v19;
	v26 =	vld [tilespmem:s29+$0x20];
	v12 =	vadd.f32 v22, v12;
	v11 =	vadd.f32 v19, v11  }
0x5a: {  	v6 =	vmax.f32 v6, v20;
	v4 =	vmax.f32 v4, v22;
	v27 =	vld [tilespmem:s29+$0x30];
	v14 =	vadd.f32 v0, v14  }
0x5b: {  	v6 =	vmax.f32 v6, v0;
	v20 =	vld [tilespmem:s29+$0xFFFFFF80];
	v12 =	vadd.f32 v24, v12;
	v4 =	vmax.f32 v4, v24  }
0x5c: {  	v0 =	vld [tilespmem:s29+$0xFFFFFF90]  }
0x5d: {  	v24 =	vld [tilespmem:s29+$0xFFFFFFA0]  }
0x5e: {  	v18 =	vld [tilespmem:s29+$0x40]  }
0x5f: {  	v28 =	vld [tilespmem:s29+$0xFFFFFFB0]  }
0x60: {  	s28 =	sadd.s32 $0x2, s28;
	v13 =	vadd.f32 v20, v13;
	v21 =	vld [tilespmem:s29+$0xFFFFFFC0]  }
0x61: {  	p0 =	slt.u32 s28, $0x26;
	v15 =	vadd.f32 v0, v15;
	v19 =	vld [tilespmem:s29+$0x50]  }
.Ltmp1:
0x62: {  	v5 =	vmax.f32 v5, v20;
	v16 =	vadd.f32 v24, v16;
	v23 =	vld [tilespmem:s29+$0xFFFFFFD0];
	v13 =	vadd.f32 v8, v13;
	(pc) =	sbr.rel @p0 .LBB2_5-.Ltmp1, $4  }
0x63: {  	v0 =	vmax.f32 v7, v0;
	v5 =	vmax.f32 v5, v8;
	v20 =	vld [tilespmem:s29+$0xFFFFFFE0];
	v15 =	vadd.f32 v25, v15  }
0x64: {  	v7 =	vmax.f32 v0, v25;
	v8 =	vadd.f32 v28, v17;
	v22 =	vld [tilespmem:s29+$0xFFFFFFF0];
	v16 =	vadd.f32 v26, v16  }
0x65: {  	v1 =	vmax.f32 v1, v24;
	v3 =	vmax.f32 v3, v28;
	v2 =	vadd.f32 v21, v2;
	v0 =	vld [tilespmem:s29+$0x60]  }
0x66: {  	v1 =	vmax.f32 v1, v26;
	v3 =	vmax.f32 v3, v27;
	v17 =	vadd.f32 v27, v8;
	v24 =	vld [tilespmem:s29+$0x70];
	s29 =	sadd.s32 $0x100, s29  }
0x67: {  	s28 =	sadd.s32 $0x28, s26  }
0x68: {  	[tilespmem:s10], [sflag:$0x2] =	stream.indirect.gather [hbm4b:s3+s8], $0x80, s28, s8, $0xb8;
	[tilespmem:$0x7E00] =	vst v63  }
0x69: {  	_ =	swait.ge [sflag:s19], $0x1400  }
0x6a: {  	[sflag:s19] =	ssyncset.done $0x0  }
0x6b: {  	s29 =	simm.s32 $0x4180;
	[sflag:s19] =	ssyncadd.s32 $0xFFFFEC00  }
0x6c: {  	v25 =	vld [tilespmem:s29+$0x0]  }
0x6d: {  	v26 =	vld [tilespmem:s29+$0x10]  }
0x6e: {  	v27 =	vld [tilespmem:s29+$0x20]  }
0x6f: {  	v29 =	vld [tilespmem:s29+$0xFFFFFF80]  }
0x70: {  	v8 =	vmax.f32 v9, v21;
	v21 =	vld [tilespmem:s29+$0xFFFFFF90]  }
0x71: {  	v9 =	vadd.f32 v23, v11;
	v30 =	vld [tilespmem:s29+$0xFFFFFFA0]  }
0x72: {  	v10 =	vmax.f32 v10, v23;
	v23 =	vadd.f32 v18, v2;
	v2 =	vmax.f32 v8, v18;
	v31 =	vld [tilespmem:s29+$0xFFFFFFB0]  }
0x73: {  	v11 =	vadd.f32 v20, v14;
	v8 =	vmax.f32 v10, v19;
	v12 =	vadd.f32 v22, v12;
	v28 =	vld [tilespmem:s29+$0x30]  }
0x74: {  	v6 =	vmax.f32 v6, v20;
	v9 =	vadd.f32 v19, v9;
	v4 =	vmax.f32 v4, v22;
	v18 =	vld [tilespmem:s29+$0x40]  }
0x75: {  	v10 =	vadd.f32 v0, v11;
	v0 =	vmax.f32 v6, v0;
	v11 =	vadd.f32 v24, v12;
	v20 =	vld [tilespmem:s29+$0xFFFFFFC0]  }
0x76: {  	v4 =	vmax.f32 v4, v24;
	v22 =	vld [tilespmem:s29+$0xFFFFFFD0];
	v6 =	vadd.f32 v29, v13;
	v14 =	vadd.f32 v21, v15  }
0x77: {  	v19 =	vld [tilespmem:s29+$0xFFFFFFE0];
	v5 =	vmax.f32 v5, v29;
	v15 =	vadd.f32 v30, v16;
	v16 =	vadd.f32 v31, v17  }
0x78: {  	v13 =	vld [tilespmem:s29+$0x50];
	v1 =	vmax.f32 v1, v30;
	v3 =	vmax.f32 v3, v31;
	v5 =	vmax.f32 v5, v25  }
0x79: {  	v1 =	vmax.f32 v1, v27;
	v12 =	vadd.f32 v25, v6;
	v6 =	vmax.f32 v7, v21;
	v21 =	vld [tilespmem:s29+$0xFFFFFFF0]  }
0x7a: {  	v3 =	vmax.f32 v3, v28;
	v14 =	vadd.f32 v26, v14;
	v7 =	vadd.f32 v20, v23;
	v23 =	vld [tilespmem:s29+$0x60]  }
0x7b: {  	s28 =	simm.s32 $0x0;
	v24 =	vld [tilespmem:s29+$0x70];
	v15 =	vadd.f32 v27, v15;
	v16 =	vadd.f32 v28, v16;
	s29 =	simm.s32 $0x4280;
	v6 =	vmax.f32 v6, v26  }
.LBB2_7:
0x7c: {  	v17 =	vld [tilespmem:s29+$0x0];
	v2 =	vmax.f32 v2, v20;
	v9 =	vadd.f32 v22, v9;
	v7 =	vadd.f32 v18, v7  }
0x7d: {  	v8 =	vmax.f32 v8, v22;
	v25 =	vld [tilespmem:s29+$0x10];
	v10 =	vadd.f32 v19, v10;
	v2 =	vmax.f32 v2, v18  }
0x7e: {  	v8 =	vmax.f32 v8, v13;
	v26 =	vld [tilespmem:s29+$0x20];
	v11 =	vadd.f32 v21, v11;
	v9 =	vadd.f32 v13, v9  }
0x7f: {  	v0 =	vmax.f32 v0, v19;
	v4 =	vmax.f32 v4, v21;
	v27 =	vld [tilespmem:s29+$0x30];
	v10 =	vadd.f32 v23, v10  }
0x80: {  	v0 =	vmax.f32 v0, v23;
	v19 =	vld [tilespmem:s29+$0xFFFFFF80];
	v11 =	vadd.f32 v24, v11;
	v4 =	vmax.f32 v4, v24  }
0x81: {  	v21 =	vld [tilespmem:s29+$0xFFFFFF90]  }
0x82: {  	v23 =	vld [tilespmem:s29+$0xFFFFFFA0]  }
0x83: {  	v18 =	vld [tilespmem:s29+$0x40]  }
0x84: {  	v24 =	vld [tilespmem:s29+$0xFFFFFFB0]  }
0x85: {  	s28 =	sadd.s32 $0x2, s28;
	v12 =	vadd.f32 v19, v12;
	v20 =	vld [tilespmem:s29+$0xFFFFFFC0]  }
0x86: {  	p0 =	slt.u32 s28, $0x26;
	v14 =	vadd.f32 v21, v14;
	v13 =	vld [tilespmem:s29+$0x50]  }
.Ltmp2:
0x87: {  	v5 =	vmax.f32 v5, v19;
	v15 =	vadd.f32 v23, v15;
	v22 =	vld [tilespmem:s29+$0xFFFFFFD0];
	v12 =	vadd.f32 v17, v12;
	(pc) =	sbr.rel @p0 .LBB2_7-.Ltmp2, $4  }
0x88: {  	v6 =	vmax.f32 v6, v21;
	v5 =	vmax.f32 v5, v17;
	v19 =	vld [tilespmem:s29+$0xFFFFFFE0];
	v14 =	vadd.f32 v25, v14  }
0x89: {  	v6 =	vmax.f32 v6, v25;
	v16 =	vadd.f32 v24, v16;
	v21 =	vld [tilespmem:s29+$0xFFFFFFF0];
	v15 =	vadd.f32 v26, v15  }
0x8a: {  	v1 =	vmax.f32 v1, v23;
	v3 =	vmax.f32 v3, v24;
	v7 =	vadd.f32 v20, v7;
	v23 =	vld [tilespmem:s29+$0x60]  }
0x8b: {  	v1 =	vmax.f32 v1, v26;
	v3 =	vmax.f32 v3, v27;
	v16 =	vadd.f32 v27, v16;
	v24 =	vld [tilespmem:s29+$0x70];
	s29 =	sadd.s32 $0x100, s29  }
0x8c: {  	s28 =	sadd.s32 $0x50, s26  }
0x8d: {  	[tilespmem:s12], [sflag:$0x3] =	stream.indirect.gather [hbm4b:s3+s8], $0x80, s28, s8, $0xb8;
	[tilespmem:$0x7E00] =	vst v63  }
0x8e: {  	_ =	swait.ge [sflag:s20], $0x1400  }
0x8f: {  	[sflag:s20] =	ssyncset.done $0x0  }
0x90: {  	s29 =	simm.s32 $0x5580;
	[sflag:s20] =	ssyncadd.s32 $0xFFFFEC00  }
0x91: {  	v25 =	vld [tilespmem:s29+$0x0]  }
0x92: {  	v26 =	vld [tilespmem:s29+$0x10]  }
0x93: {  	v27 =	vld [tilespmem:s29+$0x20]  }
0x94: {  	v29 =	vld [tilespmem:s29+$0xFFFFFF80]  }
0x95: {  	v9 =	vadd.f32 v22, v9;
	v30 =	vld [tilespmem:s29+$0xFFFFFF90]  }
0x96: {  	v2 =	vmax.f32 v2, v20;
	v8 =	vmax.f32 v8, v22;
	v31 =	vadd.f32 v18, v7;
	v32 =	vld [tilespmem:s29+$0xFFFFFFA0]  }
0x97: {  	v2 =	vmax.f32 v2, v18;
	v18 =	vadd.f32 v19, v10;
	v10 =	vadd.f32 v13, v9;
	v9 =	vld [tilespmem:s29+$0xFFFFFFB0]  }
0x98: {  	v7 =	vmax.f32 v8, v13;
	v8 =	vadd.f32 v21, v11;
	v20 =	vld [tilespmem:s29+$0xFFFFFFC0]  }
0x99: {  	v0 =	vmax.f32 v0, v19;
	v4 =	vmax.f32 v4, v21;
	v28 =	vld [tilespmem:s29+$0x30]  }
0x9a: {  	v13 =	vadd.f32 v23, v18;
	v0 =	vmax.f32 v0, v23;
	v11 =	vadd.f32 v24, v8;
	v17 =	vld [tilespmem:s29+$0x40]  }
0x9b: {  	v8 =	vmax.f32 v4, v24;
	v18 =	vld [tilespmem:s29+$0x50];
	v12 =	vadd.f32 v29, v12;
	v4 =	vadd.f32 v30, v14  }
0x9c: {  	v22 =	vld [tilespmem:s29+$0xFFFFFFD0];
	v5 =	vmax.f32 v5, v29;
	v15 =	vadd.f32 v32, v15;
	v6 =	vmax.f32 v6, v30  }
0x9d: {  	v19 =	vld [tilespmem:s29+$0xFFFFFFE0];
	v16 =	vadd.f32 v9, v16;
	v9 =	vmax.f32 v3, v9;
	v3 =	vadd.f32 v20, v31  }
0x9e: {  	v21 =	vld [tilespmem:s29+$0xFFFFFFF0];
	v5 =	vmax.f32 v5, v25;
	v6 =	vmax.f32 v6, v26;
	v9 =	vmax.f32 v9, v28  }
0x9f: {  	v12 =	vadd.f32 v25, v12;
	v14 =	vadd.f32 v26, v4;
	v4 =	vmax.f32 v1, v32;
	v1 =	vld [tilespmem:s29+$0x60]  }
0xa0: {  	s28 =	simm.s32 $0x0;
	v23 =	vld [tilespmem:s29+$0x70];
	v15 =	vadd.f32 v27, v15;
	v16 =	vadd.f32 v28, v16;
	s29 =	simm.s32 $0x5680;
	v4 =	vmax.f32 v4, v27  }
.LBB2_9:
0xa1: {  	v24 =	vld [tilespmem:s29+$0x0];
	v2 =	vmax.f32 v2, v20;
	v10 =	vadd.f32 v22, v10;
	v3 =	vadd.f32 v17, v3  }
0xa2: {  	v7 =	vmax.f32 v7, v22;
	v25 =	vld [tilespmem:s29+$0x10];
	v13 =	vadd.f32 v19, v13;
	v2 =	vmax.f32 v2, v17  }
0xa3: {  	v7 =	vmax.f32 v7, v18;
	v26 =	vld [tilespmem:s29+$0x20];
	v11 =	vadd.f32 v21, v11;
	v10 =	vadd.f32 v18, v10  }
0xa4: {  	v0 =	vmax.f32 v0, v19;
	v8 =	vmax.f32 v8, v21;
	v27 =	vld [tilespmem:s29+$0x30];
	v13 =	vadd.f32 v1, v13  }
0xa5: {  	v0 =	vmax.f32 v0, v1;
	v19 =	vld [tilespmem:s29+$0xFFFFFF80];
	v11 =	vadd.f32 v23, v11;
	v8 =	vmax.f32 v8, v23  }
0xa6: {  	v1 =	vld [tilespmem:s29+$0xFFFFFF90]  }
0xa7: {  	v23 =	vld [tilespmem:s29+$0xFFFFFFA0]  }
0xa8: {  	v17 =	vld [tilespmem:s29+$0x40]  }
0xa9: {  	v28 =	vld [tilespmem:s29+$0xFFFFFFB0]  }
0xaa: {  	s28 =	sadd.s32 $0x2, s28;
	v12 =	vadd.f32 v19, v12;
	v20 =	vld [tilespmem:s29+$0xFFFFFFC0]  }
0xab: {  	p0 =	slt.u32 s28, $0x26;
	v14 =	vadd.f32 v1, v14;
	v18 =	vld [tilespmem:s29+$0x50]  }
.Ltmp3:
0xac: {  	v5 =	vmax.f32 v5, v19;
	v15 =	vadd.f32 v23, v15;
	v22 =	vld [tilespmem:s29+$0xFFFFFFD0];
	v12 =	vadd.f32 v24, v12;
	(pc) =	sbr.rel @p0 .LBB2_9-.Ltmp3, $4  }
0xad: {  	v1 =	vmax.f32 v6, v1;
	v5 =	vmax.f32 v5, v24;
	v19 =	vld [tilespmem:s29+$0xFFFFFFE0];
	v14 =	vadd.f32 v25, v14  }
0xae: {  	v6 =	vmax.f32 v1, v25;
	v16 =	vadd.f32 v28, v16;
	v21 =	vld [tilespmem:s29+$0xFFFFFFF0];
	v15 =	vadd.f32 v26, v15  }
0xaf: {  	v4 =	vmax.f32 v4, v23;
	v9 =	vmax.f32 v9, v28;
	v3 =	vadd.f32 v20, v3;
	v1 =	vld [tilespmem:s29+$0x60]  }
0xb0: {  	v4 =	vmax.f32 v4, v26;
	v9 =	vmax.f32 v9, v27;
	v16 =	vadd.f32 v27, v16;
	v23 =	vld [tilespmem:s29+$0x70];
	s29 =	sadd.s32 $0x100, s29  }
0xb1: {  	s28 =	sadd.s32 $0x78, s26  }
0xb2: {  	[tilespmem:s14], [sflag:$0x4] =	stream.indirect.gather [hbm4b:s3+s8], $0x80, s28, s8, $0xb8;
	[tilespmem:$0x7E00] =	vst v63  }
0xb3: {  	_ =	swait.ge [sflag:s21], $0x1400  }
0xb4: {  	[sflag:s21] =	ssyncset.done $0x0  }
0xb5: {  	s29 =	simm.s32 $0x6980;
	[sflag:s21] =	ssyncadd.s32 $0xFFFFEC00  }
0xb6: {  	v24 =	vld [tilespmem:s29+$0x0]  }
0xb7: {  	v25 =	vld [tilespmem:s29+$0x10]  }
0xb8: {  	v26 =	vld [tilespmem:s29+$0x20]  }
0xb9: {  	v28 =	vld [tilespmem:s29+$0xFFFFFF80]  }
0xba: {  	v2 =	vmax.f32 v2, v20;
	v10 =	vadd.f32 v22, v10;
	v22 =	vmax.f32 v7, v22;
	v20 =	vld [tilespmem:s29+$0xFFFFFF90]  }
0xbb: {  	v29 =	vadd.f32 v17, v3;
	v3 =	vmax.f32 v2, v17;
	v2 =	vmax.f32 v22, v18;
	v30 =	vld [tilespmem:s29+$0xFFFFFFA0]  }
0xbc: {  	v7 =	vadd.f32 v18, v10;
	v11 =	vadd.f32 v21, v11;
	v18 =	vmax.f32 v8, v21;
	v21 =	vld [tilespmem:s29+$0xFFFFFFB0]  }
0xbd: {  	v17 =	vadd.f32 v19, v13;
	v0 =	vmax.f32 v0, v19;
	v19 =	vld [tilespmem:s29+$0xFFFFFFC0]  }
0xbe: {  	v27 =	vld [tilespmem:s29+$0x30]  }
0xbf: {  	v10 =	vadd.f32 v1, v17;
	v0 =	vmax.f32 v0, v1;
	v8 =	vadd.f32 v23, v11;
	v13 =	vld [tilespmem:s29+$0x40]  }
0xc0: {  	v1 =	vmax.f32 v18, v23;
	v11 =	vld [tilespmem:s29+$0x50];
	v12 =	vadd.f32 v28, v12;
	v14 =	vadd.f32 v20, v14  }
0xc1: {  	v17 =	vld [tilespmem:s29+$0xFFFFFFD0];
	v18 =	vmax.f32 v5, v28;
	v22 =	vadd.f32 v30, v15;
	v20 =	vmax.f32 v6, v20  }
0xc2: {  	v5 =	vld [tilespmem:s29+$0xFFFFFFE0];
	v63 =	vadd.f32 v21, v16;
	v4 =	vmax.f32 v4, v30;
	v23 =	vadd.f32 v19, v29  }
0xc3: {  	v6 =	vld [tilespmem:s29+$0xFFFFFFF0];
	v15 =	vadd.f32 v24, v12;
	v12 =	vmax.f32 v18, v24;
	v18 =	vadd.f32 v25, v14  }
0xc4: {  	v14 =	vmax.f32 v20, v25;
	v16 =	vadd.f32 v26, v22;
	v22 =	vmax.f32 v9, v21;
	v20 =	vld [tilespmem:s29+$0x60]  }
0xc5: {  	s28 =	simm.s32 $0x0;
	v9 =	vmax.f32 v4, v26;
	v21 =	vadd.f32 v27, v63;
	v4 =	vmax.f32 v22, v27;
	v22 =	vld [tilespmem:s29+$0x70];
	s29 =	simm.s32 $0x6A80  }
.LBB2_11:
0xc6: {  	v24 =	vld [tilespmem:s29+$0x0];
	v3 =	vmax.f32 v3, v19;
	v7 =	vadd.f32 v17, v7;
	v23 =	vadd.f32 v13, v23  }
0xc7: {  	v2 =	vmax.f32 v2, v17;
	v25 =	vld [tilespmem:s29+$0x10];
	v10 =	vadd.f32 v5, v10;
	v3 =	vmax.f32 v3, v13  }
0xc8: {  	v2 =	vmax.f32 v2, v11;
	v26 =	vld [tilespmem:s29+$0x20];
	v8 =	vadd.f32 v6, v8;
	v7 =	vadd.f32 v11, v7  }
0xc9: {  	v0 =	vmax.f32 v0, v5;
	v1 =	vmax.f32 v1, v6;
	v27 =	vld [tilespmem:s29+$0x30];
	v10 =	vadd.f32 v20, v10  }
0xca: {  	v0 =	vmax.f32 v0, v20;
	v5 =	vld [tilespmem:s29+$0xFFFFFF80];
	v8 =	vadd.f32 v22, v8;
	v1 =	vmax.f32 v1, v22  }
0xcb: {  	v6 =	vld [tilespmem:s29+$0xFFFFFF90]  }
0xcc: {  	v20 =	vld [tilespmem:s29+$0xFFFFFFA0]  }
0xcd: {  	v13 =	vld [tilespmem:s29+$0x40]  }
0xce: {  	v22 =	vld [tilespmem:s29+$0xFFFFFFB0]  }
0xcf: {  	s28 =	sadd.s32 $0x2, s28;
	v15 =	vadd.f32 v5, v15;
	v19 =	vld [tilespmem:s29+$0xFFFFFFC0]  }
0xd0: {  	p0 =	slt.u32 s28, $0x26;
	v18 =	vadd.f32 v6, v18;
	v11 =	vld [tilespmem:s29+$0x50]  }
.Ltmp4:
0xd1: {  	v12 =	vmax.f32 v12, v5;
	v16 =	vadd.f32 v20, v16;
	v17 =	vld [tilespmem:s29+$0xFFFFFFD0];
	v15 =	vadd.f32 v24, v15;
	(pc) =	sbr.rel @p0 .LBB2_11-.Ltmp4, $4  }
0xd2: {  	v14 =	vmax.f32 v14, v6;
	v12 =	vmax.f32 v12, v24;
	v5 =	vld [tilespmem:s29+$0xFFFFFFE0];
	v18 =	vadd.f32 v25, v18  }
0xd3: {  	v14 =	vmax.f32 v14, v25;
	v21 =	vadd.f32 v22, v21;
	v6 =	vld [tilespmem:s29+$0xFFFFFFF0];
	v16 =	vadd.f32 v26, v16  }
0xd4: {  	v9 =	vmax.f32 v9, v20;
	v4 =	vmax.f32 v4, v22;
	v23 =	vadd.f32 v19, v23;
	v20 =	vld [tilespmem:s29+$0x60]  }
0xd5: {  	v9 =	vmax.f32 v9, v26;
	v4 =	vmax.f32 v4, v27;
	v21 =	vadd.f32 v27, v21;
	v22 =	vld [tilespmem:s29+$0x70];
	s29 =	sadd.s32 $0x100, s29  }
0xd6: {  	s26 =	sadd.s32 $0xA0, s26;
	v15 =	vmul.f32 $4.999999890e-03, v15  }
0xd7: {  	[tilespmem:s16], [sflag:$0x5] =	stream.indirect.gather [hbm4b:s3+s8], $0x80, s26, s8, $0xb8;
	[tilespmem:$0x7E00] =	vst v63  }
0xd8: {  	v52 =	vmul.f32 $4.999999890e-03, v18;
	[tilespmem:$0x7D00] =	vst v15  }
0xd9: {  	[tilespmem:$0x7D80] =	vst v12  }
0xda: {  	v53 =	vmul.f32 $4.999999890e-03, v16;
	[tilespmem:$0x7D10] =	vst v52  }
0xdb: {  	[tilespmem:$0x7D90] =	vst v14  }
0xdc: {  	[tilespmem:$0x7D20] =	vst v53  }
0xdd: {  	v3 =	vmax.f32 v3, v19;
	[tilespmem:$0x7DA0] =	vst v9  }
0xde: {  	v54 =	vadd.f32 v13, v23;
	v2 =	vmax.f32 v2, v17;
	v3 =	vmax.f32 v3, v13;
	[tilespmem:$0x7DB0] =	vst v4  }
0xdf: {  	v7 =	vadd.f32 v17, v7;
	v55 =	vmul.f32 $4.999999890e-03, v21;
	v2 =	vmax.f32 v2, v11;
	[tilespmem:$0x7DC0] =	vst v3  }
0xe0: {  	v56 =	vadd.f32 v5, v10;
	v57 =	vmul.f32 $4.999999890e-03, v54;
	[tilespmem:$0x7DD0] =	vst v2  }
0xe1: {  	v0 =	vmax.f32 v0, v5;
	v7 =	vadd.f32 v11, v7;
	v58 =	vadd.f32 v6, v8;
	[tilespmem:$0x7D30] =	vst v55  }
0xe2: {  	v1 =	vmax.f32 v1, v6;
	v59 =	vadd.f32 v20, v56;
	v0 =	vmax.f32 v0, v20;
	[tilespmem:$0x7D40] =	vst v57  }
0xe3: {  	v7 =	vmul.f32 $4.999999890e-03, v7;
	v60 =	vadd.f32 v22, v58;
	[tilespmem:$0x7DE0] =	vst v0;
	v63 =	vmax.f32 v1, v22  }
0xe4: {  	v61 =	vmul.f32 $4.999999890e-03, v59;
	[tilespmem:$0x7DF0] =	vst v63  }
0xe5: {  	[tilespmem:$0x7D50] =	vst v7;
	v62 =	vmul.f32 $4.999999890e-03, v60  }
0xe6: {  	s24 =	sshll.u32 s24, $0x5;
	p0 =	sne.s32 s25, $0x20;
	[tilespmem:$0x7D60] =	vst v61  }
.Ltmp5:
0xe7: {  	s24 =	sadd.s32 s24, s5;
	[tilespmem:$0x7D70] =	vst v62;
	(pc) =	sbr.rel @p0 .LBB2_2-.Ltmp5, $4  }
0xe8: {  	[hbm4b:s24+s2] =	stream.linear.scatter [tilespmem:s22], [sflag:$0x6], $0x100, $0x38;
	[tilespmem:$0x7E00] =	vst v63  }
0xe9: {  	_ =	swait.ge [sflag:s7], $0x100  }
0xea: {  	[sflag:s7] =	ssyncset.done $0x0  }
0xeb: {  	s24 =	smov.u32 s25;
	[sflag:s7] =	ssyncadd.s32 $0xFFFFFF00  }
0xec: {  	_ =	swait.ge [sflag:s17], $0x1400  }
0xed: {  	[sflag:s17] =	ssyncset.done $0x0  }
0xee: {  	[sflag:s17] =	ssyncadd.s32 $0xFFFFEC00  }
0xef: {  	_ =	swait.ge [sflag:s18], $0x1400  }
0xf0: {  	[sflag:s18] =	ssyncset.done $0x0  }
0xf1: {  	[sflag:s18] =	ssyncadd.s32 $0xFFFFEC00  }
0xf2: {  	_ =	swait.ge [sflag:s19], $0x1400  }
0xf3: {  	[sflag:s19] =	ssyncset.done $0x0  }
0xf4: {  	s23 =	sadd.s32 $0x1, s23;
	[sflag:s19] =	ssyncadd.s32 $0xFFFFEC00  }
0xf5: {  	p0 =	sne.s32 s23, s6;
	_ =	swait.ge [sflag:s20], $0x1400  }
.Ltmp6:
0xf6: {  	[sflag:s20] =	ssyncset.done $0x0;
	(pc) =	sbr.rel @p0 .LBB2_1-.Ltmp6, $4  }
0xf7: {  	[sflag:s20] =	ssyncadd.s32 $0xFFFFEC00  }
0xf8: {  	_ =	swait.ge [sflag:s21], $0x1400  }
0xf9: {  	[sflag:s21] =	ssyncset.done $0x0  }
0xfa: {  	[sflag:s21] =	ssyncadd.s32 $0xFFFFEC00  }
0xfb: {  	_ =	sfence.sel $0x180000  }
0xfc: {  	[bflag:$0x0] =	sbarrier.arrive $0xFFFF  }
0xfd: {  	p0 =	sne.s32 s0, $0x0;
	_ =	strace $0x90000047  }
0xfe: {  	s0 =	sadd.s32 @!p0 $0x100000, s1;
	[bflag:$0x2] =	sbarrier.arrive $0xFFFF  }
0xff: {  	[sflag:s0] =	ssyncadd.tile.s32 @!p0 $0x1;
	_ =	shalt  }
.Lfunc_end2:
_tile_overlayer_lowered:
.L_overlay_start_2:
0x100: {  	(tag) =	ssettag $0x2  }
0x101: {  	s0 =	rddreg [dreg:$0x0];
	s2 =	stileid.u32  }
0x102: {  	s1 =	rddreg [dreg:$0x1];
	p0 =	sne.s32 s2, $0x0  }
0x103: {  	s3 =	rddreg [dreg:$0x2];
	[bflag:$0x3] =	sbarrier.arrive $0xFFFF;
	s2 =	simm.s32 @!p0 $0x1C06  }
0x104: {  	[timem:s3], [sflag:s2] =	dma.local @!p0 [hbm:s0], s1  }
0x105: {  	s0 =	simm.s32 @!p0 $0x6  }
0x106: {  	_ =	swait.ge @!p0 [sflag:s0], s1  }
0x107: {  	s1 =	ssub.s32 @!p0 $0x0, s1;
	[sflag:s0] =	ssyncset.done @!p0 $0x0  }
0x108: {  	[sflag:s0] =	ssyncadd.s32 @!p0 s1  }
0x109: {  	[bflag:$0x3] =	sbarrier.arrive $0xFFFF  }
0x10a: {  	_ =	shalt  }

</sc_bundles>
